<compile_context>
chip_gen: v7x
topology: tpu7x:2x2x1
jax: 0.10.2.dev20260603
libtpu: 0.0.44.dev20260713+nightly
codegen_flags: <defaults>
</compile_context>

<pallas_src>
import numpy as np
import jax
import jax.numpy as jnp
from jax import lax
from jax.experimental import pallas as pl
from jax.experimental.pallas import tpu as pltpu
from jax.experimental.pallas import tpu_sc as plsc

_A = 1000
_D = 513
_S = 0.13
_IMG = 512
_CROP = 362
_B = 4
_TOP = (_IMG - _CROP) // 2
_E = 516
_AW = _B * _E
_RW = 12
_NJ = 23
_JP = _NJ * 16
_KCH = 10
_NCH = _A // _KCH
_CHW = _KCH * _AW
_PP = 1024
_SCALE = float(np.pi / _A)


def _params_host():
    th = np.linspace(0.0, np.pi, _A + 1)[:-1]
    delta = 2.0 * _S / (_D - 1)
    dxx = 2.0 * _S / (_IMG - 1)
    u = dxx * np.cos(th) / delta
    v = dxx * np.sin(th) / delta
    xs0 = -_S + _TOP * dxx
    c = (xs0 * (np.cos(th) + np.sin(th)) + _S) / delta + 1.0
    grp_q = np.abs(v) >= np.abs(u)
    order = np.concatenate([np.nonzero(grp_q)[0], np.nonzero(~grp_q)[0]])
    assert order.shape[0] == _A and int(grp_q.sum()) == _A // 2
    outer = np.where(grp_q, u, v)[order]
    lane = np.where(grp_q, v, u)[order]
    p = np.zeros((3, _PP), np.float32)
    p[0, :_A] = c[order]
    p[1, :_A] = outer
    p[2, :_A] = lane
    return p.reshape(-1), order


_PARAMS, _ORDER = _params_host()


def _body(tbl, par, out, parv, tb0, tb1, acc, sem0, sem1):
    wid = lax.axis_index("s") * 2 + lax.axis_index("c")
    i0 = jnp.minimum(wid * _RW, _CROP - _RW)
    i0f = i0.astype(jnp.float32)
    pltpu.sync_copy(par, parv)

    zero = jnp.zeros((16,), jnp.float32)

    def _zero(il, carry):
        for b in range(2 * _B):
            for jt in range(_NJ):
                acc[pl.ds((b * _RW + il) * _JP + jt * 16, 16)] = zero
        return carry

    lax.fori_loop(0, _RW, _zero, 0)

    qf = lax.iota(jnp.int32, 16).astype(jnp.float32)

    def _do_chunk(ch, tb):
        abase = ch * _KCH
        accoff = jnp.where(ch < _NCH // 2, 0, _B * _RW * _JP)

        def _angle(k, carry):
            av = lax.broadcast(abase + k, (16,))
            cv = plsc.load_gather(parv, [av])
            uv = plsc.load_gather(parv, [av + _PP])
            vv = plsc.load_gather(parv, [av + 2 * _PP])
            kbase = k * _AW
            rb0 = cv + i0f * uv

            @plsc.parallel_loop(0, _RW, unroll=1)
            def _row(il):
                rb = rb0 + il.astype(jnp.float32) * uv
                arow = accoff + il * _JP

                @plsc.parallel_loop(0, _NJ, unroll=2)
                def _jvec(jt):
                    pos = rb + vv * (qf + jt.astype(jnp.float32) * 16.0)
                    gi = pos.astype(jnp.int32)
                    f1 = pos - gi.astype(jnp.float32)
                    w0 = 1.0 - f1
                    g0 = jnp.clip(gi, 0, _E - 2) + kbase
                    for b in range(_B):
                        gb = g0 + (b * _E)
                        t0 = plsc.load_gather(tb, [gb])
                        t1 = plsc.load_gather(tb, [gb + 1])
                        plsc.addupdate(
                            acc.at[pl.ds(arow + b * _RW * _JP + jt * 16, 16)],
                            w0 * t0 + f1 * t1,
                        )

            return carry

        lax.fori_loop(0, _KCH, _angle, 0)

    def _start(ch, buf, sem):
        pltpu.make_async_copy(tbl.at[pl.ds(ch * _CHW, _CHW)], buf, sem).start()

    def _wait(buf, sem):
        pltpu.make_async_copy(tbl.at[pl.ds(0, _CHW)], buf, sem).wait()

    _start(0, tb0, sem0)

    def _outer(c, carry):
        _start(2 * c + 1, tb1, sem1)
        _wait(tb0, sem0)
        _do_chunk(2 * c, tb0)
        _start(lax.rem(2 * c + 2, _NCH), tb0, sem0)
        _wait(tb1, sem1)
        _do_chunk(2 * c + 1, tb1)
        return carry

    lax.fori_loop(0, _NCH // 2, _outer, 0)
    _wait(tb0, sem0)

    sc = jnp.float32(_SCALE)

    def _fin(il, carry):
        for b in range(2 * _B):
            for jt in range(_NJ):
                off = (b * _RW + il) * _JP + jt * 16
                acc[pl.ds(off, 16)] = acc[pl.ds(off, 16)] * sc
        return carry

    lax.fori_loop(0, _RW, _fin, 0)

    for b in range(2 * _B):
        pltpu.sync_copy(
            acc.at[pl.ds(b * _RW * _JP, _RW * _JP)],
            out.at[pl.ds((b * _CROP + i0) * _JP, _RW * _JP)],
        )


def kernel(x):
    t = jnp.transpose(x[:, 0, :, :], (1, 0, 2))
    t = t[jnp.asarray(_ORDER)]
    t = jnp.pad(t, ((0, 0), (0, 0), (1, 2)))
    tbl = t.reshape(-1)
    par = jnp.asarray(_PARAMS)
    mesh = plsc.VectorSubcoreMesh(core_axis_name="c", subcore_axis_name="s")
    kfn = pl.kernel(
        _body,
        out_type=jax.ShapeDtypeStruct((2 * _B * _CROP * _JP,), jnp.float32),
        mesh=mesh,
        scratch_types=[
            pltpu.VMEM((3 * _PP,), jnp.float32),
            pltpu.VMEM((_CHW,), jnp.float32),
            pltpu.VMEM((_CHW,), jnp.float32),
            pltpu.VMEM((2 * _B * _RW * _JP,), jnp.float32),
            pltpu.SemaphoreType.DMA,
            pltpu.SemaphoreType.DMA,
        ],
        compiler_params=pltpu.CompilerParams(needs_layout_passes=False),
    )
    outp = kfn(tbl, par).reshape(2, _B, 1, _CROP, _JP)[:, :, :, :, :_CROP]
    return outp[0] + jnp.transpose(outp[1], (0, 1, 3, 2))

# --- scband reference (transcript-rebuilt; emitter-appended) ---
"""Pipeline reference for scband-vanilla-backproj-49709951484538 (READ-ONLY COPY).

The authoritative reference and input builder live on the scoring server;
editing this copy changes nothing except your own understanding.
"""

import jax, jax.numpy as jnp
import numpy as np

N_ANGLES = 1000
N_DET = 513
S_RANGE = 0.13
IMG_SIZE = 512
CROP_SIZE = 362
BATCH = 4


def _make_pos():
    delta_s = 2.0 * S_RANGE / (N_DET - 1)
    xs = jnp.linspace(-S_RANGE, S_RANGE, IMG_SIZE)
    Y, X = jnp.meshgrid(xs, xs, indexing='ij')
    theta = jnp.linspace(0.0, jnp.pi, N_ANGLES + 1)[:-1]
    dot = X[None, :, :] * jnp.cos(theta)[:, None, None] + Y[None, :, :] * jnp.sin(theta)[:, None, None]
    # grid_norm in torch = pos/(D-1)*2-1; grid_sample align_corners=True maps it back to ix = pos,
    # so we work directly with detector-space positions.
    return ((dot + S_RANGE) / delta_s).astype(jnp.float32)


def _forward(x):
    pos = _make_pos()  # (A, H, W) detector-space sample positions
    A, H, W = pos.shape
    D = N_DET
    B = x.shape[0]
    # 1D bilinear interpolation along detector axis with zeros padding
    # (grid_sample input has height 1 and iy == 0 exactly, so only the y0 row contributes).
    x0 = jnp.floor(pos)
    w1 = pos - x0
    w0 = 1.0 - w1
    i0 = x0.astype(jnp.int32)
    i1 = i0 + 1
    m0 = ((i0 >= 0) & (i0 <= D - 1)).astype(jnp.float32)
    m1 = ((i1 >= 0) & (i1 <= D - 1)).astype(jnp.float32)
    i0c = jnp.clip(i0, 0, D - 1).reshape(A, H * W)
    i1c = jnp.clip(i1, 0, D - 1).reshape(A, H * W)
    a0 = (w0 * m0).reshape(A, H * W)
    a1 = (w1 * m1).reshape(A, H * W)
    sino = jnp.transpose(x[:, 0, :, :], (1, 0, 2))  # (A, B, D)

    def body(acc, inp):
        s_k, j0, j1, c0, c1 = inp
        g = jnp.take(s_k, j0, axis=1) * c0[None, :] + jnp.take(s_k, j1, axis=1) * c1[None, :]
        return acc + g, None

    acc0 = jnp.zeros((B, H * W), dtype=jnp.float32)
    acc, _ = jax.lax.scan(body, acc0, (sino, i0c, i1c, a0, a1))
    img = acc.reshape(B, 1, H, W)
    top = (H - CROP_SIZE) // 2
    left = (W - CROP_SIZE) // 2
    img = img[:, :, top:top + CROP_SIZE, left:left + CROP_SIZE]
    img = img * (jnp.pi / A)
    return jnp.transpose(img, (0, 1, 3, 2))


def setup_inputs(seed: int = 0) -> dict:
    key = jax.random.key(seed)
    x = jax.random.normal(key, (BATCH, 1, N_ANGLES, N_DET), dtype=jnp.float32)
    return {"x": x}


def reference(x):
    return _forward(x)

if __name__ == "__main__":
    import jax
    _d = setup_inputs()
    print(jax.jit(kernel)(*tuple(_d.values())))

</pallas_src>

<mosaic_0001>
#map = affine_map<(d0, d1) -> (0)>
module attributes {stable_mosaic.version = 14 : i64} {
  func.func @_body(%arg0: i32, %arg1: i32, %arg2: memref<2064000xf32, #tpu.memory_space<hbm>>, %arg3: memref<3072xf32, #tpu.memory_space<hbm>>, %arg4: memref<1065728xf32, #tpu.memory_space<hbm>>, %arg5: memref<3072xf32, #tpu.memory_space<vmem>>, %arg6: memref<20640xf32, #tpu.memory_space<vmem>>, %arg7: memref<20640xf32, #tpu.memory_space<vmem>>, %arg8: memref<35328xf32, #tpu.memory_space<vmem>>, %arg9: memref<!tpu.dma_semaphore, #tpu.memory_space<semaphore_mem>>, %arg10: memref<!tpu.dma_semaphore, #tpu.memory_space<semaphore_mem>>) attributes {dimension_semantics = [#tpu.dimension_semantics<core_parallel>, #tpu.dimension_semantics<subcore_parallel>], iteration_bounds = array<i64: 2, 16>, scalar_prefetch = 0 : i64, scratch_operands = 6 : i64, tpu.core_type = #tpu.core_type<sc_vector_subcore>, window_params = [{transform_indices = #map}, {transform_indices = #map}, {transform_indices = #map}]} {
    %mul3A = arith.constant 2 : i32
    %mul3A_0 = arith.muli %arg1, %mul3A : i32
    %add3A = arith.addi %mul3A_0, %arg0 : i32
    %mul3A_1 = arith.constant 12 : i32
    %mul3A_2 = arith.muli %add3A, %mul3A_1 : i32
    %min3A = arith.constant 350 : i32
    %min3A_3 = arith.minsi %mul3A_2, %min3A : i32
    %convert_element_type3A = arith.sitofp %min3A_3 : i32 to f32
    "tpu.region"() ({
      %run_scoped3A = tpu.sem_alloc : memref<!tpu.dma_semaphore, #tpu.memory_space<semaphore_mem>>
      tpu.enqueue_dma source(%arg3 : memref<3072xf32, #tpu.memory_space<hbm>>) target(%arg5 : memref<3072xf32, #tpu.memory_space<vmem>>) target_semaphore(%run_scoped3A : memref<!tpu.dma_semaphore, #tpu.memory_space<semaphore_mem>>)
      tpu.wait_dma2 semaphore(%run_scoped3A : memref<!tpu.dma_semaphore, #tpu.memory_space<semaphore_mem>>) src(%arg3 : memref<3072xf32, #tpu.memory_space<hbm>>) dst(%arg5 : memref<3072xf32, #tpu.memory_space<vmem>>)
      tpu.yield
    }) : () -> ()
    %broadcast_in_dim3A = arith.constant 0.000000e+00 : f32
    %broadcast_in_dim3A_4 = vector.broadcast %broadcast_in_dim3A : f32 to vector<16xf32>
    %scan3A = arith.constant 0 : i32
    %scan3A_5 = arith.constant 0 : i32
    %scan3A_6 = arith.constant 12 : i32
    %scan3A_7 = arith.addi %scan3A_5, %scan3A_6 : i32
    %scan3A_8 = arith.constant 1 : i32
    scf.for %scan3A_62 = %scan3A_5 to %scan3A_7 step %scan3A_8  : i32 {
      %add3A_63 = arith.constant 0 : i32
      %add3A_64 = arith.addi %add3A_63, %scan3A_62 : i32
      %mul3A_65 = arith.constant 368 : i32
      %mul3A_66 = arith.muli %add3A_64, %mul3A_65 : i32
      %add3A_67 = arith.constant 0 : i32
      %add3A_68 = arith.addi %mul3A_66, %add3A_67 : i32
      %swap3A = arith.index_cast %add3A_68 : i32 to index
      %swap3A_69 = tpu.vector_load %arg8[%swap3A] {strides = array<i32>} : memref<35328xf32, #tpu.memory_space<vmem>>, vector<16xf32>,
      tpu.vector_store %arg8[%swap3A], %broadcast_in_dim3A_4 {strides = array<i32>} : memref<35328xf32, #tpu.memory_space<vmem>>, vector<16xf32>,
      %add3A_70 = arith.constant 0 : i32
      %add3A_71 = arith.addi %add3A_70, %scan3A_62 : i32
      %mul3A_72 = arith.constant 368 : i32
      %mul3A_73 = arith.muli %add3A_71, %mul3A_72 : i32
      %add3A_74 = arith.constant 16 : i32
      %add3A_75 = arith.addi %mul3A_73, %add3A_74 : i32
      %swap3A_76 = arith.index_cast %add3A_75 : i32 to index
      %swap3A_77 = tpu.vector_load %arg8[%swap3A_76] {strides = array<i32>} : memref<35328xf32, #tpu.memory_space<vmem>>, vector<16xf32>,
      tpu.vector_store %arg8[%swap3A_76], %broadcast_in_dim3A_4 {strides = array<i32>} : memref<35328xf32, #tpu.memory_space<vmem>>, vector<16xf32>,
      %add3A_78 = arith.constant 0 : i32
      %add3A_79 = arith.addi %add3A_78, %scan3A_62 : i32
      %mul3A_80 = arith.constant 368 : i32
      %mul3A_81 = arith.muli %add3A_79, %mul3A_80 : i32
      %add3A_82 = arith.constant 32 : i32
      %add3A_83 = arith.addi %mul3A_81, %add3A_82 : i32
      %swap3A_84 = arith.index_cast %add3A_83 : i32 to index
      %swap3A_85 = tpu.vector_load %arg8[%swap3A_84] {strides = array<i32>} : memref<35328xf32, #tpu.memory_space<vmem>>, vector<16xf32>,
      tpu.vector_store %arg8[%swap3A_84], %broadcast_in_dim3A_4 {strides = array<i32>} : memref<35328xf32, #tpu.memory_space<vmem>>, vector<16xf32>,
      %add3A_86 = arith.constant 0 : i32
      %add3A_87 = arith.addi %add3A_86, %scan3A_62 : i32
      %mul3A_88 = arith.constant 368 : i32
      %mul3A_89 = arith.muli %add3A_87, %mul3A_88 : i32
      %add3A_90 = arith.constant 48 : i32
      %add3A_91 = arith.addi %mul3A_89, %add3A_90 : i32
      %swap3A_92 = arith.index_cast %add3A_91 : i32 to index
      %swap3A_93 = tpu.vector_load %arg8[%swap3A_92] {strides = array<i32>} : memref<35328xf32, #tpu.memory_space<vmem>>, vector<16xf32>,
      tpu.vector_store %arg8[%swap3A_92], %broadcast_in_dim3A_4 {strides = array<i32>} : memref<35328xf32, #tpu.memory_space<vmem>>, vector<16xf32>,
      %add3A_94 = arith.constant 0 : i32
      %add3A_95 = arith.addi %add3A_94, %scan3A_62 : i32
      %mul3A_96 = arith.constant 368 : i32
      %mul3A_97 = arith.muli %add3A_95, %mul3A_96 : i32
      %add3A_98 = arith.constant 64 : i32
      %add3A_99 = arith.addi %mul3A_97, %add3A_98 : i32
      %swap3A_100 = arith.index_cast %add3A_99 : i32 to index
      %swap3A_101 = tpu.vector_load %arg8[%swap3A_100] {strides = array<i32>} : memref<35328xf32, #tpu.memory_space<vmem>>, vector<16xf32>,
      tpu.vector_store %arg8[%swap3A_100], %broadcast_in_dim3A_4 {strides = array<i32>} : memref<35328xf32, #tpu.memory_space<vmem>>, vector<16xf32>,
      %add3A_102 = arith.constant 0 : i32
      %add3A_103 = arith.addi %add3A_102, %scan3A_62 : i32
      %mul3A_104 = arith.constant 368 : i32
      %mul3A_105 = arith.muli %add3A_103, %mul3A_104 : i32
      %add3A_106 = arith.constant 80 : i32
      %add3A_107 = arith.addi %mul3A_105, %add3A_106 : i32
      %swap3A_108 = arith.index_cast %add3A_107 : i32 to index
      %swap3A_109 = tpu.vector_load %arg8[%swap3A_108] {strides = array<i32>} : memref<35328xf32, #tpu.memory_space<vmem>>, vector<16xf32>,
      tpu.vector_store %arg8[%swap3A_108], %broadcast_in_dim3A_4 {strides = array<i32>} : memref<35328xf32, #tpu.memory_space<vmem>>, vector<16xf32>,
      %add3A_110 = arith.constant 0 : i32
      %add3A_111 = arith.addi %add3A_110, %scan3A_62 : i32
      %mul3A_112 = arith.constant 368 : i32
      %mul3A_113 = arith.muli %add3A_111, %mul3A_112 : i32
      %add3A_114 = arith.constant 96 : i32
      %add3A_115 = arith.addi %mul3A_113, %add3A_114 : i32
      %swap3A_116 = arith.index_cast %add3A_115 : i32 to index
      %swap3A_117 = tpu.vector_load %arg8[%swap3A_116] {strides = array<i32>} : memref<35328xf32, #tpu.memory_space<vmem>>, vector<16xf32>,
      tpu.vector_store %arg8[%swap3A_116], %broadcast_in_dim3A_4 {strides = array<i32>} : memref<35328xf32, #tpu.memory_space<vmem>>, vector<16xf32>,
      %add3A_118 = arith.constant 0 : i32
      %add3A_119 = arith.addi %add3A_118, %scan3A_62 : i32
      %mul3A_120 = arith.constant 368 : i32
      %mul3A_121 = arith.muli %add3A_119, %mul3A_120 : i32
      %add3A_122 = arith.constant 112 : i32
      %add3A_123 = arith.addi %mul3A_121, %add3A_122 : i32
      %swap3A_124 = arith.index_cast %add3A_123 : i32 to index
      %swap3A_125 = tpu.vector_load %arg8[%swap3A_124] {strides = array<i32>} : memref<35328xf32, #tpu.memory_space<vmem>>, vector<16xf32>,
      tpu.vector_store %arg8[%swap3A_124], %broadcast_in_dim3A_4 {strides = array<i32>} : memref<35328xf32, #tpu.memory_space<vmem>>, vector<16xf32>,
      %add3A_126 = arith.constant 0 : i32
      %add3A_127 = arith.addi %add3A_126, %scan3A_62 : i32
      %mul3A_128 = arith.constant 368 : i32
      %mul3A_129 = arith.muli %add3A_127, %mul3A_128 : i32
      %add3A_130 = arith.constant 128 : i32
      %add3A_131 = arith.addi %mul3A_129, %add3A_130 : i32
      %swap3A_132 = arith.index_cast %add3A_131 : i32 to index
      %swap3A_133 = tpu.vector_load %arg8[%swap3A_132] {strides = array<i32>} : memref<35328xf32, #tpu.memory_space<vmem>>, vector<16xf32>,
      tpu.vector_store %arg8[%swap3A_132], %broadcast_in_dim3A_4 {strides = array<i32>} : memref<35328xf32, #tpu.memory_space<vmem>>, vector<16xf32>,
      %add3A_134 = arith.constant 0 : i32
      %add3A_135 = arith.addi %add3A_134, %scan3A_62 : i32
      %mul3A_136 = arith.constant 368 : i32
      %mul3A_137 = arith.muli %add3A_135, %mul3A_136 : i32
      %add3A_138 = arith.constant 144 : i32
      %add3A_139 = arith.addi %mul3A_137, %add3A_138 : i32
      %swap3A_140 = arith.index_cast %add3A_139 : i32 to index
      %swap3A_141 = tpu.vector_load %arg8[%swap3A_140] {strides = array<i32>} : memref<35328xf32, #tpu.memory_space<vmem>>, vector<16xf32>,
      tpu.vector_store %arg8[%swap3A_140], %broadcast_in_dim3A_4 {strides = array<i32>} : memref<35328xf32, #tpu.memory_space<vmem>>, vector<16xf32>,
      %add3A_142 = arith.constant 0 : i32
      %add3A_143 = arith.addi %add3A_142, %scan3A_62 : i32
      %mul3A_144 = arith.constant 368 : i32
      %mul3A_145 = arith.muli %add3A_143, %mul3A_144 : i32
      %add3A_146 = arith.constant 160 : i32
      %add3A_147 = arith.addi %mul3A_145, %add3A_146 : i32
      %swap3A_148 = arith.index_cast %add3A_147 : i32 to index
      %swap3A_149 = tpu.vector_load %arg8[%swap3A_148] {strides = array<i32>} : memref<35328xf32, #tpu.memory_space<vmem>>, vector<16xf32>,
      tpu.vector_store %arg8[%swap3A_148], %broadcast_in_dim3A_4 {strides = array<i32>} : memref<35328xf32, #tpu.memory_space<vmem>>, vector<16xf32>,
      %add3A_150 = arith.constant 0 : i32
      %add3A_151 = arith.addi %add3A_150, %scan3A_62 : i32
      %mul3A_152 = arith.constant 368 : i32
      %mul3A_153 = arith.muli %add3A_151, %mul3A_152 : i32
      %add3A_154 = arith.constant 176 : i32
      %add3A_155 = arith.addi %mul3A_153, %add3A_154 : i32
      %swap3A_156 = arith.index_cast %add3A_155 : i32 to index
      %swap3A_157 = tpu.vector_load %arg8[%swap3A_156] {strides = array<i32>} : memref<35328xf32, #tpu.memory_space<vmem>>, vector<16xf32>,
      tpu.vector_store %arg8[%swap3A_156], %broadcast_in_dim3A_4 {strides = array<i32>} : memref<35328xf32, #tpu.memory_space<vmem>>, vector<16xf32>,
      %add3A_158 = arith.constant 0 : i32
      %add3A_159 = arith.addi %add3A_158, %scan3A_62 : i32
      %mul3A_160 = arith.constant 368 : i32
      %mul3A_161 = arith.muli %add3A_159, %mul3A_160 : i32
      %add3A_162 = arith.constant 192 : i32
      %add3A_163 = arith.addi %mul3A_161, %add3A_162 : i32
      %swap3A_164 = arith.index_cast %add3A_163 : i32 to index
      %swap3A_165 = tpu.vector_load %arg8[%swap3A_164] {strides = array<i32>} : memref<35328xf32, #tpu.memory_space<vmem>>, vector<16xf32>,
      tpu.vector_store %arg8[%swap3A_164], %broadcast_in_dim3A_4 {strides = array<i32>} : memref<35328xf32, #tpu.memory_space<vmem>>, vector<16xf32>,
      %add3A_166 = arith.constant 0 : i32
      %add3A_167 = arith.addi %add3A_166, %scan3A_62 : i32
      %mul3A_168 = arith.constant 368 : i32
      %mul3A_169 = arith.muli %add3A_167, %mul3A_168 : i32
      %add3A_170 = arith.constant 208 : i32
      %add3A_171 = arith.addi %mul3A_169, %add3A_170 : i32
      %swap3A_172 = arith.index_cast %add3A_171 : i32 to index
      %swap3A_173 = tpu.vector_load %arg8[%swap3A_172] {strides = array<i32>} : memref<35328xf32, #tpu.memory_space<vmem>>, vector<16xf32>,
      tpu.vector_store %arg8[%swap3A_172], %broadcast_in_dim3A_4 {strides = array<i32>} : memref<35328xf32, #tpu.memory_space<vmem>>, vector<16xf32>,
      %add3A_174 = arith.constant 0 : i32
      %add3A_175 = arith.addi %add3A_174, %scan3A_62 : i32
      %mul3A_176 = arith.constant 368 : i32
      %mul3A_177 = arith.muli %add3A_175, %mul3A_176 : i32
      %add3A_178 = arith.constant 224 : i32
      %add3A_179 = arith.addi %mul3A_177, %add3A_178 : i32
      %swap3A_180 = arith.index_cast %add3A_179 : i32 to index
      %swap3A_181 = tpu.vector_load %arg8[%swap3A_180] {strides = array<i32>} : memref<35328xf32, #tpu.memory_space<vmem>>, vector<16xf32>,
      tpu.vector_store %arg8[%swap3A_180], %broadcast_in_dim3A_4 {strides = array<i32>} : memref<35328xf32, #tpu.memory_space<vmem>>, vector<16xf32>,
      %add3A_182 = arith.constant 0 : i32
      %add3A_183 = arith.addi %add3A_182, %scan3A_62 : i32
      %mul3A_184 = arith.constant 368 : i32
      %mul3A_185 = arith.muli %add3A_183, %mul3A_184 : i32
      %add3A_186 = arith.constant 240 : i32
      %add3A_187 = arith.addi %mul3A_185, %add3A_186 : i32
      %swap3A_188 = arith.index_cast %add3A_187 : i32 to index
      %swap3A_189 = tpu.vector_load %arg8[%swap3A_188] {strides = array<i32>} : memref<35328xf32, #tpu.memory_space<vmem>>, vector<16xf32>,
      tpu.vector_store %arg8[%swap3A_188], %broadcast_in_dim3A_4 {strides = array<i32>} : memref<35328xf32, #tpu.memory_space<vmem>>, vector<16xf32>,
      %add3A_190 = arith.constant 0 : i32
      %add3A_191 = arith.addi %add3A_190, %scan3A_62 : i32
      %mul3A_192 = arith.constant 368 : i32
      %mul3A_193 = arith.muli %add3A_191, %mul3A_192 : i32
      %add3A_194 = arith.constant 256 : i32
      %add3A_195 = arith.addi %mul3A_193, %add3A_194 : i32
      %swap3A_196 = arith.index_cast %add3A_195 : i32 to index
      %swap3A_197 = tpu.vector_load %arg8[%swap3A_196] {strides = array<i32>} : memref<35328xf32, #tpu.memory_space<vmem>>, vector<16xf32>,
      tpu.vector_store %arg8[%swap3A_196], %broadcast_in_dim3A_4 {strides = array<i32>} : memref<35328xf32, #tpu.memory_space<vmem>>, vector<16xf32>,
      %add3A_198 = arith.constant 0 : i32
      %add3A_199 = arith.addi %add3A_198, %scan3A_62 : i32
      %mul3A_200 = arith.constant 368 : i32
      %mul3A_201 = arith.muli %add3A_199, %mul3A_200 : i32
      %add3A_202 = arith.constant 272 : i32
      %add3A_203 = arith.addi %mul3A_201, %add3A_202 : i32
      %swap3A_204 = arith.index_cast %add3A_203 : i32 to index
      %swap3A_205 = tpu.vector_load %arg8[%swap3A_204] {strides = array<i32>} : memref<35328xf32, #tpu.memory_space<vmem>>, vector<16xf32>,
      tpu.vector_store %arg8[%swap3A_204], %broadcast_in_dim3A_4 {strides = array<i32>} : memref<35328xf32, #tpu.memory_space<vmem>>, vector<16xf32>,
      %add3A_206 = arith.constant 0 : i32
      %add3A_207 = arith.addi %add3A_206, %scan3A_62 : i32
      %mul3A_208 = arith.constant 368 : i32
      %mul3A_209 = arith.muli %add3A_207, %mul3A_208 : i32
      %add3A_210 = arith.constant 288 : i32
      %add3A_211 = arith.addi %mul3A_209, %add3A_210 : i32
      %swap3A_212 = arith.index_cast %add3A_211 : i32 to index
      %swap3A_213 = tpu.vector_load %arg8[%swap3A_212] {strides = array<i32>} : memref<35328xf32, #tpu.memory_space<vmem>>, vector<16xf32>,
      tpu.vector_store %arg8[%swap3A_212], %broadcast_in_dim3A_4 {strides = array<i32>} : memref<35328xf32, #tpu.memory_space<vmem>>, vector<16xf32>,
      %add3A_214 = arith.constant 0 : i32
      %add3A_215 = arith.addi %add3A_214, %scan3A_62 : i32
      %mul3A_216 = arith.constant 368 : i32
      %mul3A_217 = arith.muli %add3A_215, %mul3A_216 : i32
      %add3A_218 = arith.constant 304 : i32
      %add3A_219 = arith.addi %mul3A_217, %add3A_218 : i32
      %swap3A_220 = arith.index_cast %add3A_219 : i32 to index
      %swap3A_221 = tpu.vector_load %arg8[%swap3A_220] {strides = array<i32>} : memref<35328xf32, #tpu.memory_space<vmem>>, vector<16xf32>,
      tpu.vector_store %arg8[%swap3A_220], %broadcast_in_dim3A_4 {strides = array<i32>} : memref<35328xf32, #tpu.memory_space<vmem>>, vector<16xf32>,
      %add3A_222 = arith.constant 0 : i32
      %add3A_223 = arith.addi %add3A_222, %scan3A_62 : i32
      %mul3A_224 = arith.constant 368 : i32
      %mul3A_225 = arith.muli %add3A_223, %mul3A_224 : i32
      %add3A_226 = arith.constant 320 : i32
      %add3A_227 = arith.addi %mul3A_225, %add3A_226 : i32
      %swap3A_228 = arith.index_cast %add3A_227 : i32 to index
      %swap3A_229 = tpu.vector_load %arg8[%swap3A_228] {strides = array<i32>} : memref<35328xf32, #tpu.memory_space<vmem>>, vector<16xf32>,
      tpu.vector_store %arg8[%swap3A_228], %broadcast_in_dim3A_4 {strides = array<i32>} : memref<35328xf32, #tpu.memory_space<vmem>>, vector<16xf32>,
      %add3A_230 = arith.constant 0 : i32
      %add3A_231 = arith.addi %add3A_230, %scan3A_62 : i32
      %mul3A_232 = arith.constant 368 : i32
      %mul3A_233 = arith.muli %add3A_231, %mul3A_232 : i32
      %add3A_234 = arith.constant 336 : i32
      %add3A_235 = arith.addi %mul3A_233, %add3A_234 : i32
      %swap3A_236 = arith.index_cast %add3A_235 : i32 to index
      %swap3A_237 = tpu.vector_load %arg8[%swap3A_236] {strides = array<i32>} : memref<35328xf32, #tpu.memory_space<vmem>>, vector<16xf32>,
      tpu.vector_store %arg8[%swap3A_236], %broadcast_in_dim3A_4 {strides = array<i32>} : memref<35328xf32, #tpu.memory_space<vmem>>, vector<16xf32>,
      %add3A_238 = arith.constant 0 : i32
      %add3A_239 = arith.addi %add3A_238, %scan3A_62 : i32
      %mul3A_240 = arith.constant 368 : i32
      %mul3A_241 = arith.muli %add3A_239, %mul3A_240 : i32
      %add3A_242 = arith.constant 352 : i32
      %add3A_243 = arith.addi %mul3A_241, %add3A_242 : i32
      %swap3A_244 = arith.index_cast %add3A_243 : i32 to index
      %swap3A_245 = tpu.vector_load %arg8[%swap3A_244] {strides = array<i32>} : memref<35328xf32, #tpu.memory_space<vmem>>, vector<16xf32>,
      tpu.vector_store %arg8[%swap3A_244], %broadcast_in_dim3A_4 {strides = array<i32>} : memref<35328xf32, #tpu.memory_space<vmem>>, vector<16xf32>,
      %add3A_246 = arith.constant 12 : i32
      %add3A_247 = arith.addi %add3A_246, %scan3A_62 : i32
      %mul3A_248 = arith.constant 368 : i32
      %mul3A_249 = arith.muli %add3A_247, %mul3A_248 : i32
      %add3A_250 = arith.constant 0 : i32
      %add3A_251 = arith.addi %mul3A_249, %add3A_250 : i32
      %swap3A_252 = arith.index_cast %add3A_251 : i32 to index
      %swap3A_253 = tpu.vector_load %arg8[%swap3A_252] {strides = array<i32>} : memref<35328xf32, #tpu.memory_space<vmem>>, vector<16xf32>,
      tpu.vector_store %arg8[%swap3A_252], %broadcast_in_dim3A_4 {strides = array<i32>} : memref<35328xf32, #tpu.memory_space<vmem>>, vector<16xf32>,
      %add3A_254 = arith.constant 12 : i32
      %add3A_255 = arith.addi %add3A_254, %scan3A_62 : i32
      %mul3A_256 = arith.constant 368 : i32
      %mul3A_257 = arith.muli %add3A_255, %mul3A_256 : i32
      %add3A_258 = arith.constant 16 : i32
      %add3A_259 = arith.addi %mul3A_257, %add3A_258 : i32
      %swap3A_260 = arith.index_cast %add3A_259 : i32 to index
      %swap3A_261 = tpu.vector_load %arg8[%swap3A_260] {strides = array<i32>} : memref<35328xf32, #tpu.memory_space<vmem>>, vector<16xf32>,
      tpu.vector_store %arg8[%swap3A_260], %broadcast_in_dim3A_4 {strides = array<i32>} : memref<35328xf32, #tpu.memory_space<vmem>>, vector<16xf32>,
      %add3A_262 = arith.constant 12 : i32
      %add3A_263 = arith.addi %add3A_262, %scan3A_62 : i32
      %mul3A_264 = arith.constant 368 : i32
      %mul3A_265 = arith.muli %add3A_263, %mul3A_264 : i32
      %add3A_266 = arith.constant 32 : i32
      %add3A_267 = arith.addi %mul3A_265, %add3A_266 : i32
      %swap3A_268 = arith.index_cast %add3A_267 : i32 to index
      %swap3A_269 = tpu.vector_load %arg8[%swap3A_268] {strides = array<i32>} : memref<35328xf32, #tpu.memory_space<vmem>>, vector<16xf32>,
      tpu.vector_store %arg8[%swap3A_268], %broadcast_in_dim3A_4 {strides = array<i32>} : memref<35328xf32, #tpu.memory_space<vmem>>, vector<16xf32>,
      %add3A_270 = arith.constant 12 : i32
      %add3A_271 = arith.addi %add3A_270, %scan3A_62 : i32
      %mul3A_272 = arith.constant 368 : i32
      %mul3A_273 = arith.muli %add3A_271, %mul3A_272 : i32
      %add3A_274 = arith.constant 48 : i32
      %add3A_275 = arith.addi %mul3A_273, %add3A_274 : i32
      %swap3A_276 = arith.index_cast %add3A_275 : i32 to index
      %swap3A_277 = tpu.vector_load %arg8[%swap3A_276] {strides = array<i32>} : memref<35328xf32, #tpu.memory_space<vmem>>, vector<16xf32>,
      tpu.vector_store %arg8[%swap3A_276], %broadcast_in_dim3A_4 {strides = array<i32>} : memref<35328xf32, #tpu.memory_space<vmem>>, vector<16xf32>,
      %add3A_278 = arith.constant 12 : i32
      %add3A_279 = arith.addi %add3A_278, %scan3A_62 : i32
      %mul3A_280 = arith.constant 368 : i32
      %mul3A_281 = arith.muli %add3A_279, %mul3A_280 : i32
      %add3A_282 = arith.constant 64 : i32
      %add3A_283 = arith.addi %mul3A_281, %add3A_282 : i32
      %swap3A_284 = arith.index_cast %add3A_283 : i32 to index
      %swap3A_285 = tpu.vector_load %arg8[%swap3A_284] {strides = array<i32>} : memref<35328xf32, #tpu.memory_space<vmem>>, vector<16xf32>,
      tpu.vector_store %arg8[%swap3A_284], %broadcast_in_dim3A_4 {strides = array<i32>} : memref<35328xf32, #tpu.memory_space<vmem>>, vector<16xf32>,
      %add3A_286 = arith.constant 12 : i32
      %add3A_287 = arith.addi %add3A_286, %scan3A_62 : i32
      %mul3A_288 = arith.constant 368 : i32
      %mul3A_289 = arith.muli %add3A_287, %mul3A_288 : i32
      %add3A_290 = arith.constant 80 : i32
      %add3A_291 = arith.addi %mul3A_289, %add3A_290 : i32
      %swap3A_292 = arith.index_cast %add3A_291 : i32 to index
      %swap3A_293 = tpu.vector_load %arg8[%swap3A_292] {strides = array<i32>} : memref<35328xf32, #tpu.memory_space<vmem>>, vector<16xf32>,
      tpu.vector_store %arg8[%swap3A_292], %broadcast_in_dim3A_4 {strides = array<i32>} : memref<35328xf32, #tpu.memory_space<vmem>>, vector<16xf32>,
      %add3A_294 = arith.constant 12 : i32
      %add3A_295 = arith.addi %add3A_294, %scan3A_62 : i32
      %mul3A_296 = arith.constant 368 : i32
      %mul3A_297 = arith.muli %add3A_295, %mul3A_296 : i32
      %add3A_298 = arith.constant 96 : i32
      %add3A_299 = arith.addi %mul3A_297, %add3A_298 : i32
      %swap3A_300 = arith.index_cast %add3A_299 : i32 to index
      %swap3A_301 = tpu.vector_load %arg8[%swap3A_300] {strides = array<i32>} : memref<35328xf32, #tpu.memory_space<vmem>>, vector<16xf32>,
      tpu.vector_store %arg8[%swap3A_300], %broadcast_in_dim3A_4 {strides = array<i32>} : memref<35328xf32, #tpu.memory_space<vmem>>, vector<16xf32>,
      %add3A_302 = arith.constant 12 : i32
      %add3A_303 = arith.addi %add3A_302, %scan3A_62 : i32
      %mul3A_304 = arith.constant 368 : i32
      %mul3A_305 = arith.muli %add3A_303, %mul3A_304 : i32
      %add3A_306 = arith.constant 112 : i32
      %add3A_307 = arith.addi %mul3A_305, %add3A_306 : i32
      %swap3A_308 = arith.index_cast %add3A_307 : i32 to index
      %swap3A_309 = tpu.vector_load %arg8[%swap3A_308] {strides = array<i32>} : memref<35328xf32, #tpu.memory_space<vmem>>, vector<16xf32>,
      tpu.vector_store %arg8[%swap3A_308], %broadcast_in_dim3A_4 {strides = array<i32>} : memref<35328xf32, #tpu.memory_space<vmem>>, vector<16xf32>,
      %add3A_310 = arith.constant 12 : i32
      %add3A_311 = arith.addi %add3A_310, %scan3A_62 : i32
      %mul3A_312 = arith.constant 368 : i32
      %mul3A_313 = arith.muli %add3A_311, %mul3A_312 : i32
      %add3A_314 = arith.constant 128 : i32
      %add3A_315 = arith.addi %mul3A_313, %add3A_314 : i32
      %swap3A_316 = arith.index_cast %add3A_315 : i32 to index
      %swap3A_317 = tpu.vector_load %arg8[%swap3A_316] {strides = array<i32>} : memref<35328xf32, #tpu.memory_space<vmem>>, vector<16xf32>,
      tpu.vector_store %arg8[%swap3A_316], %broadcast_in_dim3A_4 {strides = array<i32>} : memref<35328xf32, #tpu.memory_space<vmem>>, vector<16xf32>,
      %add3A_318 = arith.constant 12 : i32
      %add3A_319 = arith.addi %add3A_318, %scan3A_62 : i32
      %mul3A_320 = arith.constant 368 : i32
      %mul3A_321 = arith.muli %add3A_319, %mul3A_320 : i32
      %add3A_322 = arith.constant 144 : i32
      %add3A_323 = arith.addi %mul3A_321, %add3A_322 : i32
      %swap3A_324 = arith.index_cast %add3A_323 : i32 to index
      %swap3A_325 = tpu.vector_load %arg8[%swap3A_324] {strides = array<i32>} : memref<35328xf32, #tpu.memory_space<vmem>>, vector<16xf32>,
      tpu.vector_store %arg8[%swap3A_324], %broadcast_in_dim3A_4 {strides = array<i32>} : memref<35328xf32, #tpu.memory_space<vmem>>, vector<16xf32>,
      %add3A_326 = arith.constant 12 : i32
      %add3A_327 = arith.addi %add3A_326, %scan3A_62 : i32
      %mul3A_328 = arith.constant 368 : i32
      %mul3A_329 = arith.muli %add3A_327, %mul3A_328 : i32
      %add3A_330 = arith.constant 160 : i32
      %add3A_331 = arith.addi %mul3A_329, %add3A_330 : i32
      %swap3A_332 = arith.index_cast %add3A_331 : i32 to index
      %swap3A_333 = tpu.vector_load %arg8[%swap3A_332] {strides = array<i32>} : memref<35328xf32, #tpu.memory_space<vmem>>, vector<16xf32>,
      tpu.vector_store %arg8[%swap3A_332], %broadcast_in_dim3A_4 {strides = array<i32>} : memref<35328xf32, #tpu.memory_space<vmem>>, vector<16xf32>,
      %add3A_334 = arith.constant 12 : i32
      %add3A_335 = arith.addi %add3A_334, %scan3A_62 : i32
      %mul3A_336 = arith.constant 368 : i32
      %mul3A_337 = arith.muli %add3A_335, %mul3A_336 : i32
      %add3A_338 = arith.constant 176 : i32
      %add3A_339 = arith.addi %mul3A_337, %add3A_338 : i32
      %swap3A_340 = arith.index_cast %add3A_339 : i32 to index
      %swap3A_341 = tpu.vector_load %arg8[%swap3A_340] {strides = array<i32>} : memref<35328xf32, #tpu.memory_space<vmem>>, vector<16xf32>,
      tpu.vector_store %arg8[%swap3A_340], %broadcast_in_dim3A_4 {strides = array<i32>} : memref<35328xf32, #tpu.memory_space<vmem>>, vector<16xf32>,
      %add3A_342 = arith.constant 12 : i32
      %add3A_343 = arith.addi %add3A_342, %scan3A_62 : i32
      %mul3A_344 = arith.constant 368 : i32
      %mul3A_345 = arith.muli %add3A_343, %mul3A_344 : i32
      %add3A_346 = arith.constant 192 : i32
      %add3A_347 = arith.addi %mul3A_345, %add3A_346 : i32
      %swap3A_348 = arith.index_cast %add3A_347 : i32 to index
      %swap3A_349 = tpu.vector_load %arg8[%swap3A_348] {strides = array<i32>} : memref<35328xf32, #tpu.memory_space<vmem>>, vector<16xf32>,
      tpu.vector_store %arg8[%swap3A_348], %broadcast_in_dim3A_4 {strides = array<i32>} : memref<35328xf32, #tpu.memory_space<vmem>>, vector<16xf32>,
      %add3A_350 = arith.constant 12 : i32
      %add3A_351 = arith.addi %add3A_350, %scan3A_62 : i32
      %mul3A_352 = arith.constant 368 : i32
      %mul3A_353 = arith.muli %add3A_351, %mul3A_352 : i32
      %add3A_354 = arith.constant 208 : i32
      %add3A_355 = arith.addi %mul3A_353, %add3A_354 : i32
      %swap3A_356 = arith.index_cast %add3A_355 : i32 to index
      %swap3A_357 = tpu.vector_load %arg8[%swap3A_356] {strides = array<i32>} : memref<35328xf32, #tpu.memory_space<vmem>>, vector<16xf32>,
      tpu.vector_store %arg8[%swap3A_356], %broadcast_in_dim3A_4 {strides = array<i32>} : memref<35328xf32, #tpu.memory_space<vmem>>, vector<16xf32>,
      %add3A_358 = arith.constant 12 : i32
      %add3A_359 = arith.addi %add3A_358, %scan3A_62 : i32
      %mul3A_360 = arith.constant 368 : i32
      %mul3A_361 = arith.muli %add3A_359, %mul3A_360 : i32
      %add3A_362 = arith.constant 224 : i32
      %add3A_363 = arith.addi %mul3A_361, %add3A_362 : i32
      %swap3A_364 = arith.index_cast %add3A_363 : i32 to index
      %swap3A_365 = tpu.vector_load %arg8[%swap3A_364] {strides = array<i32>} : memref<35328xf32, #tpu.memory_space<vmem>>, vector<16xf32>,
      tpu.vector_store %arg8[%swap3A_364], %broadcast_in_dim3A_4 {strides = array<i32>} : memref<35328xf32, #tpu.memory_space<vmem>>, vector<16xf32>,
      %add3A_366 = arith.constant 12 : i32
      %add3A_367 = arith.addi %add3A_366, %scan3A_62 : i32
      %mul3A_368 = arith.constant 368 : i32
      %mul3A_369 = arith.muli %add3A_367, %mul3A_368 : i32
      %add3A_370 = arith.constant 240 : i32
      %add3A_371 = arith.addi %mul3A_369, %add3A_370 : i32
      %swap3A_372 = arith.index_cast %add3A_371 : i32 to index
      %swap3A_373 = tpu.vector_load %arg8[%swap3A_372] {strides = array<i32>} : memref<35328xf32, #tpu.memory_space<vmem>>, vector<16xf32>,
      tpu.vector_store %arg8[%swap3A_372], %broadcast_in_dim3A_4 {strides = array<i32>} : memref<35328xf32, #tpu.memory_space<vmem>>, vector<16xf32>,
      %add3A_374 = arith.constant 12 : i32
      %add3A_375 = arith.addi %add3A_374, %scan3A_62 : i32
      %mul3A_376 = arith.constant 368 : i32
      %mul3A_377 = arith.muli %add3A_375, %mul3A_376 : i32
      %add3A_378 = arith.constant 256 : i32
      %add3A_379 = arith.addi %mul3A_377, %add3A_378 : i32
      %swap3A_380 = arith.index_cast %add3A_379 : i32 to index
      %swap3A_381 = tpu.vector_load %arg8[%swap3A_380] {strides = array<i32>} : memref<35328xf32, #tpu.memory_space<vmem>>, vector<16xf32>,
      tpu.vector_store %arg8[%swap3A_380], %broadcast_in_dim3A_4 {strides = array<i32>} : memref<35328xf32, #tpu.memory_space<vmem>>, vector<16xf32>,
      %add3A_382 = arith.constant 12 : i32
      %add3A_383 = arith.addi %add3A_382, %scan3A_62 : i32
      %mul3A_384 = arith.constant 368 : i32
      %mul3A_385 = arith.muli %add3A_383, %mul3A_384 : i32
      %add3A_386 = arith.constant 272 : i32
      %add3A_387 = arith.addi %mul3A_385, %add3A_386 : i32
      %swap3A_388 = arith.index_cast %add3A_387 : i32 to index
      %swap3A_389 = tpu.vector_load %arg8[%swap3A_388] {strides = array<i32>} : memref<35328xf32, #tpu.memory_space<vmem>>, vector<16xf32>,
      tpu.vector_store %arg8[%swap3A_388], %broadcast_in_dim3A_4 {strides = array<i32>} : memref<35328xf32, #tpu.memory_space<vmem>>, vector<16xf32>,
      %add3A_390 = arith.constant 12 : i32
      %add3A_391 = arith.addi %add3A_390, %scan3A_62 : i32
      %mul3A_392 = arith.constant 368 : i32
      %mul3A_393 = arith.muli %add3A_391, %mul3A_392 : i32
      %add3A_394 = arith.constant 288 : i32
      %add3A_395 = arith.addi %mul3A_393, %add3A_394 : i32
      %swap3A_396 = arith.index_cast %add3A_395 : i32 to index
      %swap3A_397 = tpu.vector_load %arg8[%swap3A_396] {strides = array<i32>} : memref<35328xf32, #tpu.memory_space<vmem>>, vector<16xf32>,
      tpu.vector_store %arg8[%swap3A_396], %broadcast_in_dim3A_4 {strides = array<i32>} : memref<35328xf32, #tpu.memory_space<vmem>>, vector<16xf32>,
      %add3A_398 = arith.constant 12 : i32
      %add3A_399 = arith.addi %add3A_398, %scan3A_62 : i32
      %mul3A_400 = arith.constant 368 : i32
      %mul3A_401 = arith.muli %add3A_399, %mul3A_400 : i32
      %add3A_402 = arith.constant 304 : i32
      %add3A_403 = arith.addi %mul3A_401, %add3A_402 : i32
      %swap3A_404 = arith.index_cast %add3A_403 : i32 to index
      %swap3A_405 = tpu.vector_load %arg8[%swap3A_404] {strides = array<i32>} : memref<35328xf32, #tpu.memory_space<vmem>>, vector<16xf32>,
      tpu.vector_store %arg8[%swap3A_404], %broadcast_in_dim3A_4 {strides = array<i32>} : memref<35328xf32, #tpu.memory_space<vmem>>, vector<16xf32>,
      %add3A_406 = arith.constant 12 : i32
      %add3A_407 = arith.addi %add3A_406, %scan3A_62 : i32
      %mul3A_408 = arith.constant 368 : i32
      %mul3A_409 = arith.muli %add3A_407, %mul3A_408 : i32
      %add3A_410 = arith.constant 320 : i32
      %add3A_411 = arith.addi %mul3A_409, %add3A_410 : i32
      %swap3A_412 = arith.index_cast %add3A_411 : i32 to index
      %swap3A_413 = tpu.vector_load %arg8[%swap3A_412] {strides = array<i32>} : memref<35328xf32, #tpu.memory_space<vmem>>, vector<16xf32>,
      tpu.vector_store %arg8[%swap3A_412], %broadcast_in_dim3A_4 {strides = array<i32>} : memref<35328xf32, #tpu.memory_space<vmem>>, vector<16xf32>,
      %add3A_414 = arith.constant 12 : i32
      %add3A_415 = arith.addi %add3A_414, %scan3A_62 : i32
      %mul3A_416 = arith.constant 368 : i32
      %mul3A_417 = arith.muli %add3A_415, %mul3A_416 : i32
      %add3A_418 = arith.constant 336 : i32
      %add3A_419 = arith.addi %mul3A_417, %add3A_418 : i32
      %swap3A_420 = arith.index_cast %add3A_419 : i32 to index
      %swap3A_421 = tpu.vector_load %arg8[%swap3A_420] {strides = array<i32>} : memref<35328xf32, #tpu.memory_space<vmem>>, vector<16xf32>,
      tpu.vector_store %arg8[%swap3A_420], %broadcast_in_dim3A_4 {strides = array<i32>} : memref<35328xf32, #tpu.memory_space<vmem>>, vector<16xf32>,
      %add3A_422 = arith.constant 12 : i32
      %add3A_423 = arith.addi %add3A_422, %scan3A_62 : i32
      %mul3A_424 = arith.constant 368 : i32
      %mul3A_425 = arith.muli %add3A_423, %mul3A_424 : i32
      %add3A_426 = arith.constant 352 : i32
      %add3A_427 = arith.addi %mul3A_425, %add3A_426 : i32
      %swap3A_428 = arith.index_cast %add3A_427 : i32 to index
      %swap3A_429 = tpu.vector_load %arg8[%swap3A_428] {strides = array<i32>} : memref<35328xf32, #tpu.memory_space<vmem>>, vector<16xf32>,
      tpu.vector_store %arg8[%swap3A_428], %broadcast_in_dim3A_4 {strides = array<i32>} : memref<35328xf32, #tpu.memory_space<vmem>>, vector<16xf32>,
      %add3A_430 = arith.constant 24 : i32
      %add3A_431 = arith.addi %add3A_430, %scan3A_62 : i32
      %mul3A_432 = arith.constant 368 : i32
      %mul3A_433 = arith.muli %add3A_431, %mul3A_432 : i32
      %add3A_434 = arith.constant 0 : i32
      %add3A_435 = arith.addi %mul3A_433, %add3A_434 : i32
      %swap3A_436 = arith.index_cast %add3A_435 : i32 to index
      %swap3A_437 = tpu.vector_load %arg8[%swap3A_436] {strides = array<i32>} : memref<35328xf32, #tpu.memory_space<vmem>>, vector<16xf32>,
      tpu.vector_store %arg8[%swap3A_436], %broadcast_in_dim3A_4 {strides = array<i32>} : memref<35328xf32, #tpu.memory_space<vmem>>, vector<16xf32>,
      %add3A_438 = arith.constant 24 : i32
      %add3A_439 = arith.addi %add3A_438, %scan3A_62 : i32
      %mul3A_440 = arith.constant 368 : i32
      %mul3A_441 = arith.muli %add3A_439, %mul3A_440 : i32
      %add3A_442 = arith.constant 16 : i32
      %add3A_443 = arith.addi %mul3A_441, %add3A_442 : i32
      %swap3A_444 = arith.index_cast %add3A_443 : i32 to index
      %swap3A_445 = tpu.vector_load %arg8[%swap3A_444] {strides = array<i32>} : memref<35328xf32, #tpu.memory_space<vmem>>, vector<16xf32>,
      tpu.vector_store %arg8[%swap3A_444], %broadcast_in_dim3A_4 {strides = array<i32>} : memref<35328xf32, #tpu.memory_space<vmem>>, vector<16xf32>,
      %add3A_446 = arith.constant 24 : i32
      %add3A_447 = arith.addi %add3A_446, %scan3A_62 : i32
      %mul3A_448 = arith.constant 368 : i32
      %mul3A_449 = arith.muli %add3A_447, %mul3A_448 : i32
      %add3A_450 = arith.constant 32 : i32
      %add3A_451 = arith.addi %mul3A_449, %add3A_450 : i32
      %swap3A_452 = arith.index_cast %add3A_451 : i32 to index
      %swap3A_453 = tpu.vector_load %arg8[%swap3A_452] {strides = array<i32>} : memref<35328xf32, #tpu.memory_space<vmem>>, vector<16xf32>,
      tpu.vector_store %arg8[%swap3A_452], %broadcast_in_dim3A_4 {strides = array<i32>} : memref<35328xf32, #tpu.memory_space<vmem>>, vector<16xf32>,
      %add3A_454 = arith.constant 24 : i32
      %add3A_455 = arith.addi %add3A_454, %scan3A_62 : i32
      %mul3A_456 = arith.constant 368 : i32
      %mul3A_457 = arith.muli %add3A_455, %mul3A_456 : i32
      %add3A_458 = arith.constant 48 : i32
      %add3A_459 = arith.addi %mul3A_457, %add3A_458 : i32
      %swap3A_460 = arith.index_cast %add3A_459 : i32 to index
      %swap3A_461 = tpu.vector_load %arg8[%swap3A_460] {strides = array<i32>} : memref<35328xf32, #tpu.memory_space<vmem>>, vector<16xf32>,
      tpu.vector_store %arg8[%swap3A_460], %broadcast_in_dim3A_4 {strides = array<i32>} : memref<35328xf32, #tpu.memory_space<vmem>>, vector<16xf32>,
      %add3A_462 = arith.constant 24 : i32
      %add3A_463 = arith.addi %add3A_462, %scan3A_62 : i32
      %mul3A_464 = arith.constant 368 : i32
      %mul3A_465 = arith.muli %add3A_463, %mul3A_464 : i32
      %add3A_466 = arith.constant 64 : i32
      %add3A_467 = arith.addi %mul3A_465, %add3A_466 : i32
      %swap3A_468 = arith.index_cast %add3A_467 : i32 to index
      %swap3A_469 = tpu.vector_load %arg8[%swap3A_468] {strides = array<i32>} : memref<35328xf32, #tpu.memory_space<vmem>>, vector<16xf32>,
      tpu.vector_store %arg8[%swap3A_468], %broadcast_in_dim3A_4 {strides = array<i32>} : memref<35328xf32, #tpu.memory_space<vmem>>, vector<16xf32>,
      %add3A_470 = arith.constant 24 : i32
      %add3A_471 = arith.addi %add3A_470, %scan3A_62 : i32
      %mul3A_472 = arith.constant 368 : i32
      %mul3A_473 = arith.muli %add3A_471, %mul3A_472 : i32
      %add3A_474 = arith.constant 80 : i32
      %add3A_475 = arith.addi %mul3A_473, %add3A_474 : i32
      %swap3A_476 = arith.index_cast %add3A_475 : i32 to index
      %swap3A_477 = tpu.vector_load %arg8[%swap3A_476] {strides = array<i32>} : memref<35328xf32, #tpu.memory_space<vmem>>, vector<16xf32>,
      tpu.vector_store %arg8[%swap3A_476], %broadcast_in_dim3A_4 {strides = array<i32>} : memref<35328xf32, #tpu.memory_space<vmem>>, vector<16xf32>,
      %add3A_478 = arith.constant 24 : i32
      %add3A_479 = arith.addi %add3A_478, %scan3A_62 : i32
      %mul3A_480 = arith.constant 368 : i32
      %mul3A_481 = arith.muli %add3A_479, %mul3A_480 : i32
      %add3A_482 = arith.constant 96 : i32
      %add3A_483 = arith.addi %mul3A_481, %add3A_482 : i32
      %swap3A_484 = arith.index_cast %add3A_483 : i32 to index
      %swap3A_485 = tpu.vector_load %arg8[%swap3A_484] {strides = array<i32>} : memref<35328xf32, #tpu.memory_space<vmem>>, vector<16xf32>,
      tpu.vector_store %arg8[%swap3A_484], %broadcast_in_dim3A_4 {strides = array<i32>} : memref<35328xf32, #tpu.memory_space<vmem>>, vector<16xf32>,
      %add3A_486 = arith.constant 24 : i32
      %add3A_487 = arith.addi %add3A_486, %scan3A_62 : i32
      %mul3A_488 = arith.constant 368 : i32
      %mul3A_489 = arith.muli %add3A_487, %mul3A_488 : i32
      %add3A_490 = arith.constant 112 : i32
      %add3A_491 = arith.addi %mul3A_489, %add3A_490 : i32
      %swap3A_492 = arith.index_cast %add3A_491 : i32 to index
      %swap3A_493 = tpu.vector_load %arg8[%swap3A_492] {strides = array<i32>} : memref<35328xf32, #tpu.memory_space<vmem>>, vector<16xf32>,
      tpu.vector_store %arg8[%swap3A_492], %broadcast_in_dim3A_4 {strides = array<i32>} : memref<35328xf32, #tpu.memory_space<vmem>>, vector<16xf32>,
      %add3A_494 = arith.constant 24 : i32
      %add3A_495 = arith.addi %add3A_494, %scan3A_62 : i32
      %mul3A_496 = arith.constant 368 : i32
      %mul3A_497 = arith.muli %add3A_495, %mul3A_496 : i32
      %add3A_498 = arith.constant 128 : i32
      %add3A_499 = arith.addi %mul3A_497, %add3A_498 : i32
      %swap3A_500 = arith.index_cast %add3A_499 : i32 to index
      %swap3A_501 = tpu.vector_load %arg8[%swap3A_500] {strides = array<i32>} : memref<35328xf32, #tpu.memory_space<vmem>>, vector<16xf32>,
      tpu.vector_store %arg8[%swap3A_500], %broadcast_in_dim3A_4 {strides = array<i32>} : memref<35328xf32, #tpu.memory_space<vmem>>, vector<16xf32>,
      %add3A_502 = arith.constant 24 : i32
      %add3A_503 = arith.addi %add3A_502, %scan3A_62 : i32
      %mul3A_504 = arith.constant 368 : i32
      %mul3A_505 = arith.muli %add3A_503, %mul3A_504 : i32
      %add3A_506 = arith.constant 144 : i32
      %add3A_507 = arith.addi %mul3A_505, %add3A_506 : i32
      %swap3A_508 = arith.index_cast %add3A_507 : i32 to index
      %swap3A_509 = tpu.vector_load %arg8[%swap3A_508] {strides = array<i32>} : memref<35328xf32, #tpu.memory_space<vmem>>, vector<16xf32>,
      tpu.vector_store %arg8[%swap3A_508], %broadcast_in_dim3A_4 {strides = array<i32>} : memref<35328xf32, #tpu.memory_space<vmem>>, vector<16xf32>,
      %add3A_510 = arith.constant 24 : i32
      %add3A_511 = arith.addi %add3A_510, %scan3A_62 : i32
      %mul3A_512 = arith.constant 368 : i32
      %mul3A_513 = arith.muli %add3A_511, %mul3A_512 : i32
      %add3A_514 = arith.constant 160 : i32
      %add3A_515 = arith.addi %mul3A_513, %add3A_514 : i32
      %swap3A_516 = arith.index_cast %add3A_515 : i32 to index
      %swap3A_517 = tpu.vector_load %arg8[%swap3A_516] {strides = array<i32>} : memref<35328xf32, #tpu.memory_space<vmem>>, vector<16xf32>,
      tpu.vector_store %arg8[%swap3A_516], %broadcast_in_dim3A_4 {strides = array<i32>} : memref<35328xf32, #tpu.memory_space<vmem>>, vector<16xf32>,
      %add3A_518 = arith.constant 24 : i32
      %add3A_519 = arith.addi %add3A_518, %scan3A_62 : i32
      %mul3A_520 = arith.constant 368 : i32
      %mul3A_521 = arith.muli %add3A_519, %mul3A_520 : i32
      %add3A_522 = arith.constant 176 : i32
      %add3A_523 = arith.addi %mul3A_521, %add3A_522 : i32
      %swap3A_524 = arith.index_cast %add3A_523 : i32 to index
      %swap3A_525 = tpu.vector_load %arg8[%swap3A_524] {strides = array<i32>} : memref<35328xf32, #tpu.memory_space<vmem>>, vector<16xf32>,
      tpu.vector_store %arg8[%swap3A_524], %broadcast_in_dim3A_4 {strides = array<i32>} : memref<35328xf32, #tpu.memory_space<vmem>>, vector<16xf32>,
      %add3A_526 = arith.constant 24 : i32
      %add3A_527 = arith.addi %add3A_526, %scan3A_62 : i32
      %mul3A_528 = arith.constant 368 : i32
      %mul3A_529 = arith.muli %add3A_527, %mul3A_528 : i32
      %add3A_530 = arith.constant 192 : i32
      %add3A_531 = arith.addi %mul3A_529, %add3A_530 : i32
      %swap3A_532 = arith.index_cast %add3A_531 : i32 to index
      %swap3A_533 = tpu.vector_load %arg8[%swap3A_532] {strides = array<i32>} : memref<35328xf32, #tpu.memory_space<vmem>>, vector<16xf32>,
      tpu.vector_store %arg8[%swap3A_532], %broadcast_in_dim3A_4 {strides = array<i32>} : memref<35328xf32, #tpu.memory_space<vmem>>, vector<16xf32>,
      %add3A_534 = arith.constant 24 : i32
      %add3A_535 = arith.addi %add3A_534, %scan3A_62 : i32
      %mul3A_536 = arith.constant 368 : i32
      %mul3A_537 = arith.muli %add3A_535, %mul3A_536 : i32
      %add3A_538 = arith.constant 208 : i32
      %add3A_539 = arith.addi %mul3A_537, %add3A_538 : i32
      %swap3A_540 = arith.index_cast %add3A_539 : i32 to index
      %swap3A_541 = tpu.vector_load %arg8[%swap3A_540] {strides = array<i32>} : memref<35328xf32, #tpu.memory_space<vmem>>, vector<16xf32>,
      tpu.vector_store %arg8[%swap3A_540], %broadcast_in_dim3A_4 {strides = array<i32>} : memref<35328xf32, #tpu.memory_space<vmem>>, vector<16xf32>,
      %add3A_542 = arith.constant 24 : i32
      %add3A_543 = arith.addi %add3A_542, %scan3A_62 : i32
      %mul3A_544 = arith.constant 368 : i32
      %mul3A_545 = arith.muli %add3A_543, %mul3A_544 : i32
      %add3A_546 = arith.constant 224 : i32
      %add3A_547 = arith.addi %mul3A_545, %add3A_546 : i32
      %swap3A_548 = arith.index_cast %add3A_547 : i32 to index
      %swap3A_549 = tpu.vector_load %arg8[%swap3A_548] {strides = array<i32>} : memref<35328xf32, #tpu.memory_space<vmem>>, vector<16xf32>,
      tpu.vector_store %arg8[%swap3A_548], %broadcast_in_dim3A_4 {strides = array<i32>} : memref<35328xf32, #tpu.memory_space<vmem>>, vector<16xf32>,
      %add3A_550 = arith.constant 24 : i32
      %add3A_551 = arith.addi %add3A_550, %scan3A_62 : i32
      %mul3A_552 = arith.constant 368 : i32
      %mul3A_553 = arith.muli %add3A_551, %mul3A_552 : i32
      %add3A_554 = arith.constant 240 : i32
      %add3A_555 = arith.addi %mul3A_553, %add3A_554 : i32
      %swap3A_556 = arith.index_cast %add3A_555 : i32 to index
      %swap3A_557 = tpu.vector_load %arg8[%swap3A_556] {strides = array<i32>} : memref<35328xf32, #tpu.memory_space<vmem>>, vector<16xf32>,
      tpu.vector_store %arg8[%swap3A_556], %broadcast_in_dim3A_4 {strides = array<i32>} : memref<35328xf32, #tpu.memory_space<vmem>>, vector<16xf32>,
      %add3A_558 = arith.constant 24 : i32
      %add3A_559 = arith.addi %add3A_558, %scan3A_62 : i32
      %mul3A_560 = arith.constant 368 : i32
      %mul3A_561 = arith.muli %add3A_559, %mul3A_560 : i32
      %add3A_562 = arith.constant 256 : i32
      %add3A_563 = arith.addi %mul3A_561, %add3A_562 : i32
      %swap3A_564 = arith.index_cast %add3A_563 : i32 to index
      %swap3A_565 = tpu.vector_load %arg8[%swap3A_564] {strides = array<i32>} : memref<35328xf32, #tpu.memory_space<vmem>>, vector<16xf32>,
      tpu.vector_store %arg8[%swap3A_564], %broadcast_in_dim3A_4 {strides = array<i32>} : memref<35328xf32, #tpu.memory_space<vmem>>, vector<16xf32>,
      %add3A_566 = arith.constant 24 : i32
      %add3A_567 = arith.addi %add3A_566, %scan3A_62 : i32
      %mul3A_568 = arith.constant 368 : i32
      %mul3A_569 = arith.muli %add3A_567, %mul3A_568 : i32
      %add3A_570 = arith.constant 272 : i32
      %add3A_571 = arith.addi %mul3A_569, %add3A_570 : i32
      %swap3A_572 = arith.index_cast %add3A_571 : i32 to index
      %swap3A_573 = tpu.vector_load %arg8[%swap3A_572] {strides = array<i32>} : memref<35328xf32, #tpu.memory_space<vmem>>, vector<16xf32>,
      tpu.vector_store %arg8[%swap3A_572], %broadcast_in_dim3A_4 {strides = array<i32>} : memref<35328xf32, #tpu.memory_space<vmem>>, vector<16xf32>,
      %add3A_574 = arith.constant 24 : i32
      %add3A_575 = arith.addi %add3A_574, %scan3A_62 : i32
      %mul3A_576 = arith.constant 368 : i32
      %mul3A_577 = arith.muli %add3A_575, %mul3A_576 : i32
      %add3A_578 = arith.constant 288 : i32
      %add3A_579 = arith.addi %mul3A_577, %add3A_578 : i32
      %swap3A_580 = arith.index_cast %add3A_579 : i32 to index
      %swap3A_581 = tpu.vector_load %arg8[%swap3A_580] {strides = array<i32>} : memref<35328xf32, #tpu.memory_space<vmem>>, vector<16xf32>,
      tpu.vector_store %arg8[%swap3A_580], %broadcast_in_dim3A_4 {strides = array<i32>} : memref<35328xf32, #tpu.memory_space<vmem>>, vector<16xf32>,
      %add3A_582 = arith.constant 24 : i32
      %add3A_583 = arith.addi %add3A_582, %scan3A_62 : i32
      %mul3A_584 = arith.constant 368 : i32
      %mul3A_585 = arith.muli %add3A_583, %mul3A_584 : i32
      %add3A_586 = arith.constant 304 : i32
      %add3A_587 = arith.addi %mul3A_585, %add3A_586 : i32
      %swap3A_588 = arith.index_cast %add3A_587 : i32 to index
      %swap3A_589 = tpu.vector_load %arg8[%swap3A_588] {strides = array<i32>} : memref<35328xf32, #tpu.memory_space<vmem>>, vector<16xf32>,
      tpu.vector_store %arg8[%swap3A_588], %broadcast_in_dim3A_4 {strides = array<i32>} : memref<35328xf32, #tpu.memory_space<vmem>>, vector<16xf32>,
      %add3A_590 = arith.constant 24 : i32
      %add3A_591 = arith.addi %add3A_590, %scan3A_62 : i32
      %mul3A_592 = arith.constant 368 : i32
      %mul3A_593 = arith.muli %add3A_591, %mul3A_592 : i32
      %add3A_594 = arith.constant 320 : i32
      %add3A_595 = arith.addi %mul3A_593, %add3A_594 : i32
      %swap3A_596 = arith.index_cast %add3A_595 : i32 to index
      %swap3A_597 = tpu.vector_load %arg8[%swap3A_596] {strides = array<i32>} : memref<35328xf32, #tpu.memory_space<vmem>>, vector<16xf32>,
      tpu.vector_store %arg8[%swap3A_596], %broadcast_in_dim3A_4 {strides = array<i32>} : memref<35328xf32, #tpu.memory_space<vmem>>, vector<16xf32>,
      %add3A_598 = arith.constant 24 : i32
      %add3A_599 = arith.addi %add3A_598, %scan3A_62 : i32
      %mul3A_600 = arith.constant 368 : i32
      %mul3A_601 = arith.muli %add3A_599, %mul3A_600 : i32
      %add3A_602 = arith.constant 336 : i32
      %add3A_603 = arith.addi %mul3A_601, %add3A_602 : i32
      %swap3A_604 = arith.index_cast %add3A_603 : i32 to index
      %swap3A_605 = tpu.vector_load %arg8[%swap3A_604] {strides = array<i32>} : memref<35328xf32, #tpu.memory_space<vmem>>, vector<16xf32>,
      tpu.vector_store %arg8[%swap3A_604], %broadcast_in_dim3A_4 {strides = array<i32>} : memref<35328xf32, #tpu.memory_space<vmem>>, vector<16xf32>,
      %add3A_606 = arith.constant 24 : i32
      %add3A_607 = arith.addi %add3A_606, %scan3A_62 : i32
      %mul3A_608 = arith.constant 368 : i32
      %mul3A_609 = arith.muli %add3A_607, %mul3A_608 : i32
      %add3A_610 = arith.constant 352 : i32
      %add3A_611 = arith.addi %mul3A_609, %add3A_610 : i32
      %swap3A_612 = arith.index_cast %add3A_611 : i32 to index
      %swap3A_613 = tpu.vector_load %arg8[%swap3A_612] {strides = array<i32>} : memref<35328xf32, #tpu.memory_space<vmem>>, vector<16xf32>,
      tpu.vector_store %arg8[%swap3A_612], %broadcast_in_dim3A_4 {strides = array<i32>} : memref<35328xf32, #tpu.memory_space<vmem>>, vector<16xf32>,
      %add3A_614 = arith.constant 36 : i32
      %add3A_615 = arith.addi %add3A_614, %scan3A_62 : i32
      %mul3A_616 = arith.constant 368 : i32
      %mul3A_617 = arith.muli %add3A_615, %mul3A_616 : i32
      %add3A_618 = arith.constant 0 : i32
      %add3A_619 = arith.addi %mul3A_617, %add3A_618 : i32
      %swap3A_620 = arith.index_cast %add3A_619 : i32 to index
      %swap3A_621 = tpu.vector_load %arg8[%swap3A_620] {strides = array<i32>} : memref<35328xf32, #tpu.memory_space<vmem>>, vector<16xf32>,
      tpu.vector_store %arg8[%swap3A_620], %broadcast_in_dim3A_4 {strides = array<i32>} : memref<35328xf32, #tpu.memory_space<vmem>>, vector<16xf32>,
      %add3A_622 = arith.constant 36 : i32
      %add3A_623 = arith.addi %add3A_622, %scan3A_62 : i32
      %mul3A_624 = arith.constant 368 : i32
      %mul3A_625 = arith.muli %add3A_623, %mul3A_624 : i32
      %add3A_626 = arith.constant 16 : i32
      %add3A_627 = arith.addi %mul3A_625, %add3A_626 : i32
      %swap3A_628 = arith.index_cast %add3A_627 : i32 to index
      %swap3A_629 = tpu.vector_load %arg8[%swap3A_628] {strides = array<i32>} : memref<35328xf32, #tpu.memory_space<vmem>>, vector<16xf32>,
      tpu.vector_store %arg8[%swap3A_628], %broadcast_in_dim3A_4 {strides = array<i32>} : memref<35328xf32, #tpu.memory_space<vmem>>, vector<16xf32>,
      %add3A_630 = arith.constant 36 : i32
      %add3A_631 = arith.addi %add3A_630, %scan3A_62 : i32
      %mul3A_632 = arith.constant 368 : i32
      %mul3A_633 = arith.muli %add3A_631, %mul3A_632 : i32
      %add3A_634 = arith.constant 32 : i32
      %add3A_635 = arith.addi %mul3A_633, %add3A_634 : i32
      %swap3A_636 = arith.index_cast %add3A_635 : i32 to index
      %swap3A_637 = tpu.vector_load %arg8[%swap3A_636] {strides = array<i32>} : memref<35328xf32, #tpu.memory_space<vmem>>, vector<16xf32>,
      tpu.vector_store %arg8[%swap3A_636], %broadcast_in_dim3A_4 {strides = array<i32>} : memref<35328xf32, #tpu.memory_space<vmem>>, vector<16xf32>,
      %add3A_638 = arith.constant 36 : i32
      %add3A_639 = arith.addi %add3A_638, %scan3A_62 : i32
      %mul3A_640 = arith.constant 368 : i32
      %mul3A_641 = arith.muli %add3A_639, %mul3A_640 : i32
      %add3A_642 = arith.constant 48 : i32
      %add3A_643 = arith.addi %mul3A_641, %add3A_642 : i32
      %swap3A_644 = arith.index_cast %add3A_643 : i32 to index
      %swap3A_645 = tpu.vector_load %arg8[%swap3A_644] {strides = array<i32>} : memref<35328xf32, #tpu.memory_space<vmem>>, vector<16xf32>,
      tpu.vector_store %arg8[%swap3A_644], %broadcast_in_dim3A_4 {strides = array<i32>} : memref<35328xf32, #tpu.memory_space<vmem>>, vector<16xf32>,
      %add3A_646 = arith.constant 36 : i32
      %add3A_647 = arith.addi %add3A_646, %scan3A_62 : i32
      %mul3A_648 = arith.constant 368 : i32
      %mul3A_649 = arith.muli %add3A_647, %mul3A_648 : i32
      %add3A_650 = arith.constant 64 : i32
      %add3A_651 = arith.addi %mul3A_649, %add3A_650 : i32
      %swap3A_652 = arith.index_cast %add3A_651 : i32 to index
      %swap3A_653 = tpu.vector_load %arg8[%swap3A_652] {strides = array<i32>} : memref<35328xf32, #tpu.memory_space<vmem>>, vector<16xf32>,
      tpu.vector_store %arg8[%swap3A_652], %broadcast_in_dim3A_4 {strides = array<i32>} : memref<35328xf32, #tpu.memory_space<vmem>>, vector<16xf32>,
      %add3A_654 = arith.constant 36 : i32
      %add3A_655 = arith.addi %add3A_654, %scan3A_62 : i32
      %mul3A_656 = arith.constant 368 : i32
      %mul3A_657 = arith.muli %add3A_655, %mul3A_656 : i32
      %add3A_658 = arith.constant 80 : i32
      %add3A_659 = arith.addi %mul3A_657, %add3A_658 : i32
      %swap3A_660 = arith.index_cast %add3A_659 : i32 to index
      %swap3A_661 = tpu.vector_load %arg8[%swap3A_660] {strides = array<i32>} : memref<35328xf32, #tpu.memory_space<vmem>>, vector<16xf32>,
      tpu.vector_store %arg8[%swap3A_660], %broadcast_in_dim3A_4 {strides = array<i32>} : memref<35328xf32, #tpu.memory_space<vmem>>, vector<16xf32>,
      %add3A_662 = arith.constant 36 : i32
      %add3A_663 = arith.addi %add3A_662, %scan3A_62 : i32
      %mul3A_664 = arith.constant 368 : i32
      %mul3A_665 = arith.muli %add3A_663, %mul3A_664 : i32
      %add3A_666 = arith.constant 96 : i32
      %add3A_667 = arith.addi %mul3A_665, %add3A_666 : i32
      %swap3A_668 = arith.index_cast %add3A_667 : i32 to index
      %swap3A_669 = tpu.vector_load %arg8[%swap3A_668] {strides = array<i32>} : memref<35328xf32, #tpu.memory_space<vmem>>, vector<16xf32>,
      tpu.vector_store %arg8[%swap3A_668], %broadcast_in_dim3A_4 {strides = array<i32>} : memref<35328xf32, #tpu.memory_space<vmem>>, vector<16xf32>,
      %add3A_670 = arith.constant 36 : i32
      %add3A_671 = arith.addi %add3A_670, %scan3A_62 : i32
      %mul3A_672 = arith.constant 368 : i32
      %mul3A_673 = arith.muli %add3A_671, %mul3A_672 : i32
      %add3A_674 = arith.constant 112 : i32
      %add3A_675 = arith.addi %mul3A_673, %add3A_674 : i32
      %swap3A_676 = arith.index_cast %add3A_675 : i32 to index
      %swap3A_677 = tpu.vector_load %arg8[%swap3A_676] {strides = array<i32>} : memref<35328xf32, #tpu.memory_space<vmem>>, vector<16xf32>,
      tpu.vector_store %arg8[%swap3A_676], %broadcast_in_dim3A_4 {strides = array<i32>} : memref<35328xf32, #tpu.memory_space<vmem>>, vector<16xf32>,
      %add3A_678 = arith.constant 36 : i32
      %add3A_679 = arith.addi %add3A_678, %scan3A_62 : i32
      %mul3A_680 = arith.constant 368 : i32
      %mul3A_681 = arith.muli %add3A_679, %mul3A_680 : i32
      %add3A_682 = arith.constant 128 : i32
      %add3A_683 = arith.addi %mul3A_681, %add3A_682 : i32
      %swap3A_684 = arith.index_cast %add3A_683 : i32 to index
      %swap3A_685 = tpu.vector_load %arg8[%swap3A_684] {strides = array<i32>} : memref<35328xf32, #tpu.memory_space<vmem>>, vector<16xf32>,
      tpu.vector_store %arg8[%swap3A_684], %broadcast_in_dim3A_4 {strides = array<i32>} : memref<35328xf32, #tpu.memory_space<vmem>>, vector<16xf32>,
      %add3A_686 = arith.constant 36 : i32
      %add3A_687 = arith.addi %add3A_686, %scan3A_62 : i32
      %mul3A_688 = arith.constant 368 : i32
      %mul3A_689 = arith.muli %add3A_687, %mul3A_688 : i32
      %add3A_690 = arith.constant 144 : i32
      %add3A_691 = arith.addi %mul3A_689, %add3A_690 : i32
      %swap3A_692 = arith.index_cast %add3A_691 : i32 to index
      %swap3A_693 = tpu.vector_load %arg8[%swap3A_692] {strides = array<i32>} : memref<35328xf32, #tpu.memory_space<vmem>>, vector<16xf32>,
      tpu.vector_store %arg8[%swap3A_692], %broadcast_in_dim3A_4 {strides = array<i32>} : memref<35328xf32, #tpu.memory_space<vmem>>, vector<16xf32>,
      %add3A_694 = arith.constant 36 : i32
      %add3A_695 = arith.addi %add3A_694, %scan3A_62 : i32
      %mul3A_696 = arith.constant 368 : i32
      %mul3A_697 = arith.muli %add3A_695, %mul3A_696 : i32
      %add3A_698 = arith.constant 160 : i32
      %add3A_699 = arith.addi %mul3A_697, %add3A_698 : i32
      %swap3A_700 = arith.index_cast %add3A_699 : i32 to index
      %swap3A_701 = tpu.vector_load %arg8[%swap3A_700] {strides = array<i32>} : memref<35328xf32, #tpu.memory_space<vmem>>, vector<16xf32>,
      tpu.vector_store %arg8[%swap3A_700], %broadcast_in_dim3A_4 {strides = array<i32>} : memref<35328xf32, #tpu.memory_space<vmem>>, vector<16xf32>,
      %add3A_702 = arith.constant 36 : i32
      %add3A_703 = arith.addi %add3A_702, %scan3A_62 : i32
      %mul3A_704 = arith.constant 368 : i32
      %mul3A_705 = arith.muli %add3A_703, %mul3A_704 : i32
      %add3A_706 = arith.constant 176 : i32
      %add3A_707 = arith.addi %mul3A_705, %add3A_706 : i32
      %swap3A_708 = arith.index_cast %add3A_707 : i32 to index
      %swap3A_709 = tpu.vector_load %arg8[%swap3A_708] {strides = array<i32>} : memref<35328xf32, #tpu.memory_space<vmem>>, vector<16xf32>,
      tpu.vector_store %arg8[%swap3A_708], %broadcast_in_dim3A_4 {strides = array<i32>} : memref<35328xf32, #tpu.memory_space<vmem>>, vector<16xf32>,
      %add3A_710 = arith.constant 36 : i32
      %add3A_711 = arith.addi %add3A_710, %scan3A_62 : i32
      %mul3A_712 = arith.constant 368 : i32
      %mul3A_713 = arith.muli %add3A_711, %mul3A_712 : i32
      %add3A_714 = arith.constant 192 : i32
      %add3A_715 = arith.addi %mul3A_713, %add3A_714 : i32
      %swap3A_716 = arith.index_cast %add3A_715 : i32 to index
      %swap3A_717 = tpu.vector_load %arg8[%swap3A_716] {strides = array<i32>} : memref<35328xf32, #tpu.memory_space<vmem>>, vector<16xf32>,
      tpu.vector_store %arg8[%swap3A_716], %broadcast_in_dim3A_4 {strides = array<i32>} : memref<35328xf32, #tpu.memory_space<vmem>>, vector<16xf32>,
      %add3A_718 = arith.constant 36 : i32
      %add3A_719 = arith.addi %add3A_718, %scan3A_62 : i32
      %mul3A_720 = arith.constant 368 : i32
      %mul3A_721 = arith.muli %add3A_719, %mul3A_720 : i32
      %add3A_722 = arith.constant 208 : i32
      %add3A_723 = arith.addi %mul3A_721, %add3A_722 : i32
      %swap3A_724 = arith.index_cast %add3A_723 : i32 to index
      %swap3A_725 = tpu.vector_load %arg8[%swap3A_724] {strides = array<i32>} : memref<35328xf32, #tpu.memory_space<vmem>>, vector<16xf32>,
      tpu.vector_store %arg8[%swap3A_724], %broadcast_in_dim3A_4 {strides = array<i32>} : memref<35328xf32, #tpu.memory_space<vmem>>, vector<16xf32>,
      %add3A_726 = arith.constant 36 : i32
      %add3A_727 = arith.addi %add3A_726, %scan3A_62 : i32
      %mul3A_728 = arith.constant 368 : i32
      %mul3A_729 = arith.muli %add3A_727, %mul3A_728 : i32
      %add3A_730 = arith.constant 224 : i32
      %add3A_731 = arith.addi %mul3A_729, %add3A_730 : i32
      %swap3A_732 = arith.index_cast %add3A_731 : i32 to index
      %swap3A_733 = tpu.vector_load %arg8[%swap3A_732] {strides = array<i32>} : memref<35328xf32, #tpu.memory_space<vmem>>, vector<16xf32>,
      tpu.vector_store %arg8[%swap3A_732], %broadcast_in_dim3A_4 {strides = array<i32>} : memref<35328xf32, #tpu.memory_space<vmem>>, vector<16xf32>,
      %add3A_734 = arith.constant 36 : i32
      %add3A_735 = arith.addi %add3A_734, %scan3A_62 : i32
      %mul3A_736 = arith.constant 368 : i32
      %mul3A_737 = arith.muli %add3A_735, %mul3A_736 : i32
      %add3A_738 = arith.constant 240 : i32
      %add3A_739 = arith.addi %mul3A_737, %add3A_738 : i32
      %swap3A_740 = arith.index_cast %add3A_739 : i32 to index
      %swap3A_741 = tpu.vector_load %arg8[%swap3A_740] {strides = array<i32>} : memref<35328xf32, #tpu.memory_space<vmem>>, vector<16xf32>,
      tpu.vector_store %arg8[%swap3A_740], %broadcast_in_dim3A_4 {strides = array<i32>} : memref<35328xf32, #tpu.memory_space<vmem>>, vector<16xf32>,
      %add3A_742 = arith.constant 36 : i32
      %add3A_743 = arith.addi %add3A_742, %scan3A_62 : i32
      %mul3A_744 = arith.constant 368 : i32
      %mul3A_745 = arith.muli %add3A_743, %mul3A_744 : i32
      %add3A_746 = arith.constant 256 : i32
      %add3A_747 = arith.addi %mul3A_745, %add3A_746 : i32
      %swap3A_748 = arith.index_cast %add3A_747 : i32 to index
      %swap3A_749 = tpu.vector_load %arg8[%swap3A_748] {strides = array<i32>} : memref<35328xf32, #tpu.memory_space<vmem>>, vector<16xf32>,
      tpu.vector_store %arg8[%swap3A_748], %broadcast_in_dim3A_4 {strides = array<i32>} : memref<35328xf32, #tpu.memory_space<vmem>>, vector<16xf32>,
      %add3A_750 = arith.constant 36 : i32
      %add3A_751 = arith.addi %add3A_750, %scan3A_62 : i32
      %mul3A_752 = arith.constant 368 : i32
      %mul3A_753 = arith.muli %add3A_751, %mul3A_752 : i32
      %add3A_754 = arith.constant 272 : i32
      %add3A_755 = arith.addi %mul3A_753, %add3A_754 : i32
      %swap3A_756 = arith.index_cast %add3A_755 : i32 to index
      %swap3A_757 = tpu.vector_load %arg8[%swap3A_756] {strides = array<i32>} : memref<35328xf32, #tpu.memory_space<vmem>>, vector<16xf32>,
      tpu.vector_store %arg8[%swap3A_756], %broadcast_in_dim3A_4 {strides = array<i32>} : memref<35328xf32, #tpu.memory_space<vmem>>, vector<16xf32>,
      %add3A_758 = arith.constant 36 : i32
      %add3A_759 = arith.addi %add3A_758, %scan3A_62 : i32
      %mul3A_760 = arith.constant 368 : i32
      %mul3A_761 = arith.muli %add3A_759, %mul3A_760 : i32
      %add3A_762 = arith.constant 288 : i32
      %add3A_763 = arith.addi %mul3A_761, %add3A_762 : i32
      %swap3A_764 = arith.index_cast %add3A_763 : i32 to index
      %swap3A_765 = tpu.vector_load %arg8[%swap3A_764] {strides = array<i32>} : memref<35328xf32, #tpu.memory_space<vmem>>, vector<16xf32>,
      tpu.vector_store %arg8[%swap3A_764], %broadcast_in_dim3A_4 {strides = array<i32>} : memref<35328xf32, #tpu.memory_space<vmem>>, vector<16xf32>,
      %add3A_766 = arith.constant 36 : i32
      %add3A_767 = arith.addi %add3A_766, %scan3A_62 : i32
      %mul3A_768 = arith.constant 368 : i32
      %mul3A_769 = arith.muli %add3A_767, %mul3A_768 : i32
      %add3A_770 = arith.constant 304 : i32
      %add3A_771 = arith.addi %mul3A_769, %add3A_770 : i32
      %swap3A_772 = arith.index_cast %add3A_771 : i32 to index
      %swap3A_773 = tpu.vector_load %arg8[%swap3A_772] {strides = array<i32>} : memref<35328xf32, #tpu.memory_space<vmem>>, vector<16xf32>,
      tpu.vector_store %arg8[%swap3A_772], %broadcast_in_dim3A_4 {strides = array<i32>} : memref<35328xf32, #tpu.memory_space<vmem>>, vector<16xf32>,
      %add3A_774 = arith.constant 36 : i32
      %add3A_775 = arith.addi %add3A_774, %scan3A_62 : i32
      %mul3A_776 = arith.constant 368 : i32
      %mul3A_777 = arith.muli %add3A_775, %mul3A_776 : i32
      %add3A_778 = arith.constant 320 : i32
      %add3A_779 = arith.addi %mul3A_777, %add3A_778 : i32
      %swap3A_780 = arith.index_cast %add3A_779 : i32 to index
      %swap3A_781 = tpu.vector_load %arg8[%swap3A_780] {strides = array<i32>} : memref<35328xf32, #tpu.memory_space<vmem>>, vector<16xf32>,
      tpu.vector_store %arg8[%swap3A_780], %broadcast_in_dim3A_4 {strides = array<i32>} : memref<35328xf32, #tpu.memory_space<vmem>>, vector<16xf32>,
      %add3A_782 = arith.constant 36 : i32
      %add3A_783 = arith.addi %add3A_782, %scan3A_62 : i32
      %mul3A_784 = arith.constant 368 : i32
      %mul3A_785 = arith.muli %add3A_783, %mul3A_784 : i32
      %add3A_786 = arith.constant 336 : i32
      %add3A_787 = arith.addi %mul3A_785, %add3A_786 : i32
      %swap3A_788 = arith.index_cast %add3A_787 : i32 to index
      %swap3A_789 = tpu.vector_load %arg8[%swap3A_788] {strides = array<i32>} : memref<35328xf32, #tpu.memory_space<vmem>>, vector<16xf32>,
      tpu.vector_store %arg8[%swap3A_788], %broadcast_in_dim3A_4 {strides = array<i32>} : memref<35328xf32, #tpu.memory_space<vmem>>, vector<16xf32>,
      %add3A_790 = arith.constant 36 : i32
      %add3A_791 = arith.addi %add3A_790, %scan3A_62 : i32
      %mul3A_792 = arith.constant 368 : i32
      %mul3A_793 = arith.muli %add3A_791, %mul3A_792 : i32
      %add3A_794 = arith.constant 352 : i32
      %add3A_795 = arith.addi %mul3A_793, %add3A_794 : i32
      %swap3A_796 = arith.index_cast %add3A_795 : i32 to index
      %swap3A_797 = tpu.vector_load %arg8[%swap3A_796] {strides = array<i32>} : memref<35328xf32, #tpu.memory_space<vmem>>, vector<16xf32>,
      tpu.vector_store %arg8[%swap3A_796], %broadcast_in_dim3A_4 {strides = array<i32>} : memref<35328xf32, #tpu.memory_space<vmem>>, vector<16xf32>,
      %add3A_798 = arith.constant 48 : i32
      %add3A_799 = arith.addi %add3A_798, %scan3A_62 : i32
      %mul3A_800 = arith.constant 368 : i32
      %mul3A_801 = arith.muli %add3A_799, %mul3A_800 : i32
      %add3A_802 = arith.constant 0 : i32
      %add3A_803 = arith.addi %mul3A_801, %add3A_802 : i32
      %swap3A_804 = arith.index_cast %add3A_803 : i32 to index
      %swap3A_805 = tpu.vector_load %arg8[%swap3A_804] {strides = array<i32>} : memref<35328xf32, #tpu.memory_space<vmem>>, vector<16xf32>,
      tpu.vector_store %arg8[%swap3A_804], %broadcast_in_dim3A_4 {strides = array<i32>} : memref<35328xf32, #tpu.memory_space<vmem>>, vector<16xf32>,
      %add3A_806 = arith.constant 48 : i32
      %add3A_807 = arith.addi %add3A_806, %scan3A_62 : i32
      %mul3A_808 = arith.constant 368 : i32
      %mul3A_809 = arith.muli %add3A_807, %mul3A_808 : i32
      %add3A_810 = arith.constant 16 : i32
      %add3A_811 = arith.addi %mul3A_809, %add3A_810 : i32
      %swap3A_812 = arith.index_cast %add3A_811 : i32 to index
      %swap3A_813 = tpu.vector_load %arg8[%swap3A_812] {strides = array<i32>} : memref<35328xf32, #tpu.memory_space<vmem>>, vector<16xf32>,
      tpu.vector_store %arg8[%swap3A_812], %broadcast_in_dim3A_4 {strides = array<i32>} : memref<35328xf32, #tpu.memory_space<vmem>>, vector<16xf32>,
      %add3A_814 = arith.constant 48 : i32
      %add3A_815 = arith.addi %add3A_814, %scan3A_62 : i32
      %mul3A_816 = arith.constant 368 : i32
      %mul3A_817 = arith.muli %add3A_815, %mul3A_816 : i32
      %add3A_818 = arith.constant 32 : i32
      %add3A_819 = arith.addi %mul3A_817, %add3A_818 : i32
      %swap3A_820 = arith.index_cast %add3A_819 : i32 to index
      %swap3A_821 = tpu.vector_load %arg8[%swap3A_820] {strides = array<i32>} : memref<35328xf32, #tpu.memory_space<vmem>>, vector<16xf32>,
      tpu.vector_store %arg8[%swap3A_820], %broadcast_in_dim3A_4 {strides = array<i32>} : memref<35328xf32, #tpu.memory_space<vmem>>, vector<16xf32>,
      %add3A_822 = arith.constant 48 : i32
      %add3A_823 = arith.addi %add3A_822, %scan3A_62 : i32
      %mul3A_824 = arith.constant 368 : i32
      %mul3A_825 = arith.muli %add3A_823, %mul3A_824 : i32
      %add3A_826 = arith.constant 48 : i32
      %add3A_827 = arith.addi %mul3A_825, %add3A_826 : i32
      %swap3A_828 = arith.index_cast %add3A_827 : i32 to index
      %swap3A_829 = tpu.vector_load %arg8[%swap3A_828] {strides = array<i32>} : memref<35328xf32, #tpu.memory_space<vmem>>, vector<16xf32>,
      tpu.vector_store %arg8[%swap3A_828], %broadcast_in_dim3A_4 {strides = array<i32>} : memref<35328xf32, #tpu.memory_space<vmem>>, vector<16xf32>,
      %add3A_830 = arith.constant 48 : i32
      %add3A_831 = arith.addi %add3A_830, %scan3A_62 : i32
      %mul3A_832 = arith.constant 368 : i32
      %mul3A_833 = arith.muli %add3A_831, %mul3A_832 : i32
      %add3A_834 = arith.constant 64 : i32
      %add3A_835 = arith.addi %mul3A_833, %add3A_834 : i32
      %swap3A_836 = arith.index_cast %add3A_835 : i32 to index
      %swap3A_837 = tpu.vector_load %arg8[%swap3A_836] {strides = array<i32>} : memref<35328xf32, #tpu.memory_space<vmem>>, vector<16xf32>,
      tpu.vector_store %arg8[%swap3A_836], %broadcast_in_dim3A_4 {strides = array<i32>} : memref<35328xf32, #tpu.memory_space<vmem>>, vector<16xf32>,
      %add3A_838 = arith.constant 48 : i32
      %add3A_839 = arith.addi %add3A_838, %scan3A_62 : i32
      %mul3A_840 = arith.constant 368 : i32
      %mul3A_841 = arith.muli %add3A_839, %mul3A_840 : i32
      %add3A_842 = arith.constant 80 : i32
      %add3A_843 = arith.addi %mul3A_841, %add3A_842 : i32
      %swap3A_844 = arith.index_cast %add3A_843 : i32 to index
      %swap3A_845 = tpu.vector_load %arg8[%swap3A_844] {strides = array<i32>} : memref<35328xf32, #tpu.memory_space<vmem>>, vector<16xf32>,
      tpu.vector_store %arg8[%swap3A_844], %broadcast_in_dim3A_4 {strides = array<i32>} : memref<35328xf32, #tpu.memory_space<vmem>>, vector<16xf32>,
      %add3A_846 = arith.constant 48 : i32
      %add3A_847 = arith.addi %add3A_846, %scan3A_62 : i32
      %mul3A_848 = arith.constant 368 : i32
      %mul3A_849 = arith.muli %add3A_847, %mul3A_848 : i32
      %add3A_850 = arith.constant 96 : i32
      %add3A_851 = arith.addi %mul3A_849, %add3A_850 : i32
      %swap3A_852 = arith.index_cast %add3A_851 : i32 to index
      %swap3A_853 = tpu.vector_load %arg8[%swap3A_852] {strides = array<i32>} : memref<35328xf32, #tpu.memory_space<vmem>>, vector<16xf32>,
      tpu.vector_store %arg8[%swap3A_852], %broadcast_in_dim3A_4 {strides = array<i32>} : memref<35328xf32, #tpu.memory_space<vmem>>, vector<16xf32>,
      %add3A_854 = arith.constant 48 : i32
      %add3A_855 = arith.addi %add3A_854, %scan3A_62 : i32
      %mul3A_856 = arith.constant 368 : i32
      %mul3A_857 = arith.muli %add3A_855, %mul3A_856 : i32
      %add3A_858 = arith.constant 112 : i32
      %add3A_859 = arith.addi %mul3A_857, %add3A_858 : i32
      %swap3A_860 = arith.index_cast %add3A_859 : i32 to index
      %swap3A_861 = tpu.vector_load %arg8[%swap3A_860] {strides = array<i32>} : memref<35328xf32, #tpu.memory_space<vmem>>, vector<16xf32>,
      tpu.vector_store %arg8[%swap3A_860], %broadcast_in_dim3A_4 {strides = array<i32>} : memref<35328xf32, #tpu.memory_space<vmem>>, vector<16xf32>,
      %add3A_862 = arith.constant 48 : i32
      %add3A_863 = arith.addi %add3A_862, %scan3A_62 : i32
      %mul3A_864 = arith.constant 368 : i32
      %mul3A_865 = arith.muli %add3A_863, %mul3A_864 : i32
      %add3A_866 = arith.constant 128 : i32
      %add3A_867 = arith.addi %mul3A_865, %add3A_866 : i32
      %swap3A_868 = arith.index_cast %add3A_867 : i32 to index
      %swap3A_869 = tpu.vector_load %arg8[%swap3A_868] {strides = array<i32>} : memref<35328xf32, #tpu.memory_space<vmem>>, vector<16xf32>,
      tpu.vector_store %arg8[%swap3A_868], %broadcast_in_dim3A_4 {strides = array<i32>} : memref<35328xf32, #tpu.memory_space<vmem>>, vector<16xf32>,
      %add3A_870 = arith.constant 48 : i32
      %add3A_871 = arith.addi %add3A_870, %scan3A_62 : i32
      %mul3A_872 = arith.constant 368 : i32
      %mul3A_873 = arith.muli %add3A_871, %mul3A_872 : i32
      %add3A_874 = arith.constant 144 : i32
      %add3A_875 = arith.addi %mul3A_873, %add3A_874 : i32
      %swap3A_876 = arith.index_cast %add3A_875 : i32 to index
      %swap3A_877 = tpu.vector_load %arg8[%swap3A_876] {strides = array<i32>} : memref<35328xf32, #tpu.memory_space<vmem>>, vector<16xf32>,
      tpu.vector_store %arg8[%swap3A_876], %broadcast_in_dim3A_4 {strides = array<i32>} : memref<35328xf32, #tpu.memory_space<vmem>>, vector<16xf32>,
      %add3A_878 = arith.constant 48 : i32
      %add3A_879 = arith.addi %add3A_878, %scan3A_62 : i32
      %mul3A_880 = arith.constant 368 : i32
      %mul3A_881 = arith.muli %add3A_879, %mul3A_880 : i32
      %add3A_882 = arith.constant 160 : i32
      %add3A_883 = arith.addi %mul3A_881, %add3A_882 : i32
      %swap3A_884 = arith.index_cast %add3A_883 : i32 to index
      %swap3A_885 = tpu.vector_load %arg8[%swap3A_884] {strides = array<i32>} : memref<35328xf32, #tpu.memory_space<vmem>>, vector<16xf32>,
      tpu.vector_store %arg8[%swap3A_884], %broadcast_in_dim3A_4 {strides = array<i32>} : memref<35328xf32, #tpu.memory_space<vmem>>, vector<16xf32>,
      %add3A_886 = arith.constant 48 : i32
      %add3A_887 = arith.addi %add3A_886, %scan3A_62 : i32
      %mul3A_888 = arith.constant 368 : i32
      %mul3A_889 = arith.muli %add3A_887, %mul3A_888 : i32
      %add3A_890 = arith.constant 176 : i32
      %add3A_891 = arith.addi %mul3A_889, %add3A_890 : i32
      %swap3A_892 = arith.index_cast %add3A_891 : i32 to index
      %swap3A_893 = tpu.vector_load %arg8[%swap3A_892] {strides = array<i32>} : memref<35328xf32, #tpu.memory_space<vmem>>, vector<16xf32>,
      tpu.vector_store %arg8[%swap3A_892], %broadcast_in_dim3A_4 {strides = array<i32>} : memref<35328xf32, #tpu.memory_space<vmem>>, vector<16xf32>,
      %add3A_894 = arith.constant 48 : i32
      %add3A_895 = arith.addi %add3A_894, %scan3A_62 : i32
      %mul3A_896 = arith.constant 368 : i32
      %mul3A_897 = arith.muli %add3A_895, %mul3A_896 : i32
      %add3A_898 = arith.constant 192 : i32
      %add3A_899 = arith.addi %mul3A_897, %add3A_898 : i32
      %swap3A_900 = arith.index_cast %add3A_899 : i32 to index
      %swap3A_901 = tpu.vector_load %arg8[%swap3A_900] {strides = array<i32>} : memref<35328xf32, #tpu.memory_space<vmem>>, vector<16xf32>,
      tpu.vector_store %arg8[%swap3A_900], %broadcast_in_dim3A_4 {strides = array<i32>} : memref<35328xf32, #tpu.memory_space<vmem>>, vector<16xf32>,
      %add3A_902 = arith.constant 48 : i32
      %add3A_903 = arith.addi %add3A_902, %scan3A_62 : i32
      %mul3A_904 = arith.constant 368 : i32
      %mul3A_905 = arith.muli %add3A_903, %mul3A_904 : i32
      %add3A_906 = arith.constant 208 : i32
      %add3A_907 = arith.addi %mul3A_905, %add3A_906 : i32
      %swap3A_908 = arith.index_cast %add3A_907 : i32 to index
      %swap3A_909 = tpu.vector_load %arg8[%swap3A_908] {strides = array<i32>} : memref<35328xf32, #tpu.memory_space<vmem>>, vector<16xf32>,
      tpu.vector_store %arg8[%swap3A_908], %broadcast_in_dim3A_4 {strides = array<i32>} : memref<35328xf32, #tpu.memory_space<vmem>>, vector<16xf32>,
      %add3A_910 = arith.constant 48 : i32
      %add3A_911 = arith.addi %add3A_910, %scan3A_62 : i32
      %mul3A_912 = arith.constant 368 : i32
      %mul3A_913 = arith.muli %add3A_911, %mul3A_912 : i32
      %add3A_914 = arith.constant 224 : i32
      %add3A_915 = arith.addi %mul3A_913, %add3A_914 : i32
      %swap3A_916 = arith.index_cast %add3A_915 : i32 to index
      %swap3A_917 = tpu.vector_load %arg8[%swap3A_916] {strides = array<i32>} : memref<35328xf32, #tpu.memory_space<vmem>>, vector<16xf32>,
      tpu.vector_store %arg8[%swap3A_916], %broadcast_in_dim3A_4 {strides = array<i32>} : memref<35328xf32, #tpu.memory_space<vmem>>, vector<16xf32>,
      %add3A_918 = arith.constant 48 : i32
      %add3A_919 = arith.addi %add3A_918, %scan3A_62 : i32
      %mul3A_920 = arith.constant 368 : i32
      %mul3A_921 = arith.muli %add3A_919, %mul3A_920 : i32
      %add3A_922 = arith.constant 240 : i32
      %add3A_923 = arith.addi %mul3A_921, %add3A_922 : i32
      %swap3A_924 = arith.index_cast %add3A_923 : i32 to index
      %swap3A_925 = tpu.vector_load %arg8[%swap3A_924] {strides = array<i32>} : memref<35328xf32, #tpu.memory_space<vmem>>, vector<16xf32>,
      tpu.vector_store %arg8[%swap3A_924], %broadcast_in_dim3A_4 {strides = array<i32>} : memref<35328xf32, #tpu.memory_space<vmem>>, vector<16xf32>,
      %add3A_926 = arith.constant 48 : i32
      %add3A_927 = arith.addi %add3A_926, %scan3A_62 : i32
      %mul3A_928 = arith.constant 368 : i32
      %mul3A_929 = arith.muli %add3A_927, %mul3A_928 : i32
      %add3A_930 = arith.constant 256 : i32
      %add3A_931 = arith.addi %mul3A_929, %add3A_930 : i32
      %swap3A_932 = arith.index_cast %add3A_931 : i32 to index
      %swap3A_933 = tpu.vector_load %arg8[%swap3A_932] {strides = array<i32>} : memref<35328xf32, #tpu.memory_space<vmem>>, vector<16xf32>,
      tpu.vector_store %arg8[%swap3A_932], %broadcast_in_dim3A_4 {strides = array<i32>} : memref<35328xf32, #tpu.memory_space<vmem>>, vector<16xf32>,
      %add3A_934 = arith.constant 48 : i32
      %add3A_935 = arith.addi %add3A_934, %scan3A_62 : i32
      %mul3A_936 = arith.constant 368 : i32
      %mul3A_937 = arith.muli %add3A_935, %mul3A_936 : i32
      %add3A_938 = arith.constant 272 : i32
      %add3A_939 = arith.addi %mul3A_937, %add3A_938 : i32
      %swap3A_940 = arith.index_cast %add3A_939 : i32 to index
      %swap3A_941 = tpu.vector_load %arg8[%swap3A_940] {strides = array<i32>} : memref<35328xf32, #tpu.memory_space<vmem>>, vector<16xf32>,
      tpu.vector_store %arg8[%swap3A_940], %broadcast_in_dim3A_4 {strides = array<i32>} : memref<35328xf32, #tpu.memory_space<vmem>>, vector<16xf32>,
      %add3A_942 = arith.constant 48 : i32
      %add3A_943 = arith.addi %add3A_942, %scan3A_62 : i32
      %mul3A_944 = arith.constant 368 : i32
      %mul3A_945 = arith.muli %add3A_943, %mul3A_944 : i32
      %add3A_946 = arith.constant 288 : i32
      %add3A_947 = arith.addi %mul3A_945, %add3A_946 : i32
      %swap3A_948 = arith.index_cast %add3A_947 : i32 to index
      %swap3A_949 = tpu.vector_load %arg8[%swap3A_948] {strides = array<i32>} : memref<35328xf32, #tpu.memory_space<vmem>>, vector<16xf32>,
      tpu.vector_store %arg8[%swap3A_948], %broadcast_in_dim3A_4 {strides = array<i32>} : memref<35328xf32, #tpu.memory_space<vmem>>, vector<16xf32>,
      %add3A_950 = arith.constant 48 : i32
      %add3A_951 = arith.addi %add3A_950, %scan3A_62 : i32
      %mul3A_952 = arith.constant 368 : i32
      %mul3A_953 = arith.muli %add3A_951, %mul3A_952 : i32
      %add3A_954 = arith.constant 304 : i32
      %add3A_955 = arith.addi %mul3A_953, %add3A_954 : i32
      %swap3A_956 = arith.index_cast %add3A_955 : i32 to index
      %swap3A_957 = tpu.vector_load %arg8[%swap3A_956] {strides = array<i32>} : memref<35328xf32, #tpu.memory_space<vmem>>, vector<16xf32>,
      tpu.vector_store %arg8[%swap3A_956], %broadcast_in_dim3A_4 {strides = array<i32>} : memref<35328xf32, #tpu.memory_space<vmem>>, vector<16xf32>,
      %add3A_958 = arith.constant 48 : i32
      %add3A_959 = arith.addi %add3A_958, %scan3A_62 : i32
      %mul3A_960 = arith.constant 368 : i32
      %mul3A_961 = arith.muli %add3A_959, %mul3A_960 : i32
      %add3A_962 = arith.constant 320 : i32
      %add3A_963 = arith.addi %mul3A_961, %add3A_962 : i32
      %swap3A_964 = arith.index_cast %add3A_963 : i32 to index
      %swap3A_965 = tpu.vector_load %arg8[%swap3A_964] {strides = array<i32>} : memref<35328xf32, #tpu.memory_space<vmem>>, vector<16xf32>,
      tpu.vector_store %arg8[%swap3A_964], %broadcast_in_dim3A_4 {strides = array<i32>} : memref<35328xf32, #tpu.memory_space<vmem>>, vector<16xf32>,
      %add3A_966 = arith.constant 48 : i32
      %add3A_967 = arith.addi %add3A_966, %scan3A_62 : i32
      %mul3A_968 = arith.constant 368 : i32
      %mul3A_969 = arith.muli %add3A_967, %mul3A_968 : i32
      %add3A_970 = arith.constant 336 : i32
      %add3A_971 = arith.addi %mul3A_969, %add3A_970 : i32
      %swap3A_972 = arith.index_cast %add3A_971 : i32 to index
      %swap3A_973 = tpu.vector_load %arg8[%swap3A_972] {strides = array<i32>} : memref<35328xf32, #tpu.memory_space<vmem>>, vector<16xf32>,
      tpu.vector_store %arg8[%swap3A_972], %broadcast_in_dim3A_4 {strides = array<i32>} : memref<35328xf32, #tpu.memory_space<vmem>>, vector<16xf32>,
      %add3A_974 = arith.constant 48 : i32
      %add3A_975 = arith.addi %add3A_974, %scan3A_62 : i32
      %mul3A_976 = arith.constant 368 : i32
      %mul3A_977 = arith.muli %add3A_975, %mul3A_976 : i32
      %add3A_978 = arith.constant 352 : i32
      %add3A_979 = arith.addi %mul3A_977, %add3A_978 : i32
      %swap3A_980 = arith.index_cast %add3A_979 : i32 to index
      %swap3A_981 = tpu.vector_load %arg8[%swap3A_980] {strides = array<i32>} : memref<35328xf32, #tpu.memory_space<vmem>>, vector<16xf32>,
      tpu.vector_store %arg8[%swap3A_980], %broadcast_in_dim3A_4 {strides = array<i32>} : memref<35328xf32, #tpu.memory_space<vmem>>, vector<16xf32>,
      %add3A_982 = arith.constant 60 : i32
      %add3A_983 = arith.addi %add3A_982, %scan3A_62 : i32
      %mul3A_984 = arith.constant 368 : i32
      %mul3A_985 = arith.muli %add3A_983, %mul3A_984 : i32
      %add3A_986 = arith.constant 0 : i32
      %add3A_987 = arith.addi %mul3A_985, %add3A_986 : i32
      %swap3A_988 = arith.index_cast %add3A_987 : i32 to index
      %swap3A_989 = tpu.vector_load %arg8[%swap3A_988] {strides = array<i32>} : memref<35328xf32, #tpu.memory_space<vmem>>, vector<16xf32>,
      tpu.vector_store %arg8[%swap3A_988], %broadcast_in_dim3A_4 {strides = array<i32>} : memref<35328xf32, #tpu.memory_space<vmem>>, vector<16xf32>,
      %add3A_990 = arith.constant 60 : i32
      %add3A_991 = arith.addi %add3A_990, %scan3A_62 : i32
      %mul3A_992 = arith.constant 368 : i32
      %mul3A_993 = arith.muli %add3A_991, %mul3A_992 : i32
      %add3A_994 = arith.constant 16 : i32
      %add3A_995 = arith.addi %mul3A_993, %add3A_994 : i32
      %swap3A_996 = arith.index_cast %add3A_995 : i32 to index
      %swap3A_997 = tpu.vector_load %arg8[%swap3A_996] {strides = array<i32>} : memref<35328xf32, #tpu.memory_space<vmem>>, vector<16xf32>,
      tpu.vector_store %arg8[%swap3A_996], %broadcast_in_dim3A_4 {strides = array<i32>} : memref<35328xf32, #tpu.memory_space<vmem>>, vector<16xf32>,
      %add3A_998 = arith.constant 60 : i32
      %add3A_999 = arith.addi %add3A_998, %scan3A_62 : i32
      %mul3A_1000 = arith.constant 368 : i32
      %mul3A_1001 = arith.muli %add3A_999, %mul3A_1000 : i32
      %add3A_1002 = arith.constant 32 : i32
      %add3A_1003 = arith.addi %mul3A_1001, %add3A_1002 : i32
      %swap3A_1004 = arith.index_cast %add3A_1003 : i32 to index
      %swap3A_1005 = tpu.vector_load %arg8[%swap3A_1004] {strides = array<i32>} : memref<35328xf32, #tpu.memory_space<vmem>>, vector<16xf32>,
      tpu.vector_store %arg8[%swap3A_1004], %broadcast_in_dim3A_4 {strides = array<i32>} : memref<35328xf32, #tpu.memory_space<vmem>>, vector<16xf32>,
      %add3A_1006 = arith.constant 60 : i32
      %add3A_1007 = arith.addi %add3A_1006, %scan3A_62 : i32
      %mul3A_1008 = arith.constant 368 : i32
      %mul3A_1009 = arith.muli %add3A_1007, %mul3A_1008 : i32
      %add3A_1010 = arith.constant 48 : i32
      %add3A_1011 = arith.addi %mul3A_1009, %add3A_1010 : i32
      %swap3A_1012 = arith.index_cast %add3A_1011 : i32 to index
      %swap3A_1013 = tpu.vector_load %arg8[%swap3A_1012] {strides = array<i32>} : memref<35328xf32, #tpu.memory_space<vmem>>, vector<16xf32>,
      tpu.vector_store %arg8[%swap3A_1012], %broadcast_in_dim3A_4 {strides = array<i32>} : memref<35328xf32, #tpu.memory_space<vmem>>, vector<16xf32>,
      %add3A_1014 = arith.constant 60 : i32
      %add3A_1015 = arith.addi %add3A_1014, %scan3A_62 : i32
      %mul3A_1016 = arith.constant 368 : i32
      %mul3A_1017 = arith.muli %add3A_1015, %mul3A_1016 : i32
      %add3A_1018 = arith.constant 64 : i32
      %add3A_1019 = arith.addi %mul3A_1017, %add3A_1018 : i32
      %swap3A_1020 = arith.index_cast %add3A_1019 : i32 to index
      %swap3A_1021 = tpu.vector_load %arg8[%swap3A_1020] {strides = array<i32>} : memref<35328xf32, #tpu.memory_space<vmem>>, vector<16xf32>,
      tpu.vector_store %arg8[%swap3A_1020], %broadcast_in_dim3A_4 {strides = array<i32>} : memref<35328xf32, #tpu.memory_space<vmem>>, vector<16xf32>,
      %add3A_1022 = arith.constant 60 : i32
      %add3A_1023 = arith.addi %add3A_1022, %scan3A_62 : i32
      %mul3A_1024 = arith.constant 368 : i32
      %mul3A_1025 = arith.muli %add3A_1023, %mul3A_1024 : i32
      %add3A_1026 = arith.constant 80 : i32
      %add3A_1027 = arith.addi %mul3A_1025, %add3A_1026 : i32
      %swap3A_1028 = arith.index_cast %add3A_1027 : i32 to index
      %swap3A_1029 = tpu.vector_load %arg8[%swap3A_1028] {strides = array<i32>} : memref<35328xf32, #tpu.memory_space<vmem>>, vector<16xf32>,
      tpu.vector_store %arg8[%swap3A_1028], %broadcast_in_dim3A_4 {strides = array<i32>} : memref<35328xf32, #tpu.memory_space<vmem>>, vector<16xf32>,
      %add3A_1030 = arith.constant 60 : i32
      %add3A_1031 = arith.addi %add3A_1030, %scan3A_62 : i32
      %mul3A_1032 = arith.constant 368 : i32
      %mul3A_1033 = arith.muli %add3A_1031, %mul3A_1032 : i32
      %add3A_1034 = arith.constant 96 : i32
      %add3A_1035 = arith.addi %mul3A_1033, %add3A_1034 : i32
      %swap3A_1036 = arith.index_cast %add3A_1035 : i32 to index
      %swap3A_1037 = tpu.vector_load %arg8[%swap3A_1036] {strides = array<i32>} : memref<35328xf32, #tpu.memory_space<vmem>>, vector<16xf32>,
      tpu.vector_store %arg8[%swap3A_1036], %broadcast_in_dim3A_4 {strides = array<i32>} : memref<35328xf32, #tpu.memory_space<vmem>>, vector<16xf32>,
      %add3A_1038 = arith.constant 60 : i32
      %add3A_1039 = arith.addi %add3A_1038, %scan3A_62 : i32
      %mul3A_1040 = arith.constant 368 : i32
      %mul3A_1041 = arith.muli %add3A_1039, %mul3A_1040 : i32
      %add3A_1042 = arith.constant 112 : i32
      %add3A_1043 = arith.addi %mul3A_1041, %add3A_1042 : i32
      %swap3A_1044 = arith.index_cast %add3A_1043 : i32 to index
      %swap3A_1045 = tpu.vector_load %arg8[%swap3A_1044] {strides = array<i32>} : memref<35328xf32, #tpu.memory_space<vmem>>, vector<16xf32>,
      tpu.vector_store %arg8[%swap3A_1044], %broadcast_in_dim3A_4 {strides = array<i32>} : memref<35328xf32, #tpu.memory_space<vmem>>, vector<16xf32>,
      %add3A_1046 = arith.constant 60 : i32
      %add3A_1047 = arith.addi %add3A_1046, %scan3A_62 : i32
      %mul3A_1048 = arith.constant 368 : i32
      %mul3A_1049 = arith.muli %add3A_1047, %mul3A_1048 : i32
      %add3A_1050 = arith.constant 128 : i32
      %add3A_1051 = arith.addi %mul3A_1049, %add3A_1050 : i32
      %swap3A_1052 = arith.index_cast %add3A_1051 : i32 to index
      %swap3A_1053 = tpu.vector_load %arg8[%swap3A_1052] {strides = array<i32>} : memref<35328xf32, #tpu.memory_space<vmem>>, vector<16xf32>,
      tpu.vector_store %arg8[%swap3A_1052], %broadcast_in_dim3A_4 {strides = array<i32>} : memref<35328xf32, #tpu.memory_space<vmem>>, vector<16xf32>,
      %add3A_1054 = arith.constant 60 : i32
      %add3A_1055 = arith.addi %add3A_1054, %scan3A_62 : i32
      %mul3A_1056 = arith.constant 368 : i32
      %mul3A_1057 = arith.muli %add3A_1055, %mul3A_1056 : i32
      %add3A_1058 = arith.constant 144 : i32
      %add3A_1059 = arith.addi %mul3A_1057, %add3A_1058 : i32
      %swap3A_1060 = arith.index_cast %add3A_1059 : i32 to index
      %swap3A_1061 = tpu.vector_load %arg8[%swap3A_1060] {strides = array<i32>} : memref<35328xf32, #tpu.memory_space<vmem>>, vector<16xf32>,
      tpu.vector_store %arg8[%swap3A_1060], %broadcast_in_dim3A_4 {strides = array<i32>} : memref<35328xf32, #tpu.memory_space<vmem>>, vector<16xf32>,
      %add3A_1062 = arith.constant 60 : i32
      %add3A_1063 = arith.addi %add3A_1062, %scan3A_62 : i32
      %mul3A_1064 = arith.constant 368 : i32
      %mul3A_1065 = arith.muli %add3A_1063, %mul3A_1064 : i32
      %add3A_1066 = arith.constant 160 : i32
      %add3A_1067 = arith.addi %mul3A_1065, %add3A_1066 : i32
      %swap3A_1068 = arith.index_cast %add3A_1067 : i32 to index
      %swap3A_1069 = tpu.vector_load %arg8[%swap3A_1068] {strides = array<i32>} : memref<35328xf32, #tpu.memory_space<vmem>>, vector<16xf32>,
      tpu.vector_store %arg8[%swap3A_1068], %broadcast_in_dim3A_4 {strides = array<i32>} : memref<35328xf32, #tpu.memory_space<vmem>>, vector<16xf32>,
      %add3A_1070 = arith.constant 60 : i32
      %add3A_1071 = arith.addi %add3A_1070, %scan3A_62 : i32
      %mul3A_1072 = arith.constant 368 : i32
      %mul3A_1073 = arith.muli %add3A_1071, %mul3A_1072 : i32
      %add3A_1074 = arith.constant 176 : i32
      %add3A_1075 = arith.addi %mul3A_1073, %add3A_1074 : i32
      %swap3A_1076 = arith.index_cast %add3A_1075 : i32 to index
      %swap3A_1077 = tpu.vector_load %arg8[%swap3A_1076] {strides = array<i32>} : memref<35328xf32, #tpu.memory_space<vmem>>, vector<16xf32>,
      tpu.vector_store %arg8[%swap3A_1076], %broadcast_in_dim3A_4 {strides = array<i32>} : memref<35328xf32, #tpu.memory_space<vmem>>, vector<16xf32>,
      %add3A_1078 = arith.constant 60 : i32
      %add3A_1079 = arith.addi %add3A_1078, %scan3A_62 : i32
      %mul3A_1080 = arith.constant 368 : i32
      %mul3A_1081 = arith.muli %add3A_1079, %mul3A_1080 : i32
      %add3A_1082 = arith.constant 192 : i32
      %add3A_1083 = arith.addi %mul3A_1081, %add3A_1082 : i32
      %swap3A_1084 = arith.index_cast %add3A_1083 : i32 to index
      %swap3A_1085 = tpu.vector_load %arg8[%swap3A_1084] {strides = array<i32>} : memref<35328xf32, #tpu.memory_space<vmem>>, vector<16xf32>,
      tpu.vector_store %arg8[%swap3A_1084], %broadcast_in_dim3A_4 {strides = array<i32>} : memref<35328xf32, #tpu.memory_space<vmem>>, vector<16xf32>,
      %add3A_1086 = arith.constant 60 : i32
      %add3A_1087 = arith.addi %add3A_1086, %scan3A_62 : i32
      %mul3A_1088 = arith.constant 368 : i32
      %mul3A_1089 = arith.muli %add3A_1087, %mul3A_1088 : i32
      %add3A_1090 = arith.constant 208 : i32
      %add3A_1091 = arith.addi %mul3A_1089, %add3A_1090 : i32
      %swap3A_1092 = arith.index_cast %add3A_1091 : i32 to index
      %swap3A_1093 = tpu.vector_load %arg8[%swap3A_1092] {strides = array<i32>} : memref<35328xf32, #tpu.memory_space<vmem>>, vector<16xf32>,
      tpu.vector_store %arg8[%swap3A_1092], %broadcast_in_dim3A_4 {strides = array<i32>} : memref<35328xf32, #tpu.memory_space<vmem>>, vector<16xf32>,
      %add3A_1094 = arith.constant 60 : i32
      %add3A_1095 = arith.addi %add3A_1094, %scan3A_62 : i32
      %mul3A_1096 = arith.constant 368 : i32
      %mul3A_1097 = arith.muli %add3A_1095, %mul3A_1096 : i32
      %add3A_1098 = arith.constant 224 : i32
      %add3A_1099 = arith.addi %mul3A_1097, %add3A_1098 : i32
      %swap3A_1100 = arith.index_cast %add3A_1099 : i32 to index
      %swap3A_1101 = tpu.vector_load %arg8[%swap3A_1100] {strides = array<i32>} : memref<35328xf32, #tpu.memory_space<vmem>>, vector<16xf32>,
      tpu.vector_store %arg8[%swap3A_1100], %broadcast_in_dim3A_4 {strides = array<i32>} : memref<35328xf32, #tpu.memory_space<vmem>>, vector<16xf32>,
      %add3A_1102 = arith.constant 60 : i32
      %add3A_1103 = arith.addi %add3A_1102, %scan3A_62 : i32
      %mul3A_1104 = arith.constant 368 : i32
      %mul3A_1105 = arith.muli %add3A_1103, %mul3A_1104 : i32
      %add3A_1106 = arith.constant 240 : i32
      %add3A_1107 = arith.addi %mul3A_1105, %add3A_1106 : i32
      %swap3A_1108 = arith.index_cast %add3A_1107 : i32 to index
      %swap3A_1109 = tpu.vector_load %arg8[%swap3A_1108] {strides = array<i32>} : memref<35328xf32, #tpu.memory_space<vmem>>, vector<16xf32>,
      tpu.vector_store %arg8[%swap3A_1108], %broadcast_in_dim3A_4 {strides = array<i32>} : memref<35328xf32, #tpu.memory_space<vmem>>, vector<16xf32>,
      %add3A_1110 = arith.constant 60 : i32
      %add3A_1111 = arith.addi %add3A_1110, %scan3A_62 : i32
      %mul3A_1112 = arith.constant 368 : i32
      %mul3A_1113 = arith.muli %add3A_1111, %mul3A_1112 : i32
      %add3A_1114 = arith.constant 256 : i32
      %add3A_1115 = arith.addi %mul3A_1113, %add3A_1114 : i32
      %swap3A_1116 = arith.index_cast %add3A_1115 : i32 to index
      %swap3A_1117 = tpu.vector_load %arg8[%swap3A_1116] {strides = array<i32>} : memref<35328xf32, #tpu.memory_space<vmem>>, vector<16xf32>,
      tpu.vector_store %arg8[%swap3A_1116], %broadcast_in_dim3A_4 {strides = array<i32>} : memref<35328xf32, #tpu.memory_space<vmem>>, vector<16xf32>,
      %add3A_1118 = arith.constant 60 : i32
      %add3A_1119 = arith.addi %add3A_1118, %scan3A_62 : i32
      %mul3A_1120 = arith.constant 368 : i32
      %mul3A_1121 = arith.muli %add3A_1119, %mul3A_1120 : i32
      %add3A_1122 = arith.constant 272 : i32
      %add3A_1123 = arith.addi %mul3A_1121, %add3A_1122 : i32
      %swap3A_1124 = arith.index_cast %add3A_1123 : i32 to index
      %swap3A_1125 = tpu.vector_load %arg8[%swap3A_1124] {strides = array<i32>} : memref<35328xf32, #tpu.memory_space<vmem>>, vector<16xf32>,
      tpu.vector_store %arg8[%swap3A_1124], %broadcast_in_dim3A_4 {strides = array<i32>} : memref<35328xf32, #tpu.memory_space<vmem>>, vector<16xf32>,
      %add3A_1126 = arith.constant 60 : i32
      %add3A_1127 = arith.addi %add3A_1126, %scan3A_62 : i32
      %mul3A_1128 = arith.constant 368 : i32
      %mul3A_1129 = arith.muli %add3A_1127, %mul3A_1128 : i32
      %add3A_1130 = arith.constant 288 : i32
      %add3A_1131 = arith.addi %mul3A_1129, %add3A_1130 : i32
      %swap3A_1132 = arith.index_cast %add3A_1131 : i32 to index
      %swap3A_1133 = tpu.vector_load %arg8[%swap3A_1132] {strides = array<i32>} : memref<35328xf32, #tpu.memory_space<vmem>>, vector<16xf32>,
      tpu.vector_store %arg8[%swap3A_1132], %broadcast_in_dim3A_4 {strides = array<i32>} : memref<35328xf32, #tpu.memory_space<vmem>>, vector<16xf32>,
      %add3A_1134 = arith.constant 60 : i32
      %add3A_1135 = arith.addi %add3A_1134, %scan3A_62 : i32
      %mul3A_1136 = arith.constant 368 : i32
      %mul3A_1137 = arith.muli %add3A_1135, %mul3A_1136 : i32
      %add3A_1138 = arith.constant 304 : i32
      %add3A_1139 = arith.addi %mul3A_1137, %add3A_1138 : i32
      %swap3A_1140 = arith.index_cast %add3A_1139 : i32 to index
      %swap3A_1141 = tpu.vector_load %arg8[%swap3A_1140] {strides = array<i32>} : memref<35328xf32, #tpu.memory_space<vmem>>, vector<16xf32>,
      tpu.vector_store %arg8[%swap3A_1140], %broadcast_in_dim3A_4 {strides = array<i32>} : memref<35328xf32, #tpu.memory_space<vmem>>, vector<16xf32>,
      %add3A_1142 = arith.constant 60 : i32
      %add3A_1143 = arith.addi %add3A_1142, %scan3A_62 : i32
      %mul3A_1144 = arith.constant 368 : i32
      %mul3A_1145 = arith.muli %add3A_1143, %mul3A_1144 : i32
      %add3A_1146 = arith.constant 320 : i32
      %add3A_1147 = arith.addi %mul3A_1145, %add3A_1146 : i32
      %swap3A_1148 = arith.index_cast %add3A_1147 : i32 to index
      %swap3A_1149 = tpu.vector_load %arg8[%swap3A_1148] {strides = array<i32>} : memref<35328xf32, #tpu.memory_space<vmem>>, vector<16xf32>,
      tpu.vector_store %arg8[%swap3A_1148], %broadcast_in_dim3A_4 {strides = array<i32>} : memref<35328xf32, #tpu.memory_space<vmem>>, vector<16xf32>,
      %add3A_1150 = arith.constant 60 : i32
      %add3A_1151 = arith.addi %add3A_1150, %scan3A_62 : i32
      %mul3A_1152 = arith.constant 368 : i32
      %mul3A_1153 = arith.muli %add3A_1151, %mul3A_1152 : i32
      %add3A_1154 = arith.constant 336 : i32
      %add3A_1155 = arith.addi %mul3A_1153, %add3A_1154 : i32
      %swap3A_1156 = arith.index_cast %add3A_1155 : i32 to index
      %swap3A_1157 = tpu.vector_load %arg8[%swap3A_1156] {strides = array<i32>} : memref<35328xf32, #tpu.memory_space<vmem>>, vector<16xf32>,
      tpu.vector_store %arg8[%swap3A_1156], %broadcast_in_dim3A_4 {strides = array<i32>} : memref<35328xf32, #tpu.memory_space<vmem>>, vector<16xf32>,
      %add3A_1158 = arith.constant 60 : i32
      %add3A_1159 = arith.addi %add3A_1158, %scan3A_62 : i32
      %mul3A_1160 = arith.constant 368 : i32
      %mul3A_1161 = arith.muli %add3A_1159, %mul3A_1160 : i32
      %add3A_1162 = arith.constant 352 : i32
      %add3A_1163 = arith.addi %mul3A_1161, %add3A_1162 : i32
      %swap3A_1164 = arith.index_cast %add3A_1163 : i32 to index
      %swap3A_1165 = tpu.vector_load %arg8[%swap3A_1164] {strides = array<i32>} : memref<35328xf32, #tpu.memory_space<vmem>>, vector<16xf32>,
      tpu.vector_store %arg8[%swap3A_1164], %broadcast_in_dim3A_4 {strides = array<i32>} : memref<35328xf32, #tpu.memory_space<vmem>>, vector<16xf32>,
      %add3A_1166 = arith.constant 72 : i32
      %add3A_1167 = arith.addi %add3A_1166, %scan3A_62 : i32
      %mul3A_1168 = arith.constant 368 : i32
      %mul3A_1169 = arith.muli %add3A_1167, %mul3A_1168 : i32
      %add3A_1170 = arith.constant 0 : i32
      %add3A_1171 = arith.addi %mul3A_1169, %add3A_1170 : i32
      %swap3A_1172 = arith.index_cast %add3A_1171 : i32 to index
      %swap3A_1173 = tpu.vector_load %arg8[%swap3A_1172] {strides = array<i32>} : memref<35328xf32, #tpu.memory_space<vmem>>, vector<16xf32>,
      tpu.vector_store %arg8[%swap3A_1172], %broadcast_in_dim3A_4 {strides = array<i32>} : memref<35328xf32, #tpu.memory_space<vmem>>, vector<16xf32>,
      %add3A_1174 = arith.constant 72 : i32
      %add3A_1175 = arith.addi %add3A_1174, %scan3A_62 : i32
      %mul3A_1176 = arith.constant 368 : i32
      %mul3A_1177 = arith.muli %add3A_1175, %mul3A_1176 : i32
      %add3A_1178 = arith.constant 16 : i32
      %add3A_1179 = arith.addi %mul3A_1177, %add3A_1178 : i32
      %swap3A_1180 = arith.index_cast %add3A_1179 : i32 to index
      %swap3A_1181 = tpu.vector_load %arg8[%swap3A_1180] {strides = array<i32>} : memref<35328xf32, #tpu.memory_space<vmem>>, vector<16xf32>,
      tpu.vector_store %arg8[%swap3A_1180], %broadcast_in_dim3A_4 {strides = array<i32>} : memref<35328xf32, #tpu.memory_space<vmem>>, vector<16xf32>,
      %add3A_1182 = arith.constant 72 : i32
      %add3A_1183 = arith.addi %add3A_1182, %scan3A_62 : i32
      %mul3A_1184 = arith.constant 368 : i32
      %mul3A_1185 = arith.muli %add3A_1183, %mul3A_1184 : i32
      %add3A_1186 = arith.constant 32 : i32
      %add3A_1187 = arith.addi %mul3A_1185, %add3A_1186 : i32
      %swap3A_1188 = arith.index_cast %add3A_1187 : i32 to index
      %swap3A_1189 = tpu.vector_load %arg8[%swap3A_1188] {strides = array<i32>} : memref<35328xf32, #tpu.memory_space<vmem>>, vector<16xf32>,
      tpu.vector_store %arg8[%swap3A_1188], %broadcast_in_dim3A_4 {strides = array<i32>} : memref<35328xf32, #tpu.memory_space<vmem>>, vector<16xf32>,
      %add3A_1190 = arith.constant 72 : i32
      %add3A_1191 = arith.addi %add3A_1190, %scan3A_62 : i32
      %mul3A_1192 = arith.constant 368 : i32
      %mul3A_1193 = arith.muli %add3A_1191, %mul3A_1192 : i32
      %add3A_1194 = arith.constant 48 : i32
      %add3A_1195 = arith.addi %mul3A_1193, %add3A_1194 : i32
      %swap3A_1196 = arith.index_cast %add3A_1195 : i32 to index
      %swap3A_1197 = tpu.vector_load %arg8[%swap3A_1196] {strides = array<i32>} : memref<35328xf32, #tpu.memory_space<vmem>>, vector<16xf32>,
      tpu.vector_store %arg8[%swap3A_1196], %broadcast_in_dim3A_4 {strides = array<i32>} : memref<35328xf32, #tpu.memory_space<vmem>>, vector<16xf32>,
      %add3A_1198 = arith.constant 72 : i32
      %add3A_1199 = arith.addi %add3A_1198, %scan3A_62 : i32
      %mul3A_1200 = arith.constant 368 : i32
      %mul3A_1201 = arith.muli %add3A_1199, %mul3A_1200 : i32
      %add3A_1202 = arith.constant 64 : i32
      %add3A_1203 = arith.addi %mul3A_1201, %add3A_1202 : i32
      %swap3A_1204 = arith.index_cast %add3A_1203 : i32 to index
      %swap3A_1205 = tpu.vector_load %arg8[%swap3A_1204] {strides = array<i32>} : memref<35328xf32, #tpu.memory_space<vmem>>, vector<16xf32>,
      tpu.vector_store %arg8[%swap3A_1204], %broadcast_in_dim3A_4 {strides = array<i32>} : memref<35328xf32, #tpu.memory_space<vmem>>, vector<16xf32>,
      %add3A_1206 = arith.constant 72 : i32
      %add3A_1207 = arith.addi %add3A_1206, %scan3A_62 : i32
      %mul3A_1208 = arith.constant 368 : i32
      %mul3A_1209 = arith.muli %add3A_1207, %mul3A_1208 : i32
      %add3A_1210 = arith.constant 80 : i32
      %add3A_1211 = arith.addi %mul3A_1209, %add3A_1210 : i32
      %swap3A_1212 = arith.index_cast %add3A_1211 : i32 to index
      %swap3A_1213 = tpu.vector_load %arg8[%swap3A_1212] {strides = array<i32>} : memref<35328xf32, #tpu.memory_space<vmem>>, vector<16xf32>,
      tpu.vector_store %arg8[%swap3A_1212], %broadcast_in_dim3A_4 {strides = array<i32>} : memref<35328xf32, #tpu.memory_space<vmem>>, vector<16xf32>,
      %add3A_1214 = arith.constant 72 : i32
      %add3A_1215 = arith.addi %add3A_1214, %scan3A_62 : i32
      %mul3A_1216 = arith.constant 368 : i32
      %mul3A_1217 = arith.muli %add3A_1215, %mul3A_1216 : i32
      %add3A_1218 = arith.constant 96 : i32
      %add3A_1219 = arith.addi %mul3A_1217, %add3A_1218 : i32
      %swap3A_1220 = arith.index_cast %add3A_1219 : i32 to index
      %swap3A_1221 = tpu.vector_load %arg8[%swap3A_1220] {strides = array<i32>} : memref<35328xf32, #tpu.memory_space<vmem>>, vector<16xf32>,
      tpu.vector_store %arg8[%swap3A_1220], %broadcast_in_dim3A_4 {strides = array<i32>} : memref<35328xf32, #tpu.memory_space<vmem>>, vector<16xf32>,
      %add3A_1222 = arith.constant 72 : i32
      %add3A_1223 = arith.addi %add3A_1222, %scan3A_62 : i32
      %mul3A_1224 = arith.constant 368 : i32
      %mul3A_1225 = arith.muli %add3A_1223, %mul3A_1224 : i32
      %add3A_1226 = arith.constant 112 : i32
      %add3A_1227 = arith.addi %mul3A_1225, %add3A_1226 : i32
      %swap3A_1228 = arith.index_cast %add3A_1227 : i32 to index
      %swap3A_1229 = tpu.vector_load %arg8[%swap3A_1228] {strides = array<i32>} : memref<35328xf32, #tpu.memory_space<vmem>>, vector<16xf32>,
      tpu.vector_store %arg8[%swap3A_1228], %broadcast_in_dim3A_4 {strides = array<i32>} : memref<35328xf32, #tpu.memory_space<vmem>>, vector<16xf32>,
      %add3A_1230 = arith.constant 72 : i32
      %add3A_1231 = arith.addi %add3A_1230, %scan3A_62 : i32
      %mul3A_1232 = arith.constant 368 : i32
      %mul3A_1233 = arith.muli %add3A_1231, %mul3A_1232 : i32
      %add3A_1234 = arith.constant 128 : i32
      %add3A_1235 = arith.addi %mul3A_1233, %add3A_1234 : i32
      %swap3A_1236 = arith.index_cast %add3A_1235 : i32 to index
      %swap3A_1237 = tpu.vector_load %arg8[%swap3A_1236] {strides = array<i32>} : memref<35328xf32, #tpu.memory_space<vmem>>, vector<16xf32>,
      tpu.vector_store %arg8[%swap3A_1236], %broadcast_in_dim3A_4 {strides = array<i32>} : memref<35328xf32, #tpu.memory_space<vmem>>, vector<16xf32>,
      %add3A_1238 = arith.constant 72 : i32
      %add3A_1239 = arith.addi %add3A_1238, %scan3A_62 : i32
      %mul3A_1240 = arith.constant 368 : i32
      %mul3A_1241 = arith.muli %add3A_1239, %mul3A_1240 : i32
      %add3A_1242 = arith.constant 144 : i32
      %add3A_1243 = arith.addi %mul3A_1241, %add3A_1242 : i32
      %swap3A_1244 = arith.index_cast %add3A_1243 : i32 to index
      %swap3A_1245 = tpu.vector_load %arg8[%swap3A_1244] {strides = array<i32>} : memref<35328xf32, #tpu.memory_space<vmem>>, vector<16xf32>,
      tpu.vector_store %arg8[%swap3A_1244], %broadcast_in_dim3A_4 {strides = array<i32>} : memref<35328xf32, #tpu.memory_space<vmem>>, vector<16xf32>,
      %add3A_1246 = arith.constant 72 : i32
      %add3A_1247 = arith.addi %add3A_1246, %scan3A_62 : i32
      %mul3A_1248 = arith.constant 368 : i32
      %mul3A_1249 = arith.muli %add3A_1247, %mul3A_1248 : i32
      %add3A_1250 = arith.constant 160 : i32
      %add3A_1251 = arith.addi %mul3A_1249, %add3A_1250 : i32
      %swap3A_1252 = arith.index_cast %add3A_1251 : i32 to index
      %swap3A_1253 = tpu.vector_load %arg8[%swap3A_1252] {strides = array<i32>} : memref<35328xf32, #tpu.memory_space<vmem>>, vector<16xf32>,
      tpu.vector_store %arg8[%swap3A_1252], %broadcast_in_dim3A_4 {strides = array<i32>} : memref<35328xf32, #tpu.memory_space<vmem>>, vector<16xf32>,
      %add3A_1254 = arith.constant 72 : i32
      %add3A_1255 = arith.addi %add3A_1254, %scan3A_62 : i32
      %mul3A_1256 = arith.constant 368 : i32
      %mul3A_1257 = arith.muli %add3A_1255, %mul3A_1256 : i32
      %add3A_1258 = arith.constant 176 : i32
      %add3A_1259 = arith.addi %mul3A_1257, %add3A_1258 : i32
      %swap3A_1260 = arith.index_cast %add3A_1259 : i32 to index
      %swap3A_1261 = tpu.vector_load %arg8[%swap3A_1260] {strides = array<i32>} : memref<35328xf32, #tpu.memory_space<vmem>>, vector<16xf32>,
      tpu.vector_store %arg8[%swap3A_1260], %broadcast_in_dim3A_4 {strides = array<i32>} : memref<35328xf32, #tpu.memory_space<vmem>>, vector<16xf32>,
      %add3A_1262 = arith.constant 72 : i32
      %add3A_1263 = arith.addi %add3A_1262, %scan3A_62 : i32
      %mul3A_1264 = arith.constant 368 : i32
      %mul3A_1265 = arith.muli %add3A_1263, %mul3A_1264 : i32
      %add3A_1266 = arith.constant 192 : i32
      %add3A_1267 = arith.addi %mul3A_1265, %add3A_1266 : i32
      %swap3A_1268 = arith.index_cast %add3A_1267 : i32 to index
      %swap3A_1269 = tpu.vector_load %arg8[%swap3A_1268] {strides = array<i32>} : memref<35328xf32, #tpu.memory_space<vmem>>, vector<16xf32>,
      tpu.vector_store %arg8[%swap3A_1268], %broadcast_in_dim3A_4 {strides = array<i32>} : memref<35328xf32, #tpu.memory_space<vmem>>, vector<16xf32>,
      %add3A_1270 = arith.constant 72 : i32
      %add3A_1271 = arith.addi %add3A_1270, %scan3A_62 : i32
      %mul3A_1272 = arith.constant 368 : i32
      %mul3A_1273 = arith.muli %add3A_1271, %mul3A_1272 : i32
      %add3A_1274 = arith.constant 208 : i32
      %add3A_1275 = arith.addi %mul3A_1273, %add3A_1274 : i32
      %swap3A_1276 = arith.index_cast %add3A_1275 : i32 to index
      %swap3A_1277 = tpu.vector_load %arg8[%swap3A_1276] {strides = array<i32>} : memref<35328xf32, #tpu.memory_space<vmem>>, vector<16xf32>,
      tpu.vector_store %arg8[%swap3A_1276], %broadcast_in_dim3A_4 {strides = array<i32>} : memref<35328xf32, #tpu.memory_space<vmem>>, vector<16xf32>,
      %add3A_1278 = arith.constant 72 : i32
      %add3A_1279 = arith.addi %add3A_1278, %scan3A_62 : i32
      %mul3A_1280 = arith.constant 368 : i32
      %mul3A_1281 = arith.muli %add3A_1279, %mul3A_1280 : i32
      %add3A_1282 = arith.constant 224 : i32
      %add3A_1283 = arith.addi %mul3A_1281, %add3A_1282 : i32
      %swap3A_1284 = arith.index_cast %add3A_1283 : i32 to index
      %swap3A_1285 = tpu.vector_load %arg8[%swap3A_1284] {strides = array<i32>} : memref<35328xf32, #tpu.memory_space<vmem>>, vector<16xf32>,
      tpu.vector_store %arg8[%swap3A_1284], %broadcast_in_dim3A_4 {strides = array<i32>} : memref<35328xf32, #tpu.memory_space<vmem>>, vector<16xf32>,
      %add3A_1286 = arith.constant 72 : i32
      %add3A_1287 = arith.addi %add3A_1286, %scan3A_62 : i32
      %mul3A_1288 = arith.constant 368 : i32
      %mul3A_1289 = arith.muli %add3A_1287, %mul3A_1288 : i32
      %add3A_1290 = arith.constant 240 : i32
      %add3A_1291 = arith.addi %mul3A_1289, %add3A_1290 : i32
      %swap3A_1292 = arith.index_cast %add3A_1291 : i32 to index
      %swap3A_1293 = tpu.vector_load %arg8[%swap3A_1292] {strides = array<i32>} : memref<35328xf32, #tpu.memory_space<vmem>>, vector<16xf32>,
      tpu.vector_store %arg8[%swap3A_1292], %broadcast_in_dim3A_4 {strides = array<i32>} : memref<35328xf32, #tpu.memory_space<vmem>>, vector<16xf32>,
      %add3A_1294 = arith.constant 72 : i32
      %add3A_1295 = arith.addi %add3A_1294, %scan3A_62 : i32
      %mul3A_1296 = arith.constant 368 : i32
      %mul3A_1297 = arith.muli %add3A_1295, %mul3A_1296 : i32
      %add3A_1298 = arith.constant 256 : i32
      %add3A_1299 = arith.addi %mul3A_1297, %add3A_1298 : i32
      %swap3A_1300 = arith.index_cast %add3A_1299 : i32 to index
      %swap3A_1301 = tpu.vector_load %arg8[%swap3A_1300] {strides = array<i32>} : memref<35328xf32, #tpu.memory_space<vmem>>, vector<16xf32>,
      tpu.vector_store %arg8[%swap3A_1300], %broadcast_in_dim3A_4 {strides = array<i32>} : memref<35328xf32, #tpu.memory_space<vmem>>, vector<16xf32>,
      %add3A_1302 = arith.constant 72 : i32
      %add3A_1303 = arith.addi %add3A_1302, %scan3A_62 : i32
      %mul3A_1304 = arith.constant 368 : i32
      %mul3A_1305 = arith.muli %add3A_1303, %mul3A_1304 : i32
      %add3A_1306 = arith.constant 272 : i32
      %add3A_1307 = arith.addi %mul3A_1305, %add3A_1306 : i32
      %swap3A_1308 = arith.index_cast %add3A_1307 : i32 to index
      %swap3A_1309 = tpu.vector_load %arg8[%swap3A_1308] {strides = array<i32>} : memref<35328xf32, #tpu.memory_space<vmem>>, vector<16xf32>,
      tpu.vector_store %arg8[%swap3A_1308], %broadcast_in_dim3A_4 {strides = array<i32>} : memref<35328xf32, #tpu.memory_space<vmem>>, vector<16xf32>,
      %add3A_1310 = arith.constant 72 : i32
      %add3A_1311 = arith.addi %add3A_1310, %scan3A_62 : i32
      %mul3A_1312 = arith.constant 368 : i32
      %mul3A_1313 = arith.muli %add3A_1311, %mul3A_1312 : i32
      %add3A_1314 = arith.constant 288 : i32
      %add3A_1315 = arith.addi %mul3A_1313, %add3A_1314 : i32
      %swap3A_1316 = arith.index_cast %add3A_1315 : i32 to index
      %swap3A_1317 = tpu.vector_load %arg8[%swap3A_1316] {strides = array<i32>} : memref<35328xf32, #tpu.memory_space<vmem>>, vector<16xf32>,
      tpu.vector_store %arg8[%swap3A_1316], %broadcast_in_dim3A_4 {strides = array<i32>} : memref<35328xf32, #tpu.memory_space<vmem>>, vector<16xf32>,
      %add3A_1318 = arith.constant 72 : i32
      %add3A_1319 = arith.addi %add3A_1318, %scan3A_62 : i32
      %mul3A_1320 = arith.constant 368 : i32
      %mul3A_1321 = arith.muli %add3A_1319, %mul3A_1320 : i32
      %add3A_1322 = arith.constant 304 : i32
      %add3A_1323 = arith.addi %mul3A_1321, %add3A_1322 : i32
      %swap3A_1324 = arith.index_cast %add3A_1323 : i32 to index
      %swap3A_1325 = tpu.vector_load %arg8[%swap3A_1324] {strides = array<i32>} : memref<35328xf32, #tpu.memory_space<vmem>>, vector<16xf32>,
      tpu.vector_store %arg8[%swap3A_1324], %broadcast_in_dim3A_4 {strides = array<i32>} : memref<35328xf32, #tpu.memory_space<vmem>>, vector<16xf32>,
      %add3A_1326 = arith.constant 72 : i32
      %add3A_1327 = arith.addi %add3A_1326, %scan3A_62 : i32
      %mul3A_1328 = arith.constant 368 : i32
      %mul3A_1329 = arith.muli %add3A_1327, %mul3A_1328 : i32
      %add3A_1330 = arith.constant 320 : i32
      %add3A_1331 = arith.addi %mul3A_1329, %add3A_1330 : i32
      %swap3A_1332 = arith.index_cast %add3A_1331 : i32 to index
      %swap3A_1333 = tpu.vector_load %arg8[%swap3A_1332] {strides = array<i32>} : memref<35328xf32, #tpu.memory_space<vmem>>, vector<16xf32>,
      tpu.vector_store %arg8[%swap3A_1332], %broadcast_in_dim3A_4 {strides = array<i32>} : memref<35328xf32, #tpu.memory_space<vmem>>, vector<16xf32>,
      %add3A_1334 = arith.constant 72 : i32
      %add3A_1335 = arith.addi %add3A_1334, %scan3A_62 : i32
      %mul3A_1336 = arith.constant 368 : i32
      %mul3A_1337 = arith.muli %add3A_1335, %mul3A_1336 : i32
      %add3A_1338 = arith.constant 336 : i32
      %add3A_1339 = arith.addi %mul3A_1337, %add3A_1338 : i32
      %swap3A_1340 = arith.index_cast %add3A_1339 : i32 to index
      %swap3A_1341 = tpu.vector_load %arg8[%swap3A_1340] {strides = array<i32>} : memref<35328xf32, #tpu.memory_space<vmem>>, vector<16xf32>,
      tpu.vector_store %arg8[%swap3A_1340], %broadcast_in_dim3A_4 {strides = array<i32>} : memref<35328xf32, #tpu.memory_space<vmem>>, vector<16xf32>,
      %add3A_1342 = arith.constant 72 : i32
      %add3A_1343 = arith.addi %add3A_1342, %scan3A_62 : i32
      %mul3A_1344 = arith.constant 368 : i32
      %mul3A_1345 = arith.muli %add3A_1343, %mul3A_1344 : i32
      %add3A_1346 = arith.constant 352 : i32
      %add3A_1347 = arith.addi %mul3A_1345, %add3A_1346 : i32
      %swap3A_1348 = arith.index_cast %add3A_1347 : i32 to index
      %swap3A_1349 = tpu.vector_load %arg8[%swap3A_1348] {strides = array<i32>} : memref<35328xf32, #tpu.memory_space<vmem>>, vector<16xf32>,
      tpu.vector_store %arg8[%swap3A_1348], %broadcast_in_dim3A_4 {strides = array<i32>} : memref<35328xf32, #tpu.memory_space<vmem>>, vector<16xf32>,
      %add3A_1350 = arith.constant 84 : i32
      %add3A_1351 = arith.addi %add3A_1350, %scan3A_62 : i32
      %mul3A_1352 = arith.constant 368 : i32
      %mul3A_1353 = arith.muli %add3A_1351, %mul3A_1352 : i32
      %add3A_1354 = arith.constant 0 : i32
      %add3A_1355 = arith.addi %mul3A_1353, %add3A_1354 : i32
      %swap3A_1356 = arith.index_cast %add3A_1355 : i32 to index
      %swap3A_1357 = tpu.vector_load %arg8[%swap3A_1356] {strides = array<i32>} : memref<35328xf32, #tpu.memory_space<vmem>>, vector<16xf32>,
      tpu.vector_store %arg8[%swap3A_1356], %broadcast_in_dim3A_4 {strides = array<i32>} : memref<35328xf32, #tpu.memory_space<vmem>>, vector<16xf32>,
      %add3A_1358 = arith.constant 84 : i32
      %add3A_1359 = arith.addi %add3A_1358, %scan3A_62 : i32
      %mul3A_1360 = arith.constant 368 : i32
      %mul3A_1361 = arith.muli %add3A_1359, %mul3A_1360 : i32
      %add3A_1362 = arith.constant 16 : i32
      %add3A_1363 = arith.addi %mul3A_1361, %add3A_1362 : i32
      %swap3A_1364 = arith.index_cast %add3A_1363 : i32 to index
      %swap3A_1365 = tpu.vector_load %arg8[%swap3A_1364] {strides = array<i32>} : memref<35328xf32, #tpu.memory_space<vmem>>, vector<16xf32>,
      tpu.vector_store %arg8[%swap3A_1364], %broadcast_in_dim3A_4 {strides = array<i32>} : memref<35328xf32, #tpu.memory_space<vmem>>, vector<16xf32>,
      %add3A_1366 = arith.constant 84 : i32
      %add3A_1367 = arith.addi %add3A_1366, %scan3A_62 : i32
      %mul3A_1368 = arith.constant 368 : i32
      %mul3A_1369 = arith.muli %add3A_1367, %mul3A_1368 : i32
      %add3A_1370 = arith.constant 32 : i32
      %add3A_1371 = arith.addi %mul3A_1369, %add3A_1370 : i32
      %swap3A_1372 = arith.index_cast %add3A_1371 : i32 to index
      %swap3A_1373 = tpu.vector_load %arg8[%swap3A_1372] {strides = array<i32>} : memref<35328xf32, #tpu.memory_space<vmem>>, vector<16xf32>,
      tpu.vector_store %arg8[%swap3A_1372], %broadcast_in_dim3A_4 {strides = array<i32>} : memref<35328xf32, #tpu.memory_space<vmem>>, vector<16xf32>,
      %add3A_1374 = arith.constant 84 : i32
      %add3A_1375 = arith.addi %add3A_1374, %scan3A_62 : i32
      %mul3A_1376 = arith.constant 368 : i32
      %mul3A_1377 = arith.muli %add3A_1375, %mul3A_1376 : i32
      %add3A_1378 = arith.constant 48 : i32
      %add3A_1379 = arith.addi %mul3A_1377, %add3A_1378 : i32
      %swap3A_1380 = arith.index_cast %add3A_1379 : i32 to index
      %swap3A_1381 = tpu.vector_load %arg8[%swap3A_1380] {strides = array<i32>} : memref<35328xf32, #tpu.memory_space<vmem>>, vector<16xf32>,
      tpu.vector_store %arg8[%swap3A_1380], %broadcast_in_dim3A_4 {strides = array<i32>} : memref<35328xf32, #tpu.memory_space<vmem>>, vector<16xf32>,
      %add3A_1382 = arith.constant 84 : i32
      %add3A_1383 = arith.addi %add3A_1382, %scan3A_62 : i32
      %mul3A_1384 = arith.constant 368 : i32
      %mul3A_1385 = arith.muli %add3A_1383, %mul3A_1384 : i32
      %add3A_1386 = arith.constant 64 : i32
      %add3A_1387 = arith.addi %mul3A_1385, %add3A_1386 : i32
      %swap3A_1388 = arith.index_cast %add3A_1387 : i32 to index
      %swap3A_1389 = tpu.vector_load %arg8[%swap3A_1388] {strides = array<i32>} : memref<35328xf32, #tpu.memory_space<vmem>>, vector<16xf32>,
      tpu.vector_store %arg8[%swap3A_1388], %broadcast_in_dim3A_4 {strides = array<i32>} : memref<35328xf32, #tpu.memory_space<vmem>>, vector<16xf32>,
      %add3A_1390 = arith.constant 84 : i32
      %add3A_1391 = arith.addi %add3A_1390, %scan3A_62 : i32
      %mul3A_1392 = arith.constant 368 : i32
      %mul3A_1393 = arith.muli %add3A_1391, %mul3A_1392 : i32
      %add3A_1394 = arith.constant 80 : i32
      %add3A_1395 = arith.addi %mul3A_1393, %add3A_1394 : i32
      %swap3A_1396 = arith.index_cast %add3A_1395 : i32 to index
      %swap3A_1397 = tpu.vector_load %arg8[%swap3A_1396] {strides = array<i32>} : memref<35328xf32, #tpu.memory_space<vmem>>, vector<16xf32>,
      tpu.vector_store %arg8[%swap3A_1396], %broadcast_in_dim3A_4 {strides = array<i32>} : memref<35328xf32, #tpu.memory_space<vmem>>, vector<16xf32>,
      %add3A_1398 = arith.constant 84 : i32
      %add3A_1399 = arith.addi %add3A_1398, %scan3A_62 : i32
      %mul3A_1400 = arith.constant 368 : i32
      %mul3A_1401 = arith.muli %add3A_1399, %mul3A_1400 : i32
      %add3A_1402 = arith.constant 96 : i32
      %add3A_1403 = arith.addi %mul3A_1401, %add3A_1402 : i32
      %swap3A_1404 = arith.index_cast %add3A_1403 : i32 to index
      %swap3A_1405 = tpu.vector_load %arg8[%swap3A_1404] {strides = array<i32>} : memref<35328xf32, #tpu.memory_space<vmem>>, vector<16xf32>,
      tpu.vector_store %arg8[%swap3A_1404], %broadcast_in_dim3A_4 {strides = array<i32>} : memref<35328xf32, #tpu.memory_space<vmem>>, vector<16xf32>,
      %add3A_1406 = arith.constant 84 : i32
      %add3A_1407 = arith.addi %add3A_1406, %scan3A_62 : i32
      %mul3A_1408 = arith.constant 368 : i32
      %mul3A_1409 = arith.muli %add3A_1407, %mul3A_1408 : i32
      %add3A_1410 = arith.constant 112 : i32
      %add3A_1411 = arith.addi %mul3A_1409, %add3A_1410 : i32
      %swap3A_1412 = arith.index_cast %add3A_1411 : i32 to index
      %swap3A_1413 = tpu.vector_load %arg8[%swap3A_1412] {strides = array<i32>} : memref<35328xf32, #tpu.memory_space<vmem>>, vector<16xf32>,
      tpu.vector_store %arg8[%swap3A_1412], %broadcast_in_dim3A_4 {strides = array<i32>} : memref<35328xf32, #tpu.memory_space<vmem>>, vector<16xf32>,
      %add3A_1414 = arith.constant 84 : i32
      %add3A_1415 = arith.addi %add3A_1414, %scan3A_62 : i32
      %mul3A_1416 = arith.constant 368 : i32
      %mul3A_1417 = arith.muli %add3A_1415, %mul3A_1416 : i32
      %add3A_1418 = arith.constant 128 : i32
      %add3A_1419 = arith.addi %mul3A_1417, %add3A_1418 : i32
      %swap3A_1420 = arith.index_cast %add3A_1419 : i32 to index
      %swap3A_1421 = tpu.vector_load %arg8[%swap3A_1420] {strides = array<i32>} : memref<35328xf32, #tpu.memory_space<vmem>>, vector<16xf32>,
      tpu.vector_store %arg8[%swap3A_1420], %broadcast_in_dim3A_4 {strides = array<i32>} : memref<35328xf32, #tpu.memory_space<vmem>>, vector<16xf32>,
      %add3A_1422 = arith.constant 84 : i32
      %add3A_1423 = arith.addi %add3A_1422, %scan3A_62 : i32
      %mul3A_1424 = arith.constant 368 : i32
      %mul3A_1425 = arith.muli %add3A_1423, %mul3A_1424 : i32
      %add3A_1426 = arith.constant 144 : i32
      %add3A_1427 = arith.addi %mul3A_1425, %add3A_1426 : i32
      %swap3A_1428 = arith.index_cast %add3A_1427 : i32 to index
      %swap3A_1429 = tpu.vector_load %arg8[%swap3A_1428] {strides = array<i32>} : memref<35328xf32, #tpu.memory_space<vmem>>, vector<16xf32>,
      tpu.vector_store %arg8[%swap3A_1428], %broadcast_in_dim3A_4 {strides = array<i32>} : memref<35328xf32, #tpu.memory_space<vmem>>, vector<16xf32>,
      %add3A_1430 = arith.constant 84 : i32
      %add3A_1431 = arith.addi %add3A_1430, %scan3A_62 : i32
      %mul3A_1432 = arith.constant 368 : i32
      %mul3A_1433 = arith.muli %add3A_1431, %mul3A_1432 : i32
      %add3A_1434 = arith.constant 160 : i32
      %add3A_1435 = arith.addi %mul3A_1433, %add3A_1434 : i32
      %swap3A_1436 = arith.index_cast %add3A_1435 : i32 to index
      %swap3A_1437 = tpu.vector_load %arg8[%swap3A_1436] {strides = array<i32>} : memref<35328xf32, #tpu.memory_space<vmem>>, vector<16xf32>,
      tpu.vector_store %arg8[%swap3A_1436], %broadcast_in_dim3A_4 {strides = array<i32>} : memref<35328xf32, #tpu.memory_space<vmem>>, vector<16xf32>,
      %add3A_1438 = arith.constant 84 : i32
      %add3A_1439 = arith.addi %add3A_1438, %scan3A_62 : i32
      %mul3A_1440 = arith.constant 368 : i32
      %mul3A_1441 = arith.muli %add3A_1439, %mul3A_1440 : i32
      %add3A_1442 = arith.constant 176 : i32
      %add3A_1443 = arith.addi %mul3A_1441, %add3A_1442 : i32
      %swap3A_1444 = arith.index_cast %add3A_1443 : i32 to index
      %swap3A_1445 = tpu.vector_load %arg8[%swap3A_1444] {strides = array<i32>} : memref<35328xf32, #tpu.memory_space<vmem>>, vector<16xf32>,
      tpu.vector_store %arg8[%swap3A_1444], %broadcast_in_dim3A_4 {strides = array<i32>} : memref<35328xf32, #tpu.memory_space<vmem>>, vector<16xf32>,
      %add3A_1446 = arith.constant 84 : i32
      %add3A_1447 = arith.addi %add3A_1446, %scan3A_62 : i32
      %mul3A_1448 = arith.constant 368 : i32
      %mul3A_1449 = arith.muli %add3A_1447, %mul3A_1448 : i32
      %add3A_1450 = arith.constant 192 : i32
      %add3A_1451 = arith.addi %mul3A_1449, %add3A_1450 : i32
      %swap3A_1452 = arith.index_cast %add3A_1451 : i32 to index
      %swap3A_1453 = tpu.vector_load %arg8[%swap3A_1452] {strides = array<i32>} : memref<35328xf32, #tpu.memory_space<vmem>>, vector<16xf32>,
      tpu.vector_store %arg8[%swap3A_1452], %broadcast_in_dim3A_4 {strides = array<i32>} : memref<35328xf32, #tpu.memory_space<vmem>>, vector<16xf32>,
      %add3A_1454 = arith.constant 84 : i32
      %add3A_1455 = arith.addi %add3A_1454, %scan3A_62 : i32
      %mul3A_1456 = arith.constant 368 : i32
      %mul3A_1457 = arith.muli %add3A_1455, %mul3A_1456 : i32
      %add3A_1458 = arith.constant 208 : i32
      %add3A_1459 = arith.addi %mul3A_1457, %add3A_1458 : i32
      %swap3A_1460 = arith.index_cast %add3A_1459 : i32 to index
      %swap3A_1461 = tpu.vector_load %arg8[%swap3A_1460] {strides = array<i32>} : memref<35328xf32, #tpu.memory_space<vmem>>, vector<16xf32>,
      tpu.vector_store %arg8[%swap3A_1460], %broadcast_in_dim3A_4 {strides = array<i32>} : memref<35328xf32, #tpu.memory_space<vmem>>, vector<16xf32>,
      %add3A_1462 = arith.constant 84 : i32
      %add3A_1463 = arith.addi %add3A_1462, %scan3A_62 : i32
      %mul3A_1464 = arith.constant 368 : i32
      %mul3A_1465 = arith.muli %add3A_1463, %mul3A_1464 : i32
      %add3A_1466 = arith.constant 224 : i32
      %add3A_1467 = arith.addi %mul3A_1465, %add3A_1466 : i32
      %swap3A_1468 = arith.index_cast %add3A_1467 : i32 to index
      %swap3A_1469 = tpu.vector_load %arg8[%swap3A_1468] {strides = array<i32>} : memref<35328xf32, #tpu.memory_space<vmem>>, vector<16xf32>,
      tpu.vector_store %arg8[%swap3A_1468], %broadcast_in_dim3A_4 {strides = array<i32>} : memref<35328xf32, #tpu.memory_space<vmem>>, vector<16xf32>,
      %add3A_1470 = arith.constant 84 : i32
      %add3A_1471 = arith.addi %add3A_1470, %scan3A_62 : i32
      %mul3A_1472 = arith.constant 368 : i32
      %mul3A_1473 = arith.muli %add3A_1471, %mul3A_1472 : i32
      %add3A_1474 = arith.constant 240 : i32
      %add3A_1475 = arith.addi %mul3A_1473, %add3A_1474 : i32
      %swap3A_1476 = arith.index_cast %add3A_1475 : i32 to index
      %swap3A_1477 = tpu.vector_load %arg8[%swap3A_1476] {strides = array<i32>} : memref<35328xf32, #tpu.memory_space<vmem>>, vector<16xf32>,
      tpu.vector_store %arg8[%swap3A_1476], %broadcast_in_dim3A_4 {strides = array<i32>} : memref<35328xf32, #tpu.memory_space<vmem>>, vector<16xf32>,
      %add3A_1478 = arith.constant 84 : i32
      %add3A_1479 = arith.addi %add3A_1478, %scan3A_62 : i32
      %mul3A_1480 = arith.constant 368 : i32
      %mul3A_1481 = arith.muli %add3A_1479, %mul3A_1480 : i32
      %add3A_1482 = arith.constant 256 : i32
      %add3A_1483 = arith.addi %mul3A_1481, %add3A_1482 : i32
      %swap3A_1484 = arith.index_cast %add3A_1483 : i32 to index
      %swap3A_1485 = tpu.vector_load %arg8[%swap3A_1484] {strides = array<i32>} : memref<35328xf32, #tpu.memory_space<vmem>>, vector<16xf32>,
      tpu.vector_store %arg8[%swap3A_1484], %broadcast_in_dim3A_4 {strides = array<i32>} : memref<35328xf32, #tpu.memory_space<vmem>>, vector<16xf32>,
      %add3A_1486 = arith.constant 84 : i32
      %add3A_1487 = arith.addi %add3A_1486, %scan3A_62 : i32
      %mul3A_1488 = arith.constant 368 : i32
      %mul3A_1489 = arith.muli %add3A_1487, %mul3A_1488 : i32
      %add3A_1490 = arith.constant 272 : i32
      %add3A_1491 = arith.addi %mul3A_1489, %add3A_1490 : i32
      %swap3A_1492 = arith.index_cast %add3A_1491 : i32 to index
      %swap3A_1493 = tpu.vector_load %arg8[%swap3A_1492] {strides = array<i32>} : memref<35328xf32, #tpu.memory_space<vmem>>, vector<16xf32>,
      tpu.vector_store %arg8[%swap3A_1492], %broadcast_in_dim3A_4 {strides = array<i32>} : memref<35328xf32, #tpu.memory_space<vmem>>, vector<16xf32>,
      %add3A_1494 = arith.constant 84 : i32
      %add3A_1495 = arith.addi %add3A_1494, %scan3A_62 : i32
      %mul3A_1496 = arith.constant 368 : i32
      %mul3A_1497 = arith.muli %add3A_1495, %mul3A_1496 : i32
      %add3A_1498 = arith.constant 288 : i32
      %add3A_1499 = arith.addi %mul3A_1497, %add3A_1498 : i32
      %swap3A_1500 = arith.index_cast %add3A_1499 : i32 to index
      %swap3A_1501 = tpu.vector_load %arg8[%swap3A_1500] {strides = array<i32>} : memref<35328xf32, #tpu.memory_space<vmem>>, vector<16xf32>,
      tpu.vector_store %arg8[%swap3A_1500], %broadcast_in_dim3A_4 {strides = array<i32>} : memref<35328xf32, #tpu.memory_space<vmem>>, vector<16xf32>,
      %add3A_1502 = arith.constant 84 : i32
      %add3A_1503 = arith.addi %add3A_1502, %scan3A_62 : i32
      %mul3A_1504 = arith.constant 368 : i32
      %mul3A_1505 = arith.muli %add3A_1503, %mul3A_1504 : i32
      %add3A_1506 = arith.constant 304 : i32
      %add3A_1507 = arith.addi %mul3A_1505, %add3A_1506 : i32
      %swap3A_1508 = arith.index_cast %add3A_1507 : i32 to index
      %swap3A_1509 = tpu.vector_load %arg8[%swap3A_1508] {strides = array<i32>} : memref<35328xf32, #tpu.memory_space<vmem>>, vector<16xf32>,
      tpu.vector_store %arg8[%swap3A_1508], %broadcast_in_dim3A_4 {strides = array<i32>} : memref<35328xf32, #tpu.memory_space<vmem>>, vector<16xf32>,
      %add3A_1510 = arith.constant 84 : i32
      %add3A_1511 = arith.addi %add3A_1510, %scan3A_62 : i32
      %mul3A_1512 = arith.constant 368 : i32
      %mul3A_1513 = arith.muli %add3A_1511, %mul3A_1512 : i32
      %add3A_1514 = arith.constant 320 : i32
      %add3A_1515 = arith.addi %mul3A_1513, %add3A_1514 : i32
      %swap3A_1516 = arith.index_cast %add3A_1515 : i32 to index
      %swap3A_1517 = tpu.vector_load %arg8[%swap3A_1516] {strides = array<i32>} : memref<35328xf32, #tpu.memory_space<vmem>>, vector<16xf32>,
      tpu.vector_store %arg8[%swap3A_1516], %broadcast_in_dim3A_4 {strides = array<i32>} : memref<35328xf32, #tpu.memory_space<vmem>>, vector<16xf32>,
      %add3A_1518 = arith.constant 84 : i32
      %add3A_1519 = arith.addi %add3A_1518, %scan3A_62 : i32
      %mul3A_1520 = arith.constant 368 : i32
      %mul3A_1521 = arith.muli %add3A_1519, %mul3A_1520 : i32
      %add3A_1522 = arith.constant 336 : i32
      %add3A_1523 = arith.addi %mul3A_1521, %add3A_1522 : i32
      %swap3A_1524 = arith.index_cast %add3A_1523 : i32 to index
      %swap3A_1525 = tpu.vector_load %arg8[%swap3A_1524] {strides = array<i32>} : memref<35328xf32, #tpu.memory_space<vmem>>, vector<16xf32>,
      tpu.vector_store %arg8[%swap3A_1524], %broadcast_in_dim3A_4 {strides = array<i32>} : memref<35328xf32, #tpu.memory_space<vmem>>, vector<16xf32>,
      %add3A_1526 = arith.constant 84 : i32
      %add3A_1527 = arith.addi %add3A_1526, %scan3A_62 : i32
      %mul3A_1528 = arith.constant 368 : i32
      %mul3A_1529 = arith.muli %add3A_1527, %mul3A_1528 : i32
      %add3A_1530 = arith.constant 352 : i32
      %add3A_1531 = arith.addi %mul3A_1529, %add3A_1530 : i32
      %swap3A_1532 = arith.index_cast %add3A_1531 : i32 to index
      %swap3A_1533 = tpu.vector_load %arg8[%swap3A_1532] {strides = array<i32>} : memref<35328xf32, #tpu.memory_space<vmem>>, vector<16xf32>,
      tpu.vector_store %arg8[%swap3A_1532], %broadcast_in_dim3A_4 {strides = array<i32>} : memref<35328xf32, #tpu.memory_space<vmem>>, vector<16xf32>,
    }
    %scan3A_9 = arith.constant 12 : i32
    %iota3A = tpu.iota {dimensions = array<i32: 0>} : vector<16xi32>
    %convert_element_type3A_10 = arith.sitofp %iota3A : vector<16xi32> to vector<16xf32>
    %dma_start3A = arith.constant 0 : i32
    %dma_start3A_11 = tpu.memref_slice %arg2[%dma_start3A] : memref<2064000xf32, #tpu.memory_space<hbm>> -> memref<20640xf32, #tpu.memory_space<hbm>>
    %dma_start3A_12 = arith.constant 0 : i32
    %dma_start3A_13 = tpu.memref_slice %arg2[%dma_start3A_12] : memref<2064000xf32, #tpu.memory_space<hbm>> -> memref<20640xf32, #tpu.memory_space<hbm>>
    tpu.enqueue_dma source(%dma_start3A_13 : memref<20640xf32, #tpu.memory_space<hbm>>) target(%arg6 : memref<20640xf32, #tpu.memory_space<vmem>>) target_semaphore(%arg9 : memref<!tpu.dma_semaphore, #tpu.memory_space<semaphore_mem>>)
    %scan3A_14 = arith.constant 0 : i32
    %scan3A_15 = arith.constant 0 : i32
    %scan3A_16 = arith.constant 50 : i32
    %scan3A_17 = arith.addi %scan3A_15, %scan3A_16 : i32
    %scan3A_18 = arith.constant 1 : i32
    scf.for %scan3A_62 = %scan3A_15 to %scan3A_17 step %scan3A_18  : i32 {
      %mul3A_63 = arith.constant 2 : i32
      %mul3A_64 = arith.muli %mul3A_63, %scan3A_62 : i32
      %add3A_65 = arith.constant 1 : i32
      %add3A_66 = arith.addi %mul3A_64, %add3A_65 : i32
      %mul3A_67 = arith.constant 20640 : i32
      %mul3A_68 = arith.muli %add3A_66, %mul3A_67 : i32
      %dma_start3A_69 = tpu.memref_slice %arg2[%mul3A_68] : memref<2064000xf32, #tpu.memory_space<hbm>> -> memref<20640xf32, #tpu.memory_space<hbm>>
      %dma_start3A_70 = tpu.memref_slice %arg2[%mul3A_68] : memref<2064000xf32, #tpu.memory_space<hbm>> -> memref<20640xf32, #tpu.memory_space<hbm>>
      tpu.enqueue_dma source(%dma_start3A_70 : memref<20640xf32, #tpu.memory_space<hbm>>) target(%arg7 : memref<20640xf32, #tpu.memory_space<vmem>>) target_semaphore(%arg10 : memref<!tpu.dma_semaphore, #tpu.memory_space<semaphore_mem>>)
      %dma_wait3A_71 = arith.constant 0 : i32
      %dma_wait3A_72 = tpu.memref_slice %arg2[%dma_wait3A_71] : memref<2064000xf32, #tpu.memory_space<hbm>> -> memref<20640xf32, #tpu.memory_space<hbm>>
      %dma_wait3A_73 = arith.constant 0 : i32
      %dma_wait3A_74 = tpu.memref_slice %arg2[%dma_wait3A_73] : memref<2064000xf32, #tpu.memory_space<hbm>> -> memref<20640xf32, #tpu.memory_space<hbm>>
      tpu.wait_dma2 semaphore(%arg9 : memref<!tpu.dma_semaphore, #tpu.memory_space<semaphore_mem>>) src(%dma_wait3A_74 : memref<20640xf32, #tpu.memory_space<hbm>>) dst(%arg6 : memref<20640xf32, #tpu.memory_space<vmem>>)
      %mul3A_75 = arith.constant 2 : i32
      %mul3A_76 = arith.muli %mul3A_75, %scan3A_62 : i32
      %mul3A_77 = arith.constant 10 : i32
      %mul3A_78 = arith.muli %mul3A_76, %mul3A_77 : i32
      %lt3A = arith.constant 50 : i32
      %lt3A_79 = arith.cmpi slt, %mul3A_76, %lt3A : i32
      %jit3A = arith.constant 0 : i32
      %jit3A_80 = arith.constant 17664 : i32
      %select_n3A = arith.select %lt3A_79, %jit3A, %jit3A_80 : i32
      %scan3A_81 = arith.constant 0 : i32
      %scan3A_82 = arith.constant 0 : i32
      %scan3A_83 = arith.constant 10 : i32
      %scan3A_84 = arith.addi %scan3A_82, %scan3A_83 : i32
      %scan3A_85 = arith.constant 1 : i32
      scf.for %scan3A_117 = %scan3A_82 to %scan3A_84 step %scan3A_85  : i32 {
        %add3A_118 = arith.addi %mul3A_78, %scan3A_117 : i32
        %broadcast_in_dim3A_119 = vector.broadcast %add3A_118 : i32 to vector<16xi32>
        %gather3A = tpu.vector_load_idx %arg5[%broadcast_in_dim3A_119] : memref<3072xf32, #tpu.memory_space<vmem>>[vector<16xi32>], vector<16xf32>,
        %add3A_120 = arith.constant 1024 : i32
        %add3A_121 = vector.broadcast %add3A_120 : i32 to vector<16xi32>
        %add3A_122 = arith.addi %broadcast_in_dim3A_119, %add3A_121 : vector<16xi32>
        %gather3A_123 = tpu.vector_load_idx %arg5[%add3A_122] : memref<3072xf32, #tpu.memory_space<vmem>>[vector<16xi32>], vector<16xf32>,
        %add3A_124 = arith.constant 2048 : i32
        %add3A_125 = vector.broadcast %add3A_124 : i32 to vector<16xi32>
        %add3A_126 = arith.addi %broadcast_in_dim3A_119, %add3A_125 : vector<16xi32>
        %gather3A_127 = tpu.vector_load_idx %arg5[%add3A_126] : memref<3072xf32, #tpu.memory_space<vmem>>[vector<16xi32>], vector<16xf32>,
        %mul3A_128 = arith.constant 2064 : i32
        %mul3A_129 = arith.muli %scan3A_117, %mul3A_128 : i32
        %mul3A_130 = vector.broadcast %convert_element_type3A : f32 to vector<16xf32>
        %mul3A_131 = arith.mulf %mul3A_130, %gather3A_123 : vector<16xf32>
        %add3A_132 = arith.addf %gather3A, %mul3A_131 : vector<16xf32>
        %parallel_loop3A = arith.constant 0 : i32
        %parallel_loop3A_133 = arith.constant 12 : i32
        %parallel_loop3A_134 = arith.constant 1 : i32
        scf.for %parallel_loop3A_135 = %parallel_loop3A to %parallel_loop3A_133 step %parallel_loop3A_134  : i32 {
          %parallel_loop3A_136 = arith.sitofp %parallel_loop3A_135 : i32 to f32
          %parallel_loop3A_137 = vector.broadcast %parallel_loop3A_136 : f32 to vector<16xf32>
          %parallel_loop3A_138 = arith.mulf %parallel_loop3A_137, %gather3A_123 : vector<16xf32>
          %parallel_loop3A_139 = arith.addf %add3A_132, %parallel_loop3A_138 : vector<16xf32>
          %parallel_loop3A_140 = arith.constant 368 : i32
          %parallel_loop3A_141 = arith.muli %parallel_loop3A_135, %parallel_loop3A_140 : i32
          %parallel_loop3A_142 = arith.addi %select_n3A, %parallel_loop3A_141 : i32
          %parallel_loop3A_143 = arith.constant 0 : i32
          %parallel_loop3A_144 = arith.constant 23 : i32
          %parallel_loop3A_145 = arith.constant 1 : i32
          scf.for %parallel_loop3A_146 = %parallel_loop3A_143 to %parallel_loop3A_144 step %parallel_loop3A_145  : i32 {
            %parallel_loop3A_147 = arith.sitofp %parallel_loop3A_146 : i32 to f32
            %parallel_loop3A_148 = arith.constant 1.600000e+01 : f32
            %parallel_loop3A_149 = arith.mulf %parallel_loop3A_147, %parallel_loop3A_148 : f32
            %parallel_loop3A_150 = vector.broadcast %parallel_loop3A_149 : f32 to vector<16xf32>
            %parallel_loop3A_151 = arith.addf %convert_element_type3A_10, %parallel_loop3A_150 : vector<16xf32>
            %parallel_loop3A_152 = arith.mulf %gather3A_127, %parallel_loop3A_151 : vector<16xf32>
            %parallel_loop3A_153 = arith.addf %parallel_loop3A_139, %parallel_loop3A_152 : vector<16xf32>
            %parallel_loop3A_154 = arith.fptosi %parallel_loop3A_153 : vector<16xf32> to vector<16xi32>
            %parallel_loop3A_155 = arith.sitofp %parallel_loop3A_154 : vector<16xi32> to vector<16xf32>
            %parallel_loop3A_156 = arith.subf %parallel_loop3A_153, %parallel_loop3A_155 : vector<16xf32>
            %parallel_loop3A_157 = arith.constant 1.000000e+00 : f32
            %parallel_loop3A_158 = vector.broadcast %parallel_loop3A_157 : f32 to vector<16xf32>
            %parallel_loop3A_159 = arith.subf %parallel_loop3A_158, %parallel_loop3A_156 : vector<16xf32>
            %parallel_loop3A_160 = arith.constant 0 : i32
            %parallel_loop3A_161 = arith.constant 514 : i32
            %parallel_loop3A_162 = vector.broadcast %parallel_loop3A_160 : i32 to vector<16xi32>
            %parallel_loop3A_163 = arith.maxsi %parallel_loop3A_162, %parallel_loop3A_154 : vector<16xi32>
            %parallel_loop3A_164 = vector.broadcast %parallel_loop3A_161 : i32 to vector<16xi32>
            %parallel_loop3A_165 = arith.minsi %parallel_loop3A_164, %parallel_loop3A_163 : vector<16xi32>
            %parallel_loop3A_166 = vector.broadcast %mul3A_129 : i32 to vector<16xi32>
            %parallel_loop3A_167 = arith.addi %parallel_loop3A_165, %parallel_loop3A_166 : vector<16xi32>
            %parallel_loop3A_168 = arith.constant 0 : i32
            %parallel_loop3A_169 = vector.broadcast %parallel_loop3A_168 : i32 to vector<16xi32>
            %parallel_loop3A_170 = arith.addi %parallel_loop3A_167, %parallel_loop3A_169 : vector<16xi32>
            %parallel_loop3A_171 = tpu.vector_load_idx %arg6[%parallel_loop3A_170] : memref<20640xf32, #tpu.memory_space<vmem>>[vector<16xi32>], vector<16xf32>,
            %parallel_loop3A_172 = arith.constant 1 : i32
            %parallel_loop3A_173 = vector.broadcast %parallel_loop3A_172 : i32 to vector<16xi32>
            %parallel_loop3A_174 = arith.addi %parallel_loop3A_170, %parallel_loop3A_173 : vector<16xi32>
            %parallel_loop3A_175 = tpu.vector_load_idx %arg6[%parallel_loop3A_174] : memref<20640xf32, #tpu.memory_space<vmem>>[vector<16xi32>], vector<16xf32>,
            %parallel_loop3A_176 = arith.constant 0 : i32
            %parallel_loop3A_177 = arith.addi %parallel_loop3A_142, %parallel_loop3A_176 : i32
            %parallel_loop3A_178 = arith.constant 16 : i32
            %parallel_loop3A_179 = arith.muli %parallel_loop3A_146, %parallel_loop3A_178 : i32
            %parallel_loop3A_180 = arith.addi %parallel_loop3A_177, %parallel_loop3A_179 : i32
            %parallel_loop3A_181 = arith.mulf %parallel_loop3A_159, %parallel_loop3A_171 : vector<16xf32>
            %parallel_loop3A_182 = arith.mulf %parallel_loop3A_156, %parallel_loop3A_175 : vector<16xf32>
            %parallel_loop3A_183 = arith.addf %parallel_loop3A_181, %parallel_loop3A_182 : vector<16xf32>
            %parallel_loop3A_184 = arith.index_cast %parallel_loop3A_180 : i32 to index
            %parallel_loop3A_185 = tpu.vector_load %arg8[%parallel_loop3A_184] {strides = array<i32>} : memref<35328xf32, #tpu.memory_space<vmem>>, vector<16xf32>,
            tpu.vector_store %arg8[%parallel_loop3A_184], %parallel_loop3A_183 {add = true, strides = array<i32>} : memref<35328xf32, #tpu.memory_space<vmem>>, vector<16xf32>,
            %parallel_loop3A_186 = arith.constant 516 : i32
            %parallel_loop3A_187 = vector.broadcast %parallel_loop3A_186 : i32 to vector<16xi32>
            %parallel_loop3A_188 = arith.addi %parallel_loop3A_167, %parallel_loop3A_187 : vector<16xi32>
            %parallel_loop3A_189 = tpu.vector_load_idx %arg6[%parallel_loop3A_188] : memref<20640xf32, #tpu.memory_space<vmem>>[vector<16xi32>], vector<16xf32>,
            %parallel_loop3A_190 = arith.constant 1 : i32
            %parallel_loop3A_191 = vector.broadcast %parallel_loop3A_190 : i32 to vector<16xi32>
            %parallel_loop3A_192 = arith.addi %parallel_loop3A_188, %parallel_loop3A_191 : vector<16xi32>
            %parallel_loop3A_193 = tpu.vector_load_idx %arg6[%parallel_loop3A_192] : memref<20640xf32, #tpu.memory_space<vmem>>[vector<16xi32>], vector<16xf32>,
            %parallel_loop3A_194 = arith.constant 4416 : i32
            %parallel_loop3A_195 = arith.addi %parallel_loop3A_142, %parallel_loop3A_194 : i32
            %parallel_loop3A_196 = arith.constant 16 : i32
            %parallel_loop3A_197 = arith.muli %parallel_loop3A_146, %parallel_loop3A_196 : i32
            %parallel_loop3A_198 = arith.addi %parallel_loop3A_195, %parallel_loop3A_197 : i32
            %parallel_loop3A_199 = arith.mulf %parallel_loop3A_159, %parallel_loop3A_189 : vector<16xf32>
            %parallel_loop3A_200 = arith.mulf %parallel_loop3A_156, %parallel_loop3A_193 : vector<16xf32>
            %parallel_loop3A_201 = arith.addf %parallel_loop3A_199, %parallel_loop3A_200 : vector<16xf32>
            %parallel_loop3A_202 = arith.index_cast %parallel_loop3A_198 : i32 to index
            %parallel_loop3A_203 = tpu.vector_load %arg8[%parallel_loop3A_202] {strides = array<i32>} : memref<35328xf32, #tpu.memory_space<vmem>>, vector<16xf32>,
            tpu.vector_store %arg8[%parallel_loop3A_202], %parallel_loop3A_201 {add = true, strides = array<i32>} : memref<35328xf32, #tpu.memory_space<vmem>>, vector<16xf32>,
            %parallel_loop3A_204 = arith.constant 1032 : i32
            %parallel_loop3A_205 = vector.broadcast %parallel_loop3A_204 : i32 to vector<16xi32>
            %parallel_loop3A_206 = arith.addi %parallel_loop3A_167, %parallel_loop3A_205 : vector<16xi32>
            %parallel_loop3A_207 = tpu.vector_load_idx %arg6[%parallel_loop3A_206] : memref<20640xf32, #tpu.memory_space<vmem>>[vector<16xi32>], vector<16xf32>,
            %parallel_loop3A_208 = arith.constant 1 : i32
            %parallel_loop3A_209 = vector.broadcast %parallel_loop3A_208 : i32 to vector<16xi32>
            %parallel_loop3A_210 = arith.addi %parallel_loop3A_206, %parallel_loop3A_209 : vector<16xi32>
            %parallel_loop3A_211 = tpu.vector_load_idx %arg6[%parallel_loop3A_210] : memref<20640xf32, #tpu.memory_space<vmem>>[vector<16xi32>], vector<16xf32>,
            %parallel_loop3A_212 = arith.constant 8832 : i32
            %parallel_loop3A_213 = arith.addi %parallel_loop3A_142, %parallel_loop3A_212 : i32
            %parallel_loop3A_214 = arith.constant 16 : i32
            %parallel_loop3A_215 = arith.muli %parallel_loop3A_146, %parallel_loop3A_214 : i32
            %parallel_loop3A_216 = arith.addi %parallel_loop3A_213, %parallel_loop3A_215 : i32
            %parallel_loop3A_217 = arith.mulf %parallel_loop3A_159, %parallel_loop3A_207 : vector<16xf32>
            %parallel_loop3A_218 = arith.mulf %parallel_loop3A_156, %parallel_loop3A_211 : vector<16xf32>
            %parallel_loop3A_219 = arith.addf %parallel_loop3A_217, %parallel_loop3A_218 : vector<16xf32>
            %parallel_loop3A_220 = arith.index_cast %parallel_loop3A_216 : i32 to index
            %parallel_loop3A_221 = tpu.vector_load %arg8[%parallel_loop3A_220] {strides = array<i32>} : memref<35328xf32, #tpu.memory_space<vmem>>, vector<16xf32>,
            tpu.vector_store %arg8[%parallel_loop3A_220], %parallel_loop3A_219 {add = true, strides = array<i32>} : memref<35328xf32, #tpu.memory_space<vmem>>, vector<16xf32>,
            %parallel_loop3A_222 = arith.constant 1548 : i32
            %parallel_loop3A_223 = vector.broadcast %parallel_loop3A_222 : i32 to vector<16xi32>
            %parallel_loop3A_224 = arith.addi %parallel_loop3A_167, %parallel_loop3A_223 : vector<16xi32>
            %parallel_loop3A_225 = tpu.vector_load_idx %arg6[%parallel_loop3A_224] : memref<20640xf32, #tpu.memory_space<vmem>>[vector<16xi32>], vector<16xf32>,
            %parallel_loop3A_226 = arith.constant 1 : i32
            %parallel_loop3A_227 = vector.broadcast %parallel_loop3A_226 : i32 to vector<16xi32>
            %parallel_loop3A_228 = arith.addi %parallel_loop3A_224, %parallel_loop3A_227 : vector<16xi32>
            %parallel_loop3A_229 = tpu.vector_load_idx %arg6[%parallel_loop3A_228] : memref<20640xf32, #tpu.memory_space<vmem>>[vector<16xi32>], vector<16xf32>,
            %parallel_loop3A_230 = arith.constant 13248 : i32
            %parallel_loop3A_231 = arith.addi %parallel_loop3A_142, %parallel_loop3A_230 : i32
            %parallel_loop3A_232 = arith.constant 16 : i32
            %parallel_loop3A_233 = arith.muli %parallel_loop3A_146, %parallel_loop3A_232 : i32
            %parallel_loop3A_234 = arith.addi %parallel_loop3A_231, %parallel_loop3A_233 : i32
            %parallel_loop3A_235 = arith.mulf %parallel_loop3A_159, %parallel_loop3A_225 : vector<16xf32>
            %parallel_loop3A_236 = arith.mulf %parallel_loop3A_156, %parallel_loop3A_229 : vector<16xf32>
            %parallel_loop3A_237 = arith.addf %parallel_loop3A_235, %parallel_loop3A_236 : vector<16xf32>
            %parallel_loop3A_238 = arith.index_cast %parallel_loop3A_234 : i32 to index
            %parallel_loop3A_239 = tpu.vector_load %arg8[%parallel_loop3A_238] {strides = array<i32>} : memref<35328xf32, #tpu.memory_space<vmem>>, vector<16xf32>,
            tpu.vector_store %arg8[%parallel_loop3A_238], %parallel_loop3A_237 {add = true, strides = array<i32>} : memref<35328xf32, #tpu.memory_space<vmem>>, vector<16xf32>,
          } {sc.loop_unroll_factor = 2 : i64, sc.parallel_access}
        } {sc.loop_unroll_factor = 1 : i64, sc.parallel_access}
      }
      %scan3A_86 = arith.constant 10 : i32
      %mul3A_87 = arith.constant 2 : i32
      %mul3A_88 = arith.muli %mul3A_87, %scan3A_62 : i32
      %add3A_89 = arith.constant 2 : i32
      %add3A_90 = arith.addi %mul3A_88, %add3A_89 : i32
      %rem3A = arith.constant 100 : i32
      %rem3A_91 = arith.remsi %add3A_90, %rem3A : i32
      %mul3A_92 = arith.constant 20640 : i32
      %mul3A_93 = arith.muli %rem3A_91, %mul3A_92 : i32
      %dma_start3A_94 = tpu.memref_slice %arg2[%mul3A_93] : memref<2064000xf32, #tpu.memory_space<hbm>> -> memref<20640xf32, #tpu.memory_space<hbm>>
      %dma_start3A_95 = tpu.memref_slice %arg2[%mul3A_93] : memref<2064000xf32, #tpu.memory_space<hbm>> -> memref<20640xf32, #tpu.memory_space<hbm>>
      tpu.enqueue_dma source(%dma_start3A_95 : memref<20640xf32, #tpu.memory_space<hbm>>) target(%arg6 : memref<20640xf32, #tpu.memory_space<vmem>>) target_semaphore(%arg9 : memref<!tpu.dma_semaphore, #tpu.memory_space<semaphore_mem>>)
      %dma_wait3A_96 = arith.constant 0 : i32
      %dma_wait3A_97 = tpu.memref_slice %arg2[%dma_wait3A_96] : memref<2064000xf32, #tpu.memory_space<hbm>> -> memref<20640xf32, #tpu.memory_space<hbm>>
      %dma_wait3A_98 = arith.constant 0 : i32
      %dma_wait3A_99 = tpu.memref_slice %arg2[%dma_wait3A_98] : memref<2064000xf32, #tpu.memory_space<hbm>> -> memref<20640xf32, #tpu.memory_space<hbm>>
      tpu.wait_dma2 semaphore(%arg10 : memref<!tpu.dma_semaphore, #tpu.memory_space<semaphore_mem>>) src(%dma_wait3A_99 : memref<20640xf32, #tpu.memory_space<hbm>>) dst(%arg7 : memref<20640xf32, #tpu.memory_space<vmem>>)
      %mul3A_100 = arith.constant 2 : i32
      %mul3A_101 = arith.muli %mul3A_100, %scan3A_62 : i32
      %add3A_102 = arith.constant 1 : i32
      %add3A_103 = arith.addi %mul3A_101, %add3A_102 : i32
      %mul3A_104 = arith.constant 10 : i32
      %mul3A_105 = arith.muli %add3A_103, %mul3A_104 : i32
      %lt3A_106 = arith.constant 50 : i32
      %lt3A_107 = arith.cmpi slt, %add3A_103, %lt3A_106 : i32
      %jit3A_108 = arith.constant 0 : i32
      %jit3A_109 = arith.constant 17664 : i32
      %select_n3A_110 = arith.select %lt3A_107, %jit3A_108, %jit3A_109 : i32
      %scan3A_111 = arith.constant 0 : i32
      %scan3A_112 = arith.constant 0 : i32
      %scan3A_113 = arith.constant 10 : i32
      %scan3A_114 = arith.addi %scan3A_112, %scan3A_113 : i32
      %scan3A_115 = arith.constant 1 : i32
      scf.for %scan3A_117 = %scan3A_112 to %scan3A_114 step %scan3A_115  : i32 {
        %add3A_118 = arith.addi %mul3A_105, %scan3A_117 : i32
        %broadcast_in_dim3A_119 = vector.broadcast %add3A_118 : i32 to vector<16xi32>
        %gather3A = tpu.vector_load_idx %arg5[%broadcast_in_dim3A_119] : memref<3072xf32, #tpu.memory_space<vmem>>[vector<16xi32>], vector<16xf32>,
        %add3A_120 = arith.constant 1024 : i32
        %add3A_121 = vector.broadcast %add3A_120 : i32 to vector<16xi32>
        %add3A_122 = arith.addi %broadcast_in_dim3A_119, %add3A_121 : vector<16xi32>
        %gather3A_123 = tpu.vector_load_idx %arg5[%add3A_122] : memref<3072xf32, #tpu.memory_space<vmem>>[vector<16xi32>], vector<16xf32>,
        %add3A_124 = arith.constant 2048 : i32
        %add3A_125 = vector.broadcast %add3A_124 : i32 to vector<16xi32>
        %add3A_126 = arith.addi %broadcast_in_dim3A_119, %add3A_125 : vector<16xi32>
        %gather3A_127 = tpu.vector_load_idx %arg5[%add3A_126] : memref<3072xf32, #tpu.memory_space<vmem>>[vector<16xi32>], vector<16xf32>,
        %mul3A_128 = arith.constant 2064 : i32
        %mul3A_129 = arith.muli %scan3A_117, %mul3A_128 : i32
        %mul3A_130 = vector.broadcast %convert_element_type3A : f32 to vector<16xf32>
        %mul3A_131 = arith.mulf %mul3A_130, %gather3A_123 : vector<16xf32>
        %add3A_132 = arith.addf %gather3A, %mul3A_131 : vector<16xf32>
        %parallel_loop3A = arith.constant 0 : i32
        %parallel_loop3A_133 = arith.constant 12 : i32
        %parallel_loop3A_134 = arith.constant 1 : i32
        scf.for %parallel_loop3A_135 = %parallel_loop3A to %parallel_loop3A_133 step %parallel_loop3A_134  : i32 {
          %parallel_loop3A_136 = arith.sitofp %parallel_loop3A_135 : i32 to f32
          %parallel_loop3A_137 = vector.broadcast %parallel_loop3A_136 : f32 to vector<16xf32>
          %parallel_loop3A_138 = arith.mulf %parallel_loop3A_137, %gather3A_123 : vector<16xf32>
          %parallel_loop3A_139 = arith.addf %add3A_132, %parallel_loop3A_138 : vector<16xf32>
          %parallel_loop3A_140 = arith.constant 368 : i32
          %parallel_loop3A_141 = arith.muli %parallel_loop3A_135, %parallel_loop3A_140 : i32
          %parallel_loop3A_142 = arith.addi %select_n3A_110, %parallel_loop3A_141 : i32
          %parallel_loop3A_143 = arith.constant 0 : i32
          %parallel_loop3A_144 = arith.constant 23 : i32
          %parallel_loop3A_145 = arith.constant 1 : i32
          scf.for %parallel_loop3A_146 = %parallel_loop3A_143 to %parallel_loop3A_144 step %parallel_loop3A_145  : i32 {
            %parallel_loop3A_147 = arith.sitofp %parallel_loop3A_146 : i32 to f32
            %parallel_loop3A_148 = arith.constant 1.600000e+01 : f32
            %parallel_loop3A_149 = arith.mulf %parallel_loop3A_147, %parallel_loop3A_148 : f32
            %parallel_loop3A_150 = vector.broadcast %parallel_loop3A_149 : f32 to vector<16xf32>
            %parallel_loop3A_151 = arith.addf %convert_element_type3A_10, %parallel_loop3A_150 : vector<16xf32>
            %parallel_loop3A_152 = arith.mulf %gather3A_127, %parallel_loop3A_151 : vector<16xf32>
            %parallel_loop3A_153 = arith.addf %parallel_loop3A_139, %parallel_loop3A_152 : vector<16xf32>
            %parallel_loop3A_154 = arith.fptosi %parallel_loop3A_153 : vector<16xf32> to vector<16xi32>
            %parallel_loop3A_155 = arith.sitofp %parallel_loop3A_154 : vector<16xi32> to vector<16xf32>
            %parallel_loop3A_156 = arith.subf %parallel_loop3A_153, %parallel_loop3A_155 : vector<16xf32>
            %parallel_loop3A_157 = arith.constant 1.000000e+00 : f32
            %parallel_loop3A_158 = vector.broadcast %parallel_loop3A_157 : f32 to vector<16xf32>
            %parallel_loop3A_159 = arith.subf %parallel_loop3A_158, %parallel_loop3A_156 : vector<16xf32>
            %parallel_loop3A_160 = arith.constant 0 : i32
            %parallel_loop3A_161 = arith.constant 514 : i32
            %parallel_loop3A_162 = vector.broadcast %parallel_loop3A_160 : i32 to vector<16xi32>
            %parallel_loop3A_163 = arith.maxsi %parallel_loop3A_162, %parallel_loop3A_154 : vector<16xi32>
            %parallel_loop3A_164 = vector.broadcast %parallel_loop3A_161 : i32 to vector<16xi32>
            %parallel_loop3A_165 = arith.minsi %parallel_loop3A_164, %parallel_loop3A_163 : vector<16xi32>
            %parallel_loop3A_166 = vector.broadcast %mul3A_129 : i32 to vector<16xi32>
            %parallel_loop3A_167 = arith.addi %parallel_loop3A_165, %parallel_loop3A_166 : vector<16xi32>
            %parallel_loop3A_168 = arith.constant 0 : i32
            %parallel_loop3A_169 = vector.broadcast %parallel_loop3A_168 : i32 to vector<16xi32>
            %parallel_loop3A_170 = arith.addi %parallel_loop3A_167, %parallel_loop3A_169 : vector<16xi32>
            %parallel_loop3A_171 = tpu.vector_load_idx %arg7[%parallel_loop3A_170] : memref<20640xf32, #tpu.memory_space<vmem>>[vector<16xi32>], vector<16xf32>,
            %parallel_loop3A_172 = arith.constant 1 : i32
            %parallel_loop3A_173 = vector.broadcast %parallel_loop3A_172 : i32 to vector<16xi32>
            %parallel_loop3A_174 = arith.addi %parallel_loop3A_170, %parallel_loop3A_173 : vector<16xi32>
            %parallel_loop3A_175 = tpu.vector_load_idx %arg7[%parallel_loop3A_174] : memref<20640xf32, #tpu.memory_space<vmem>>[vector<16xi32>], vector<16xf32>,
            %parallel_loop3A_176 = arith.constant 0 : i32
            %parallel_loop3A_177 = arith.addi %parallel_loop3A_142, %parallel_loop3A_176 : i32
            %parallel_loop3A_178 = arith.constant 16 : i32
            %parallel_loop3A_179 = arith.muli %parallel_loop3A_146, %parallel_loop3A_178 : i32
            %parallel_loop3A_180 = arith.addi %parallel_loop3A_177, %parallel_loop3A_179 : i32
            %parallel_loop3A_181 = arith.mulf %parallel_loop3A_159, %parallel_loop3A_171 : vector<16xf32>
            %parallel_loop3A_182 = arith.mulf %parallel_loop3A_156, %parallel_loop3A_175 : vector<16xf32>
            %parallel_loop3A_183 = arith.addf %parallel_loop3A_181, %parallel_loop3A_182 : vector<16xf32>
            %parallel_loop3A_184 = arith.index_cast %parallel_loop3A_180 : i32 to index
            %parallel_loop3A_185 = tpu.vector_load %arg8[%parallel_loop3A_184] {strides = array<i32>} : memref<35328xf32, #tpu.memory_space<vmem>>, vector<16xf32>,
            tpu.vector_store %arg8[%parallel_loop3A_184], %parallel_loop3A_183 {add = true, strides = array<i32>} : memref<35328xf32, #tpu.memory_space<vmem>>, vector<16xf32>,
            %parallel_loop3A_186 = arith.constant 516 : i32
            %parallel_loop3A_187 = vector.broadcast %parallel_loop3A_186 : i32 to vector<16xi32>
            %parallel_loop3A_188 = arith.addi %parallel_loop3A_167, %parallel_loop3A_187 : vector<16xi32>
            %parallel_loop3A_189 = tpu.vector_load_idx %arg7[%parallel_loop3A_188] : memref<20640xf32, #tpu.memory_space<vmem>>[vector<16xi32>], vector<16xf32>,
            %parallel_loop3A_190 = arith.constant 1 : i32
            %parallel_loop3A_191 = vector.broadcast %parallel_loop3A_190 : i32 to vector<16xi32>
            %parallel_loop3A_192 = arith.addi %parallel_loop3A_188, %parallel_loop3A_191 : vector<16xi32>
            %parallel_loop3A_193 = tpu.vector_load_idx %arg7[%parallel_loop3A_192] : memref<20640xf32, #tpu.memory_space<vmem>>[vector<16xi32>], vector<16xf32>,
            %parallel_loop3A_194 = arith.constant 4416 : i32
            %parallel_loop3A_195 = arith.addi %parallel_loop3A_142, %parallel_loop3A_194 : i32
            %parallel_loop3A_196 = arith.constant 16 : i32
            %parallel_loop3A_197 = arith.muli %parallel_loop3A_146, %parallel_loop3A_196 : i32
            %parallel_loop3A_198 = arith.addi %parallel_loop3A_195, %parallel_loop3A_197 : i32
            %parallel_loop3A_199 = arith.mulf %parallel_loop3A_159, %parallel_loop3A_189 : vector<16xf32>
            %parallel_loop3A_200 = arith.mulf %parallel_loop3A_156, %parallel_loop3A_193 : vector<16xf32>
            %parallel_loop3A_201 = arith.addf %parallel_loop3A_199, %parallel_loop3A_200 : vector<16xf32>
            %parallel_loop3A_202 = arith.index_cast %parallel_loop3A_198 : i32 to index
            %parallel_loop3A_203 = tpu.vector_load %arg8[%parallel_loop3A_202] {strides = array<i32>} : memref<35328xf32, #tpu.memory_space<vmem>>, vector<16xf32>,
            tpu.vector_store %arg8[%parallel_loop3A_202], %parallel_loop3A_201 {add = true, strides = array<i32>} : memref<35328xf32, #tpu.memory_space<vmem>>, vector<16xf32>,
            %parallel_loop3A_204 = arith.constant 1032 : i32
            %parallel_loop3A_205 = vector.broadcast %parallel_loop3A_204 : i32 to vector<16xi32>
            %parallel_loop3A_206 = arith.addi %parallel_loop3A_167, %parallel_loop3A_205 : vector<16xi32>
            %parallel_loop3A_207 = tpu.vector_load_idx %arg7[%parallel_loop3A_206] : memref<20640xf32, #tpu.memory_space<vmem>>[vector<16xi32>], vector<16xf32>,
            %parallel_loop3A_208 = arith.constant 1 : i32
            %parallel_loop3A_209 = vector.broadcast %parallel_loop3A_208 : i32 to vector<16xi32>
            %parallel_loop3A_210 = arith.addi %parallel_loop3A_206, %parallel_loop3A_209 : vector<16xi32>
            %parallel_loop3A_211 = tpu.vector_load_idx %arg7[%parallel_loop3A_210] : memref<20640xf32, #tpu.memory_space<vmem>>[vector<16xi32>], vector<16xf32>,
            %parallel_loop3A_212 = arith.constant 8832 : i32
            %parallel_loop3A_213 = arith.addi %parallel_loop3A_142, %parallel_loop3A_212 : i32
            %parallel_loop3A_214 = arith.constant 16 : i32
            %parallel_loop3A_215 = arith.muli %parallel_loop3A_146, %parallel_loop3A_214 : i32
            %parallel_loop3A_216 = arith.addi %parallel_loop3A_213, %parallel_loop3A_215 : i32
            %parallel_loop3A_217 = arith.mulf %parallel_loop3A_159, %parallel_loop3A_207 : vector<16xf32>
            %parallel_loop3A_218 = arith.mulf %parallel_loop3A_156, %parallel_loop3A_211 : vector<16xf32>
            %parallel_loop3A_219 = arith.addf %parallel_loop3A_217, %parallel_loop3A_218 : vector<16xf32>
            %parallel_loop3A_220 = arith.index_cast %parallel_loop3A_216 : i32 to index
            %parallel_loop3A_221 = tpu.vector_load %arg8[%parallel_loop3A_220] {strides = array<i32>} : memref<35328xf32, #tpu.memory_space<vmem>>, vector<16xf32>,
            tpu.vector_store %arg8[%parallel_loop3A_220], %parallel_loop3A_219 {add = true, strides = array<i32>} : memref<35328xf32, #tpu.memory_space<vmem>>, vector<16xf32>,
            %parallel_loop3A_222 = arith.constant 1548 : i32
            %parallel_loop3A_223 = vector.broadcast %parallel_loop3A_222 : i32 to vector<16xi32>
            %parallel_loop3A_224 = arith.addi %parallel_loop3A_167, %parallel_loop3A_223 : vector<16xi32>
            %parallel_loop3A_225 = tpu.vector_load_idx %arg7[%parallel_loop3A_224] : memref<20640xf32, #tpu.memory_space<vmem>>[vector<16xi32>], vector<16xf32>,
            %parallel_loop3A_226 = arith.constant 1 : i32
            %parallel_loop3A_227 = vector.broadcast %parallel_loop3A_226 : i32 to vector<16xi32>
            %parallel_loop3A_228 = arith.addi %parallel_loop3A_224, %parallel_loop3A_227 : vector<16xi32>
            %parallel_loop3A_229 = tpu.vector_load_idx %arg7[%parallel_loop3A_228] : memref<20640xf32, #tpu.memory_space<vmem>>[vector<16xi32>], vector<16xf32>,
            %parallel_loop3A_230 = arith.constant 13248 : i32
            %parallel_loop3A_231 = arith.addi %parallel_loop3A_142, %parallel_loop3A_230 : i32
            %parallel_loop3A_232 = arith.constant 16 : i32
            %parallel_loop3A_233 = arith.muli %parallel_loop3A_146, %parallel_loop3A_232 : i32
            %parallel_loop3A_234 = arith.addi %parallel_loop3A_231, %parallel_loop3A_233 : i32
            %parallel_loop3A_235 = arith.mulf %parallel_loop3A_159, %parallel_loop3A_225 : vector<16xf32>
            %parallel_loop3A_236 = arith.mulf %parallel_loop3A_156, %parallel_loop3A_229 : vector<16xf32>
            %parallel_loop3A_237 = arith.addf %parallel_loop3A_235, %parallel_loop3A_236 : vector<16xf32>
            %parallel_loop3A_238 = arith.index_cast %parallel_loop3A_234 : i32 to index
            %parallel_loop3A_239 = tpu.vector_load %arg8[%parallel_loop3A_238] {strides = array<i32>} : memref<35328xf32, #tpu.memory_space<vmem>>, vector<16xf32>,
            tpu.vector_store %arg8[%parallel_loop3A_238], %parallel_loop3A_237 {add = true, strides = array<i32>} : memref<35328xf32, #tpu.memory_space<vmem>>, vector<16xf32>,
          } {sc.loop_unroll_factor = 2 : i64, sc.parallel_access}
        } {sc.loop_unroll_factor = 1 : i64, sc.parallel_access}
      }
      %scan3A_116 = arith.constant 10 : i32
    }
    %scan3A_19 = arith.constant 50 : i32
    %dma_wait3A = arith.constant 0 : i32
    %dma_wait3A_20 = tpu.memref_slice %arg2[%dma_wait3A] : memref<2064000xf32, #tpu.memory_space<hbm>> -> memref<20640xf32, #tpu.memory_space<hbm>>
    %dma_wait3A_21 = arith.constant 0 : i32
    %dma_wait3A_22 = tpu.memref_slice %arg2[%dma_wait3A_21] : memref<2064000xf32, #tpu.memory_space<hbm>> -> memref<20640xf32, #tpu.memory_space<hbm>>
    tpu.wait_dma2 semaphore(%arg9 : memref<!tpu.dma_semaphore, #tpu.memory_space<semaphore_mem>>) src(%dma_wait3A_22 : memref<20640xf32, #tpu.memory_space<hbm>>) dst(%arg6 : memref<20640xf32, #tpu.memory_space<vmem>>)
    %scan3A_23 = arith.constant 0 : i32
    %scan3A_24 = arith.constant 0.00314159272 : f32
    %scan3A_25 = arith.constant 0 : i32
    %scan3A_26 = arith.constant 12 : i32
    %scan3A_27 = arith.addi %scan3A_25, %scan3A_26 : i32
    %scan3A_28 = arith.constant 1 : i32
    scf.for %scan3A_62 = %scan3A_25 to %scan3A_27 step %scan3A_28  : i32 {
      %add3A_63 = arith.constant 0 : i32
      %add3A_64 = arith.addi %add3A_63, %scan3A_62 : i32
      %mul3A_65 = arith.constant 368 : i32
      %mul3A_66 = arith.muli %add3A_64, %mul3A_65 : i32
      %add3A_67 = arith.constant 0 : i32
      %add3A_68 = arith.addi %mul3A_66, %add3A_67 : i32
      %get3A = arith.index_cast %add3A_68 : i32 to index
      %get3A_69 = tpu.vector_load %arg8[%get3A] {strides = array<i32>} : memref<35328xf32, #tpu.memory_space<vmem>>, vector<16xf32>,
      %mul3A_70 = vector.broadcast %scan3A_24 : f32 to vector<16xf32>
      %mul3A_71 = arith.mulf %get3A_69, %mul3A_70 : vector<16xf32>
      %swap3A = arith.index_cast %add3A_68 : i32 to index
      %swap3A_72 = tpu.vector_load %arg8[%swap3A] {strides = array<i32>} : memref<35328xf32, #tpu.memory_space<vmem>>, vector<16xf32>,
      tpu.vector_store %arg8[%swap3A], %mul3A_71 {strides = array<i32>} : memref<35328xf32, #tpu.memory_space<vmem>>, vector<16xf32>,
      %add3A_73 = arith.constant 0 : i32
      %add3A_74 = arith.addi %add3A_73, %scan3A_62 : i32
      %mul3A_75 = arith.constant 368 : i32
      %mul3A_76 = arith.muli %add3A_74, %mul3A_75 : i32
      %add3A_77 = arith.constant 16 : i32
      %add3A_78 = arith.addi %mul3A_76, %add3A_77 : i32
      %get3A_79 = arith.index_cast %add3A_78 : i32 to index
      %get3A_80 = tpu.vector_load %arg8[%get3A_79] {strides = array<i32>} : memref<35328xf32, #tpu.memory_space<vmem>>, vector<16xf32>,
      %mul3A_81 = vector.broadcast %scan3A_24 : f32 to vector<16xf32>
      %mul3A_82 = arith.mulf %get3A_80, %mul3A_81 : vector<16xf32>
      %swap3A_83 = arith.index_cast %add3A_78 : i32 to index
      %swap3A_84 = tpu.vector_load %arg8[%swap3A_83] {strides = array<i32>} : memref<35328xf32, #tpu.memory_space<vmem>>, vector<16xf32>,
      tpu.vector_store %arg8[%swap3A_83], %mul3A_82 {strides = array<i32>} : memref<35328xf32, #tpu.memory_space<vmem>>, vector<16xf32>,
      %add3A_85 = arith.constant 0 : i32
      %add3A_86 = arith.addi %add3A_85, %scan3A_62 : i32
      %mul3A_87 = arith.constant 368 : i32
      %mul3A_88 = arith.muli %add3A_86, %mul3A_87 : i32
      %add3A_89 = arith.constant 32 : i32
      %add3A_90 = arith.addi %mul3A_88, %add3A_89 : i32
      %get3A_91 = arith.index_cast %add3A_90 : i32 to index
      %get3A_92 = tpu.vector_load %arg8[%get3A_91] {strides = array<i32>} : memref<35328xf32, #tpu.memory_space<vmem>>, vector<16xf32>,
      %mul3A_93 = vector.broadcast %scan3A_24 : f32 to vector<16xf32>
      %mul3A_94 = arith.mulf %get3A_92, %mul3A_93 : vector<16xf32>
      %swap3A_95 = arith.index_cast %add3A_90 : i32 to index
      %swap3A_96 = tpu.vector_load %arg8[%swap3A_95] {strides = array<i32>} : memref<35328xf32, #tpu.memory_space<vmem>>, vector<16xf32>,
      tpu.vector_store %arg8[%swap3A_95], %mul3A_94 {strides = array<i32>} : memref<35328xf32, #tpu.memory_space<vmem>>, vector<16xf32>,
      %add3A_97 = arith.constant 0 : i32
      %add3A_98 = arith.addi %add3A_97, %scan3A_62 : i32
      %mul3A_99 = arith.constant 368 : i32
      %mul3A_100 = arith.muli %add3A_98, %mul3A_99 : i32
      %add3A_101 = arith.constant 48 : i32
      %add3A_102 = arith.addi %mul3A_100, %add3A_101 : i32
      %get3A_103 = arith.index_cast %add3A_102 : i32 to index
      %get3A_104 = tpu.vector_load %arg8[%get3A_103] {strides = array<i32>} : memref<35328xf32, #tpu.memory_space<vmem>>, vector<16xf32>,
      %mul3A_105 = vector.broadcast %scan3A_24 : f32 to vector<16xf32>
      %mul3A_106 = arith.mulf %get3A_104, %mul3A_105 : vector<16xf32>
      %swap3A_107 = arith.index_cast %add3A_102 : i32 to index
      %swap3A_108 = tpu.vector_load %arg8[%swap3A_107] {strides = array<i32>} : memref<35328xf32, #tpu.memory_space<vmem>>, vector<16xf32>,
      tpu.vector_store %arg8[%swap3A_107], %mul3A_106 {strides = array<i32>} : memref<35328xf32, #tpu.memory_space<vmem>>, vector<16xf32>,
      %add3A_109 = arith.constant 0 : i32
      %add3A_110 = arith.addi %add3A_109, %scan3A_62 : i32
      %mul3A_111 = arith.constant 368 : i32
      %mul3A_112 = arith.muli %add3A_110, %mul3A_111 : i32
      %add3A_113 = arith.constant 64 : i32
      %add3A_114 = arith.addi %mul3A_112, %add3A_113 : i32
      %get3A_115 = arith.index_cast %add3A_114 : i32 to index
      %get3A_116 = tpu.vector_load %arg8[%get3A_115] {strides = array<i32>} : memref<35328xf32, #tpu.memory_space<vmem>>, vector<16xf32>,
      %mul3A_117 = vector.broadcast %scan3A_24 : f32 to vector<16xf32>
      %mul3A_118 = arith.mulf %get3A_116, %mul3A_117 : vector<16xf32>
      %swap3A_119 = arith.index_cast %add3A_114 : i32 to index
      %swap3A_120 = tpu.vector_load %arg8[%swap3A_119] {strides = array<i32>} : memref<35328xf32, #tpu.memory_space<vmem>>, vector<16xf32>,
      tpu.vector_store %arg8[%swap3A_119], %mul3A_118 {strides = array<i32>} : memref<35328xf32, #tpu.memory_space<vmem>>, vector<16xf32>,
      %add3A_121 = arith.constant 0 : i32
      %add3A_122 = arith.addi %add3A_121, %scan3A_62 : i32
      %mul3A_123 = arith.constant 368 : i32
      %mul3A_124 = arith.muli %add3A_122, %mul3A_123 : i32
      %add3A_125 = arith.constant 80 : i32
      %add3A_126 = arith.addi %mul3A_124, %add3A_125 : i32
      %get3A_127 = arith.index_cast %add3A_126 : i32 to index
      %get3A_128 = tpu.vector_load %arg8[%get3A_127] {strides = array<i32>} : memref<35328xf32, #tpu.memory_space<vmem>>, vector<16xf32>,
      %mul3A_129 = vector.broadcast %scan3A_24 : f32 to vector<16xf32>
      %mul3A_130 = arith.mulf %get3A_128, %mul3A_129 : vector<16xf32>
      %swap3A_131 = arith.index_cast %add3A_126 : i32 to index
      %swap3A_132 = tpu.vector_load %arg8[%swap3A_131] {strides = array<i32>} : memref<35328xf32, #tpu.memory_space<vmem>>, vector<16xf32>,
      tpu.vector_store %arg8[%swap3A_131], %mul3A_130 {strides = array<i32>} : memref<35328xf32, #tpu.memory_space<vmem>>, vector<16xf32>,
      %add3A_133 = arith.constant 0 : i32
      %add3A_134 = arith.addi %add3A_133, %scan3A_62 : i32
      %mul3A_135 = arith.constant 368 : i32
      %mul3A_136 = arith.muli %add3A_134, %mul3A_135 : i32
      %add3A_137 = arith.constant 96 : i32
      %add3A_138 = arith.addi %mul3A_136, %add3A_137 : i32
      %get3A_139 = arith.index_cast %add3A_138 : i32 to index
      %get3A_140 = tpu.vector_load %arg8[%get3A_139] {strides = array<i32>} : memref<35328xf32, #tpu.memory_space<vmem>>, vector<16xf32>,
      %mul3A_141 = vector.broadcast %scan3A_24 : f32 to vector<16xf32>
      %mul3A_142 = arith.mulf %get3A_140, %mul3A_141 : vector<16xf32>
      %swap3A_143 = arith.index_cast %add3A_138 : i32 to index
      %swap3A_144 = tpu.vector_load %arg8[%swap3A_143] {strides = array<i32>} : memref<35328xf32, #tpu.memory_space<vmem>>, vector<16xf32>,
      tpu.vector_store %arg8[%swap3A_143], %mul3A_142 {strides = array<i32>} : memref<35328xf32, #tpu.memory_space<vmem>>, vector<16xf32>,
      %add3A_145 = arith.constant 0 : i32
      %add3A_146 = arith.addi %add3A_145, %scan3A_62 : i32
      %mul3A_147 = arith.constant 368 : i32
      %mul3A_148 = arith.muli %add3A_146, %mul3A_147 : i32
      %add3A_149 = arith.constant 112 : i32
      %add3A_150 = arith.addi %mul3A_148, %add3A_149 : i32
      %get3A_151 = arith.index_cast %add3A_150 : i32 to index
      %get3A_152 = tpu.vector_load %arg8[%get3A_151] {strides = array<i32>} : memref<35328xf32, #tpu.memory_space<vmem>>, vector<16xf32>,
      %mul3A_153 = vector.broadcast %scan3A_24 : f32 to vector<16xf32>
      %mul3A_154 = arith.mulf %get3A_152, %mul3A_153 : vector<16xf32>
      %swap3A_155 = arith.index_cast %add3A_150 : i32 to index
      %swap3A_156 = tpu.vector_load %arg8[%swap3A_155] {strides = array<i32>} : memref<35328xf32, #tpu.memory_space<vmem>>, vector<16xf32>,
      tpu.vector_store %arg8[%swap3A_155], %mul3A_154 {strides = array<i32>} : memref<35328xf32, #tpu.memory_space<vmem>>, vector<16xf32>,
      %add3A_157 = arith.constant 0 : i32
      %add3A_158 = arith.addi %add3A_157, %scan3A_62 : i32
      %mul3A_159 = arith.constant 368 : i32
      %mul3A_160 = arith.muli %add3A_158, %mul3A_159 : i32
      %add3A_161 = arith.constant 128 : i32
      %add3A_162 = arith.addi %mul3A_160, %add3A_161 : i32
      %get3A_163 = arith.index_cast %add3A_162 : i32 to index
      %get3A_164 = tpu.vector_load %arg8[%get3A_163] {strides = array<i32>} : memref<35328xf32, #tpu.memory_space<vmem>>, vector<16xf32>,
      %mul3A_165 = vector.broadcast %scan3A_24 : f32 to vector<16xf32>
      %mul3A_166 = arith.mulf %get3A_164, %mul3A_165 : vector<16xf32>
      %swap3A_167 = arith.index_cast %add3A_162 : i32 to index
      %swap3A_168 = tpu.vector_load %arg8[%swap3A_167] {strides = array<i32>} : memref<35328xf32, #tpu.memory_space<vmem>>, vector<16xf32>,
      tpu.vector_store %arg8[%swap3A_167], %mul3A_166 {strides = array<i32>} : memref<35328xf32, #tpu.memory_space<vmem>>, vector<16xf32>,
      %add3A_169 = arith.constant 0 : i32
      %add3A_170 = arith.addi %add3A_169, %scan3A_62 : i32
      %mul3A_171 = arith.constant 368 : i32
      %mul3A_172 = arith.muli %add3A_170, %mul3A_171 : i32
      %add3A_173 = arith.constant 144 : i32
      %add3A_174 = arith.addi %mul3A_172, %add3A_173 : i32
      %get3A_175 = arith.index_cast %add3A_174 : i32 to index
      %get3A_176 = tpu.vector_load %arg8[%get3A_175] {strides = array<i32>} : memref<35328xf32, #tpu.memory_space<vmem>>, vector<16xf32>,
      %mul3A_177 = vector.broadcast %scan3A_24 : f32 to vector<16xf32>
      %mul3A_178 = arith.mulf %get3A_176, %mul3A_177 : vector<16xf32>
      %swap3A_179 = arith.index_cast %add3A_174 : i32 to index
      %swap3A_180 = tpu.vector_load %arg8[%swap3A_179] {strides = array<i32>} : memref<35328xf32, #tpu.memory_space<vmem>>, vector<16xf32>,
      tpu.vector_store %arg8[%swap3A_179], %mul3A_178 {strides = array<i32>} : memref<35328xf32, #tpu.memory_space<vmem>>, vector<16xf32>,
      %add3A_181 = arith.constant 0 : i32
      %add3A_182 = arith.addi %add3A_181, %scan3A_62 : i32
      %mul3A_183 = arith.constant 368 : i32
      %mul3A_184 = arith.muli %add3A_182, %mul3A_183 : i32
      %add3A_185 = arith.constant 160 : i32
      %add3A_186 = arith.addi %mul3A_184, %add3A_185 : i32
      %get3A_187 = arith.index_cast %add3A_186 : i32 to index
      %get3A_188 = tpu.vector_load %arg8[%get3A_187] {strides = array<i32>} : memref<35328xf32, #tpu.memory_space<vmem>>, vector<16xf32>,
      %mul3A_189 = vector.broadcast %scan3A_24 : f32 to vector<16xf32>
      %mul3A_190 = arith.mulf %get3A_188, %mul3A_189 : vector<16xf32>
      %swap3A_191 = arith.index_cast %add3A_186 : i32 to index
      %swap3A_192 = tpu.vector_load %arg8[%swap3A_191] {strides = array<i32>} : memref<35328xf32, #tpu.memory_space<vmem>>, vector<16xf32>,
      tpu.vector_store %arg8[%swap3A_191], %mul3A_190 {strides = array<i32>} : memref<35328xf32, #tpu.memory_space<vmem>>, vector<16xf32>,
      %add3A_193 = arith.constant 0 : i32
      %add3A_194 = arith.addi %add3A_193, %scan3A_62 : i32
      %mul3A_195 = arith.constant 368 : i32
      %mul3A_196 = arith.muli %add3A_194, %mul3A_195 : i32
      %add3A_197 = arith.constant 176 : i32
      %add3A_198 = arith.addi %mul3A_196, %add3A_197 : i32
      %get3A_199 = arith.index_cast %add3A_198 : i32 to index
      %get3A_200 = tpu.vector_load %arg8[%get3A_199] {strides = array<i32>} : memref<35328xf32, #tpu.memory_space<vmem>>, vector<16xf32>,
      %mul3A_201 = vector.broadcast %scan3A_24 : f32 to vector<16xf32>
      %mul3A_202 = arith.mulf %get3A_200, %mul3A_201 : vector<16xf32>
      %swap3A_203 = arith.index_cast %add3A_198 : i32 to index
      %swap3A_204 = tpu.vector_load %arg8[%swap3A_203] {strides = array<i32>} : memref<35328xf32, #tpu.memory_space<vmem>>, vector<16xf32>,
      tpu.vector_store %arg8[%swap3A_203], %mul3A_202 {strides = array<i32>} : memref<35328xf32, #tpu.memory_space<vmem>>, vector<16xf32>,
      %add3A_205 = arith.constant 0 : i32
      %add3A_206 = arith.addi %add3A_205, %scan3A_62 : i32
      %mul3A_207 = arith.constant 368 : i32
      %mul3A_208 = arith.muli %add3A_206, %mul3A_207 : i32
      %add3A_209 = arith.constant 192 : i32
      %add3A_210 = arith.addi %mul3A_208, %add3A_209 : i32
      %get3A_211 = arith.index_cast %add3A_210 : i32 to index
      %get3A_212 = tpu.vector_load %arg8[%get3A_211] {strides = array<i32>} : memref<35328xf32, #tpu.memory_space<vmem>>, vector<16xf32>,
      %mul3A_213 = vector.broadcast %scan3A_24 : f32 to vector<16xf32>
      %mul3A_214 = arith.mulf %get3A_212, %mul3A_213 : vector<16xf32>
      %swap3A_215 = arith.index_cast %add3A_210 : i32 to index
      %swap3A_216 = tpu.vector_load %arg8[%swap3A_215] {strides = array<i32>} : memref<35328xf32, #tpu.memory_space<vmem>>, vector<16xf32>,
      tpu.vector_store %arg8[%swap3A_215], %mul3A_214 {strides = array<i32>} : memref<35328xf32, #tpu.memory_space<vmem>>, vector<16xf32>,
      %add3A_217 = arith.constant 0 : i32
      %add3A_218 = arith.addi %add3A_217, %scan3A_62 : i32
      %mul3A_219 = arith.constant 368 : i32
      %mul3A_220 = arith.muli %add3A_218, %mul3A_219 : i32
      %add3A_221 = arith.constant 208 : i32
      %add3A_222 = arith.addi %mul3A_220, %add3A_221 : i32
      %get3A_223 = arith.index_cast %add3A_222 : i32 to index
      %get3A_224 = tpu.vector_load %arg8[%get3A_223] {strides = array<i32>} : memref<35328xf32, #tpu.memory_space<vmem>>, vector<16xf32>,
      %mul3A_225 = vector.broadcast %scan3A_24 : f32 to vector<16xf32>
      %mul3A_226 = arith.mulf %get3A_224, %mul3A_225 : vector<16xf32>
      %swap3A_227 = arith.index_cast %add3A_222 : i32 to index
      %swap3A_228 = tpu.vector_load %arg8[%swap3A_227] {strides = array<i32>} : memref<35328xf32, #tpu.memory_space<vmem>>, vector<16xf32>,
      tpu.vector_store %arg8[%swap3A_227], %mul3A_226 {strides = array<i32>} : memref<35328xf32, #tpu.memory_space<vmem>>, vector<16xf32>,
      %add3A_229 = arith.constant 0 : i32
      %add3A_230 = arith.addi %add3A_229, %scan3A_62 : i32
      %mul3A_231 = arith.constant 368 : i32
      %mul3A_232 = arith.muli %add3A_230, %mul3A_231 : i32
      %add3A_233 = arith.constant 224 : i32
      %add3A_234 = arith.addi %mul3A_232, %add3A_233 : i32
      %get3A_235 = arith.index_cast %add3A_234 : i32 to index
      %get3A_236 = tpu.vector_load %arg8[%get3A_235] {strides = array<i32>} : memref<35328xf32, #tpu.memory_space<vmem>>, vector<16xf32>,
      %mul3A_237 = vector.broadcast %scan3A_24 : f32 to vector<16xf32>
      %mul3A_238 = arith.mulf %get3A_236, %mul3A_237 : vector<16xf32>
      %swap3A_239 = arith.index_cast %add3A_234 : i32 to index
      %swap3A_240 = tpu.vector_load %arg8[%swap3A_239] {strides = array<i32>} : memref<35328xf32, #tpu.memory_space<vmem>>, vector<16xf32>,
      tpu.vector_store %arg8[%swap3A_239], %mul3A_238 {strides = array<i32>} : memref<35328xf32, #tpu.memory_space<vmem>>, vector<16xf32>,
      %add3A_241 = arith.constant 0 : i32
      %add3A_242 = arith.addi %add3A_241, %scan3A_62 : i32
      %mul3A_243 = arith.constant 368 : i32
      %mul3A_244 = arith.muli %add3A_242, %mul3A_243 : i32
      %add3A_245 = arith.constant 240 : i32
      %add3A_246 = arith.addi %mul3A_244, %add3A_245 : i32
      %get3A_247 = arith.index_cast %add3A_246 : i32 to index
      %get3A_248 = tpu.vector_load %arg8[%get3A_247] {strides = array<i32>} : memref<35328xf32, #tpu.memory_space<vmem>>, vector<16xf32>,
      %mul3A_249 = vector.broadcast %scan3A_24 : f32 to vector<16xf32>
      %mul3A_250 = arith.mulf %get3A_248, %mul3A_249 : vector<16xf32>
      %swap3A_251 = arith.index_cast %add3A_246 : i32 to index
      %swap3A_252 = tpu.vector_load %arg8[%swap3A_251] {strides = array<i32>} : memref<35328xf32, #tpu.memory_space<vmem>>, vector<16xf32>,
      tpu.vector_store %arg8[%swap3A_251], %mul3A_250 {strides = array<i32>} : memref<35328xf32, #tpu.memory_space<vmem>>, vector<16xf32>,
      %add3A_253 = arith.constant 0 : i32
      %add3A_254 = arith.addi %add3A_253, %scan3A_62 : i32
      %mul3A_255 = arith.constant 368 : i32
      %mul3A_256 = arith.muli %add3A_254, %mul3A_255 : i32
      %add3A_257 = arith.constant 256 : i32
      %add3A_258 = arith.addi %mul3A_256, %add3A_257 : i32
      %get3A_259 = arith.index_cast %add3A_258 : i32 to index
      %get3A_260 = tpu.vector_load %arg8[%get3A_259] {strides = array<i32>} : memref<35328xf32, #tpu.memory_space<vmem>>, vector<16xf32>,
      %mul3A_261 = vector.broadcast %scan3A_24 : f32 to vector<16xf32>
      %mul3A_262 = arith.mulf %get3A_260, %mul3A_261 : vector<16xf32>
      %swap3A_263 = arith.index_cast %add3A_258 : i32 to index
      %swap3A_264 = tpu.vector_load %arg8[%swap3A_263] {strides = array<i32>} : memref<35328xf32, #tpu.memory_space<vmem>>, vector<16xf32>,
      tpu.vector_store %arg8[%swap3A_263], %mul3A_262 {strides = array<i32>} : memref<35328xf32, #tpu.memory_space<vmem>>, vector<16xf32>,
      %add3A_265 = arith.constant 0 : i32
      %add3A_266 = arith.addi %add3A_265, %scan3A_62 : i32
      %mul3A_267 = arith.constant 368 : i32
      %mul3A_268 = arith.muli %add3A_266, %mul3A_267 : i32
      %add3A_269 = arith.constant 272 : i32
      %add3A_270 = arith.addi %mul3A_268, %add3A_269 : i32
      %get3A_271 = arith.index_cast %add3A_270 : i32 to index
      %get3A_272 = tpu.vector_load %arg8[%get3A_271] {strides = array<i32>} : memref<35328xf32, #tpu.memory_space<vmem>>, vector<16xf32>,
      %mul3A_273 = vector.broadcast %scan3A_24 : f32 to vector<16xf32>
      %mul3A_274 = arith.mulf %get3A_272, %mul3A_273 : vector<16xf32>
      %swap3A_275 = arith.index_cast %add3A_270 : i32 to index
      %swap3A_276 = tpu.vector_load %arg8[%swap3A_275] {strides = array<i32>} : memref<35328xf32, #tpu.memory_space<vmem>>, vector<16xf32>,
      tpu.vector_store %arg8[%swap3A_275], %mul3A_274 {strides = array<i32>} : memref<35328xf32, #tpu.memory_space<vmem>>, vector<16xf32>,
      %add3A_277 = arith.constant 0 : i32
      %add3A_278 = arith.addi %add3A_277, %scan3A_62 : i32
      %mul3A_279 = arith.constant 368 : i32
      %mul3A_280 = arith.muli %add3A_278, %mul3A_279 : i32
      %add3A_281 = arith.constant 288 : i32
      %add3A_282 = arith.addi %mul3A_280, %add3A_281 : i32
      %get3A_283 = arith.index_cast %add3A_282 : i32 to index
      %get3A_284 = tpu.vector_load %arg8[%get3A_283] {strides = array<i32>} : memref<35328xf32, #tpu.memory_space<vmem>>, vector<16xf32>,
      %mul3A_285 = vector.broadcast %scan3A_24 : f32 to vector<16xf32>
      %mul3A_286 = arith.mulf %get3A_284, %mul3A_285 : vector<16xf32>
      %swap3A_287 = arith.index_cast %add3A_282 : i32 to index
      %swap3A_288 = tpu.vector_load %arg8[%swap3A_287] {strides = array<i32>} : memref<35328xf32, #tpu.memory_space<vmem>>, vector<16xf32>,
      tpu.vector_store %arg8[%swap3A_287], %mul3A_286 {strides = array<i32>} : memref<35328xf32, #tpu.memory_space<vmem>>, vector<16xf32>,
      %add3A_289 = arith.constant 0 : i32
      %add3A_290 = arith.addi %add3A_289, %scan3A_62 : i32
      %mul3A_291 = arith.constant 368 : i32
      %mul3A_292 = arith.muli %add3A_290, %mul3A_291 : i32
      %add3A_293 = arith.constant 304 : i32
      %add3A_294 = arith.addi %mul3A_292, %add3A_293 : i32
      %get3A_295 = arith.index_cast %add3A_294 : i32 to index
      %get3A_296 = tpu.vector_load %arg8[%get3A_295] {strides = array<i32>} : memref<35328xf32, #tpu.memory_space<vmem>>, vector<16xf32>,
      %mul3A_297 = vector.broadcast %scan3A_24 : f32 to vector<16xf32>
      %mul3A_298 = arith.mulf %get3A_296, %mul3A_297 : vector<16xf32>
      %swap3A_299 = arith.index_cast %add3A_294 : i32 to index
      %swap3A_300 = tpu.vector_load %arg8[%swap3A_299] {strides = array<i32>} : memref<35328xf32, #tpu.memory_space<vmem>>, vector<16xf32>,
      tpu.vector_store %arg8[%swap3A_299], %mul3A_298 {strides = array<i32>} : memref<35328xf32, #tpu.memory_space<vmem>>, vector<16xf32>,
      %add3A_301 = arith.constant 0 : i32
      %add3A_302 = arith.addi %add3A_301, %scan3A_62 : i32
      %mul3A_303 = arith.constant 368 : i32
      %mul3A_304 = arith.muli %add3A_302, %mul3A_303 : i32
      %add3A_305 = arith.constant 320 : i32
      %add3A_306 = arith.addi %mul3A_304, %add3A_305 : i32
      %get3A_307 = arith.index_cast %add3A_306 : i32 to index
      %get3A_308 = tpu.vector_load %arg8[%get3A_307] {strides = array<i32>} : memref<35328xf32, #tpu.memory_space<vmem>>, vector<16xf32>,
      %mul3A_309 = vector.broadcast %scan3A_24 : f32 to vector<16xf32>
      %mul3A_310 = arith.mulf %get3A_308, %mul3A_309 : vector<16xf32>
      %swap3A_311 = arith.index_cast %add3A_306 : i32 to index
      %swap3A_312 = tpu.vector_load %arg8[%swap3A_311] {strides = array<i32>} : memref<35328xf32, #tpu.memory_space<vmem>>, vector<16xf32>,
      tpu.vector_store %arg8[%swap3A_311], %mul3A_310 {strides = array<i32>} : memref<35328xf32, #tpu.memory_space<vmem>>, vector<16xf32>,
      %add3A_313 = arith.constant 0 : i32
      %add3A_314 = arith.addi %add3A_313, %scan3A_62 : i32
      %mul3A_315 = arith.constant 368 : i32
      %mul3A_316 = arith.muli %add3A_314, %mul3A_315 : i32
      %add3A_317 = arith.constant 336 : i32
      %add3A_318 = arith.addi %mul3A_316, %add3A_317 : i32
      %get3A_319 = arith.index_cast %add3A_318 : i32 to index
      %get3A_320 = tpu.vector_load %arg8[%get3A_319] {strides = array<i32>} : memref<35328xf32, #tpu.memory_space<vmem>>, vector<16xf32>,
      %mul3A_321 = vector.broadcast %scan3A_24 : f32 to vector<16xf32>
      %mul3A_322 = arith.mulf %get3A_320, %mul3A_321 : vector<16xf32>
      %swap3A_323 = arith.index_cast %add3A_318 : i32 to index
      %swap3A_324 = tpu.vector_load %arg8[%swap3A_323] {strides = array<i32>} : memref<35328xf32, #tpu.memory_space<vmem>>, vector<16xf32>,
      tpu.vector_store %arg8[%swap3A_323], %mul3A_322 {strides = array<i32>} : memref<35328xf32, #tpu.memory_space<vmem>>, vector<16xf32>,
      %add3A_325 = arith.constant 0 : i32
      %add3A_326 = arith.addi %add3A_325, %scan3A_62 : i32
      %mul3A_327 = arith.constant 368 : i32
      %mul3A_328 = arith.muli %add3A_326, %mul3A_327 : i32
      %add3A_329 = arith.constant 352 : i32
      %add3A_330 = arith.addi %mul3A_328, %add3A_329 : i32
      %get3A_331 = arith.index_cast %add3A_330 : i32 to index
      %get3A_332 = tpu.vector_load %arg8[%get3A_331] {strides = array<i32>} : memref<35328xf32, #tpu.memory_space<vmem>>, vector<16xf32>,
      %mul3A_333 = vector.broadcast %scan3A_24 : f32 to vector<16xf32>
      %mul3A_334 = arith.mulf %get3A_332, %mul3A_333 : vector<16xf32>
      %swap3A_335 = arith.index_cast %add3A_330 : i32 to index
      %swap3A_336 = tpu.vector_load %arg8[%swap3A_335] {strides = array<i32>} : memref<35328xf32, #tpu.memory_space<vmem>>, vector<16xf32>,
      tpu.vector_store %arg8[%swap3A_335], %mul3A_334 {strides = array<i32>} : memref<35328xf32, #tpu.memory_space<vmem>>, vector<16xf32>,
      %add3A_337 = arith.constant 12 : i32
      %add3A_338 = arith.addi %add3A_337, %scan3A_62 : i32
      %mul3A_339 = arith.constant 368 : i32
      %mul3A_340 = arith.muli %add3A_338, %mul3A_339 : i32
      %add3A_341 = arith.constant 0 : i32
      %add3A_342 = arith.addi %mul3A_340, %add3A_341 : i32
      %get3A_343 = arith.index_cast %add3A_342 : i32 to index
      %get3A_344 = tpu.vector_load %arg8[%get3A_343] {strides = array<i32>} : memref<35328xf32, #tpu.memory_space<vmem>>, vector<16xf32>,
      %mul3A_345 = vector.broadcast %scan3A_24 : f32 to vector<16xf32>
      %mul3A_346 = arith.mulf %get3A_344, %mul3A_345 : vector<16xf32>
      %swap3A_347 = arith.index_cast %add3A_342 : i32 to index
      %swap3A_348 = tpu.vector_load %arg8[%swap3A_347] {strides = array<i32>} : memref<35328xf32, #tpu.memory_space<vmem>>, vector<16xf32>,
      tpu.vector_store %arg8[%swap3A_347], %mul3A_346 {strides = array<i32>} : memref<35328xf32, #tpu.memory_space<vmem>>, vector<16xf32>,
      %add3A_349 = arith.constant 12 : i32
      %add3A_350 = arith.addi %add3A_349, %scan3A_62 : i32
      %mul3A_351 = arith.constant 368 : i32
      %mul3A_352 = arith.muli %add3A_350, %mul3A_351 : i32
      %add3A_353 = arith.constant 16 : i32
      %add3A_354 = arith.addi %mul3A_352, %add3A_353 : i32
      %get3A_355 = arith.index_cast %add3A_354 : i32 to index
      %get3A_356 = tpu.vector_load %arg8[%get3A_355] {strides = array<i32>} : memref<35328xf32, #tpu.memory_space<vmem>>, vector<16xf32>,
      %mul3A_357 = vector.broadcast %scan3A_24 : f32 to vector<16xf32>
      %mul3A_358 = arith.mulf %get3A_356, %mul3A_357 : vector<16xf32>
      %swap3A_359 = arith.index_cast %add3A_354 : i32 to index
      %swap3A_360 = tpu.vector_load %arg8[%swap3A_359] {strides = array<i32>} : memref<35328xf32, #tpu.memory_space<vmem>>, vector<16xf32>,
      tpu.vector_store %arg8[%swap3A_359], %mul3A_358 {strides = array<i32>} : memref<35328xf32, #tpu.memory_space<vmem>>, vector<16xf32>,
      %add3A_361 = arith.constant 12 : i32
      %add3A_362 = arith.addi %add3A_361, %scan3A_62 : i32
      %mul3A_363 = arith.constant 368 : i32
      %mul3A_364 = arith.muli %add3A_362, %mul3A_363 : i32
      %add3A_365 = arith.constant 32 : i32
      %add3A_366 = arith.addi %mul3A_364, %add3A_365 : i32
      %get3A_367 = arith.index_cast %add3A_366 : i32 to index
      %get3A_368 = tpu.vector_load %arg8[%get3A_367] {strides = array<i32>} : memref<35328xf32, #tpu.memory_space<vmem>>, vector<16xf32>,
      %mul3A_369 = vector.broadcast %scan3A_24 : f32 to vector<16xf32>
      %mul3A_370 = arith.mulf %get3A_368, %mul3A_369 : vector<16xf32>
      %swap3A_371 = arith.index_cast %add3A_366 : i32 to index
      %swap3A_372 = tpu.vector_load %arg8[%swap3A_371] {strides = array<i32>} : memref<35328xf32, #tpu.memory_space<vmem>>, vector<16xf32>,
      tpu.vector_store %arg8[%swap3A_371], %mul3A_370 {strides = array<i32>} : memref<35328xf32, #tpu.memory_space<vmem>>, vector<16xf32>,
      %add3A_373 = arith.constant 12 : i32
      %add3A_374 = arith.addi %add3A_373, %scan3A_62 : i32
      %mul3A_375 = arith.constant 368 : i32
      %mul3A_376 = arith.muli %add3A_374, %mul3A_375 : i32
      %add3A_377 = arith.constant 48 : i32
      %add3A_378 = arith.addi %mul3A_376, %add3A_377 : i32
      %get3A_379 = arith.index_cast %add3A_378 : i32 to index
      %get3A_380 = tpu.vector_load %arg8[%get3A_379] {strides = array<i32>} : memref<35328xf32, #tpu.memory_space<vmem>>, vector<16xf32>,
      %mul3A_381 = vector.broadcast %scan3A_24 : f32 to vector<16xf32>
      %mul3A_382 = arith.mulf %get3A_380, %mul3A_381 : vector<16xf32>
      %swap3A_383 = arith.index_cast %add3A_378 : i32 to index
      %swap3A_384 = tpu.vector_load %arg8[%swap3A_383] {strides = array<i32>} : memref<35328xf32, #tpu.memory_space<vmem>>, vector<16xf32>,
      tpu.vector_store %arg8[%swap3A_383], %mul3A_382 {strides = array<i32>} : memref<35328xf32, #tpu.memory_space<vmem>>, vector<16xf32>,
      %add3A_385 = arith.constant 12 : i32
      %add3A_386 = arith.addi %add3A_385, %scan3A_62 : i32
      %mul3A_387 = arith.constant 368 : i32
      %mul3A_388 = arith.muli %add3A_386, %mul3A_387 : i32
      %add3A_389 = arith.constant 64 : i32
      %add3A_390 = arith.addi %mul3A_388, %add3A_389 : i32
      %get3A_391 = arith.index_cast %add3A_390 : i32 to index
      %get3A_392 = tpu.vector_load %arg8[%get3A_391] {strides = array<i32>} : memref<35328xf32, #tpu.memory_space<vmem>>, vector<16xf32>,
      %mul3A_393 = vector.broadcast %scan3A_24 : f32 to vector<16xf32>
      %mul3A_394 = arith.mulf %get3A_392, %mul3A_393 : vector<16xf32>
      %swap3A_395 = arith.index_cast %add3A_390 : i32 to index
      %swap3A_396 = tpu.vector_load %arg8[%swap3A_395] {strides = array<i32>} : memref<35328xf32, #tpu.memory_space<vmem>>, vector<16xf32>,
      tpu.vector_store %arg8[%swap3A_395], %mul3A_394 {strides = array<i32>} : memref<35328xf32, #tpu.memory_space<vmem>>, vector<16xf32>,
      %add3A_397 = arith.constant 12 : i32
      %add3A_398 = arith.addi %add3A_397, %scan3A_62 : i32
      %mul3A_399 = arith.constant 368 : i32
      %mul3A_400 = arith.muli %add3A_398, %mul3A_399 : i32
      %add3A_401 = arith.constant 80 : i32
      %add3A_402 = arith.addi %mul3A_400, %add3A_401 : i32
      %get3A_403 = arith.index_cast %add3A_402 : i32 to index
      %get3A_404 = tpu.vector_load %arg8[%get3A_403] {strides = array<i32>} : memref<35328xf32, #tpu.memory_space<vmem>>, vector<16xf32>,
      %mul3A_405 = vector.broadcast %scan3A_24 : f32 to vector<16xf32>
      %mul3A_406 = arith.mulf %get3A_404, %mul3A_405 : vector<16xf32>
      %swap3A_407 = arith.index_cast %add3A_402 : i32 to index
      %swap3A_408 = tpu.vector_load %arg8[%swap3A_407] {strides = array<i32>} : memref<35328xf32, #tpu.memory_space<vmem>>, vector<16xf32>,
      tpu.vector_store %arg8[%swap3A_407], %mul3A_406 {strides = array<i32>} : memref<35328xf32, #tpu.memory_space<vmem>>, vector<16xf32>,
      %add3A_409 = arith.constant 12 : i32
      %add3A_410 = arith.addi %add3A_409, %scan3A_62 : i32
      %mul3A_411 = arith.constant 368 : i32
      %mul3A_412 = arith.muli %add3A_410, %mul3A_411 : i32
      %add3A_413 = arith.constant 96 : i32
      %add3A_414 = arith.addi %mul3A_412, %add3A_413 : i32
      %get3A_415 = arith.index_cast %add3A_414 : i32 to index
      %get3A_416 = tpu.vector_load %arg8[%get3A_415] {strides = array<i32>} : memref<35328xf32, #tpu.memory_space<vmem>>, vector<16xf32>,
      %mul3A_417 = vector.broadcast %scan3A_24 : f32 to vector<16xf32>
      %mul3A_418 = arith.mulf %get3A_416, %mul3A_417 : vector<16xf32>
      %swap3A_419 = arith.index_cast %add3A_414 : i32 to index
      %swap3A_420 = tpu.vector_load %arg8[%swap3A_419] {strides = array<i32>} : memref<35328xf32, #tpu.memory_space<vmem>>, vector<16xf32>,
      tpu.vector_store %arg8[%swap3A_419], %mul3A_418 {strides = array<i32>} : memref<35328xf32, #tpu.memory_space<vmem>>, vector<16xf32>,
      %add3A_421 = arith.constant 12 : i32
      %add3A_422 = arith.addi %add3A_421, %scan3A_62 : i32
      %mul3A_423 = arith.constant 368 : i32
      %mul3A_424 = arith.muli %add3A_422, %mul3A_423 : i32
      %add3A_425 = arith.constant 112 : i32
      %add3A_426 = arith.addi %mul3A_424, %add3A_425 : i32
      %get3A_427 = arith.index_cast %add3A_426 : i32 to index
      %get3A_428 = tpu.vector_load %arg8[%get3A_427] {strides = array<i32>} : memref<35328xf32, #tpu.memory_space<vmem>>, vector<16xf32>,
      %mul3A_429 = vector.broadcast %scan3A_24 : f32 to vector<16xf32>
      %mul3A_430 = arith.mulf %get3A_428, %mul3A_429 : vector<16xf32>
      %swap3A_431 = arith.index_cast %add3A_426 : i32 to index
      %swap3A_432 = tpu.vector_load %arg8[%swap3A_431] {strides = array<i32>} : memref<35328xf32, #tpu.memory_space<vmem>>, vector<16xf32>,
      tpu.vector_store %arg8[%swap3A_431], %mul3A_430 {strides = array<i32>} : memref<35328xf32, #tpu.memory_space<vmem>>, vector<16xf32>,
      %add3A_433 = arith.constant 12 : i32
      %add3A_434 = arith.addi %add3A_433, %scan3A_62 : i32
      %mul3A_435 = arith.constant 368 : i32
      %mul3A_436 = arith.muli %add3A_434, %mul3A_435 : i32
      %add3A_437 = arith.constant 128 : i32
      %add3A_438 = arith.addi %mul3A_436, %add3A_437 : i32
      %get3A_439 = arith.index_cast %add3A_438 : i32 to index
      %get3A_440 = tpu.vector_load %arg8[%get3A_439] {strides = array<i32>} : memref<35328xf32, #tpu.memory_space<vmem>>, vector<16xf32>,
      %mul3A_441 = vector.broadcast %scan3A_24 : f32 to vector<16xf32>
      %mul3A_442 = arith.mulf %get3A_440, %mul3A_441 : vector<16xf32>
      %swap3A_443 = arith.index_cast %add3A_438 : i32 to index
      %swap3A_444 = tpu.vector_load %arg8[%swap3A_443] {strides = array<i32>} : memref<35328xf32, #tpu.memory_space<vmem>>, vector<16xf32>,
      tpu.vector_store %arg8[%swap3A_443], %mul3A_442 {strides = array<i32>} : memref<35328xf32, #tpu.memory_space<vmem>>, vector<16xf32>,
      %add3A_445 = arith.constant 12 : i32
      %add3A_446 = arith.addi %add3A_445, %scan3A_62 : i32
      %mul3A_447 = arith.constant 368 : i32
      %mul3A_448 = arith.muli %add3A_446, %mul3A_447 : i32
      %add3A_449 = arith.constant 144 : i32
      %add3A_450 = arith.addi %mul3A_448, %add3A_449 : i32
      %get3A_451 = arith.index_cast %add3A_450 : i32 to index
      %get3A_452 = tpu.vector_load %arg8[%get3A_451] {strides = array<i32>} : memref<35328xf32, #tpu.memory_space<vmem>>, vector<16xf32>,
      %mul3A_453 = vector.broadcast %scan3A_24 : f32 to vector<16xf32>
      %mul3A_454 = arith.mulf %get3A_452, %mul3A_453 : vector<16xf32>
      %swap3A_455 = arith.index_cast %add3A_450 : i32 to index
      %swap3A_456 = tpu.vector_load %arg8[%swap3A_455] {strides = array<i32>} : memref<35328xf32, #tpu.memory_space<vmem>>, vector<16xf32>,
      tpu.vector_store %arg8[%swap3A_455], %mul3A_454 {strides = array<i32>} : memref<35328xf32, #tpu.memory_space<vmem>>, vector<16xf32>,
      %add3A_457 = arith.constant 12 : i32
      %add3A_458 = arith.addi %add3A_457, %scan3A_62 : i32
      %mul3A_459 = arith.constant 368 : i32
      %mul3A_460 = arith.muli %add3A_458, %mul3A_459 : i32
      %add3A_461 = arith.constant 160 : i32
      %add3A_462 = arith.addi %mul3A_460, %add3A_461 : i32
      %get3A_463 = arith.index_cast %add3A_462 : i32 to index
      %get3A_464 = tpu.vector_load %arg8[%get3A_463] {strides = array<i32>} : memref<35328xf32, #tpu.memory_space<vmem>>, vector<16xf32>,
      %mul3A_465 = vector.broadcast %scan3A_24 : f32 to vector<16xf32>
      %mul3A_466 = arith.mulf %get3A_464, %mul3A_465 : vector<16xf32>
      %swap3A_467 = arith.index_cast %add3A_462 : i32 to index
      %swap3A_468 = tpu.vector_load %arg8[%swap3A_467] {strides = array<i32>} : memref<35328xf32, #tpu.memory_space<vmem>>, vector<16xf32>,
      tpu.vector_store %arg8[%swap3A_467], %mul3A_466 {strides = array<i32>} : memref<35328xf32, #tpu.memory_space<vmem>>, vector<16xf32>,
      %add3A_469 = arith.constant 12 : i32
      %add3A_470 = arith.addi %add3A_469, %scan3A_62 : i32
      %mul3A_471 = arith.constant 368 : i32
      %mul3A_472 = arith.muli %add3A_470, %mul3A_471 : i32
      %add3A_473 = arith.constant 176 : i32
      %add3A_474 = arith.addi %mul3A_472, %add3A_473 : i32
      %get3A_475 = arith.index_cast %add3A_474 : i32 to index
      %get3A_476 = tpu.vector_load %arg8[%get3A_475] {strides = array<i32>} : memref<35328xf32, #tpu.memory_space<vmem>>, vector<16xf32>,
      %mul3A_477 = vector.broadcast %scan3A_24 : f32 to vector<16xf32>
      %mul3A_478 = arith.mulf %get3A_476, %mul3A_477 : vector<16xf32>
      %swap3A_479 = arith.index_cast %add3A_474 : i32 to index
      %swap3A_480 = tpu.vector_load %arg8[%swap3A_479] {strides = array<i32>} : memref<35328xf32, #tpu.memory_space<vmem>>, vector<16xf32>,
      tpu.vector_store %arg8[%swap3A_479], %mul3A_478 {strides = array<i32>} : memref<35328xf32, #tpu.memory_space<vmem>>, vector<16xf32>,
      %add3A_481 = arith.constant 12 : i32
      %add3A_482 = arith.addi %add3A_481, %scan3A_62 : i32
      %mul3A_483 = arith.constant 368 : i32
      %mul3A_484 = arith.muli %add3A_482, %mul3A_483 : i32
      %add3A_485 = arith.constant 192 : i32
      %add3A_486 = arith.addi %mul3A_484, %add3A_485 : i32
      %get3A_487 = arith.index_cast %add3A_486 : i32 to index
      %get3A_488 = tpu.vector_load %arg8[%get3A_487] {strides = array<i32>} : memref<35328xf32, #tpu.memory_space<vmem>>, vector<16xf32>,
      %mul3A_489 = vector.broadcast %scan3A_24 : f32 to vector<16xf32>
      %mul3A_490 = arith.mulf %get3A_488, %mul3A_489 : vector<16xf32>
      %swap3A_491 = arith.index_cast %add3A_486 : i32 to index
      %swap3A_492 = tpu.vector_load %arg8[%swap3A_491] {strides = array<i32>} : memref<35328xf32, #tpu.memory_space<vmem>>, vector<16xf32>,
      tpu.vector_store %arg8[%swap3A_491], %mul3A_490 {strides = array<i32>} : memref<35328xf32, #tpu.memory_space<vmem>>, vector<16xf32>,
      %add3A_493 = arith.constant 12 : i32
      %add3A_494 = arith.addi %add3A_493, %scan3A_62 : i32
      %mul3A_495 = arith.constant 368 : i32
      %mul3A_496 = arith.muli %add3A_494, %mul3A_495 : i32
      %add3A_497 = arith.constant 208 : i32
      %add3A_498 = arith.addi %mul3A_496, %add3A_497 : i32
      %get3A_499 = arith.index_cast %add3A_498 : i32 to index
      %get3A_500 = tpu.vector_load %arg8[%get3A_499] {strides = array<i32>} : memref<35328xf32, #tpu.memory_space<vmem>>, vector<16xf32>,
      %mul3A_501 = vector.broadcast %scan3A_24 : f32 to vector<16xf32>
      %mul3A_502 = arith.mulf %get3A_500, %mul3A_501 : vector<16xf32>
      %swap3A_503 = arith.index_cast %add3A_498 : i32 to index
      %swap3A_504 = tpu.vector_load %arg8[%swap3A_503] {strides = array<i32>} : memref<35328xf32, #tpu.memory_space<vmem>>, vector<16xf32>,
      tpu.vector_store %arg8[%swap3A_503], %mul3A_502 {strides = array<i32>} : memref<35328xf32, #tpu.memory_space<vmem>>, vector<16xf32>,
      %add3A_505 = arith.constant 12 : i32
      %add3A_506 = arith.addi %add3A_505, %scan3A_62 : i32
      %mul3A_507 = arith.constant 368 : i32
      %mul3A_508 = arith.muli %add3A_506, %mul3A_507 : i32
      %add3A_509 = arith.constant 224 : i32
      %add3A_510 = arith.addi %mul3A_508, %add3A_509 : i32
      %get3A_511 = arith.index_cast %add3A_510 : i32 to index
      %get3A_512 = tpu.vector_load %arg8[%get3A_511] {strides = array<i32>} : memref<35328xf32, #tpu.memory_space<vmem>>, vector<16xf32>,
      %mul3A_513 = vector.broadcast %scan3A_24 : f32 to vector<16xf32>
      %mul3A_514 = arith.mulf %get3A_512, %mul3A_513 : vector<16xf32>
      %swap3A_515 = arith.index_cast %add3A_510 : i32 to index
      %swap3A_516 = tpu.vector_load %arg8[%swap3A_515] {strides = array<i32>} : memref<35328xf32, #tpu.memory_space<vmem>>, vector<16xf32>,
      tpu.vector_store %arg8[%swap3A_515], %mul3A_514 {strides = array<i32>} : memref<35328xf32, #tpu.memory_space<vmem>>, vector<16xf32>,
      %add3A_517 = arith.constant 12 : i32
      %add3A_518 = arith.addi %add3A_517, %scan3A_62 : i32
      %mul3A_519 = arith.constant 368 : i32
      %mul3A_520 = arith.muli %add3A_518, %mul3A_519 : i32
      %add3A_521 = arith.constant 240 : i32
      %add3A_522 = arith.addi %mul3A_520, %add3A_521 : i32
      %get3A_523 = arith.index_cast %add3A_522 : i32 to index
      %get3A_524 = tpu.vector_load %arg8[%get3A_523] {strides = array<i32>} : memref<35328xf32, #tpu.memory_space<vmem>>, vector<16xf32>,
      %mul3A_525 = vector.broadcast %scan3A_24 : f32 to vector<16xf32>
      %mul3A_526 = arith.mulf %get3A_524, %mul3A_525 : vector<16xf32>
      %swap3A_527 = arith.index_cast %add3A_522 : i32 to index
      %swap3A_528 = tpu.vector_load %arg8[%swap3A_527] {strides = array<i32>} : memref<35328xf32, #tpu.memory_space<vmem>>, vector<16xf32>,
      tpu.vector_store %arg8[%swap3A_527], %mul3A_526 {strides = array<i32>} : memref<35328xf32, #tpu.memory_space<vmem>>, vector<16xf32>,
      %add3A_529 = arith.constant 12 : i32
      %add3A_530 = arith.addi %add3A_529, %scan3A_62 : i32
      %mul3A_531 = arith.constant 368 : i32
      %mul3A_532 = arith.muli %add3A_530, %mul3A_531 : i32
      %add3A_533 = arith.constant 256 : i32
      %add3A_534 = arith.addi %mul3A_532, %add3A_533 : i32
      %get3A_535 = arith.index_cast %add3A_534 : i32 to index
      %get3A_536 = tpu.vector_load %arg8[%get3A_535] {strides = array<i32>} : memref<35328xf32, #tpu.memory_space<vmem>>, vector<16xf32>,
      %mul3A_537 = vector.broadcast %scan3A_24 : f32 to vector<16xf32>
      %mul3A_538 = arith.mulf %get3A_536, %mul3A_537 : vector<16xf32>
      %swap3A_539 = arith.index_cast %add3A_534 : i32 to index
      %swap3A_540 = tpu.vector_load %arg8[%swap3A_539] {strides = array<i32>} : memref<35328xf32, #tpu.memory_space<vmem>>, vector<16xf32>,
      tpu.vector_store %arg8[%swap3A_539], %mul3A_538 {strides = array<i32>} : memref<35328xf32, #tpu.memory_space<vmem>>, vector<16xf32>,
      %add3A_541 = arith.constant 12 : i32
      %add3A_542 = arith.addi %add3A_541, %scan3A_62 : i32
      %mul3A_543 = arith.constant 368 : i32
      %mul3A_544 = arith.muli %add3A_542, %mul3A_543 : i32
      %add3A_545 = arith.constant 272 : i32
      %add3A_546 = arith.addi %mul3A_544, %add3A_545 : i32
      %get3A_547 = arith.index_cast %add3A_546 : i32 to index
      %get3A_548 = tpu.vector_load %arg8[%get3A_547] {strides = array<i32>} : memref<35328xf32, #tpu.memory_space<vmem>>, vector<16xf32>,
      %mul3A_549 = vector.broadcast %scan3A_24 : f32 to vector<16xf32>
      %mul3A_550 = arith.mulf %get3A_548, %mul3A_549 : vector<16xf32>
      %swap3A_551 = arith.index_cast %add3A_546 : i32 to index
      %swap3A_552 = tpu.vector_load %arg8[%swap3A_551] {strides = array<i32>} : memref<35328xf32, #tpu.memory_space<vmem>>, vector<16xf32>,
      tpu.vector_store %arg8[%swap3A_551], %mul3A_550 {strides = array<i32>} : memref<35328xf32, #tpu.memory_space<vmem>>, vector<16xf32>,
      %add3A_553 = arith.constant 12 : i32
      %add3A_554 = arith.addi %add3A_553, %scan3A_62 : i32
      %mul3A_555 = arith.constant 368 : i32
      %mul3A_556 = arith.muli %add3A_554, %mul3A_555 : i32
      %add3A_557 = arith.constant 288 : i32
      %add3A_558 = arith.addi %mul3A_556, %add3A_557 : i32
      %get3A_559 = arith.index_cast %add3A_558 : i32 to index
      %get3A_560 = tpu.vector_load %arg8[%get3A_559] {strides = array<i32>} : memref<35328xf32, #tpu.memory_space<vmem>>, vector<16xf32>,
      %mul3A_561 = vector.broadcast %scan3A_24 : f32 to vector<16xf32>
      %mul3A_562 = arith.mulf %get3A_560, %mul3A_561 : vector<16xf32>
      %swap3A_563 = arith.index_cast %add3A_558 : i32 to index
      %swap3A_564 = tpu.vector_load %arg8[%swap3A_563] {strides = array<i32>} : memref<35328xf32, #tpu.memory_space<vmem>>, vector<16xf32>,
      tpu.vector_store %arg8[%swap3A_563], %mul3A_562 {strides = array<i32>} : memref<35328xf32, #tpu.memory_space<vmem>>, vector<16xf32>,
      %add3A_565 = arith.constant 12 : i32
      %add3A_566 = arith.addi %add3A_565, %scan3A_62 : i32
      %mul3A_567 = arith.constant 368 : i32
      %mul3A_568 = arith.muli %add3A_566, %mul3A_567 : i32
      %add3A_569 = arith.constant 304 : i32
      %add3A_570 = arith.addi %mul3A_568, %add3A_569 : i32
      %get3A_571 = arith.index_cast %add3A_570 : i32 to index
      %get3A_572 = tpu.vector_load %arg8[%get3A_571] {strides = array<i32>} : memref<35328xf32, #tpu.memory_space<vmem>>, vector<16xf32>,
      %mul3A_573 = vector.broadcast %scan3A_24 : f32 to vector<16xf32>
      %mul3A_574 = arith.mulf %get3A_572, %mul3A_573 : vector<16xf32>
      %swap3A_575 = arith.index_cast %add3A_570 : i32 to index
      %swap3A_576 = tpu.vector_load %arg8[%swap3A_575] {strides = array<i32>} : memref<35328xf32, #tpu.memory_space<vmem>>, vector<16xf32>,
      tpu.vector_store %arg8[%swap3A_575], %mul3A_574 {strides = array<i32>} : memref<35328xf32, #tpu.memory_space<vmem>>, vector<16xf32>,
      %add3A_577 = arith.constant 12 : i32
      %add3A_578 = arith.addi %add3A_577, %scan3A_62 : i32
      %mul3A_579 = arith.constant 368 : i32
      %mul3A_580 = arith.muli %add3A_578, %mul3A_579 : i32
      %add3A_581 = arith.constant 320 : i32
      %add3A_582 = arith.addi %mul3A_580, %add3A_581 : i32
      %get3A_583 = arith.index_cast %add3A_582 : i32 to index
      %get3A_584 = tpu.vector_load %arg8[%get3A_583] {strides = array<i32>} : memref<35328xf32, #tpu.memory_space<vmem>>, vector<16xf32>,
      %mul3A_585 = vector.broadcast %scan3A_24 : f32 to vector<16xf32>
      %mul3A_586 = arith.mulf %get3A_584, %mul3A_585 : vector<16xf32>
      %swap3A_587 = arith.index_cast %add3A_582 : i32 to index
      %swap3A_588 = tpu.vector_load %arg8[%swap3A_587] {strides = array<i32>} : memref<35328xf32, #tpu.memory_space<vmem>>, vector<16xf32>,
      tpu.vector_store %arg8[%swap3A_587], %mul3A_586 {strides = array<i32>} : memref<35328xf32, #tpu.memory_space<vmem>>, vector<16xf32>,
      %add3A_589 = arith.constant 12 : i32
      %add3A_590 = arith.addi %add3A_589, %scan3A_62 : i32
      %mul3A_591 = arith.constant 368 : i32
      %mul3A_592 = arith.muli %add3A_590, %mul3A_591 : i32
      %add3A_593 = arith.constant 336 : i32
      %add3A_594 = arith.addi %mul3A_592, %add3A_593 : i32
      %get3A_595 = arith.index_cast %add3A_594 : i32 to index
      %get3A_596 = tpu.vector_load %arg8[%get3A_595] {strides = array<i32>} : memref<35328xf32, #tpu.memory_space<vmem>>, vector<16xf32>,
      %mul3A_597 = vector.broadcast %scan3A_24 : f32 to vector<16xf32>
      %mul3A_598 = arith.mulf %get3A_596, %mul3A_597 : vector<16xf32>
      %swap3A_599 = arith.index_cast %add3A_594 : i32 to index
      %swap3A_600 = tpu.vector_load %arg8[%swap3A_599] {strides = array<i32>} : memref<35328xf32, #tpu.memory_space<vmem>>, vector<16xf32>,
      tpu.vector_store %arg8[%swap3A_599], %mul3A_598 {strides = array<i32>} : memref<35328xf32, #tpu.memory_space<vmem>>, vector<16xf32>,
      %add3A_601 = arith.constant 12 : i32
      %add3A_602 = arith.addi %add3A_601, %scan3A_62 : i32
      %mul3A_603 = arith.constant 368 : i32
      %mul3A_604 = arith.muli %add3A_602, %mul3A_603 : i32
      %add3A_605 = arith.constant 352 : i32
      %add3A_606 = arith.addi %mul3A_604, %add3A_605 : i32
      %get3A_607 = arith.index_cast %add3A_606 : i32 to index
      %get3A_608 = tpu.vector_load %arg8[%get3A_607] {strides = array<i32>} : memref<35328xf32, #tpu.memory_space<vmem>>, vector<16xf32>,
      %mul3A_609 = vector.broadcast %scan3A_24 : f32 to vector<16xf32>
      %mul3A_610 = arith.mulf %get3A_608, %mul3A_609 : vector<16xf32>
      %swap3A_611 = arith.index_cast %add3A_606 : i32 to index
      %swap3A_612 = tpu.vector_load %arg8[%swap3A_611] {strides = array<i32>} : memref<35328xf32, #tpu.memory_space<vmem>>, vector<16xf32>,
      tpu.vector_store %arg8[%swap3A_611], %mul3A_610 {strides = array<i32>} : memref<35328xf32, #tpu.memory_space<vmem>>, vector<16xf32>,
      %add3A_613 = arith.constant 24 : i32
      %add3A_614 = arith.addi %add3A_613, %scan3A_62 : i32
      %mul3A_615 = arith.constant 368 : i32
      %mul3A_616 = arith.muli %add3A_614, %mul3A_615 : i32
      %add3A_617 = arith.constant 0 : i32
      %add3A_618 = arith.addi %mul3A_616, %add3A_617 : i32
      %get3A_619 = arith.index_cast %add3A_618 : i32 to index
      %get3A_620 = tpu.vector_load %arg8[%get3A_619] {strides = array<i32>} : memref<35328xf32, #tpu.memory_space<vmem>>, vector<16xf32>,
      %mul3A_621 = vector.broadcast %scan3A_24 : f32 to vector<16xf32>
      %mul3A_622 = arith.mulf %get3A_620, %mul3A_621 : vector<16xf32>
      %swap3A_623 = arith.index_cast %add3A_618 : i32 to index
      %swap3A_624 = tpu.vector_load %arg8[%swap3A_623] {strides = array<i32>} : memref<35328xf32, #tpu.memory_space<vmem>>, vector<16xf32>,
      tpu.vector_store %arg8[%swap3A_623], %mul3A_622 {strides = array<i32>} : memref<35328xf32, #tpu.memory_space<vmem>>, vector<16xf32>,
      %add3A_625 = arith.constant 24 : i32
      %add3A_626 = arith.addi %add3A_625, %scan3A_62 : i32
      %mul3A_627 = arith.constant 368 : i32
      %mul3A_628 = arith.muli %add3A_626, %mul3A_627 : i32
      %add3A_629 = arith.constant 16 : i32
      %add3A_630 = arith.addi %mul3A_628, %add3A_629 : i32
      %get3A_631 = arith.index_cast %add3A_630 : i32 to index
      %get3A_632 = tpu.vector_load %arg8[%get3A_631] {strides = array<i32>} : memref<35328xf32, #tpu.memory_space<vmem>>, vector<16xf32>,
      %mul3A_633 = vector.broadcast %scan3A_24 : f32 to vector<16xf32>
      %mul3A_634 = arith.mulf %get3A_632, %mul3A_633 : vector<16xf32>
      %swap3A_635 = arith.index_cast %add3A_630 : i32 to index
      %swap3A_636 = tpu.vector_load %arg8[%swap3A_635] {strides = array<i32>} : memref<35328xf32, #tpu.memory_space<vmem>>, vector<16xf32>,
      tpu.vector_store %arg8[%swap3A_635], %mul3A_634 {strides = array<i32>} : memref<35328xf32, #tpu.memory_space<vmem>>, vector<16xf32>,
      %add3A_637 = arith.constant 24 : i32
      %add3A_638 = arith.addi %add3A_637, %scan3A_62 : i32
      %mul3A_639 = arith.constant 368 : i32
      %mul3A_640 = arith.muli %add3A_638, %mul3A_639 : i32
      %add3A_641 = arith.constant 32 : i32
      %add3A_642 = arith.addi %mul3A_640, %add3A_641 : i32
      %get3A_643 = arith.index_cast %add3A_642 : i32 to index
      %get3A_644 = tpu.vector_load %arg8[%get3A_643] {strides = array<i32>} : memref<35328xf32, #tpu.memory_space<vmem>>, vector<16xf32>,
      %mul3A_645 = vector.broadcast %scan3A_24 : f32 to vector<16xf32>
      %mul3A_646 = arith.mulf %get3A_644, %mul3A_645 : vector<16xf32>
      %swap3A_647 = arith.index_cast %add3A_642 : i32 to index
      %swap3A_648 = tpu.vector_load %arg8[%swap3A_647] {strides = array<i32>} : memref<35328xf32, #tpu.memory_space<vmem>>, vector<16xf32>,
      tpu.vector_store %arg8[%swap3A_647], %mul3A_646 {strides = array<i32>} : memref<35328xf32, #tpu.memory_space<vmem>>, vector<16xf32>,
      %add3A_649 = arith.constant 24 : i32
      %add3A_650 = arith.addi %add3A_649, %scan3A_62 : i32
      %mul3A_651 = arith.constant 368 : i32
      %mul3A_652 = arith.muli %add3A_650, %mul3A_651 : i32
      %add3A_653 = arith.constant 48 : i32
      %add3A_654 = arith.addi %mul3A_652, %add3A_653 : i32
      %get3A_655 = arith.index_cast %add3A_654 : i32 to index
      %get3A_656 = tpu.vector_load %arg8[%get3A_655] {strides = array<i32>} : memref<35328xf32, #tpu.memory_space<vmem>>, vector<16xf32>,
      %mul3A_657 = vector.broadcast %scan3A_24 : f32 to vector<16xf32>
      %mul3A_658 = arith.mulf %get3A_656, %mul3A_657 : vector<16xf32>
      %swap3A_659 = arith.index_cast %add3A_654 : i32 to index
      %swap3A_660 = tpu.vector_load %arg8[%swap3A_659] {strides = array<i32>} : memref<35328xf32, #tpu.memory_space<vmem>>, vector<16xf32>,
      tpu.vector_store %arg8[%swap3A_659], %mul3A_658 {strides = array<i32>} : memref<35328xf32, #tpu.memory_space<vmem>>, vector<16xf32>,
      %add3A_661 = arith.constant 24 : i32
      %add3A_662 = arith.addi %add3A_661, %scan3A_62 : i32
      %mul3A_663 = arith.constant 368 : i32
      %mul3A_664 = arith.muli %add3A_662, %mul3A_663 : i32
      %add3A_665 = arith.constant 64 : i32
      %add3A_666 = arith.addi %mul3A_664, %add3A_665 : i32
      %get3A_667 = arith.index_cast %add3A_666 : i32 to index
      %get3A_668 = tpu.vector_load %arg8[%get3A_667] {strides = array<i32>} : memref<35328xf32, #tpu.memory_space<vmem>>, vector<16xf32>,
      %mul3A_669 = vector.broadcast %scan3A_24 : f32 to vector<16xf32>
      %mul3A_670 = arith.mulf %get3A_668, %mul3A_669 : vector<16xf32>
      %swap3A_671 = arith.index_cast %add3A_666 : i32 to index
      %swap3A_672 = tpu.vector_load %arg8[%swap3A_671] {strides = array<i32>} : memref<35328xf32, #tpu.memory_space<vmem>>, vector<16xf32>,
      tpu.vector_store %arg8[%swap3A_671], %mul3A_670 {strides = array<i32>} : memref<35328xf32, #tpu.memory_space<vmem>>, vector<16xf32>,
      %add3A_673 = arith.constant 24 : i32
      %add3A_674 = arith.addi %add3A_673, %scan3A_62 : i32
      %mul3A_675 = arith.constant 368 : i32
      %mul3A_676 = arith.muli %add3A_674, %mul3A_675 : i32
      %add3A_677 = arith.constant 80 : i32
      %add3A_678 = arith.addi %mul3A_676, %add3A_677 : i32
      %get3A_679 = arith.index_cast %add3A_678 : i32 to index
      %get3A_680 = tpu.vector_load %arg8[%get3A_679] {strides = array<i32>} : memref<35328xf32, #tpu.memory_space<vmem>>, vector<16xf32>,
      %mul3A_681 = vector.broadcast %scan3A_24 : f32 to vector<16xf32>
      %mul3A_682 = arith.mulf %get3A_680, %mul3A_681 : vector<16xf32>
      %swap3A_683 = arith.index_cast %add3A_678 : i32 to index
      %swap3A_684 = tpu.vector_load %arg8[%swap3A_683] {strides = array<i32>} : memref<35328xf32, #tpu.memory_space<vmem>>, vector<16xf32>,
      tpu.vector_store %arg8[%swap3A_683], %mul3A_682 {strides = array<i32>} : memref<35328xf32, #tpu.memory_space<vmem>>, vector<16xf32>,
      %add3A_685 = arith.constant 24 : i32
      %add3A_686 = arith.addi %add3A_685, %scan3A_62 : i32
      %mul3A_687 = arith.constant 368 : i32
      %mul3A_688 = arith.muli %add3A_686, %mul3A_687 : i32
      %add3A_689 = arith.constant 96 : i32
      %add3A_690 = arith.addi %mul3A_688, %add3A_689 : i32
      %get3A_691 = arith.index_cast %add3A_690 : i32 to index
      %get3A_692 = tpu.vector_load %arg8[%get3A_691] {strides = array<i32>} : memref<35328xf32, #tpu.memory_space<vmem>>, vector<16xf32>,
      %mul3A_693 = vector.broadcast %scan3A_24 : f32 to vector<16xf32>
      %mul3A_694 = arith.mulf %get3A_692, %mul3A_693 : vector<16xf32>
      %swap3A_695 = arith.index_cast %add3A_690 : i32 to index
      %swap3A_696 = tpu.vector_load %arg8[%swap3A_695] {strides = array<i32>} : memref<35328xf32, #tpu.memory_space<vmem>>, vector<16xf32>,
      tpu.vector_store %arg8[%swap3A_695], %mul3A_694 {strides = array<i32>} : memref<35328xf32, #tpu.memory_space<vmem>>, vector<16xf32>,
      %add3A_697 = arith.constant 24 : i32
      %add3A_698 = arith.addi %add3A_697, %scan3A_62 : i32
      %mul3A_699 = arith.constant 368 : i32
      %mul3A_700 = arith.muli %add3A_698, %mul3A_699 : i32
      %add3A_701 = arith.constant 112 : i32
      %add3A_702 = arith.addi %mul3A_700, %add3A_701 : i32
      %get3A_703 = arith.index_cast %add3A_702 : i32 to index
      %get3A_704 = tpu.vector_load %arg8[%get3A_703] {strides = array<i32>} : memref<35328xf32, #tpu.memory_space<vmem>>, vector<16xf32>,
      %mul3A_705 = vector.broadcast %scan3A_24 : f32 to vector<16xf32>
      %mul3A_706 = arith.mulf %get3A_704, %mul3A_705 : vector<16xf32>
      %swap3A_707 = arith.index_cast %add3A_702 : i32 to index
      %swap3A_708 = tpu.vector_load %arg8[%swap3A_707] {strides = array<i32>} : memref<35328xf32, #tpu.memory_space<vmem>>, vector<16xf32>,
      tpu.vector_store %arg8[%swap3A_707], %mul3A_706 {strides = array<i32>} : memref<35328xf32, #tpu.memory_space<vmem>>, vector<16xf32>,
      %add3A_709 = arith.constant 24 : i32
      %add3A_710 = arith.addi %add3A_709, %scan3A_62 : i32
      %mul3A_711 = arith.constant 368 : i32
      %mul3A_712 = arith.muli %add3A_710, %mul3A_711 : i32
      %add3A_713 = arith.constant 128 : i32
      %add3A_714 = arith.addi %mul3A_712, %add3A_713 : i32
      %get3A_715 = arith.index_cast %add3A_714 : i32 to index
      %get3A_716 = tpu.vector_load %arg8[%get3A_715] {strides = array<i32>} : memref<35328xf32, #tpu.memory_space<vmem>>, vector<16xf32>,
      %mul3A_717 = vector.broadcast %scan3A_24 : f32 to vector<16xf32>
      %mul3A_718 = arith.mulf %get3A_716, %mul3A_717 : vector<16xf32>
      %swap3A_719 = arith.index_cast %add3A_714 : i32 to index
      %swap3A_720 = tpu.vector_load %arg8[%swap3A_719] {strides = array<i32>} : memref<35328xf32, #tpu.memory_space<vmem>>, vector<16xf32>,
      tpu.vector_store %arg8[%swap3A_719], %mul3A_718 {strides = array<i32>} : memref<35328xf32, #tpu.memory_space<vmem>>, vector<16xf32>,
      %add3A_721 = arith.constant 24 : i32
      %add3A_722 = arith.addi %add3A_721, %scan3A_62 : i32
      %mul3A_723 = arith.constant 368 : i32
      %mul3A_724 = arith.muli %add3A_722, %mul3A_723 : i32
      %add3A_725 = arith.constant 144 : i32
      %add3A_726 = arith.addi %mul3A_724, %add3A_725 : i32
      %get3A_727 = arith.index_cast %add3A_726 : i32 to index
      %get3A_728 = tpu.vector_load %arg8[%get3A_727] {strides = array<i32>} : memref<35328xf32, #tpu.memory_space<vmem>>, vector<16xf32>,
      %mul3A_729 = vector.broadcast %scan3A_24 : f32 to vector<16xf32>
      %mul3A_730 = arith.mulf %get3A_728, %mul3A_729 : vector<16xf32>
      %swap3A_731 = arith.index_cast %add3A_726 : i32 to index
      %swap3A_732 = tpu.vector_load %arg8[%swap3A_731] {strides = array<i32>} : memref<35328xf32, #tpu.memory_space<vmem>>, vector<16xf32>,
      tpu.vector_store %arg8[%swap3A_731], %mul3A_730 {strides = array<i32>} : memref<35328xf32, #tpu.memory_space<vmem>>, vector<16xf32>,
      %add3A_733 = arith.constant 24 : i32
      %add3A_734 = arith.addi %add3A_733, %scan3A_62 : i32
      %mul3A_735 = arith.constant 368 : i32
      %mul3A_736 = arith.muli %add3A_734, %mul3A_735 : i32
      %add3A_737 = arith.constant 160 : i32
      %add3A_738 = arith.addi %mul3A_736, %add3A_737 : i32
      %get3A_739 = arith.index_cast %add3A_738 : i32 to index
      %get3A_740 = tpu.vector_load %arg8[%get3A_739] {strides = array<i32>} : memref<35328xf32, #tpu.memory_space<vmem>>, vector<16xf32>,
      %mul3A_741 = vector.broadcast %scan3A_24 : f32 to vector<16xf32>
      %mul3A_742 = arith.mulf %get3A_740, %mul3A_741 : vector<16xf32>
      %swap3A_743 = arith.index_cast %add3A_738 : i32 to index
      %swap3A_744 = tpu.vector_load %arg8[%swap3A_743] {strides = array<i32>} : memref<35328xf32, #tpu.memory_space<vmem>>, vector<16xf32>,
      tpu.vector_store %arg8[%swap3A_743], %mul3A_742 {strides = array<i32>} : memref<35328xf32, #tpu.memory_space<vmem>>, vector<16xf32>,
      %add3A_745 = arith.constant 24 : i32
      %add3A_746 = arith.addi %add3A_745, %scan3A_62 : i32
      %mul3A_747 = arith.constant 368 : i32
      %mul3A_748 = arith.muli %add3A_746, %mul3A_747 : i32
      %add3A_749 = arith.constant 176 : i32
      %add3A_750 = arith.addi %mul3A_748, %add3A_749 : i32
      %get3A_751 = arith.index_cast %add3A_750 : i32 to index
      %get3A_752 = tpu.vector_load %arg8[%get3A_751] {strides = array<i32>} : memref<35328xf32, #tpu.memory_space<vmem>>, vector<16xf32>,
      %mul3A_753 = vector.broadcast %scan3A_24 : f32 to vector<16xf32>
      %mul3A_754 = arith.mulf %get3A_752, %mul3A_753 : vector<16xf32>
      %swap3A_755 = arith.index_cast %add3A_750 : i32 to index
      %swap3A_756 = tpu.vector_load %arg8[%swap3A_755] {strides = array<i32>} : memref<35328xf32, #tpu.memory_space<vmem>>, vector<16xf32>,
      tpu.vector_store %arg8[%swap3A_755], %mul3A_754 {strides = array<i32>} : memref<35328xf32, #tpu.memory_space<vmem>>, vector<16xf32>,
      %add3A_757 = arith.constant 24 : i32
      %add3A_758 = arith.addi %add3A_757, %scan3A_62 : i32
      %mul3A_759 = arith.constant 368 : i32
      %mul3A_760 = arith.muli %add3A_758, %mul3A_759 : i32
      %add3A_761 = arith.constant 192 : i32
      %add3A_762 = arith.addi %mul3A_760, %add3A_761 : i32
      %get3A_763 = arith.index_cast %add3A_762 : i32 to index
      %get3A_764 = tpu.vector_load %arg8[%get3A_763] {strides = array<i32>} : memref<35328xf32, #tpu.memory_space<vmem>>, vector<16xf32>,
      %mul3A_765 = vector.broadcast %scan3A_24 : f32 to vector<16xf32>
      %mul3A_766 = arith.mulf %get3A_764, %mul3A_765 : vector<16xf32>
      %swap3A_767 = arith.index_cast %add3A_762 : i32 to index
      %swap3A_768 = tpu.vector_load %arg8[%swap3A_767] {strides = array<i32>} : memref<35328xf32, #tpu.memory_space<vmem>>, vector<16xf32>,
      tpu.vector_store %arg8[%swap3A_767], %mul3A_766 {strides = array<i32>} : memref<35328xf32, #tpu.memory_space<vmem>>, vector<16xf32>,
      %add3A_769 = arith.constant 24 : i32
      %add3A_770 = arith.addi %add3A_769, %scan3A_62 : i32
      %mul3A_771 = arith.constant 368 : i32
      %mul3A_772 = arith.muli %add3A_770, %mul3A_771 : i32
      %add3A_773 = arith.constant 208 : i32
      %add3A_774 = arith.addi %mul3A_772, %add3A_773 : i32
      %get3A_775 = arith.index_cast %add3A_774 : i32 to index
      %get3A_776 = tpu.vector_load %arg8[%get3A_775] {strides = array<i32>} : memref<35328xf32, #tpu.memory_space<vmem>>, vector<16xf32>,
      %mul3A_777 = vector.broadcast %scan3A_24 : f32 to vector<16xf32>
      %mul3A_778 = arith.mulf %get3A_776, %mul3A_777 : vector<16xf32>
      %swap3A_779 = arith.index_cast %add3A_774 : i32 to index
      %swap3A_780 = tpu.vector_load %arg8[%swap3A_779] {strides = array<i32>} : memref<35328xf32, #tpu.memory_space<vmem>>, vector<16xf32>,
      tpu.vector_store %arg8[%swap3A_779], %mul3A_778 {strides = array<i32>} : memref<35328xf32, #tpu.memory_space<vmem>>, vector<16xf32>,
      %add3A_781 = arith.constant 24 : i32
      %add3A_782 = arith.addi %add3A_781, %scan3A_62 : i32
      %mul3A_783 = arith.constant 368 : i32
      %mul3A_784 = arith.muli %add3A_782, %mul3A_783 : i32
      %add3A_785 = arith.constant 224 : i32
      %add3A_786 = arith.addi %mul3A_784, %add3A_785 : i32
      %get3A_787 = arith.index_cast %add3A_786 : i32 to index
      %get3A_788 = tpu.vector_load %arg8[%get3A_787] {strides = array<i32>} : memref<35328xf32, #tpu.memory_space<vmem>>, vector<16xf32>,
      %mul3A_789 = vector.broadcast %scan3A_24 : f32 to vector<16xf32>
      %mul3A_790 = arith.mulf %get3A_788, %mul3A_789 : vector<16xf32>
      %swap3A_791 = arith.index_cast %add3A_786 : i32 to index
      %swap3A_792 = tpu.vector_load %arg8[%swap3A_791] {strides = array<i32>} : memref<35328xf32, #tpu.memory_space<vmem>>, vector<16xf32>,
      tpu.vector_store %arg8[%swap3A_791], %mul3A_790 {strides = array<i32>} : memref<35328xf32, #tpu.memory_space<vmem>>, vector<16xf32>,
      %add3A_793 = arith.constant 24 : i32
      %add3A_794 = arith.addi %add3A_793, %scan3A_62 : i32
      %mul3A_795 = arith.constant 368 : i32
      %mul3A_796 = arith.muli %add3A_794, %mul3A_795 : i32
      %add3A_797 = arith.constant 240 : i32
      %add3A_798 = arith.addi %mul3A_796, %add3A_797 : i32
      %get3A_799 = arith.index_cast %add3A_798 : i32 to index
      %get3A_800 = tpu.vector_load %arg8[%get3A_799] {strides = array<i32>} : memref<35328xf32, #tpu.memory_space<vmem>>, vector<16xf32>,
      %mul3A_801 = vector.broadcast %scan3A_24 : f32 to vector<16xf32>
      %mul3A_802 = arith.mulf %get3A_800, %mul3A_801 : vector<16xf32>
      %swap3A_803 = arith.index_cast %add3A_798 : i32 to index
      %swap3A_804 = tpu.vector_load %arg8[%swap3A_803] {strides = array<i32>} : memref<35328xf32, #tpu.memory_space<vmem>>, vector<16xf32>,
      tpu.vector_store %arg8[%swap3A_803], %mul3A_802 {strides = array<i32>} : memref<35328xf32, #tpu.memory_space<vmem>>, vector<16xf32>,
      %add3A_805 = arith.constant 24 : i32
      %add3A_806 = arith.addi %add3A_805, %scan3A_62 : i32
      %mul3A_807 = arith.constant 368 : i32
      %mul3A_808 = arith.muli %add3A_806, %mul3A_807 : i32
      %add3A_809 = arith.constant 256 : i32
      %add3A_810 = arith.addi %mul3A_808, %add3A_809 : i32
      %get3A_811 = arith.index_cast %add3A_810 : i32 to index
      %get3A_812 = tpu.vector_load %arg8[%get3A_811] {strides = array<i32>} : memref<35328xf32, #tpu.memory_space<vmem>>, vector<16xf32>,
      %mul3A_813 = vector.broadcast %scan3A_24 : f32 to vector<16xf32>
      %mul3A_814 = arith.mulf %get3A_812, %mul3A_813 : vector<16xf32>
      %swap3A_815 = arith.index_cast %add3A_810 : i32 to index
      %swap3A_816 = tpu.vector_load %arg8[%swap3A_815] {strides = array<i32>} : memref<35328xf32, #tpu.memory_space<vmem>>, vector<16xf32>,
      tpu.vector_store %arg8[%swap3A_815], %mul3A_814 {strides = array<i32>} : memref<35328xf32, #tpu.memory_space<vmem>>, vector<16xf32>,
      %add3A_817 = arith.constant 24 : i32
      %add3A_818 = arith.addi %add3A_817, %scan3A_62 : i32
      %mul3A_819 = arith.constant 368 : i32
      %mul3A_820 = arith.muli %add3A_818, %mul3A_819 : i32
      %add3A_821 = arith.constant 272 : i32
      %add3A_822 = arith.addi %mul3A_820, %add3A_821 : i32
      %get3A_823 = arith.index_cast %add3A_822 : i32 to index
      %get3A_824 = tpu.vector_load %arg8[%get3A_823] {strides = array<i32>} : memref<35328xf32, #tpu.memory_space<vmem>>, vector<16xf32>,
      %mul3A_825 = vector.broadcast %scan3A_24 : f32 to vector<16xf32>
      %mul3A_826 = arith.mulf %get3A_824, %mul3A_825 : vector<16xf32>
      %swap3A_827 = arith.index_cast %add3A_822 : i32 to index
      %swap3A_828 = tpu.vector_load %arg8[%swap3A_827] {strides = array<i32>} : memref<35328xf32, #tpu.memory_space<vmem>>, vector<16xf32>,
      tpu.vector_store %arg8[%swap3A_827], %mul3A_826 {strides = array<i32>} : memref<35328xf32, #tpu.memory_space<vmem>>, vector<16xf32>,
      %add3A_829 = arith.constant 24 : i32
      %add3A_830 = arith.addi %add3A_829, %scan3A_62 : i32
      %mul3A_831 = arith.constant 368 : i32
      %mul3A_832 = arith.muli %add3A_830, %mul3A_831 : i32
      %add3A_833 = arith.constant 288 : i32
      %add3A_834 = arith.addi %mul3A_832, %add3A_833 : i32
      %get3A_835 = arith.index_cast %add3A_834 : i32 to index
      %get3A_836 = tpu.vector_load %arg8[%get3A_835] {strides = array<i32>} : memref<35328xf32, #tpu.memory_space<vmem>>, vector<16xf32>,
      %mul3A_837 = vector.broadcast %scan3A_24 : f32 to vector<16xf32>
      %mul3A_838 = arith.mulf %get3A_836, %mul3A_837 : vector<16xf32>
      %swap3A_839 = arith.index_cast %add3A_834 : i32 to index
      %swap3A_840 = tpu.vector_load %arg8[%swap3A_839] {strides = array<i32>} : memref<35328xf32, #tpu.memory_space<vmem>>, vector<16xf32>,
      tpu.vector_store %arg8[%swap3A_839], %mul3A_838 {strides = array<i32>} : memref<35328xf32, #tpu.memory_space<vmem>>, vector<16xf32>,
      %add3A_841 = arith.constant 24 : i32
      %add3A_842 = arith.addi %add3A_841, %scan3A_62 : i32
      %mul3A_843 = arith.constant 368 : i32
      %mul3A_844 = arith.muli %add3A_842, %mul3A_843 : i32
      %add3A_845 = arith.constant 304 : i32
      %add3A_846 = arith.addi %mul3A_844, %add3A_845 : i32
      %get3A_847 = arith.index_cast %add3A_846 : i32 to index
      %get3A_848 = tpu.vector_load %arg8[%get3A_847] {strides = array<i32>} : memref<35328xf32, #tpu.memory_space<vmem>>, vector<16xf32>,
      %mul3A_849 = vector.broadcast %scan3A_24 : f32 to vector<16xf32>
      %mul3A_850 = arith.mulf %get3A_848, %mul3A_849 : vector<16xf32>
      %swap3A_851 = arith.index_cast %add3A_846 : i32 to index
      %swap3A_852 = tpu.vector_load %arg8[%swap3A_851] {strides = array<i32>} : memref<35328xf32, #tpu.memory_space<vmem>>, vector<16xf32>,
      tpu.vector_store %arg8[%swap3A_851], %mul3A_850 {strides = array<i32>} : memref<35328xf32, #tpu.memory_space<vmem>>, vector<16xf32>,
      %add3A_853 = arith.constant 24 : i32
      %add3A_854 = arith.addi %add3A_853, %scan3A_62 : i32
      %mul3A_855 = arith.constant 368 : i32
      %mul3A_856 = arith.muli %add3A_854, %mul3A_855 : i32
      %add3A_857 = arith.constant 320 : i32
      %add3A_858 = arith.addi %mul3A_856, %add3A_857 : i32
      %get3A_859 = arith.index_cast %add3A_858 : i32 to index
      %get3A_860 = tpu.vector_load %arg8[%get3A_859] {strides = array<i32>} : memref<35328xf32, #tpu.memory_space<vmem>>, vector<16xf32>,
      %mul3A_861 = vector.broadcast %scan3A_24 : f32 to vector<16xf32>
      %mul3A_862 = arith.mulf %get3A_860, %mul3A_861 : vector<16xf32>
      %swap3A_863 = arith.index_cast %add3A_858 : i32 to index
      %swap3A_864 = tpu.vector_load %arg8[%swap3A_863] {strides = array<i32>} : memref<35328xf32, #tpu.memory_space<vmem>>, vector<16xf32>,
      tpu.vector_store %arg8[%swap3A_863], %mul3A_862 {strides = array<i32>} : memref<35328xf32, #tpu.memory_space<vmem>>, vector<16xf32>,
      %add3A_865 = arith.constant 24 : i32
      %add3A_866 = arith.addi %add3A_865, %scan3A_62 : i32
      %mul3A_867 = arith.constant 368 : i32
      %mul3A_868 = arith.muli %add3A_866, %mul3A_867 : i32
      %add3A_869 = arith.constant 336 : i32
      %add3A_870 = arith.addi %mul3A_868, %add3A_869 : i32
      %get3A_871 = arith.index_cast %add3A_870 : i32 to index
      %get3A_872 = tpu.vector_load %arg8[%get3A_871] {strides = array<i32>} : memref<35328xf32, #tpu.memory_space<vmem>>, vector<16xf32>,
      %mul3A_873 = vector.broadcast %scan3A_24 : f32 to vector<16xf32>
      %mul3A_874 = arith.mulf %get3A_872, %mul3A_873 : vector<16xf32>
      %swap3A_875 = arith.index_cast %add3A_870 : i32 to index
      %swap3A_876 = tpu.vector_load %arg8[%swap3A_875] {strides = array<i32>} : memref<35328xf32, #tpu.memory_space<vmem>>, vector<16xf32>,
      tpu.vector_store %arg8[%swap3A_875], %mul3A_874 {strides = array<i32>} : memref<35328xf32, #tpu.memory_space<vmem>>, vector<16xf32>,
      %add3A_877 = arith.constant 24 : i32
      %add3A_878 = arith.addi %add3A_877, %scan3A_62 : i32
      %mul3A_879 = arith.constant 368 : i32
      %mul3A_880 = arith.muli %add3A_878, %mul3A_879 : i32
      %add3A_881 = arith.constant 352 : i32
      %add3A_882 = arith.addi %mul3A_880, %add3A_881 : i32
      %get3A_883 = arith.index_cast %add3A_882 : i32 to index
      %get3A_884 = tpu.vector_load %arg8[%get3A_883] {strides = array<i32>} : memref<35328xf32, #tpu.memory_space<vmem>>, vector<16xf32>,
      %mul3A_885 = vector.broadcast %scan3A_24 : f32 to vector<16xf32>
      %mul3A_886 = arith.mulf %get3A_884, %mul3A_885 : vector<16xf32>
      %swap3A_887 = arith.index_cast %add3A_882 : i32 to index
      %swap3A_888 = tpu.vector_load %arg8[%swap3A_887] {strides = array<i32>} : memref<35328xf32, #tpu.memory_space<vmem>>, vector<16xf32>,
      tpu.vector_store %arg8[%swap3A_887], %mul3A_886 {strides = array<i32>} : memref<35328xf32, #tpu.memory_space<vmem>>, vector<16xf32>,
      %add3A_889 = arith.constant 36 : i32
      %add3A_890 = arith.addi %add3A_889, %scan3A_62 : i32
      %mul3A_891 = arith.constant 368 : i32
      %mul3A_892 = arith.muli %add3A_890, %mul3A_891 : i32
      %add3A_893 = arith.constant 0 : i32
      %add3A_894 = arith.addi %mul3A_892, %add3A_893 : i32
      %get3A_895 = arith.index_cast %add3A_894 : i32 to index
      %get3A_896 = tpu.vector_load %arg8[%get3A_895] {strides = array<i32>} : memref<35328xf32, #tpu.memory_space<vmem>>, vector<16xf32>,
      %mul3A_897 = vector.broadcast %scan3A_24 : f32 to vector<16xf32>
      %mul3A_898 = arith.mulf %get3A_896, %mul3A_897 : vector<16xf32>
      %swap3A_899 = arith.index_cast %add3A_894 : i32 to index
      %swap3A_900 = tpu.vector_load %arg8[%swap3A_899] {strides = array<i32>} : memref<35328xf32, #tpu.memory_space<vmem>>, vector<16xf32>,
      tpu.vector_store %arg8[%swap3A_899], %mul3A_898 {strides = array<i32>} : memref<35328xf32, #tpu.memory_space<vmem>>, vector<16xf32>,
      %add3A_901 = arith.constant 36 : i32
      %add3A_902 = arith.addi %add3A_901, %scan3A_62 : i32
      %mul3A_903 = arith.constant 368 : i32
      %mul3A_904 = arith.muli %add3A_902, %mul3A_903 : i32
      %add3A_905 = arith.constant 16 : i32
      %add3A_906 = arith.addi %mul3A_904, %add3A_905 : i32
      %get3A_907 = arith.index_cast %add3A_906 : i32 to index
      %get3A_908 = tpu.vector_load %arg8[%get3A_907] {strides = array<i32>} : memref<35328xf32, #tpu.memory_space<vmem>>, vector<16xf32>,
      %mul3A_909 = vector.broadcast %scan3A_24 : f32 to vector<16xf32>
      %mul3A_910 = arith.mulf %get3A_908, %mul3A_909 : vector<16xf32>
      %swap3A_911 = arith.index_cast %add3A_906 : i32 to index
      %swap3A_912 = tpu.vector_load %arg8[%swap3A_911] {strides = array<i32>} : memref<35328xf32, #tpu.memory_space<vmem>>, vector<16xf32>,
      tpu.vector_store %arg8[%swap3A_911], %mul3A_910 {strides = array<i32>} : memref<35328xf32, #tpu.memory_space<vmem>>, vector<16xf32>,
      %add3A_913 = arith.constant 36 : i32
      %add3A_914 = arith.addi %add3A_913, %scan3A_62 : i32
      %mul3A_915 = arith.constant 368 : i32
      %mul3A_916 = arith.muli %add3A_914, %mul3A_915 : i32
      %add3A_917 = arith.constant 32 : i32
      %add3A_918 = arith.addi %mul3A_916, %add3A_917 : i32
      %get3A_919 = arith.index_cast %add3A_918 : i32 to index
      %get3A_920 = tpu.vector_load %arg8[%get3A_919] {strides = array<i32>} : memref<35328xf32, #tpu.memory_space<vmem>>, vector<16xf32>,
      %mul3A_921 = vector.broadcast %scan3A_24 : f32 to vector<16xf32>
      %mul3A_922 = arith.mulf %get3A_920, %mul3A_921 : vector<16xf32>
      %swap3A_923 = arith.index_cast %add3A_918 : i32 to index
      %swap3A_924 = tpu.vector_load %arg8[%swap3A_923] {strides = array<i32>} : memref<35328xf32, #tpu.memory_space<vmem>>, vector<16xf32>,
      tpu.vector_store %arg8[%swap3A_923], %mul3A_922 {strides = array<i32>} : memref<35328xf32, #tpu.memory_space<vmem>>, vector<16xf32>,
      %add3A_925 = arith.constant 36 : i32
      %add3A_926 = arith.addi %add3A_925, %scan3A_62 : i32
      %mul3A_927 = arith.constant 368 : i32
      %mul3A_928 = arith.muli %add3A_926, %mul3A_927 : i32
      %add3A_929 = arith.constant 48 : i32
      %add3A_930 = arith.addi %mul3A_928, %add3A_929 : i32
      %get3A_931 = arith.index_cast %add3A_930 : i32 to index
      %get3A_932 = tpu.vector_load %arg8[%get3A_931] {strides = array<i32>} : memref<35328xf32, #tpu.memory_space<vmem>>, vector<16xf32>,
      %mul3A_933 = vector.broadcast %scan3A_24 : f32 to vector<16xf32>
      %mul3A_934 = arith.mulf %get3A_932, %mul3A_933 : vector<16xf32>
      %swap3A_935 = arith.index_cast %add3A_930 : i32 to index
      %swap3A_936 = tpu.vector_load %arg8[%swap3A_935] {strides = array<i32>} : memref<35328xf32, #tpu.memory_space<vmem>>, vector<16xf32>,
      tpu.vector_store %arg8[%swap3A_935], %mul3A_934 {strides = array<i32>} : memref<35328xf32, #tpu.memory_space<vmem>>, vector<16xf32>,
      %add3A_937 = arith.constant 36 : i32
      %add3A_938 = arith.addi %add3A_937, %scan3A_62 : i32
      %mul3A_939 = arith.constant 368 : i32
      %mul3A_940 = arith.muli %add3A_938, %mul3A_939 : i32
      %add3A_941 = arith.constant 64 : i32
      %add3A_942 = arith.addi %mul3A_940, %add3A_941 : i32
      %get3A_943 = arith.index_cast %add3A_942 : i32 to index
      %get3A_944 = tpu.vector_load %arg8[%get3A_943] {strides = array<i32>} : memref<35328xf32, #tpu.memory_space<vmem>>, vector<16xf32>,
      %mul3A_945 = vector.broadcast %scan3A_24 : f32 to vector<16xf32>
      %mul3A_946 = arith.mulf %get3A_944, %mul3A_945 : vector<16xf32>
      %swap3A_947 = arith.index_cast %add3A_942 : i32 to index
      %swap3A_948 = tpu.vector_load %arg8[%swap3A_947] {strides = array<i32>} : memref<35328xf32, #tpu.memory_space<vmem>>, vector<16xf32>,
      tpu.vector_store %arg8[%swap3A_947], %mul3A_946 {strides = array<i32>} : memref<35328xf32, #tpu.memory_space<vmem>>, vector<16xf32>,
      %add3A_949 = arith.constant 36 : i32
      %add3A_950 = arith.addi %add3A_949, %scan3A_62 : i32
      %mul3A_951 = arith.constant 368 : i32
      %mul3A_952 = arith.muli %add3A_950, %mul3A_951 : i32
      %add3A_953 = arith.constant 80 : i32
      %add3A_954 = arith.addi %mul3A_952, %add3A_953 : i32
      %get3A_955 = arith.index_cast %add3A_954 : i32 to index
      %get3A_956 = tpu.vector_load %arg8[%get3A_955] {strides = array<i32>} : memref<35328xf32, #tpu.memory_space<vmem>>, vector<16xf32>,
      %mul3A_957 = vector.broadcast %scan3A_24 : f32 to vector<16xf32>
      %mul3A_958 = arith.mulf %get3A_956, %mul3A_957 : vector<16xf32>
      %swap3A_959 = arith.index_cast %add3A_954 : i32 to index
      %swap3A_960 = tpu.vector_load %arg8[%swap3A_959] {strides = array<i32>} : memref<35328xf32, #tpu.memory_space<vmem>>, vector<16xf32>,
      tpu.vector_store %arg8[%swap3A_959], %mul3A_958 {strides = array<i32>} : memref<35328xf32, #tpu.memory_space<vmem>>, vector<16xf32>,
      %add3A_961 = arith.constant 36 : i32
      %add3A_962 = arith.addi %add3A_961, %scan3A_62 : i32
      %mul3A_963 = arith.constant 368 : i32
      %mul3A_964 = arith.muli %add3A_962, %mul3A_963 : i32
      %add3A_965 = arith.constant 96 : i32
      %add3A_966 = arith.addi %mul3A_964, %add3A_965 : i32
      %get3A_967 = arith.index_cast %add3A_966 : i32 to index
      %get3A_968 = tpu.vector_load %arg8[%get3A_967] {strides = array<i32>} : memref<35328xf32, #tpu.memory_space<vmem>>, vector<16xf32>,
      %mul3A_969 = vector.broadcast %scan3A_24 : f32 to vector<16xf32>
      %mul3A_970 = arith.mulf %get3A_968, %mul3A_969 : vector<16xf32>
      %swap3A_971 = arith.index_cast %add3A_966 : i32 to index
      %swap3A_972 = tpu.vector_load %arg8[%swap3A_971] {strides = array<i32>} : memref<35328xf32, #tpu.memory_space<vmem>>, vector<16xf32>,
      tpu.vector_store %arg8[%swap3A_971], %mul3A_970 {strides = array<i32>} : memref<35328xf32, #tpu.memory_space<vmem>>, vector<16xf32>,
      %add3A_973 = arith.constant 36 : i32
      %add3A_974 = arith.addi %add3A_973, %scan3A_62 : i32
      %mul3A_975 = arith.constant 368 : i32
      %mul3A_976 = arith.muli %add3A_974, %mul3A_975 : i32
      %add3A_977 = arith.constant 112 : i32
      %add3A_978 = arith.addi %mul3A_976, %add3A_977 : i32
      %get3A_979 = arith.index_cast %add3A_978 : i32 to index
      %get3A_980 = tpu.vector_load %arg8[%get3A_979] {strides = array<i32>} : memref<35328xf32, #tpu.memory_space<vmem>>, vector<16xf32>,
      %mul3A_981 = vector.broadcast %scan3A_24 : f32 to vector<16xf32>
      %mul3A_982 = arith.mulf %get3A_980, %mul3A_981 : vector<16xf32>
      %swap3A_983 = arith.index_cast %add3A_978 : i32 to index
      %swap3A_984 = tpu.vector_load %arg8[%swap3A_983] {strides = array<i32>} : memref<35328xf32, #tpu.memory_space<vmem>>, vector<16xf32>,
      tpu.vector_store %arg8[%swap3A_983], %mul3A_982 {strides = array<i32>} : memref<35328xf32, #tpu.memory_space<vmem>>, vector<16xf32>,
      %add3A_985 = arith.constant 36 : i32
      %add3A_986 = arith.addi %add3A_985, %scan3A_62 : i32
      %mul3A_987 = arith.constant 368 : i32
      %mul3A_988 = arith.muli %add3A_986, %mul3A_987 : i32
      %add3A_989 = arith.constant 128 : i32
      %add3A_990 = arith.addi %mul3A_988, %add3A_989 : i32
      %get3A_991 = arith.index_cast %add3A_990 : i32 to index
      %get3A_992 = tpu.vector_load %arg8[%get3A_991] {strides = array<i32>} : memref<35328xf32, #tpu.memory_space<vmem>>, vector<16xf32>,
      %mul3A_993 = vector.broadcast %scan3A_24 : f32 to vector<16xf32>
      %mul3A_994 = arith.mulf %get3A_992, %mul3A_993 : vector<16xf32>
      %swap3A_995 = arith.index_cast %add3A_990 : i32 to index
      %swap3A_996 = tpu.vector_load %arg8[%swap3A_995] {strides = array<i32>} : memref<35328xf32, #tpu.memory_space<vmem>>, vector<16xf32>,
      tpu.vector_store %arg8[%swap3A_995], %mul3A_994 {strides = array<i32>} : memref<35328xf32, #tpu.memory_space<vmem>>, vector<16xf32>,
      %add3A_997 = arith.constant 36 : i32
      %add3A_998 = arith.addi %add3A_997, %scan3A_62 : i32
      %mul3A_999 = arith.constant 368 : i32
      %mul3A_1000 = arith.muli %add3A_998, %mul3A_999 : i32
      %add3A_1001 = arith.constant 144 : i32
      %add3A_1002 = arith.addi %mul3A_1000, %add3A_1001 : i32
      %get3A_1003 = arith.index_cast %add3A_1002 : i32 to index
      %get3A_1004 = tpu.vector_load %arg8[%get3A_1003] {strides = array<i32>} : memref<35328xf32, #tpu.memory_space<vmem>>, vector<16xf32>,
      %mul3A_1005 = vector.broadcast %scan3A_24 : f32 to vector<16xf32>
      %mul3A_1006 = arith.mulf %get3A_1004, %mul3A_1005 : vector<16xf32>
      %swap3A_1007 = arith.index_cast %add3A_1002 : i32 to index
      %swap3A_1008 = tpu.vector_load %arg8[%swap3A_1007] {strides = array<i32>} : memref<35328xf32, #tpu.memory_space<vmem>>, vector<16xf32>,
      tpu.vector_store %arg8[%swap3A_1007], %mul3A_1006 {strides = array<i32>} : memref<35328xf32, #tpu.memory_space<vmem>>, vector<16xf32>,
      %add3A_1009 = arith.constant 36 : i32
      %add3A_1010 = arith.addi %add3A_1009, %scan3A_62 : i32
      %mul3A_1011 = arith.constant 368 : i32
      %mul3A_1012 = arith.muli %add3A_1010, %mul3A_1011 : i32
      %add3A_1013 = arith.constant 160 : i32
      %add3A_1014 = arith.addi %mul3A_1012, %add3A_1013 : i32
      %get3A_1015 = arith.index_cast %add3A_1014 : i32 to index
      %get3A_1016 = tpu.vector_load %arg8[%get3A_1015] {strides = array<i32>} : memref<35328xf32, #tpu.memory_space<vmem>>, vector<16xf32>,
      %mul3A_1017 = vector.broadcast %scan3A_24 : f32 to vector<16xf32>
      %mul3A_1018 = arith.mulf %get3A_1016, %mul3A_1017 : vector<16xf32>
      %swap3A_1019 = arith.index_cast %add3A_1014 : i32 to index
      %swap3A_1020 = tpu.vector_load %arg8[%swap3A_1019] {strides = array<i32>} : memref<35328xf32, #tpu.memory_space<vmem>>, vector<16xf32>,
      tpu.vector_store %arg8[%swap3A_1019], %mul3A_1018 {strides = array<i32>} : memref<35328xf32, #tpu.memory_space<vmem>>, vector<16xf32>,
      %add3A_1021 = arith.constant 36 : i32
      %add3A_1022 = arith.addi %add3A_1021, %scan3A_62 : i32
      %mul3A_1023 = arith.constant 368 : i32
      %mul3A_1024 = arith.muli %add3A_1022, %mul3A_1023 : i32
      %add3A_1025 = arith.constant 176 : i32
      %add3A_1026 = arith.addi %mul3A_1024, %add3A_1025 : i32
      %get3A_1027 = arith.index_cast %add3A_1026 : i32 to index
      %get3A_1028 = tpu.vector_load %arg8[%get3A_1027] {strides = array<i32>} : memref<35328xf32, #tpu.memory_space<vmem>>, vector<16xf32>,
      %mul3A_1029 = vector.broadcast %scan3A_24 : f32 to vector<16xf32>
      %mul3A_1030 = arith.mulf %get3A_1028, %mul3A_1029 : vector<16xf32>
      %swap3A_1031 = arith.index_cast %add3A_1026 : i32 to index
      %swap3A_1032 = tpu.vector_load %arg8[%swap3A_1031] {strides = array<i32>} : memref<35328xf32, #tpu.memory_space<vmem>>, vector<16xf32>,
      tpu.vector_store %arg8[%swap3A_1031], %mul3A_1030 {strides = array<i32>} : memref<35328xf32, #tpu.memory_space<vmem>>, vector<16xf32>,
      %add3A_1033 = arith.constant 36 : i32
      %add3A_1034 = arith.addi %add3A_1033, %scan3A_62 : i32
      %mul3A_1035 = arith.constant 368 : i32
      %mul3A_1036 = arith.muli %add3A_1034, %mul3A_1035 : i32
      %add3A_1037 = arith.constant 192 : i32
      %add3A_1038 = arith.addi %mul3A_1036, %add3A_1037 : i32
      %get3A_1039 = arith.index_cast %add3A_1038 : i32 to index
      %get3A_1040 = tpu.vector_load %arg8[%get3A_1039] {strides = array<i32>} : memref<35328xf32, #tpu.memory_space<vmem>>, vector<16xf32>,
      %mul3A_1041 = vector.broadcast %scan3A_24 : f32 to vector<16xf32>
      %mul3A_1042 = arith.mulf %get3A_1040, %mul3A_1041 : vector<16xf32>
      %swap3A_1043 = arith.index_cast %add3A_1038 : i32 to index
      %swap3A_1044 = tpu.vector_load %arg8[%swap3A_1043] {strides = array<i32>} : memref<35328xf32, #tpu.memory_space<vmem>>, vector<16xf32>,
      tpu.vector_store %arg8[%swap3A_1043], %mul3A_1042 {strides = array<i32>} : memref<35328xf32, #tpu.memory_space<vmem>>, vector<16xf32>,
      %add3A_1045 = arith.constant 36 : i32
      %add3A_1046 = arith.addi %add3A_1045, %scan3A_62 : i32
      %mul3A_1047 = arith.constant 368 : i32
      %mul3A_1048 = arith.muli %add3A_1046, %mul3A_1047 : i32
      %add3A_1049 = arith.constant 208 : i32
      %add3A_1050 = arith.addi %mul3A_1048, %add3A_1049 : i32
      %get3A_1051 = arith.index_cast %add3A_1050 : i32 to index
      %get3A_1052 = tpu.vector_load %arg8[%get3A_1051] {strides = array<i32>} : memref<35328xf32, #tpu.memory_space<vmem>>, vector<16xf32>,
      %mul3A_1053 = vector.broadcast %scan3A_24 : f32 to vector<16xf32>
      %mul3A_1054 = arith.mulf %get3A_1052, %mul3A_1053 : vector<16xf32>
      %swap3A_1055 = arith.index_cast %add3A_1050 : i32 to index
      %swap3A_1056 = tpu.vector_load %arg8[%swap3A_1055] {strides = array<i32>} : memref<35328xf32, #tpu.memory_space<vmem>>, vector<16xf32>,
      tpu.vector_store %arg8[%swap3A_1055], %mul3A_1054 {strides = array<i32>} : memref<35328xf32, #tpu.memory_space<vmem>>, vector<16xf32>,
      %add3A_1057 = arith.constant 36 : i32
      %add3A_1058 = arith.addi %add3A_1057, %scan3A_62 : i32
      %mul3A_1059 = arith.constant 368 : i32
      %mul3A_1060 = arith.muli %add3A_1058, %mul3A_1059 : i32
      %add3A_1061 = arith.constant 224 : i32
      %add3A_1062 = arith.addi %mul3A_1060, %add3A_1061 : i32
      %get3A_1063 = arith.index_cast %add3A_1062 : i32 to index
      %get3A_1064 = tpu.vector_load %arg8[%get3A_1063] {strides = array<i32>} : memref<35328xf32, #tpu.memory_space<vmem>>, vector<16xf32>,
      %mul3A_1065 = vector.broadcast %scan3A_24 : f32 to vector<16xf32>
      %mul3A_1066 = arith.mulf %get3A_1064, %mul3A_1065 : vector<16xf32>
      %swap3A_1067 = arith.index_cast %add3A_1062 : i32 to index
      %swap3A_1068 = tpu.vector_load %arg8[%swap3A_1067] {strides = array<i32>} : memref<35328xf32, #tpu.memory_space<vmem>>, vector<16xf32>,
      tpu.vector_store %arg8[%swap3A_1067], %mul3A_1066 {strides = array<i32>} : memref<35328xf32, #tpu.memory_space<vmem>>, vector<16xf32>,
      %add3A_1069 = arith.constant 36 : i32
      %add3A_1070 = arith.addi %add3A_1069, %scan3A_62 : i32
      %mul3A_1071 = arith.constant 368 : i32
      %mul3A_1072 = arith.muli %add3A_1070, %mul3A_1071 : i32
      %add3A_1073 = arith.constant 240 : i32
      %add3A_1074 = arith.addi %mul3A_1072, %add3A_1073 : i32
      %get3A_1075 = arith.index_cast %add3A_1074 : i32 to index
      %get3A_1076 = tpu.vector_load %arg8[%get3A_1075] {strides = array<i32>} : memref<35328xf32, #tpu.memory_space<vmem>>, vector<16xf32>,
      %mul3A_1077 = vector.broadcast %scan3A_24 : f32 to vector<16xf32>
      %mul3A_1078 = arith.mulf %get3A_1076, %mul3A_1077 : vector<16xf32>
      %swap3A_1079 = arith.index_cast %add3A_1074 : i32 to index
      %swap3A_1080 = tpu.vector_load %arg8[%swap3A_1079] {strides = array<i32>} : memref<35328xf32, #tpu.memory_space<vmem>>, vector<16xf32>,
      tpu.vector_store %arg8[%swap3A_1079], %mul3A_1078 {strides = array<i32>} : memref<35328xf32, #tpu.memory_space<vmem>>, vector<16xf32>,
      %add3A_1081 = arith.constant 36 : i32
      %add3A_1082 = arith.addi %add3A_1081, %scan3A_62 : i32
      %mul3A_1083 = arith.constant 368 : i32
      %mul3A_1084 = arith.muli %add3A_1082, %mul3A_1083 : i32
      %add3A_1085 = arith.constant 256 : i32
      %add3A_1086 = arith.addi %mul3A_1084, %add3A_1085 : i32
      %get3A_1087 = arith.index_cast %add3A_1086 : i32 to index
      %get3A_1088 = tpu.vector_load %arg8[%get3A_1087] {strides = array<i32>} : memref<35328xf32, #tpu.memory_space<vmem>>, vector<16xf32>,
      %mul3A_1089 = vector.broadcast %scan3A_24 : f32 to vector<16xf32>
      %mul3A_1090 = arith.mulf %get3A_1088, %mul3A_1089 : vector<16xf32>
      %swap3A_1091 = arith.index_cast %add3A_1086 : i32 to index
      %swap3A_1092 = tpu.vector_load %arg8[%swap3A_1091] {strides = array<i32>} : memref<35328xf32, #tpu.memory_space<vmem>>, vector<16xf32>,
      tpu.vector_store %arg8[%swap3A_1091], %mul3A_1090 {strides = array<i32>} : memref<35328xf32, #tpu.memory_space<vmem>>, vector<16xf32>,
      %add3A_1093 = arith.constant 36 : i32
      %add3A_1094 = arith.addi %add3A_1093, %scan3A_62 : i32
      %mul3A_1095 = arith.constant 368 : i32
      %mul3A_1096 = arith.muli %add3A_1094, %mul3A_1095 : i32
      %add3A_1097 = arith.constant 272 : i32
      %add3A_1098 = arith.addi %mul3A_1096, %add3A_1097 : i32
      %get3A_1099 = arith.index_cast %add3A_1098 : i32 to index
      %get3A_1100 = tpu.vector_load %arg8[%get3A_1099] {strides = array<i32>} : memref<35328xf32, #tpu.memory_space<vmem>>, vector<16xf32>,
      %mul3A_1101 = vector.broadcast %scan3A_24 : f32 to vector<16xf32>
      %mul3A_1102 = arith.mulf %get3A_1100, %mul3A_1101 : vector<16xf32>
      %swap3A_1103 = arith.index_cast %add3A_1098 : i32 to index
      %swap3A_1104 = tpu.vector_load %arg8[%swap3A_1103] {strides = array<i32>} : memref<35328xf32, #tpu.memory_space<vmem>>, vector<16xf32>,
      tpu.vector_store %arg8[%swap3A_1103], %mul3A_1102 {strides = array<i32>} : memref<35328xf32, #tpu.memory_space<vmem>>, vector<16xf32>,
      %add3A_1105 = arith.constant 36 : i32
      %add3A_1106 = arith.addi %add3A_1105, %scan3A_62 : i32
      %mul3A_1107 = arith.constant 368 : i32
      %mul3A_1108 = arith.muli %add3A_1106, %mul3A_1107 : i32
      %add3A_1109 = arith.constant 288 : i32
      %add3A_1110 = arith.addi %mul3A_1108, %add3A_1109 : i32
      %get3A_1111 = arith.index_cast %add3A_1110 : i32 to index
      %get3A_1112 = tpu.vector_load %arg8[%get3A_1111] {strides = array<i32>} : memref<35328xf32, #tpu.memory_space<vmem>>, vector<16xf32>,
      %mul3A_1113 = vector.broadcast %scan3A_24 : f32 to vector<16xf32>
      %mul3A_1114 = arith.mulf %get3A_1112, %mul3A_1113 : vector<16xf32>
      %swap3A_1115 = arith.index_cast %add3A_1110 : i32 to index
      %swap3A_1116 = tpu.vector_load %arg8[%swap3A_1115] {strides = array<i32>} : memref<35328xf32, #tpu.memory_space<vmem>>, vector<16xf32>,
      tpu.vector_store %arg8[%swap3A_1115], %mul3A_1114 {strides = array<i32>} : memref<35328xf32, #tpu.memory_space<vmem>>, vector<16xf32>,
      %add3A_1117 = arith.constant 36 : i32
      %add3A_1118 = arith.addi %add3A_1117, %scan3A_62 : i32
      %mul3A_1119 = arith.constant 368 : i32
      %mul3A_1120 = arith.muli %add3A_1118, %mul3A_1119 : i32
      %add3A_1121 = arith.constant 304 : i32
      %add3A_1122 = arith.addi %mul3A_1120, %add3A_1121 : i32
      %get3A_1123 = arith.index_cast %add3A_1122 : i32 to index
      %get3A_1124 = tpu.vector_load %arg8[%get3A_1123] {strides = array<i32>} : memref<35328xf32, #tpu.memory_space<vmem>>, vector<16xf32>,
      %mul3A_1125 = vector.broadcast %scan3A_24 : f32 to vector<16xf32>
      %mul3A_1126 = arith.mulf %get3A_1124, %mul3A_1125 : vector<16xf32>
      %swap3A_1127 = arith.index_cast %add3A_1122 : i32 to index
      %swap3A_1128 = tpu.vector_load %arg8[%swap3A_1127] {strides = array<i32>} : memref<35328xf32, #tpu.memory_space<vmem>>, vector<16xf32>,
      tpu.vector_store %arg8[%swap3A_1127], %mul3A_1126 {strides = array<i32>} : memref<35328xf32, #tpu.memory_space<vmem>>, vector<16xf32>,
      %add3A_1129 = arith.constant 36 : i32
      %add3A_1130 = arith.addi %add3A_1129, %scan3A_62 : i32
      %mul3A_1131 = arith.constant 368 : i32
      %mul3A_1132 = arith.muli %add3A_1130, %mul3A_1131 : i32
      %add3A_1133 = arith.constant 320 : i32
      %add3A_1134 = arith.addi %mul3A_1132, %add3A_1133 : i32
      %get3A_1135 = arith.index_cast %add3A_1134 : i32 to index
      %get3A_1136 = tpu.vector_load %arg8[%get3A_1135] {strides = array<i32>} : memref<35328xf32, #tpu.memory_space<vmem>>, vector<16xf32>,
      %mul3A_1137 = vector.broadcast %scan3A_24 : f32 to vector<16xf32>
      %mul3A_1138 = arith.mulf %get3A_1136, %mul3A_1137 : vector<16xf32>
      %swap3A_1139 = arith.index_cast %add3A_1134 : i32 to index
      %swap3A_1140 = tpu.vector_load %arg8[%swap3A_1139] {strides = array<i32>} : memref<35328xf32, #tpu.memory_space<vmem>>, vector<16xf32>,
      tpu.vector_store %arg8[%swap3A_1139], %mul3A_1138 {strides = array<i32>} : memref<35328xf32, #tpu.memory_space<vmem>>, vector<16xf32>,
      %add3A_1141 = arith.constant 36 : i32
      %add3A_1142 = arith.addi %add3A_1141, %scan3A_62 : i32
      %mul3A_1143 = arith.constant 368 : i32
      %mul3A_1144 = arith.muli %add3A_1142, %mul3A_1143 : i32
      %add3A_1145 = arith.constant 336 : i32
      %add3A_1146 = arith.addi %mul3A_1144, %add3A_1145 : i32
      %get3A_1147 = arith.index_cast %add3A_1146 : i32 to index
      %get3A_1148 = tpu.vector_load %arg8[%get3A_1147] {strides = array<i32>} : memref<35328xf32, #tpu.memory_space<vmem>>, vector<16xf32>,
      %mul3A_1149 = vector.broadcast %scan3A_24 : f32 to vector<16xf32>
      %mul3A_1150 = arith.mulf %get3A_1148, %mul3A_1149 : vector<16xf32>
      %swap3A_1151 = arith.index_cast %add3A_1146 : i32 to index
      %swap3A_1152 = tpu.vector_load %arg8[%swap3A_1151] {strides = array<i32>} : memref<35328xf32, #tpu.memory_space<vmem>>, vector<16xf32>,
      tpu.vector_store %arg8[%swap3A_1151], %mul3A_1150 {strides = array<i32>} : memref<35328xf32, #tpu.memory_space<vmem>>, vector<16xf32>,
      %add3A_1153 = arith.constant 36 : i32
      %add3A_1154 = arith.addi %add3A_1153, %scan3A_62 : i32
      %mul3A_1155 = arith.constant 368 : i32
      %mul3A_1156 = arith.muli %add3A_1154, %mul3A_1155 : i32
      %add3A_1157 = arith.constant 352 : i32
      %add3A_1158 = arith.addi %mul3A_1156, %add3A_1157 : i32
      %get3A_1159 = arith.index_cast %add3A_1158 : i32 to index
      %get3A_1160 = tpu.vector_load %arg8[%get3A_1159] {strides = array<i32>} : memref<35328xf32, #tpu.memory_space<vmem>>, vector<16xf32>,
      %mul3A_1161 = vector.broadcast %scan3A_24 : f32 to vector<16xf32>
      %mul3A_1162 = arith.mulf %get3A_1160, %mul3A_1161 : vector<16xf32>
      %swap3A_1163 = arith.index_cast %add3A_1158 : i32 to index
      %swap3A_1164 = tpu.vector_load %arg8[%swap3A_1163] {strides = array<i32>} : memref<35328xf32, #tpu.memory_space<vmem>>, vector<16xf32>,
      tpu.vector_store %arg8[%swap3A_1163], %mul3A_1162 {strides = array<i32>} : memref<35328xf32, #tpu.memory_space<vmem>>, vector<16xf32>,
      %add3A_1165 = arith.constant 48 : i32
      %add3A_1166 = arith.addi %add3A_1165, %scan3A_62 : i32
      %mul3A_1167 = arith.constant 368 : i32
      %mul3A_1168 = arith.muli %add3A_1166, %mul3A_1167 : i32
      %add3A_1169 = arith.constant 0 : i32
      %add3A_1170 = arith.addi %mul3A_1168, %add3A_1169 : i32
      %get3A_1171 = arith.index_cast %add3A_1170 : i32 to index
      %get3A_1172 = tpu.vector_load %arg8[%get3A_1171] {strides = array<i32>} : memref<35328xf32, #tpu.memory_space<vmem>>, vector<16xf32>,
      %mul3A_1173 = vector.broadcast %scan3A_24 : f32 to vector<16xf32>
      %mul3A_1174 = arith.mulf %get3A_1172, %mul3A_1173 : vector<16xf32>
      %swap3A_1175 = arith.index_cast %add3A_1170 : i32 to index
      %swap3A_1176 = tpu.vector_load %arg8[%swap3A_1175] {strides = array<i32>} : memref<35328xf32, #tpu.memory_space<vmem>>, vector<16xf32>,
      tpu.vector_store %arg8[%swap3A_1175], %mul3A_1174 {strides = array<i32>} : memref<35328xf32, #tpu.memory_space<vmem>>, vector<16xf32>,
      %add3A_1177 = arith.constant 48 : i32
      %add3A_1178 = arith.addi %add3A_1177, %scan3A_62 : i32
      %mul3A_1179 = arith.constant 368 : i32
      %mul3A_1180 = arith.muli %add3A_1178, %mul3A_1179 : i32
      %add3A_1181 = arith.constant 16 : i32
      %add3A_1182 = arith.addi %mul3A_1180, %add3A_1181 : i32
      %get3A_1183 = arith.index_cast %add3A_1182 : i32 to index
      %get3A_1184 = tpu.vector_load %arg8[%get3A_1183] {strides = array<i32>} : memref<35328xf32, #tpu.memory_space<vmem>>, vector<16xf32>,
      %mul3A_1185 = vector.broadcast %scan3A_24 : f32 to vector<16xf32>
      %mul3A_1186 = arith.mulf %get3A_1184, %mul3A_1185 : vector<16xf32>
      %swap3A_1187 = arith.index_cast %add3A_1182 : i32 to index
      %swap3A_1188 = tpu.vector_load %arg8[%swap3A_1187] {strides = array<i32>} : memref<35328xf32, #tpu.memory_space<vmem>>, vector<16xf32>,
      tpu.vector_store %arg8[%swap3A_1187], %mul3A_1186 {strides = array<i32>} : memref<35328xf32, #tpu.memory_space<vmem>>, vector<16xf32>,
      %add3A_1189 = arith.constant 48 : i32
      %add3A_1190 = arith.addi %add3A_1189, %scan3A_62 : i32
      %mul3A_1191 = arith.constant 368 : i32
      %mul3A_1192 = arith.muli %add3A_1190, %mul3A_1191 : i32
      %add3A_1193 = arith.constant 32 : i32
      %add3A_1194 = arith.addi %mul3A_1192, %add3A_1193 : i32
      %get3A_1195 = arith.index_cast %add3A_1194 : i32 to index
      %get3A_1196 = tpu.vector_load %arg8[%get3A_1195] {strides = array<i32>} : memref<35328xf32, #tpu.memory_space<vmem>>, vector<16xf32>,
      %mul3A_1197 = vector.broadcast %scan3A_24 : f32 to vector<16xf32>
      %mul3A_1198 = arith.mulf %get3A_1196, %mul3A_1197 : vector<16xf32>
      %swap3A_1199 = arith.index_cast %add3A_1194 : i32 to index
      %swap3A_1200 = tpu.vector_load %arg8[%swap3A_1199] {strides = array<i32>} : memref<35328xf32, #tpu.memory_space<vmem>>, vector<16xf32>,
      tpu.vector_store %arg8[%swap3A_1199], %mul3A_1198 {strides = array<i32>} : memref<35328xf32, #tpu.memory_space<vmem>>, vector<16xf32>,
      %add3A_1201 = arith.constant 48 : i32
      %add3A_1202 = arith.addi %add3A_1201, %scan3A_62 : i32
      %mul3A_1203 = arith.constant 368 : i32
      %mul3A_1204 = arith.muli %add3A_1202, %mul3A_1203 : i32
      %add3A_1205 = arith.constant 48 : i32
      %add3A_1206 = arith.addi %mul3A_1204, %add3A_1205 : i32
      %get3A_1207 = arith.index_cast %add3A_1206 : i32 to index
      %get3A_1208 = tpu.vector_load %arg8[%get3A_1207] {strides = array<i32>} : memref<35328xf32, #tpu.memory_space<vmem>>, vector<16xf32>,
      %mul3A_1209 = vector.broadcast %scan3A_24 : f32 to vector<16xf32>
      %mul3A_1210 = arith.mulf %get3A_1208, %mul3A_1209 : vector<16xf32>
      %swap3A_1211 = arith.index_cast %add3A_1206 : i32 to index
      %swap3A_1212 = tpu.vector_load %arg8[%swap3A_1211] {strides = array<i32>} : memref<35328xf32, #tpu.memory_space<vmem>>, vector<16xf32>,
      tpu.vector_store %arg8[%swap3A_1211], %mul3A_1210 {strides = array<i32>} : memref<35328xf32, #tpu.memory_space<vmem>>, vector<16xf32>,
      %add3A_1213 = arith.constant 48 : i32
      %add3A_1214 = arith.addi %add3A_1213, %scan3A_62 : i32
      %mul3A_1215 = arith.constant 368 : i32
      %mul3A_1216 = arith.muli %add3A_1214, %mul3A_1215 : i32
      %add3A_1217 = arith.constant 64 : i32
      %add3A_1218 = arith.addi %mul3A_1216, %add3A_1217 : i32
      %get3A_1219 = arith.index_cast %add3A_1218 : i32 to index
      %get3A_1220 = tpu.vector_load %arg8[%get3A_1219] {strides = array<i32>} : memref<35328xf32, #tpu.memory_space<vmem>>, vector<16xf32>,
      %mul3A_1221 = vector.broadcast %scan3A_24 : f32 to vector<16xf32>
      %mul3A_1222 = arith.mulf %get3A_1220, %mul3A_1221 : vector<16xf32>
      %swap3A_1223 = arith.index_cast %add3A_1218 : i32 to index
      %swap3A_1224 = tpu.vector_load %arg8[%swap3A_1223] {strides = array<i32>} : memref<35328xf32, #tpu.memory_space<vmem>>, vector<16xf32>,
      tpu.vector_store %arg8[%swap3A_1223], %mul3A_1222 {strides = array<i32>} : memref<35328xf32, #tpu.memory_space<vmem>>, vector<16xf32>,
      %add3A_1225 = arith.constant 48 : i32
      %add3A_1226 = arith.addi %add3A_1225, %scan3A_62 : i32
      %mul3A_1227 = arith.constant 368 : i32
      %mul3A_1228 = arith.muli %add3A_1226, %mul3A_1227 : i32
      %add3A_1229 = arith.constant 80 : i32
      %add3A_1230 = arith.addi %mul3A_1228, %add3A_1229 : i32
      %get3A_1231 = arith.index_cast %add3A_1230 : i32 to index
      %get3A_1232 = tpu.vector_load %arg8[%get3A_1231] {strides = array<i32>} : memref<35328xf32, #tpu.memory_space<vmem>>, vector<16xf32>,
      %mul3A_1233 = vector.broadcast %scan3A_24 : f32 to vector<16xf32>
      %mul3A_1234 = arith.mulf %get3A_1232, %mul3A_1233 : vector<16xf32>
      %swap3A_1235 = arith.index_cast %add3A_1230 : i32 to index
      %swap3A_1236 = tpu.vector_load %arg8[%swap3A_1235] {strides = array<i32>} : memref<35328xf32, #tpu.memory_space<vmem>>, vector<16xf32>,
      tpu.vector_store %arg8[%swap3A_1235], %mul3A_1234 {strides = array<i32>} : memref<35328xf32, #tpu.memory_space<vmem>>, vector<16xf32>,
      %add3A_1237 = arith.constant 48 : i32
      %add3A_1238 = arith.addi %add3A_1237, %scan3A_62 : i32
      %mul3A_1239 = arith.constant 368 : i32
      %mul3A_1240 = arith.muli %add3A_1238, %mul3A_1239 : i32
      %add3A_1241 = arith.constant 96 : i32
      %add3A_1242 = arith.addi %mul3A_1240, %add3A_1241 : i32
      %get3A_1243 = arith.index_cast %add3A_1242 : i32 to index
      %get3A_1244 = tpu.vector_load %arg8[%get3A_1243] {strides = array<i32>} : memref<35328xf32, #tpu.memory_space<vmem>>, vector<16xf32>,
      %mul3A_1245 = vector.broadcast %scan3A_24 : f32 to vector<16xf32>
      %mul3A_1246 = arith.mulf %get3A_1244, %mul3A_1245 : vector<16xf32>
      %swap3A_1247 = arith.index_cast %add3A_1242 : i32 to index
      %swap3A_1248 = tpu.vector_load %arg8[%swap3A_1247] {strides = array<i32>} : memref<35328xf32, #tpu.memory_space<vmem>>, vector<16xf32>,
      tpu.vector_store %arg8[%swap3A_1247], %mul3A_1246 {strides = array<i32>} : memref<35328xf32, #tpu.memory_space<vmem>>, vector<16xf32>,
      %add3A_1249 = arith.constant 48 : i32
      %add3A_1250 = arith.addi %add3A_1249, %scan3A_62 : i32
      %mul3A_1251 = arith.constant 368 : i32
      %mul3A_1252 = arith.muli %add3A_1250, %mul3A_1251 : i32
      %add3A_1253 = arith.constant 112 : i32
      %add3A_1254 = arith.addi %mul3A_1252, %add3A_1253 : i32
      %get3A_1255 = arith.index_cast %add3A_1254 : i32 to index
      %get3A_1256 = tpu.vector_load %arg8[%get3A_1255] {strides = array<i32>} : memref<35328xf32, #tpu.memory_space<vmem>>, vector<16xf32>,
      %mul3A_1257 = vector.broadcast %scan3A_24 : f32 to vector<16xf32>
      %mul3A_1258 = arith.mulf %get3A_1256, %mul3A_1257 : vector<16xf32>
      %swap3A_1259 = arith.index_cast %add3A_1254 : i32 to index
      %swap3A_1260 = tpu.vector_load %arg8[%swap3A_1259] {strides = array<i32>} : memref<35328xf32, #tpu.memory_space<vmem>>, vector<16xf32>,
      tpu.vector_store %arg8[%swap3A_1259], %mul3A_1258 {strides = array<i32>} : memref<35328xf32, #tpu.memory_space<vmem>>, vector<16xf32>,
      %add3A_1261 = arith.constant 48 : i32
      %add3A_1262 = arith.addi %add3A_1261, %scan3A_62 : i32
      %mul3A_1263 = arith.constant 368 : i32
      %mul3A_1264 = arith.muli %add3A_1262, %mul3A_1263 : i32
      %add3A_1265 = arith.constant 128 : i32
      %add3A_1266 = arith.addi %mul3A_1264, %add3A_1265 : i32
      %get3A_1267 = arith.index_cast %add3A_1266 : i32 to index
      %get3A_1268 = tpu.vector_load %arg8[%get3A_1267] {strides = array<i32>} : memref<35328xf32, #tpu.memory_space<vmem>>, vector<16xf32>,
      %mul3A_1269 = vector.broadcast %scan3A_24 : f32 to vector<16xf32>
      %mul3A_1270 = arith.mulf %get3A_1268, %mul3A_1269 : vector<16xf32>
      %swap3A_1271 = arith.index_cast %add3A_1266 : i32 to index
      %swap3A_1272 = tpu.vector_load %arg8[%swap3A_1271] {strides = array<i32>} : memref<35328xf32, #tpu.memory_space<vmem>>, vector<16xf32>,
      tpu.vector_store %arg8[%swap3A_1271], %mul3A_1270 {strides = array<i32>} : memref<35328xf32, #tpu.memory_space<vmem>>, vector<16xf32>,
      %add3A_1273 = arith.constant 48 : i32
      %add3A_1274 = arith.addi %add3A_1273, %scan3A_62 : i32
      %mul3A_1275 = arith.constant 368 : i32
      %mul3A_1276 = arith.muli %add3A_1274, %mul3A_1275 : i32
      %add3A_1277 = arith.constant 144 : i32
      %add3A_1278 = arith.addi %mul3A_1276, %add3A_1277 : i32
      %get3A_1279 = arith.index_cast %add3A_1278 : i32 to index
      %get3A_1280 = tpu.vector_load %arg8[%get3A_1279] {strides = array<i32>} : memref<35328xf32, #tpu.memory_space<vmem>>, vector<16xf32>,
      %mul3A_1281 = vector.broadcast %scan3A_24 : f32 to vector<16xf32>
      %mul3A_1282 = arith.mulf %get3A_1280, %mul3A_1281 : vector<16xf32>
      %swap3A_1283 = arith.index_cast %add3A_1278 : i32 to index
      %swap3A_1284 = tpu.vector_load %arg8[%swap3A_1283] {strides = array<i32>} : memref<35328xf32, #tpu.memory_space<vmem>>, vector<16xf32>,
      tpu.vector_store %arg8[%swap3A_1283], %mul3A_1282 {strides = array<i32>} : memref<35328xf32, #tpu.memory_space<vmem>>, vector<16xf32>,
      %add3A_1285 = arith.constant 48 : i32
      %add3A_1286 = arith.addi %add3A_1285, %scan3A_62 : i32
      %mul3A_1287 = arith.constant 368 : i32
      %mul3A_1288 = arith.muli %add3A_1286, %mul3A_1287 : i32
      %add3A_1289 = arith.constant 160 : i32
      %add3A_1290 = arith.addi %mul3A_1288, %add3A_1289 : i32
      %get3A_1291 = arith.index_cast %add3A_1290 : i32 to index
      %get3A_1292 = tpu.vector_load %arg8[%get3A_1291] {strides = array<i32>} : memref<35328xf32, #tpu.memory_space<vmem>>, vector<16xf32>,
      %mul3A_1293 = vector.broadcast %scan3A_24 : f32 to vector<16xf32>
      %mul3A_1294 = arith.mulf %get3A_1292, %mul3A_1293 : vector<16xf32>
      %swap3A_1295 = arith.index_cast %add3A_1290 : i32 to index
      %swap3A_1296 = tpu.vector_load %arg8[%swap3A_1295] {strides = array<i32>} : memref<35328xf32, #tpu.memory_space<vmem>>, vector<16xf32>,
      tpu.vector_store %arg8[%swap3A_1295], %mul3A_1294 {strides = array<i32>} : memref<35328xf32, #tpu.memory_space<vmem>>, vector<16xf32>,
      %add3A_1297 = arith.constant 48 : i32
      %add3A_1298 = arith.addi %add3A_1297, %scan3A_62 : i32
      %mul3A_1299 = arith.constant 368 : i32
      %mul3A_1300 = arith.muli %add3A_1298, %mul3A_1299 : i32
      %add3A_1301 = arith.constant 176 : i32
      %add3A_1302 = arith.addi %mul3A_1300, %add3A_1301 : i32
      %get3A_1303 = arith.index_cast %add3A_1302 : i32 to index
      %get3A_1304 = tpu.vector_load %arg8[%get3A_1303] {strides = array<i32>} : memref<35328xf32, #tpu.memory_space<vmem>>, vector<16xf32>,
      %mul3A_1305 = vector.broadcast %scan3A_24 : f32 to vector<16xf32>
      %mul3A_1306 = arith.mulf %get3A_1304, %mul3A_1305 : vector<16xf32>
      %swap3A_1307 = arith.index_cast %add3A_1302 : i32 to index
      %swap3A_1308 = tpu.vector_load %arg8[%swap3A_1307] {strides = array<i32>} : memref<35328xf32, #tpu.memory_space<vmem>>, vector<16xf32>,
      tpu.vector_store %arg8[%swap3A_1307], %mul3A_1306 {strides = array<i32>} : memref<35328xf32, #tpu.memory_space<vmem>>, vector<16xf32>,
      %add3A_1309 = arith.constant 48 : i32
      %add3A_1310 = arith.addi %add3A_1309, %scan3A_62 : i32
      %mul3A_1311 = arith.constant 368 : i32
      %mul3A_1312 = arith.muli %add3A_1310, %mul3A_1311 : i32
      %add3A_1313 = arith.constant 192 : i32
      %add3A_1314 = arith.addi %mul3A_1312, %add3A_1313 : i32
      %get3A_1315 = arith.index_cast %add3A_1314 : i32 to index
      %get3A_1316 = tpu.vector_load %arg8[%get3A_1315] {strides = array<i32>} : memref<35328xf32, #tpu.memory_space<vmem>>, vector<16xf32>,
      %mul3A_1317 = vector.broadcast %scan3A_24 : f32 to vector<16xf32>
      %mul3A_1318 = arith.mulf %get3A_1316, %mul3A_1317 : vector<16xf32>
      %swap3A_1319 = arith.index_cast %add3A_1314 : i32 to index
      %swap3A_1320 = tpu.vector_load %arg8[%swap3A_1319] {strides = array<i32>} : memref<35328xf32, #tpu.memory_space<vmem>>, vector<16xf32>,
      tpu.vector_store %arg8[%swap3A_1319], %mul3A_1318 {strides = array<i32>} : memref<35328xf32, #tpu.memory_space<vmem>>, vector<16xf32>,
      %add3A_1321 = arith.constant 48 : i32
      %add3A_1322 = arith.addi %add3A_1321, %scan3A_62 : i32
      %mul3A_1323 = arith.constant 368 : i32
      %mul3A_1324 = arith.muli %add3A_1322, %mul3A_1323 : i32
      %add3A_1325 = arith.constant 208 : i32
      %add3A_1326 = arith.addi %mul3A_1324, %add3A_1325 : i32
      %get3A_1327 = arith.index_cast %add3A_1326 : i32 to index
      %get3A_1328 = tpu.vector_load %arg8[%get3A_1327] {strides = array<i32>} : memref<35328xf32, #tpu.memory_space<vmem>>, vector<16xf32>,
      %mul3A_1329 = vector.broadcast %scan3A_24 : f32 to vector<16xf32>
      %mul3A_1330 = arith.mulf %get3A_1328, %mul3A_1329 : vector<16xf32>
      %swap3A_1331 = arith.index_cast %add3A_1326 : i32 to index
      %swap3A_1332 = tpu.vector_load %arg8[%swap3A_1331] {strides = array<i32>} : memref<35328xf32, #tpu.memory_space<vmem>>, vector<16xf32>,
      tpu.vector_store %arg8[%swap3A_1331], %mul3A_1330 {strides = array<i32>} : memref<35328xf32, #tpu.memory_space<vmem>>, vector<16xf32>,
      %add3A_1333 = arith.constant 48 : i32
      %add3A_1334 = arith.addi %add3A_1333, %scan3A_62 : i32
      %mul3A_1335 = arith.constant 368 : i32
      %mul3A_1336 = arith.muli %add3A_1334, %mul3A_1335 : i32
      %add3A_1337 = arith.constant 224 : i32
      %add3A_1338 = arith.addi %mul3A_1336, %add3A_1337 : i32
      %get3A_1339 = arith.index_cast %add3A_1338 : i32 to index
      %get3A_1340 = tpu.vector_load %arg8[%get3A_1339] {strides = array<i32>} : memref<35328xf32, #tpu.memory_space<vmem>>, vector<16xf32>,
      %mul3A_1341 = vector.broadcast %scan3A_24 : f32 to vector<16xf32>
      %mul3A_1342 = arith.mulf %get3A_1340, %mul3A_1341 : vector<16xf32>
      %swap3A_1343 = arith.index_cast %add3A_1338 : i32 to index
      %swap3A_1344 = tpu.vector_load %arg8[%swap3A_1343] {strides = array<i32>} : memref<35328xf32, #tpu.memory_space<vmem>>, vector<16xf32>,
      tpu.vector_store %arg8[%swap3A_1343], %mul3A_1342 {strides = array<i32>} : memref<35328xf32, #tpu.memory_space<vmem>>, vector<16xf32>,
      %add3A_1345 = arith.constant 48 : i32
      %add3A_1346 = arith.addi %add3A_1345, %scan3A_62 : i32
      %mul3A_1347 = arith.constant 368 : i32
      %mul3A_1348 = arith.muli %add3A_1346, %mul3A_1347 : i32
      %add3A_1349 = arith.constant 240 : i32
      %add3A_1350 = arith.addi %mul3A_1348, %add3A_1349 : i32
      %get3A_1351 = arith.index_cast %add3A_1350 : i32 to index
      %get3A_1352 = tpu.vector_load %arg8[%get3A_1351] {strides = array<i32>} : memref<35328xf32, #tpu.memory_space<vmem>>, vector<16xf32>,
      %mul3A_1353 = vector.broadcast %scan3A_24 : f32 to vector<16xf32>
      %mul3A_1354 = arith.mulf %get3A_1352, %mul3A_1353 : vector<16xf32>
      %swap3A_1355 = arith.index_cast %add3A_1350 : i32 to index
      %swap3A_1356 = tpu.vector_load %arg8[%swap3A_1355] {strides = array<i32>} : memref<35328xf32, #tpu.memory_space<vmem>>, vector<16xf32>,
      tpu.vector_store %arg8[%swap3A_1355], %mul3A_1354 {strides = array<i32>} : memref<35328xf32, #tpu.memory_space<vmem>>, vector<16xf32>,
      %add3A_1357 = arith.constant 48 : i32
      %add3A_1358 = arith.addi %add3A_1357, %scan3A_62 : i32
      %mul3A_1359 = arith.constant 368 : i32
      %mul3A_1360 = arith.muli %add3A_1358, %mul3A_1359 : i32
      %add3A_1361 = arith.constant 256 : i32
      %add3A_1362 = arith.addi %mul3A_1360, %add3A_1361 : i32
      %get3A_1363 = arith.index_cast %add3A_1362 : i32 to index
      %get3A_1364 = tpu.vector_load %arg8[%get3A_1363] {strides = array<i32>} : memref<35328xf32, #tpu.memory_space<vmem>>, vector<16xf32>,
      %mul3A_1365 = vector.broadcast %scan3A_24 : f32 to vector<16xf32>
      %mul3A_1366 = arith.mulf %get3A_1364, %mul3A_1365 : vector<16xf32>
      %swap3A_1367 = arith.index_cast %add3A_1362 : i32 to index
      %swap3A_1368 = tpu.vector_load %arg8[%swap3A_1367] {strides = array<i32>} : memref<35328xf32, #tpu.memory_space<vmem>>, vector<16xf32>,
      tpu.vector_store %arg8[%swap3A_1367], %mul3A_1366 {strides = array<i32>} : memref<35328xf32, #tpu.memory_space<vmem>>, vector<16xf32>,
      %add3A_1369 = arith.constant 48 : i32
      %add3A_1370 = arith.addi %add3A_1369, %scan3A_62 : i32
      %mul3A_1371 = arith.constant 368 : i32
      %mul3A_1372 = arith.muli %add3A_1370, %mul3A_1371 : i32
      %add3A_1373 = arith.constant 272 : i32
      %add3A_1374 = arith.addi %mul3A_1372, %add3A_1373 : i32
      %get3A_1375 = arith.index_cast %add3A_1374 : i32 to index
      %get3A_1376 = tpu.vector_load %arg8[%get3A_1375] {strides = array<i32>} : memref<35328xf32, #tpu.memory_space<vmem>>, vector<16xf32>,
      %mul3A_1377 = vector.broadcast %scan3A_24 : f32 to vector<16xf32>
      %mul3A_1378 = arith.mulf %get3A_1376, %mul3A_1377 : vector<16xf32>
      %swap3A_1379 = arith.index_cast %add3A_1374 : i32 to index
      %swap3A_1380 = tpu.vector_load %arg8[%swap3A_1379] {strides = array<i32>} : memref<35328xf32, #tpu.memory_space<vmem>>, vector<16xf32>,
      tpu.vector_store %arg8[%swap3A_1379], %mul3A_1378 {strides = array<i32>} : memref<35328xf32, #tpu.memory_space<vmem>>, vector<16xf32>,
      %add3A_1381 = arith.constant 48 : i32
      %add3A_1382 = arith.addi %add3A_1381, %scan3A_62 : i32
      %mul3A_1383 = arith.constant 368 : i32
      %mul3A_1384 = arith.muli %add3A_1382, %mul3A_1383 : i32
      %add3A_1385 = arith.constant 288 : i32
      %add3A_1386 = arith.addi %mul3A_1384, %add3A_1385 : i32
      %get3A_1387 = arith.index_cast %add3A_1386 : i32 to index
      %get3A_1388 = tpu.vector_load %arg8[%get3A_1387] {strides = array<i32>} : memref<35328xf32, #tpu.memory_space<vmem>>, vector<16xf32>,
      %mul3A_1389 = vector.broadcast %scan3A_24 : f32 to vector<16xf32>
      %mul3A_1390 = arith.mulf %get3A_1388, %mul3A_1389 : vector<16xf32>
      %swap3A_1391 = arith.index_cast %add3A_1386 : i32 to index
      %swap3A_1392 = tpu.vector_load %arg8[%swap3A_1391] {strides = array<i32>} : memref<35328xf32, #tpu.memory_space<vmem>>, vector<16xf32>,
      tpu.vector_store %arg8[%swap3A_1391], %mul3A_1390 {strides = array<i32>} : memref<35328xf32, #tpu.memory_space<vmem>>, vector<16xf32>,
      %add3A_1393 = arith.constant 48 : i32
      %add3A_1394 = arith.addi %add3A_1393, %scan3A_62 : i32
      %mul3A_1395 = arith.constant 368 : i32
      %mul3A_1396 = arith.muli %add3A_1394, %mul3A_1395 : i32
      %add3A_1397 = arith.constant 304 : i32
      %add3A_1398 = arith.addi %mul3A_1396, %add3A_1397 : i32
      %get3A_1399 = arith.index_cast %add3A_1398 : i32 to index
      %get3A_1400 = tpu.vector_load %arg8[%get3A_1399] {strides = array<i32>} : memref<35328xf32, #tpu.memory_space<vmem>>, vector<16xf32>,
      %mul3A_1401 = vector.broadcast %scan3A_24 : f32 to vector<16xf32>
      %mul3A_1402 = arith.mulf %get3A_1400, %mul3A_1401 : vector<16xf32>
      %swap3A_1403 = arith.index_cast %add3A_1398 : i32 to index
      %swap3A_1404 = tpu.vector_load %arg8[%swap3A_1403] {strides = array<i32>} : memref<35328xf32, #tpu.memory_space<vmem>>, vector<16xf32>,
      tpu.vector_store %arg8[%swap3A_1403], %mul3A_1402 {strides = array<i32>} : memref<35328xf32, #tpu.memory_space<vmem>>, vector<16xf32>,
      %add3A_1405 = arith.constant 48 : i32
      %add3A_1406 = arith.addi %add3A_1405, %scan3A_62 : i32
      %mul3A_1407 = arith.constant 368 : i32
      %mul3A_1408 = arith.muli %add3A_1406, %mul3A_1407 : i32
      %add3A_1409 = arith.constant 320 : i32
      %add3A_1410 = arith.addi %mul3A_1408, %add3A_1409 : i32
      %get3A_1411 = arith.index_cast %add3A_1410 : i32 to index
      %get3A_1412 = tpu.vector_load %arg8[%get3A_1411] {strides = array<i32>} : memref<35328xf32, #tpu.memory_space<vmem>>, vector<16xf32>,
      %mul3A_1413 = vector.broadcast %scan3A_24 : f32 to vector<16xf32>
      %mul3A_1414 = arith.mulf %get3A_1412, %mul3A_1413 : vector<16xf32>
      %swap3A_1415 = arith.index_cast %add3A_1410 : i32 to index
      %swap3A_1416 = tpu.vector_load %arg8[%swap3A_1415] {strides = array<i32>} : memref<35328xf32, #tpu.memory_space<vmem>>, vector<16xf32>,
      tpu.vector_store %arg8[%swap3A_1415], %mul3A_1414 {strides = array<i32>} : memref<35328xf32, #tpu.memory_space<vmem>>, vector<16xf32>,
      %add3A_1417 = arith.constant 48 : i32
      %add3A_1418 = arith.addi %add3A_1417, %scan3A_62 : i32
      %mul3A_1419 = arith.constant 368 : i32
      %mul3A_1420 = arith.muli %add3A_1418, %mul3A_1419 : i32
      %add3A_1421 = arith.constant 336 : i32
      %add3A_1422 = arith.addi %mul3A_1420, %add3A_1421 : i32
      %get3A_1423 = arith.index_cast %add3A_1422 : i32 to index
      %get3A_1424 = tpu.vector_load %arg8[%get3A_1423] {strides = array<i32>} : memref<35328xf32, #tpu.memory_space<vmem>>, vector<16xf32>,
      %mul3A_1425 = vector.broadcast %scan3A_24 : f32 to vector<16xf32>
      %mul3A_1426 = arith.mulf %get3A_1424, %mul3A_1425 : vector<16xf32>
      %swap3A_1427 = arith.index_cast %add3A_1422 : i32 to index
      %swap3A_1428 = tpu.vector_load %arg8[%swap3A_1427] {strides = array<i32>} : memref<35328xf32, #tpu.memory_space<vmem>>, vector<16xf32>,
      tpu.vector_store %arg8[%swap3A_1427], %mul3A_1426 {strides = array<i32>} : memref<35328xf32, #tpu.memory_space<vmem>>, vector<16xf32>,
      %add3A_1429 = arith.constant 48 : i32
      %add3A_1430 = arith.addi %add3A_1429, %scan3A_62 : i32
      %mul3A_1431 = arith.constant 368 : i32
      %mul3A_1432 = arith.muli %add3A_1430, %mul3A_1431 : i32
      %add3A_1433 = arith.constant 352 : i32
      %add3A_1434 = arith.addi %mul3A_1432, %add3A_1433 : i32
      %get3A_1435 = arith.index_cast %add3A_1434 : i32 to index
      %get3A_1436 = tpu.vector_load %arg8[%get3A_1435] {strides = array<i32>} : memref<35328xf32, #tpu.memory_space<vmem>>, vector<16xf32>,
      %mul3A_1437 = vector.broadcast %scan3A_24 : f32 to vector<16xf32>
      %mul3A_1438 = arith.mulf %get3A_1436, %mul3A_1437 : vector<16xf32>
      %swap3A_1439 = arith.index_cast %add3A_1434 : i32 to index
      %swap3A_1440 = tpu.vector_load %arg8[%swap3A_1439] {strides = array<i32>} : memref<35328xf32, #tpu.memory_space<vmem>>, vector<16xf32>,
      tpu.vector_store %arg8[%swap3A_1439], %mul3A_1438 {strides = array<i32>} : memref<35328xf32, #tpu.memory_space<vmem>>, vector<16xf32>,
      %add3A_1441 = arith.constant 60 : i32
      %add3A_1442 = arith.addi %add3A_1441, %scan3A_62 : i32
      %mul3A_1443 = arith.constant 368 : i32
      %mul3A_1444 = arith.muli %add3A_1442, %mul3A_1443 : i32
      %add3A_1445 = arith.constant 0 : i32
      %add3A_1446 = arith.addi %mul3A_1444, %add3A_1445 : i32
      %get3A_1447 = arith.index_cast %add3A_1446 : i32 to index
      %get3A_1448 = tpu.vector_load %arg8[%get3A_1447] {strides = array<i32>} : memref<35328xf32, #tpu.memory_space<vmem>>, vector<16xf32>,
      %mul3A_1449 = vector.broadcast %scan3A_24 : f32 to vector<16xf32>
      %mul3A_1450 = arith.mulf %get3A_1448, %mul3A_1449 : vector<16xf32>
      %swap3A_1451 = arith.index_cast %add3A_1446 : i32 to index
      %swap3A_1452 = tpu.vector_load %arg8[%swap3A_1451] {strides = array<i32>} : memref<35328xf32, #tpu.memory_space<vmem>>, vector<16xf32>,
      tpu.vector_store %arg8[%swap3A_1451], %mul3A_1450 {strides = array<i32>} : memref<35328xf32, #tpu.memory_space<vmem>>, vector<16xf32>,
      %add3A_1453 = arith.constant 60 : i32
      %add3A_1454 = arith.addi %add3A_1453, %scan3A_62 : i32
      %mul3A_1455 = arith.constant 368 : i32
      %mul3A_1456 = arith.muli %add3A_1454, %mul3A_1455 : i32
      %add3A_1457 = arith.constant 16 : i32
      %add3A_1458 = arith.addi %mul3A_1456, %add3A_1457 : i32
      %get3A_1459 = arith.index_cast %add3A_1458 : i32 to index
      %get3A_1460 = tpu.vector_load %arg8[%get3A_1459] {strides = array<i32>} : memref<35328xf32, #tpu.memory_space<vmem>>, vector<16xf32>,
      %mul3A_1461 = vector.broadcast %scan3A_24 : f32 to vector<16xf32>
      %mul3A_1462 = arith.mulf %get3A_1460, %mul3A_1461 : vector<16xf32>
      %swap3A_1463 = arith.index_cast %add3A_1458 : i32 to index
      %swap3A_1464 = tpu.vector_load %arg8[%swap3A_1463] {strides = array<i32>} : memref<35328xf32, #tpu.memory_space<vmem>>, vector<16xf32>,
      tpu.vector_store %arg8[%swap3A_1463], %mul3A_1462 {strides = array<i32>} : memref<35328xf32, #tpu.memory_space<vmem>>, vector<16xf32>,
      %add3A_1465 = arith.constant 60 : i32
      %add3A_1466 = arith.addi %add3A_1465, %scan3A_62 : i32
      %mul3A_1467 = arith.constant 368 : i32
      %mul3A_1468 = arith.muli %add3A_1466, %mul3A_1467 : i32
      %add3A_1469 = arith.constant 32 : i32
      %add3A_1470 = arith.addi %mul3A_1468, %add3A_1469 : i32
      %get3A_1471 = arith.index_cast %add3A_1470 : i32 to index
      %get3A_1472 = tpu.vector_load %arg8[%get3A_1471] {strides = array<i32>} : memref<35328xf32, #tpu.memory_space<vmem>>, vector<16xf32>,
      %mul3A_1473 = vector.broadcast %scan3A_24 : f32 to vector<16xf32>
      %mul3A_1474 = arith.mulf %get3A_1472, %mul3A_1473 : vector<16xf32>
      %swap3A_1475 = arith.index_cast %add3A_1470 : i32 to index
      %swap3A_1476 = tpu.vector_load %arg8[%swap3A_1475] {strides = array<i32>} : memref<35328xf32, #tpu.memory_space<vmem>>, vector<16xf32>,
      tpu.vector_store %arg8[%swap3A_1475], %mul3A_1474 {strides = array<i32>} : memref<35328xf32, #tpu.memory_space<vmem>>, vector<16xf32>,
      %add3A_1477 = arith.constant 60 : i32
      %add3A_1478 = arith.addi %add3A_1477, %scan3A_62 : i32
      %mul3A_1479 = arith.constant 368 : i32
      %mul3A_1480 = arith.muli %add3A_1478, %mul3A_1479 : i32
      %add3A_1481 = arith.constant 48 : i32
      %add3A_1482 = arith.addi %mul3A_1480, %add3A_1481 : i32
      %get3A_1483 = arith.index_cast %add3A_1482 : i32 to index
      %get3A_1484 = tpu.vector_load %arg8[%get3A_1483] {strides = array<i32>} : memref<35328xf32, #tpu.memory_space<vmem>>, vector<16xf32>,
      %mul3A_1485 = vector.broadcast %scan3A_24 : f32 to vector<16xf32>
      %mul3A_1486 = arith.mulf %get3A_1484, %mul3A_1485 : vector<16xf32>
      %swap3A_1487 = arith.index_cast %add3A_1482 : i32 to index
      %swap3A_1488 = tpu.vector_load %arg8[%swap3A_1487] {strides = array<i32>} : memref<35328xf32, #tpu.memory_space<vmem>>, vector<16xf32>,
      tpu.vector_store %arg8[%swap3A_1487], %mul3A_1486 {strides = array<i32>} : memref<35328xf32, #tpu.memory_space<vmem>>, vector<16xf32>,
      %add3A_1489 = arith.constant 60 : i32
      %add3A_1490 = arith.addi %add3A_1489, %scan3A_62 : i32
      %mul3A_1491 = arith.constant 368 : i32
      %mul3A_1492 = arith.muli %add3A_1490, %mul3A_1491 : i32
      %add3A_1493 = arith.constant 64 : i32
      %add3A_1494 = arith.addi %mul3A_1492, %add3A_1493 : i32
      %get3A_1495 = arith.index_cast %add3A_1494 : i32 to index
      %get3A_1496 = tpu.vector_load %arg8[%get3A_1495] {strides = array<i32>} : memref<35328xf32, #tpu.memory_space<vmem>>, vector<16xf32>,
      %mul3A_1497 = vector.broadcast %scan3A_24 : f32 to vector<16xf32>
      %mul3A_1498 = arith.mulf %get3A_1496, %mul3A_1497 : vector<16xf32>
      %swap3A_1499 = arith.index_cast %add3A_1494 : i32 to index
      %swap3A_1500 = tpu.vector_load %arg8[%swap3A_1499] {strides = array<i32>} : memref<35328xf32, #tpu.memory_space<vmem>>, vector<16xf32>,
      tpu.vector_store %arg8[%swap3A_1499], %mul3A_1498 {strides = array<i32>} : memref<35328xf32, #tpu.memory_space<vmem>>, vector<16xf32>,
      %add3A_1501 = arith.constant 60 : i32
      %add3A_1502 = arith.addi %add3A_1501, %scan3A_62 : i32
      %mul3A_1503 = arith.constant 368 : i32
      %mul3A_1504 = arith.muli %add3A_1502, %mul3A_1503 : i32
      %add3A_1505 = arith.constant 80 : i32
      %add3A_1506 = arith.addi %mul3A_1504, %add3A_1505 : i32
      %get3A_1507 = arith.index_cast %add3A_1506 : i32 to index
      %get3A_1508 = tpu.vector_load %arg8[%get3A_1507] {strides = array<i32>} : memref<35328xf32, #tpu.memory_space<vmem>>, vector<16xf32>,
      %mul3A_1509 = vector.broadcast %scan3A_24 : f32 to vector<16xf32>
      %mul3A_1510 = arith.mulf %get3A_1508, %mul3A_1509 : vector<16xf32>
      %swap3A_1511 = arith.index_cast %add3A_1506 : i32 to index
      %swap3A_1512 = tpu.vector_load %arg8[%swap3A_1511] {strides = array<i32>} : memref<35328xf32, #tpu.memory_space<vmem>>, vector<16xf32>,
      tpu.vector_store %arg8[%swap3A_1511], %mul3A_1510 {strides = array<i32>} : memref<35328xf32, #tpu.memory_space<vmem>>, vector<16xf32>,
      %add3A_1513 = arith.constant 60 : i32
      %add3A_1514 = arith.addi %add3A_1513, %scan3A_62 : i32
      %mul3A_1515 = arith.constant 368 : i32
      %mul3A_1516 = arith.muli %add3A_1514, %mul3A_1515 : i32
      %add3A_1517 = arith.constant 96 : i32
      %add3A_1518 = arith.addi %mul3A_1516, %add3A_1517 : i32
      %get3A_1519 = arith.index_cast %add3A_1518 : i32 to index
      %get3A_1520 = tpu.vector_load %arg8[%get3A_1519] {strides = array<i32>} : memref<35328xf32, #tpu.memory_space<vmem>>, vector<16xf32>,
      %mul3A_1521 = vector.broadcast %scan3A_24 : f32 to vector<16xf32>
      %mul3A_1522 = arith.mulf %get3A_1520, %mul3A_1521 : vector<16xf32>
      %swap3A_1523 = arith.index_cast %add3A_1518 : i32 to index
      %swap3A_1524 = tpu.vector_load %arg8[%swap3A_1523] {strides = array<i32>} : memref<35328xf32, #tpu.memory_space<vmem>>, vector<16xf32>,
      tpu.vector_store %arg8[%swap3A_1523], %mul3A_1522 {strides = array<i32>} : memref<35328xf32, #tpu.memory_space<vmem>>, vector<16xf32>,
      %add3A_1525 = arith.constant 60 : i32
      %add3A_1526 = arith.addi %add3A_1525, %scan3A_62 : i32
      %mul3A_1527 = arith.constant 368 : i32
      %mul3A_1528 = arith.muli %add3A_1526, %mul3A_1527 : i32
      %add3A_1529 = arith.constant 112 : i32
      %add3A_1530 = arith.addi %mul3A_1528, %add3A_1529 : i32
      %get3A_1531 = arith.index_cast %add3A_1530 : i32 to index
      %get3A_1532 = tpu.vector_load %arg8[%get3A_1531] {strides = array<i32>} : memref<35328xf32, #tpu.memory_space<vmem>>, vector<16xf32>,
      %mul3A_1533 = vector.broadcast %scan3A_24 : f32 to vector<16xf32>
      %mul3A_1534 = arith.mulf %get3A_1532, %mul3A_1533 : vector<16xf32>
      %swap3A_1535 = arith.index_cast %add3A_1530 : i32 to index
      %swap3A_1536 = tpu.vector_load %arg8[%swap3A_1535] {strides = array<i32>} : memref<35328xf32, #tpu.memory_space<vmem>>, vector<16xf32>,
      tpu.vector_store %arg8[%swap3A_1535], %mul3A_1534 {strides = array<i32>} : memref<35328xf32, #tpu.memory_space<vmem>>, vector<16xf32>,
      %add3A_1537 = arith.constant 60 : i32
      %add3A_1538 = arith.addi %add3A_1537, %scan3A_62 : i32
      %mul3A_1539 = arith.constant 368 : i32
      %mul3A_1540 = arith.muli %add3A_1538, %mul3A_1539 : i32
      %add3A_1541 = arith.constant 128 : i32
      %add3A_1542 = arith.addi %mul3A_1540, %add3A_1541 : i32
      %get3A_1543 = arith.index_cast %add3A_1542 : i32 to index
      %get3A_1544 = tpu.vector_load %arg8[%get3A_1543] {strides = array<i32>} : memref<35328xf32, #tpu.memory_space<vmem>>, vector<16xf32>,
      %mul3A_1545 = vector.broadcast %scan3A_24 : f32 to vector<16xf32>
      %mul3A_1546 = arith.mulf %get3A_1544, %mul3A_1545 : vector<16xf32>
      %swap3A_1547 = arith.index_cast %add3A_1542 : i32 to index
      %swap3A_1548 = tpu.vector_load %arg8[%swap3A_1547] {strides = array<i32>} : memref<35328xf32, #tpu.memory_space<vmem>>, vector<16xf32>,
      tpu.vector_store %arg8[%swap3A_1547], %mul3A_1546 {strides = array<i32>} : memref<35328xf32, #tpu.memory_space<vmem>>, vector<16xf32>,
      %add3A_1549 = arith.constant 60 : i32
      %add3A_1550 = arith.addi %add3A_1549, %scan3A_62 : i32
      %mul3A_1551 = arith.constant 368 : i32
      %mul3A_1552 = arith.muli %add3A_1550, %mul3A_1551 : i32
      %add3A_1553 = arith.constant 144 : i32
      %add3A_1554 = arith.addi %mul3A_1552, %add3A_1553 : i32
      %get3A_1555 = arith.index_cast %add3A_1554 : i32 to index
      %get3A_1556 = tpu.vector_load %arg8[%get3A_1555] {strides = array<i32>} : memref<35328xf32, #tpu.memory_space<vmem>>, vector<16xf32>,
      %mul3A_1557 = vector.broadcast %scan3A_24 : f32 to vector<16xf32>
      %mul3A_1558 = arith.mulf %get3A_1556, %mul3A_1557 : vector<16xf32>
      %swap3A_1559 = arith.index_cast %add3A_1554 : i32 to index
      %swap3A_1560 = tpu.vector_load %arg8[%swap3A_1559] {strides = array<i32>} : memref<35328xf32, #tpu.memory_space<vmem>>, vector<16xf32>,
      tpu.vector_store %arg8[%swap3A_1559], %mul3A_1558 {strides = array<i32>} : memref<35328xf32, #tpu.memory_space<vmem>>, vector<16xf32>,
      %add3A_1561 = arith.constant 60 : i32
      %add3A_1562 = arith.addi %add3A_1561, %scan3A_62 : i32
      %mul3A_1563 = arith.constant 368 : i32
      %mul3A_1564 = arith.muli %add3A_1562, %mul3A_1563 : i32
      %add3A_1565 = arith.constant 160 : i32
      %add3A_1566 = arith.addi %mul3A_1564, %add3A_1565 : i32
      %get3A_1567 = arith.index_cast %add3A_1566 : i32 to index
      %get3A_1568 = tpu.vector_load %arg8[%get3A_1567] {strides = array<i32>} : memref<35328xf32, #tpu.memory_space<vmem>>, vector<16xf32>,
      %mul3A_1569 = vector.broadcast %scan3A_24 : f32 to vector<16xf32>
      %mul3A_1570 = arith.mulf %get3A_1568, %mul3A_1569 : vector<16xf32>
      %swap3A_1571 = arith.index_cast %add3A_1566 : i32 to index
      %swap3A_1572 = tpu.vector_load %arg8[%swap3A_1571] {strides = array<i32>} : memref<35328xf32, #tpu.memory_space<vmem>>, vector<16xf32>,
      tpu.vector_store %arg8[%swap3A_1571], %mul3A_1570 {strides = array<i32>} : memref<35328xf32, #tpu.memory_space<vmem>>, vector<16xf32>,
      %add3A_1573 = arith.constant 60 : i32
      %add3A_1574 = arith.addi %add3A_1573, %scan3A_62 : i32
      %mul3A_1575 = arith.constant 368 : i32
      %mul3A_1576 = arith.muli %add3A_1574, %mul3A_1575 : i32
      %add3A_1577 = arith.constant 176 : i32
      %add3A_1578 = arith.addi %mul3A_1576, %add3A_1577 : i32
      %get3A_1579 = arith.index_cast %add3A_1578 : i32 to index
      %get3A_1580 = tpu.vector_load %arg8[%get3A_1579] {strides = array<i32>} : memref<35328xf32, #tpu.memory_space<vmem>>, vector<16xf32>,
      %mul3A_1581 = vector.broadcast %scan3A_24 : f32 to vector<16xf32>
      %mul3A_1582 = arith.mulf %get3A_1580, %mul3A_1581 : vector<16xf32>
      %swap3A_1583 = arith.index_cast %add3A_1578 : i32 to index
      %swap3A_1584 = tpu.vector_load %arg8[%swap3A_1583] {strides = array<i32>} : memref<35328xf32, #tpu.memory_space<vmem>>, vector<16xf32>,
      tpu.vector_store %arg8[%swap3A_1583], %mul3A_1582 {strides = array<i32>} : memref<35328xf32, #tpu.memory_space<vmem>>, vector<16xf32>,
      %add3A_1585 = arith.constant 60 : i32
      %add3A_1586 = arith.addi %add3A_1585, %scan3A_62 : i32
      %mul3A_1587 = arith.constant 368 : i32
      %mul3A_1588 = arith.muli %add3A_1586, %mul3A_1587 : i32
      %add3A_1589 = arith.constant 192 : i32
      %add3A_1590 = arith.addi %mul3A_1588, %add3A_1589 : i32
      %get3A_1591 = arith.index_cast %add3A_1590 : i32 to index
      %get3A_1592 = tpu.vector_load %arg8[%get3A_1591] {strides = array<i32>} : memref<35328xf32, #tpu.memory_space<vmem>>, vector<16xf32>,
      %mul3A_1593 = vector.broadcast %scan3A_24 : f32 to vector<16xf32>
      %mul3A_1594 = arith.mulf %get3A_1592, %mul3A_1593 : vector<16xf32>
      %swap3A_1595 = arith.index_cast %add3A_1590 : i32 to index
      %swap3A_1596 = tpu.vector_load %arg8[%swap3A_1595] {strides = array<i32>} : memref<35328xf32, #tpu.memory_space<vmem>>, vector<16xf32>,
      tpu.vector_store %arg8[%swap3A_1595], %mul3A_1594 {strides = array<i32>} : memref<35328xf32, #tpu.memory_space<vmem>>, vector<16xf32>,
      %add3A_1597 = arith.constant 60 : i32
      %add3A_1598 = arith.addi %add3A_1597, %scan3A_62 : i32
      %mul3A_1599 = arith.constant 368 : i32
      %mul3A_1600 = arith.muli %add3A_1598, %mul3A_1599 : i32
      %add3A_1601 = arith.constant 208 : i32
      %add3A_1602 = arith.addi %mul3A_1600, %add3A_1601 : i32
      %get3A_1603 = arith.index_cast %add3A_1602 : i32 to index
      %get3A_1604 = tpu.vector_load %arg8[%get3A_1603] {strides = array<i32>} : memref<35328xf32, #tpu.memory_space<vmem>>, vector<16xf32>,
      %mul3A_1605 = vector.broadcast %scan3A_24 : f32 to vector<16xf32>
      %mul3A_1606 = arith.mulf %get3A_1604, %mul3A_1605 : vector<16xf32>
      %swap3A_1607 = arith.index_cast %add3A_1602 : i32 to index
      %swap3A_1608 = tpu.vector_load %arg8[%swap3A_1607] {strides = array<i32>} : memref<35328xf32, #tpu.memory_space<vmem>>, vector<16xf32>,
      tpu.vector_store %arg8[%swap3A_1607], %mul3A_1606 {strides = array<i32>} : memref<35328xf32, #tpu.memory_space<vmem>>, vector<16xf32>,
      %add3A_1609 = arith.constant 60 : i32
      %add3A_1610 = arith.addi %add3A_1609, %scan3A_62 : i32
      %mul3A_1611 = arith.constant 368 : i32
      %mul3A_1612 = arith.muli %add3A_1610, %mul3A_1611 : i32
      %add3A_1613 = arith.constant 224 : i32
      %add3A_1614 = arith.addi %mul3A_1612, %add3A_1613 : i32
      %get3A_1615 = arith.index_cast %add3A_1614 : i32 to index
      %get3A_1616 = tpu.vector_load %arg8[%get3A_1615] {strides = array<i32>} : memref<35328xf32, #tpu.memory_space<vmem>>, vector<16xf32>,
      %mul3A_1617 = vector.broadcast %scan3A_24 : f32 to vector<16xf32>
      %mul3A_1618 = arith.mulf %get3A_1616, %mul3A_1617 : vector<16xf32>
      %swap3A_1619 = arith.index_cast %add3A_1614 : i32 to index
      %swap3A_1620 = tpu.vector_load %arg8[%swap3A_1619] {strides = array<i32>} : memref<35328xf32, #tpu.memory_space<vmem>>, vector<16xf32>,
      tpu.vector_store %arg8[%swap3A_1619], %mul3A_1618 {strides = array<i32>} : memref<35328xf32, #tpu.memory_space<vmem>>, vector<16xf32>,
      %add3A_1621 = arith.constant 60 : i32
      %add3A_1622 = arith.addi %add3A_1621, %scan3A_62 : i32
      %mul3A_1623 = arith.constant 368 : i32
      %mul3A_1624 = arith.muli %add3A_1622, %mul3A_1623 : i32
      %add3A_1625 = arith.constant 240 : i32
      %add3A_1626 = arith.addi %mul3A_1624, %add3A_1625 : i32
      %get3A_1627 = arith.index_cast %add3A_1626 : i32 to index
      %get3A_1628 = tpu.vector_load %arg8[%get3A_1627] {strides = array<i32>} : memref<35328xf32, #tpu.memory_space<vmem>>, vector<16xf32>,
      %mul3A_1629 = vector.broadcast %scan3A_24 : f32 to vector<16xf32>
      %mul3A_1630 = arith.mulf %get3A_1628, %mul3A_1629 : vector<16xf32>
      %swap3A_1631 = arith.index_cast %add3A_1626 : i32 to index
      %swap3A_1632 = tpu.vector_load %arg8[%swap3A_1631] {strides = array<i32>} : memref<35328xf32, #tpu.memory_space<vmem>>, vector<16xf32>,
      tpu.vector_store %arg8[%swap3A_1631], %mul3A_1630 {strides = array<i32>} : memref<35328xf32, #tpu.memory_space<vmem>>, vector<16xf32>,
      %add3A_1633 = arith.constant 60 : i32
      %add3A_1634 = arith.addi %add3A_1633, %scan3A_62 : i32
      %mul3A_1635 = arith.constant 368 : i32
      %mul3A_1636 = arith.muli %add3A_1634, %mul3A_1635 : i32
      %add3A_1637 = arith.constant 256 : i32
      %add3A_1638 = arith.addi %mul3A_1636, %add3A_1637 : i32
      %get3A_1639 = arith.index_cast %add3A_1638 : i32 to index
      %get3A_1640 = tpu.vector_load %arg8[%get3A_1639] {strides = array<i32>} : memref<35328xf32, #tpu.memory_space<vmem>>, vector<16xf32>,
      %mul3A_1641 = vector.broadcast %scan3A_24 : f32 to vector<16xf32>
      %mul3A_1642 = arith.mulf %get3A_1640, %mul3A_1641 : vector<16xf32>
      %swap3A_1643 = arith.index_cast %add3A_1638 : i32 to index
      %swap3A_1644 = tpu.vector_load %arg8[%swap3A_1643] {strides = array<i32>} : memref<35328xf32, #tpu.memory_space<vmem>>, vector<16xf32>,
      tpu.vector_store %arg8[%swap3A_1643], %mul3A_1642 {strides = array<i32>} : memref<35328xf32, #tpu.memory_space<vmem>>, vector<16xf32>,
      %add3A_1645 = arith.constant 60 : i32
      %add3A_1646 = arith.addi %add3A_1645, %scan3A_62 : i32
      %mul3A_1647 = arith.constant 368 : i32
      %mul3A_1648 = arith.muli %add3A_1646, %mul3A_1647 : i32
      %add3A_1649 = arith.constant 272 : i32
      %add3A_1650 = arith.addi %mul3A_1648, %add3A_1649 : i32
      %get3A_1651 = arith.index_cast %add3A_1650 : i32 to index
      %get3A_1652 = tpu.vector_load %arg8[%get3A_1651] {strides = array<i32>} : memref<35328xf32, #tpu.memory_space<vmem>>, vector<16xf32>,
      %mul3A_1653 = vector.broadcast %scan3A_24 : f32 to vector<16xf32>
      %mul3A_1654 = arith.mulf %get3A_1652, %mul3A_1653 : vector<16xf32>
      %swap3A_1655 = arith.index_cast %add3A_1650 : i32 to index
      %swap3A_1656 = tpu.vector_load %arg8[%swap3A_1655] {strides = array<i32>} : memref<35328xf32, #tpu.memory_space<vmem>>, vector<16xf32>,
      tpu.vector_store %arg8[%swap3A_1655], %mul3A_1654 {strides = array<i32>} : memref<35328xf32, #tpu.memory_space<vmem>>, vector<16xf32>,
      %add3A_1657 = arith.constant 60 : i32
      %add3A_1658 = arith.addi %add3A_1657, %scan3A_62 : i32
      %mul3A_1659 = arith.constant 368 : i32
      %mul3A_1660 = arith.muli %add3A_1658, %mul3A_1659 : i32
      %add3A_1661 = arith.constant 288 : i32
      %add3A_1662 = arith.addi %mul3A_1660, %add3A_1661 : i32
      %get3A_1663 = arith.index_cast %add3A_1662 : i32 to index
      %get3A_1664 = tpu.vector_load %arg8[%get3A_1663] {strides = array<i32>} : memref<35328xf32, #tpu.memory_space<vmem>>, vector<16xf32>,
      %mul3A_1665 = vector.broadcast %scan3A_24 : f32 to vector<16xf32>
      %mul3A_1666 = arith.mulf %get3A_1664, %mul3A_1665 : vector<16xf32>
      %swap3A_1667 = arith.index_cast %add3A_1662 : i32 to index
      %swap3A_1668 = tpu.vector_load %arg8[%swap3A_1667] {strides = array<i32>} : memref<35328xf32, #tpu.memory_space<vmem>>, vector<16xf32>,
      tpu.vector_store %arg8[%swap3A_1667], %mul3A_1666 {strides = array<i32>} : memref<35328xf32, #tpu.memory_space<vmem>>, vector<16xf32>,
      %add3A_1669 = arith.constant 60 : i32
      %add3A_1670 = arith.addi %add3A_1669, %scan3A_62 : i32
      %mul3A_1671 = arith.constant 368 : i32
      %mul3A_1672 = arith.muli %add3A_1670, %mul3A_1671 : i32
      %add3A_1673 = arith.constant 304 : i32
      %add3A_1674 = arith.addi %mul3A_1672, %add3A_1673 : i32
      %get3A_1675 = arith.index_cast %add3A_1674 : i32 to index
      %get3A_1676 = tpu.vector_load %arg8[%get3A_1675] {strides = array<i32>} : memref<35328xf32, #tpu.memory_space<vmem>>, vector<16xf32>,
      %mul3A_1677 = vector.broadcast %scan3A_24 : f32 to vector<16xf32>
      %mul3A_1678 = arith.mulf %get3A_1676, %mul3A_1677 : vector<16xf32>
      %swap3A_1679 = arith.index_cast %add3A_1674 : i32 to index
      %swap3A_1680 = tpu.vector_load %arg8[%swap3A_1679] {strides = array<i32>} : memref<35328xf32, #tpu.memory_space<vmem>>, vector<16xf32>,
      tpu.vector_store %arg8[%swap3A_1679], %mul3A_1678 {strides = array<i32>} : memref<35328xf32, #tpu.memory_space<vmem>>, vector<16xf32>,
      %add3A_1681 = arith.constant 60 : i32
      %add3A_1682 = arith.addi %add3A_1681, %scan3A_62 : i32
      %mul3A_1683 = arith.constant 368 : i32
      %mul3A_1684 = arith.muli %add3A_1682, %mul3A_1683 : i32
      %add3A_1685 = arith.constant 320 : i32
      %add3A_1686 = arith.addi %mul3A_1684, %add3A_1685 : i32
      %get3A_1687 = arith.index_cast %add3A_1686 : i32 to index
      %get3A_1688 = tpu.vector_load %arg8[%get3A_1687] {strides = array<i32>} : memref<35328xf32, #tpu.memory_space<vmem>>, vector<16xf32>,
      %mul3A_1689 = vector.broadcast %scan3A_24 : f32 to vector<16xf32>
      %mul3A_1690 = arith.mulf %get3A_1688, %mul3A_1689 : vector<16xf32>
      %swap3A_1691 = arith.index_cast %add3A_1686 : i32 to index
      %swap3A_1692 = tpu.vector_load %arg8[%swap3A_1691] {strides = array<i32>} : memref<35328xf32, #tpu.memory_space<vmem>>, vector<16xf32>,
      tpu.vector_store %arg8[%swap3A_1691], %mul3A_1690 {strides = array<i32>} : memref<35328xf32, #tpu.memory_space<vmem>>, vector<16xf32>,
      %add3A_1693 = arith.constant 60 : i32
      %add3A_1694 = arith.addi %add3A_1693, %scan3A_62 : i32
      %mul3A_1695 = arith.constant 368 : i32
      %mul3A_1696 = arith.muli %add3A_1694, %mul3A_1695 : i32
      %add3A_1697 = arith.constant 336 : i32
      %add3A_1698 = arith.addi %mul3A_1696, %add3A_1697 : i32
      %get3A_1699 = arith.index_cast %add3A_1698 : i32 to index
      %get3A_1700 = tpu.vector_load %arg8[%get3A_1699] {strides = array<i32>} : memref<35328xf32, #tpu.memory_space<vmem>>, vector<16xf32>,
      %mul3A_1701 = vector.broadcast %scan3A_24 : f32 to vector<16xf32>
      %mul3A_1702 = arith.mulf %get3A_1700, %mul3A_1701 : vector<16xf32>
      %swap3A_1703 = arith.index_cast %add3A_1698 : i32 to index
      %swap3A_1704 = tpu.vector_load %arg8[%swap3A_1703] {strides = array<i32>} : memref<35328xf32, #tpu.memory_space<vmem>>, vector<16xf32>,
      tpu.vector_store %arg8[%swap3A_1703], %mul3A_1702 {strides = array<i32>} : memref<35328xf32, #tpu.memory_space<vmem>>, vector<16xf32>,
      %add3A_1705 = arith.constant 60 : i32
      %add3A_1706 = arith.addi %add3A_1705, %scan3A_62 : i32
      %mul3A_1707 = arith.constant 368 : i32
      %mul3A_1708 = arith.muli %add3A_1706, %mul3A_1707 : i32
      %add3A_1709 = arith.constant 352 : i32
      %add3A_1710 = arith.addi %mul3A_1708, %add3A_1709 : i32
      %get3A_1711 = arith.index_cast %add3A_1710 : i32 to index
      %get3A_1712 = tpu.vector_load %arg8[%get3A_1711] {strides = array<i32>} : memref<35328xf32, #tpu.memory_space<vmem>>, vector<16xf32>,
      %mul3A_1713 = vector.broadcast %scan3A_24 : f32 to vector<16xf32>
      %mul3A_1714 = arith.mulf %get3A_1712, %mul3A_1713 : vector<16xf32>
      %swap3A_1715 = arith.index_cast %add3A_1710 : i32 to index
      %swap3A_1716 = tpu.vector_load %arg8[%swap3A_1715] {strides = array<i32>} : memref<35328xf32, #tpu.memory_space<vmem>>, vector<16xf32>,
      tpu.vector_store %arg8[%swap3A_1715], %mul3A_1714 {strides = array<i32>} : memref<35328xf32, #tpu.memory_space<vmem>>, vector<16xf32>,
      %add3A_1717 = arith.constant 72 : i32
      %add3A_1718 = arith.addi %add3A_1717, %scan3A_62 : i32
      %mul3A_1719 = arith.constant 368 : i32
      %mul3A_1720 = arith.muli %add3A_1718, %mul3A_1719 : i32
      %add3A_1721 = arith.constant 0 : i32
      %add3A_1722 = arith.addi %mul3A_1720, %add3A_1721 : i32
      %get3A_1723 = arith.index_cast %add3A_1722 : i32 to index
      %get3A_1724 = tpu.vector_load %arg8[%get3A_1723] {strides = array<i32>} : memref<35328xf32, #tpu.memory_space<vmem>>, vector<16xf32>,
      %mul3A_1725 = vector.broadcast %scan3A_24 : f32 to vector<16xf32>
      %mul3A_1726 = arith.mulf %get3A_1724, %mul3A_1725 : vector<16xf32>
      %swap3A_1727 = arith.index_cast %add3A_1722 : i32 to index
      %swap3A_1728 = tpu.vector_load %arg8[%swap3A_1727] {strides = array<i32>} : memref<35328xf32, #tpu.memory_space<vmem>>, vector<16xf32>,
      tpu.vector_store %arg8[%swap3A_1727], %mul3A_1726 {strides = array<i32>} : memref<35328xf32, #tpu.memory_space<vmem>>, vector<16xf32>,
      %add3A_1729 = arith.constant 72 : i32
      %add3A_1730 = arith.addi %add3A_1729, %scan3A_62 : i32
      %mul3A_1731 = arith.constant 368 : i32
      %mul3A_1732 = arith.muli %add3A_1730, %mul3A_1731 : i32
      %add3A_1733 = arith.constant 16 : i32
      %add3A_1734 = arith.addi %mul3A_1732, %add3A_1733 : i32
      %get3A_1735 = arith.index_cast %add3A_1734 : i32 to index
      %get3A_1736 = tpu.vector_load %arg8[%get3A_1735] {strides = array<i32>} : memref<35328xf32, #tpu.memory_space<vmem>>, vector<16xf32>,
      %mul3A_1737 = vector.broadcast %scan3A_24 : f32 to vector<16xf32>
      %mul3A_1738 = arith.mulf %get3A_1736, %mul3A_1737 : vector<16xf32>
      %swap3A_1739 = arith.index_cast %add3A_1734 : i32 to index
      %swap3A_1740 = tpu.vector_load %arg8[%swap3A_1739] {strides = array<i32>} : memref<35328xf32, #tpu.memory_space<vmem>>, vector<16xf32>,
      tpu.vector_store %arg8[%swap3A_1739], %mul3A_1738 {strides = array<i32>} : memref<35328xf32, #tpu.memory_space<vmem>>, vector<16xf32>,
      %add3A_1741 = arith.constant 72 : i32
      %add3A_1742 = arith.addi %add3A_1741, %scan3A_62 : i32
      %mul3A_1743 = arith.constant 368 : i32
      %mul3A_1744 = arith.muli %add3A_1742, %mul3A_1743 : i32
      %add3A_1745 = arith.constant 32 : i32
      %add3A_1746 = arith.addi %mul3A_1744, %add3A_1745 : i32
      %get3A_1747 = arith.index_cast %add3A_1746 : i32 to index
      %get3A_1748 = tpu.vector_load %arg8[%get3A_1747] {strides = array<i32>} : memref<35328xf32, #tpu.memory_space<vmem>>, vector<16xf32>,
      %mul3A_1749 = vector.broadcast %scan3A_24 : f32 to vector<16xf32>
      %mul3A_1750 = arith.mulf %get3A_1748, %mul3A_1749 : vector<16xf32>
      %swap3A_1751 = arith.index_cast %add3A_1746 : i32 to index
      %swap3A_1752 = tpu.vector_load %arg8[%swap3A_1751] {strides = array<i32>} : memref<35328xf32, #tpu.memory_space<vmem>>, vector<16xf32>,
      tpu.vector_store %arg8[%swap3A_1751], %mul3A_1750 {strides = array<i32>} : memref<35328xf32, #tpu.memory_space<vmem>>, vector<16xf32>,
      %add3A_1753 = arith.constant 72 : i32
      %add3A_1754 = arith.addi %add3A_1753, %scan3A_62 : i32
      %mul3A_1755 = arith.constant 368 : i32
      %mul3A_1756 = arith.muli %add3A_1754, %mul3A_1755 : i32
      %add3A_1757 = arith.constant 48 : i32
      %add3A_1758 = arith.addi %mul3A_1756, %add3A_1757 : i32
      %get3A_1759 = arith.index_cast %add3A_1758 : i32 to index
      %get3A_1760 = tpu.vector_load %arg8[%get3A_1759] {strides = array<i32>} : memref<35328xf32, #tpu.memory_space<vmem>>, vector<16xf32>,
      %mul3A_1761 = vector.broadcast %scan3A_24 : f32 to vector<16xf32>
      %mul3A_1762 = arith.mulf %get3A_1760, %mul3A_1761 : vector<16xf32>
      %swap3A_1763 = arith.index_cast %add3A_1758 : i32 to index
      %swap3A_1764 = tpu.vector_load %arg8[%swap3A_1763] {strides = array<i32>} : memref<35328xf32, #tpu.memory_space<vmem>>, vector<16xf32>,
      tpu.vector_store %arg8[%swap3A_1763], %mul3A_1762 {strides = array<i32>} : memref<35328xf32, #tpu.memory_space<vmem>>, vector<16xf32>,
      %add3A_1765 = arith.constant 72 : i32
      %add3A_1766 = arith.addi %add3A_1765, %scan3A_62 : i32
      %mul3A_1767 = arith.constant 368 : i32
      %mul3A_1768 = arith.muli %add3A_1766, %mul3A_1767 : i32
      %add3A_1769 = arith.constant 64 : i32
      %add3A_1770 = arith.addi %mul3A_1768, %add3A_1769 : i32
      %get3A_1771 = arith.index_cast %add3A_1770 : i32 to index
      %get3A_1772 = tpu.vector_load %arg8[%get3A_1771] {strides = array<i32>} : memref<35328xf32, #tpu.memory_space<vmem>>, vector<16xf32>,
      %mul3A_1773 = vector.broadcast %scan3A_24 : f32 to vector<16xf32>
      %mul3A_1774 = arith.mulf %get3A_1772, %mul3A_1773 : vector<16xf32>
      %swap3A_1775 = arith.index_cast %add3A_1770 : i32 to index
      %swap3A_1776 = tpu.vector_load %arg8[%swap3A_1775] {strides = array<i32>} : memref<35328xf32, #tpu.memory_space<vmem>>, vector<16xf32>,
      tpu.vector_store %arg8[%swap3A_1775], %mul3A_1774 {strides = array<i32>} : memref<35328xf32, #tpu.memory_space<vmem>>, vector<16xf32>,
      %add3A_1777 = arith.constant 72 : i32
      %add3A_1778 = arith.addi %add3A_1777, %scan3A_62 : i32
      %mul3A_1779 = arith.constant 368 : i32
      %mul3A_1780 = arith.muli %add3A_1778, %mul3A_1779 : i32
      %add3A_1781 = arith.constant 80 : i32
      %add3A_1782 = arith.addi %mul3A_1780, %add3A_1781 : i32
      %get3A_1783 = arith.index_cast %add3A_1782 : i32 to index
      %get3A_1784 = tpu.vector_load %arg8[%get3A_1783] {strides = array<i32>} : memref<35328xf32, #tpu.memory_space<vmem>>, vector<16xf32>,
      %mul3A_1785 = vector.broadcast %scan3A_24 : f32 to vector<16xf32>
      %mul3A_1786 = arith.mulf %get3A_1784, %mul3A_1785 : vector<16xf32>
      %swap3A_1787 = arith.index_cast %add3A_1782 : i32 to index
      %swap3A_1788 = tpu.vector_load %arg8[%swap3A_1787] {strides = array<i32>} : memref<35328xf32, #tpu.memory_space<vmem>>, vector<16xf32>,
      tpu.vector_store %arg8[%swap3A_1787], %mul3A_1786 {strides = array<i32>} : memref<35328xf32, #tpu.memory_space<vmem>>, vector<16xf32>,
      %add3A_1789 = arith.constant 72 : i32
      %add3A_1790 = arith.addi %add3A_1789, %scan3A_62 : i32
      %mul3A_1791 = arith.constant 368 : i32
      %mul3A_1792 = arith.muli %add3A_1790, %mul3A_1791 : i32
      %add3A_1793 = arith.constant 96 : i32
      %add3A_1794 = arith.addi %mul3A_1792, %add3A_1793 : i32
      %get3A_1795 = arith.index_cast %add3A_1794 : i32 to index
      %get3A_1796 = tpu.vector_load %arg8[%get3A_1795] {strides = array<i32>} : memref<35328xf32, #tpu.memory_space<vmem>>, vector<16xf32>,
      %mul3A_1797 = vector.broadcast %scan3A_24 : f32 to vector<16xf32>
      %mul3A_1798 = arith.mulf %get3A_1796, %mul3A_1797 : vector<16xf32>
      %swap3A_1799 = arith.index_cast %add3A_1794 : i32 to index
      %swap3A_1800 = tpu.vector_load %arg8[%swap3A_1799] {strides = array<i32>} : memref<35328xf32, #tpu.memory_space<vmem>>, vector<16xf32>,
      tpu.vector_store %arg8[%swap3A_1799], %mul3A_1798 {strides = array<i32>} : memref<35328xf32, #tpu.memory_space<vmem>>, vector<16xf32>,
      %add3A_1801 = arith.constant 72 : i32
      %add3A_1802 = arith.addi %add3A_1801, %scan3A_62 : i32
      %mul3A_1803 = arith.constant 368 : i32
      %mul3A_1804 = arith.muli %add3A_1802, %mul3A_1803 : i32
      %add3A_1805 = arith.constant 112 : i32
      %add3A_1806 = arith.addi %mul3A_1804, %add3A_1805 : i32
      %get3A_1807 = arith.index_cast %add3A_1806 : i32 to index
      %get3A_1808 = tpu.vector_load %arg8[%get3A_1807] {strides = array<i32>} : memref<35328xf32, #tpu.memory_space<vmem>>, vector<16xf32>,
      %mul3A_1809 = vector.broadcast %scan3A_24 : f32 to vector<16xf32>
      %mul3A_1810 = arith.mulf %get3A_1808, %mul3A_1809 : vector<16xf32>
      %swap3A_1811 = arith.index_cast %add3A_1806 : i32 to index
      %swap3A_1812 = tpu.vector_load %arg8[%swap3A_1811] {strides = array<i32>} : memref<35328xf32, #tpu.memory_space<vmem>>, vector<16xf32>,
      tpu.vector_store %arg8[%swap3A_1811], %mul3A_1810 {strides = array<i32>} : memref<35328xf32, #tpu.memory_space<vmem>>, vector<16xf32>,
      %add3A_1813 = arith.constant 72 : i32
      %add3A_1814 = arith.addi %add3A_1813, %scan3A_62 : i32
      %mul3A_1815 = arith.constant 368 : i32
      %mul3A_1816 = arith.muli %add3A_1814, %mul3A_1815 : i32
      %add3A_1817 = arith.constant 128 : i32
      %add3A_1818 = arith.addi %mul3A_1816, %add3A_1817 : i32
      %get3A_1819 = arith.index_cast %add3A_1818 : i32 to index
      %get3A_1820 = tpu.vector_load %arg8[%get3A_1819] {strides = array<i32>} : memref<35328xf32, #tpu.memory_space<vmem>>, vector<16xf32>,
      %mul3A_1821 = vector.broadcast %scan3A_24 : f32 to vector<16xf32>
      %mul3A_1822 = arith.mulf %get3A_1820, %mul3A_1821 : vector<16xf32>
      %swap3A_1823 = arith.index_cast %add3A_1818 : i32 to index
      %swap3A_1824 = tpu.vector_load %arg8[%swap3A_1823] {strides = array<i32>} : memref<35328xf32, #tpu.memory_space<vmem>>, vector<16xf32>,
      tpu.vector_store %arg8[%swap3A_1823], %mul3A_1822 {strides = array<i32>} : memref<35328xf32, #tpu.memory_space<vmem>>, vector<16xf32>,
      %add3A_1825 = arith.constant 72 : i32
      %add3A_1826 = arith.addi %add3A_1825, %scan3A_62 : i32
      %mul3A_1827 = arith.constant 368 : i32
      %mul3A_1828 = arith.muli %add3A_1826, %mul3A_1827 : i32
      %add3A_1829 = arith.constant 144 : i32
      %add3A_1830 = arith.addi %mul3A_1828, %add3A_1829 : i32
      %get3A_1831 = arith.index_cast %add3A_1830 : i32 to index
      %get3A_1832 = tpu.vector_load %arg8[%get3A_1831] {strides = array<i32>} : memref<35328xf32, #tpu.memory_space<vmem>>, vector<16xf32>,
      %mul3A_1833 = vector.broadcast %scan3A_24 : f32 to vector<16xf32>
      %mul3A_1834 = arith.mulf %get3A_1832, %mul3A_1833 : vector<16xf32>
      %swap3A_1835 = arith.index_cast %add3A_1830 : i32 to index
      %swap3A_1836 = tpu.vector_load %arg8[%swap3A_1835] {strides = array<i32>} : memref<35328xf32, #tpu.memory_space<vmem>>, vector<16xf32>,
      tpu.vector_store %arg8[%swap3A_1835], %mul3A_1834 {strides = array<i32>} : memref<35328xf32, #tpu.memory_space<vmem>>, vector<16xf32>,
      %add3A_1837 = arith.constant 72 : i32
      %add3A_1838 = arith.addi %add3A_1837, %scan3A_62 : i32
      %mul3A_1839 = arith.constant 368 : i32
      %mul3A_1840 = arith.muli %add3A_1838, %mul3A_1839 : i32
      %add3A_1841 = arith.constant 160 : i32
      %add3A_1842 = arith.addi %mul3A_1840, %add3A_1841 : i32
      %get3A_1843 = arith.index_cast %add3A_1842 : i32 to index
      %get3A_1844 = tpu.vector_load %arg8[%get3A_1843] {strides = array<i32>} : memref<35328xf32, #tpu.memory_space<vmem>>, vector<16xf32>,
      %mul3A_1845 = vector.broadcast %scan3A_24 : f32 to vector<16xf32>
      %mul3A_1846 = arith.mulf %get3A_1844, %mul3A_1845 : vector<16xf32>
      %swap3A_1847 = arith.index_cast %add3A_1842 : i32 to index
      %swap3A_1848 = tpu.vector_load %arg8[%swap3A_1847] {strides = array<i32>} : memref<35328xf32, #tpu.memory_space<vmem>>, vector<16xf32>,
      tpu.vector_store %arg8[%swap3A_1847], %mul3A_1846 {strides = array<i32>} : memref<35328xf32, #tpu.memory_space<vmem>>, vector<16xf32>,
      %add3A_1849 = arith.constant 72 : i32
      %add3A_1850 = arith.addi %add3A_1849, %scan3A_62 : i32
      %mul3A_1851 = arith.constant 368 : i32
      %mul3A_1852 = arith.muli %add3A_1850, %mul3A_1851 : i32
      %add3A_1853 = arith.constant 176 : i32
      %add3A_1854 = arith.addi %mul3A_1852, %add3A_1853 : i32
      %get3A_1855 = arith.index_cast %add3A_1854 : i32 to index
      %get3A_1856 = tpu.vector_load %arg8[%get3A_1855] {strides = array<i32>} : memref<35328xf32, #tpu.memory_space<vmem>>, vector<16xf32>,
      %mul3A_1857 = vector.broadcast %scan3A_24 : f32 to vector<16xf32>
      %mul3A_1858 = arith.mulf %get3A_1856, %mul3A_1857 : vector<16xf32>
      %swap3A_1859 = arith.index_cast %add3A_1854 : i32 to index
      %swap3A_1860 = tpu.vector_load %arg8[%swap3A_1859] {strides = array<i32>} : memref<35328xf32, #tpu.memory_space<vmem>>, vector<16xf32>,
      tpu.vector_store %arg8[%swap3A_1859], %mul3A_1858 {strides = array<i32>} : memref<35328xf32, #tpu.memory_space<vmem>>, vector<16xf32>,
      %add3A_1861 = arith.constant 72 : i32
      %add3A_1862 = arith.addi %add3A_1861, %scan3A_62 : i32
      %mul3A_1863 = arith.constant 368 : i32
      %mul3A_1864 = arith.muli %add3A_1862, %mul3A_1863 : i32
      %add3A_1865 = arith.constant 192 : i32
      %add3A_1866 = arith.addi %mul3A_1864, %add3A_1865 : i32
      %get3A_1867 = arith.index_cast %add3A_1866 : i32 to index
      %get3A_1868 = tpu.vector_load %arg8[%get3A_1867] {strides = array<i32>} : memref<35328xf32, #tpu.memory_space<vmem>>, vector<16xf32>,
      %mul3A_1869 = vector.broadcast %scan3A_24 : f32 to vector<16xf32>
      %mul3A_1870 = arith.mulf %get3A_1868, %mul3A_1869 : vector<16xf32>
      %swap3A_1871 = arith.index_cast %add3A_1866 : i32 to index
      %swap3A_1872 = tpu.vector_load %arg8[%swap3A_1871] {strides = array<i32>} : memref<35328xf32, #tpu.memory_space<vmem>>, vector<16xf32>,
      tpu.vector_store %arg8[%swap3A_1871], %mul3A_1870 {strides = array<i32>} : memref<35328xf32, #tpu.memory_space<vmem>>, vector<16xf32>,
      %add3A_1873 = arith.constant 72 : i32
      %add3A_1874 = arith.addi %add3A_1873, %scan3A_62 : i32
      %mul3A_1875 = arith.constant 368 : i32
      %mul3A_1876 = arith.muli %add3A_1874, %mul3A_1875 : i32
      %add3A_1877 = arith.constant 208 : i32
      %add3A_1878 = arith.addi %mul3A_1876, %add3A_1877 : i32
      %get3A_1879 = arith.index_cast %add3A_1878 : i32 to index
      %get3A_1880 = tpu.vector_load %arg8[%get3A_1879] {strides = array<i32>} : memref<35328xf32, #tpu.memory_space<vmem>>, vector<16xf32>,
      %mul3A_1881 = vector.broadcast %scan3A_24 : f32 to vector<16xf32>
      %mul3A_1882 = arith.mulf %get3A_1880, %mul3A_1881 : vector<16xf32>
      %swap3A_1883 = arith.index_cast %add3A_1878 : i32 to index
      %swap3A_1884 = tpu.vector_load %arg8[%swap3A_1883] {strides = array<i32>} : memref<35328xf32, #tpu.memory_space<vmem>>, vector<16xf32>,
      tpu.vector_store %arg8[%swap3A_1883], %mul3A_1882 {strides = array<i32>} : memref<35328xf32, #tpu.memory_space<vmem>>, vector<16xf32>,
      %add3A_1885 = arith.constant 72 : i32
      %add3A_1886 = arith.addi %add3A_1885, %scan3A_62 : i32
      %mul3A_1887 = arith.constant 368 : i32
      %mul3A_1888 = arith.muli %add3A_1886, %mul3A_1887 : i32
      %add3A_1889 = arith.constant 224 : i32
      %add3A_1890 = arith.addi %mul3A_1888, %add3A_1889 : i32
      %get3A_1891 = arith.index_cast %add3A_1890 : i32 to index
      %get3A_1892 = tpu.vector_load %arg8[%get3A_1891] {strides = array<i32>} : memref<35328xf32, #tpu.memory_space<vmem>>, vector<16xf32>,
      %mul3A_1893 = vector.broadcast %scan3A_24 : f32 to vector<16xf32>
      %mul3A_1894 = arith.mulf %get3A_1892, %mul3A_1893 : vector<16xf32>
      %swap3A_1895 = arith.index_cast %add3A_1890 : i32 to index
      %swap3A_1896 = tpu.vector_load %arg8[%swap3A_1895] {strides = array<i32>} : memref<35328xf32, #tpu.memory_space<vmem>>, vector<16xf32>,
      tpu.vector_store %arg8[%swap3A_1895], %mul3A_1894 {strides = array<i32>} : memref<35328xf32, #tpu.memory_space<vmem>>, vector<16xf32>,
      %add3A_1897 = arith.constant 72 : i32
      %add3A_1898 = arith.addi %add3A_1897, %scan3A_62 : i32
      %mul3A_1899 = arith.constant 368 : i32
      %mul3A_1900 = arith.muli %add3A_1898, %mul3A_1899 : i32
      %add3A_1901 = arith.constant 240 : i32
      %add3A_1902 = arith.addi %mul3A_1900, %add3A_1901 : i32
      %get3A_1903 = arith.index_cast %add3A_1902 : i32 to index
      %get3A_1904 = tpu.vector_load %arg8[%get3A_1903] {strides = array<i32>} : memref<35328xf32, #tpu.memory_space<vmem>>, vector<16xf32>,
      %mul3A_1905 = vector.broadcast %scan3A_24 : f32 to vector<16xf32>
      %mul3A_1906 = arith.mulf %get3A_1904, %mul3A_1905 : vector<16xf32>
      %swap3A_1907 = arith.index_cast %add3A_1902 : i32 to index
      %swap3A_1908 = tpu.vector_load %arg8[%swap3A_1907] {strides = array<i32>} : memref<35328xf32, #tpu.memory_space<vmem>>, vector<16xf32>,
      tpu.vector_store %arg8[%swap3A_1907], %mul3A_1906 {strides = array<i32>} : memref<35328xf32, #tpu.memory_space<vmem>>, vector<16xf32>,
      %add3A_1909 = arith.constant 72 : i32
      %add3A_1910 = arith.addi %add3A_1909, %scan3A_62 : i32
      %mul3A_1911 = arith.constant 368 : i32
      %mul3A_1912 = arith.muli %add3A_1910, %mul3A_1911 : i32
      %add3A_1913 = arith.constant 256 : i32
      %add3A_1914 = arith.addi %mul3A_1912, %add3A_1913 : i32
      %get3A_1915 = arith.index_cast %add3A_1914 : i32 to index
      %get3A_1916 = tpu.vector_load %arg8[%get3A_1915] {strides = array<i32>} : memref<35328xf32, #tpu.memory_space<vmem>>, vector<16xf32>,
      %mul3A_1917 = vector.broadcast %scan3A_24 : f32 to vector<16xf32>
      %mul3A_1918 = arith.mulf %get3A_1916, %mul3A_1917 : vector<16xf32>
      %swap3A_1919 = arith.index_cast %add3A_1914 : i32 to index
      %swap3A_1920 = tpu.vector_load %arg8[%swap3A_1919] {strides = array<i32>} : memref<35328xf32, #tpu.memory_space<vmem>>, vector<16xf32>,
      tpu.vector_store %arg8[%swap3A_1919], %mul3A_1918 {strides = array<i32>} : memref<35328xf32, #tpu.memory_space<vmem>>, vector<16xf32>,
      %add3A_1921 = arith.constant 72 : i32
      %add3A_1922 = arith.addi %add3A_1921, %scan3A_62 : i32
      %mul3A_1923 = arith.constant 368 : i32
      %mul3A_1924 = arith.muli %add3A_1922, %mul3A_1923 : i32
      %add3A_1925 = arith.constant 272 : i32
      %add3A_1926 = arith.addi %mul3A_1924, %add3A_1925 : i32
      %get3A_1927 = arith.index_cast %add3A_1926 : i32 to index
      %get3A_1928 = tpu.vector_load %arg8[%get3A_1927] {strides = array<i32>} : memref<35328xf32, #tpu.memory_space<vmem>>, vector<16xf32>,
      %mul3A_1929 = vector.broadcast %scan3A_24 : f32 to vector<16xf32>
      %mul3A_1930 = arith.mulf %get3A_1928, %mul3A_1929 : vector<16xf32>
      %swap3A_1931 = arith.index_cast %add3A_1926 : i32 to index
      %swap3A_1932 = tpu.vector_load %arg8[%swap3A_1931] {strides = array<i32>} : memref<35328xf32, #tpu.memory_space<vmem>>, vector<16xf32>,
      tpu.vector_store %arg8[%swap3A_1931], %mul3A_1930 {strides = array<i32>} : memref<35328xf32, #tpu.memory_space<vmem>>, vector<16xf32>,
      %add3A_1933 = arith.constant 72 : i32
      %add3A_1934 = arith.addi %add3A_1933, %scan3A_62 : i32
      %mul3A_1935 = arith.constant 368 : i32
      %mul3A_1936 = arith.muli %add3A_1934, %mul3A_1935 : i32
      %add3A_1937 = arith.constant 288 : i32
      %add3A_1938 = arith.addi %mul3A_1936, %add3A_1937 : i32
      %get3A_1939 = arith.index_cast %add3A_1938 : i32 to index
      %get3A_1940 = tpu.vector_load %arg8[%get3A_1939] {strides = array<i32>} : memref<35328xf32, #tpu.memory_space<vmem>>, vector<16xf32>,
      %mul3A_1941 = vector.broadcast %scan3A_24 : f32 to vector<16xf32>
      %mul3A_1942 = arith.mulf %get3A_1940, %mul3A_1941 : vector<16xf32>
      %swap3A_1943 = arith.index_cast %add3A_1938 : i32 to index
      %swap3A_1944 = tpu.vector_load %arg8[%swap3A_1943] {strides = array<i32>} : memref<35328xf32, #tpu.memory_space<vmem>>, vector<16xf32>,
      tpu.vector_store %arg8[%swap3A_1943], %mul3A_1942 {strides = array<i32>} : memref<35328xf32, #tpu.memory_space<vmem>>, vector<16xf32>,
      %add3A_1945 = arith.constant 72 : i32
      %add3A_1946 = arith.addi %add3A_1945, %scan3A_62 : i32
      %mul3A_1947 = arith.constant 368 : i32
      %mul3A_1948 = arith.muli %add3A_1946, %mul3A_1947 : i32
      %add3A_1949 = arith.constant 304 : i32
      %add3A_1950 = arith.addi %mul3A_1948, %add3A_1949 : i32
      %get3A_1951 = arith.index_cast %add3A_1950 : i32 to index
      %get3A_1952 = tpu.vector_load %arg8[%get3A_1951] {strides = array<i32>} : memref<35328xf32, #tpu.memory_space<vmem>>, vector<16xf32>,
      %mul3A_1953 = vector.broadcast %scan3A_24 : f32 to vector<16xf32>
      %mul3A_1954 = arith.mulf %get3A_1952, %mul3A_1953 : vector<16xf32>
      %swap3A_1955 = arith.index_cast %add3A_1950 : i32 to index
      %swap3A_1956 = tpu.vector_load %arg8[%swap3A_1955] {strides = array<i32>} : memref<35328xf32, #tpu.memory_space<vmem>>, vector<16xf32>,
      tpu.vector_store %arg8[%swap3A_1955], %mul3A_1954 {strides = array<i32>} : memref<35328xf32, #tpu.memory_space<vmem>>, vector<16xf32>,
      %add3A_1957 = arith.constant 72 : i32
      %add3A_1958 = arith.addi %add3A_1957, %scan3A_62 : i32
      %mul3A_1959 = arith.constant 368 : i32
      %mul3A_1960 = arith.muli %add3A_1958, %mul3A_1959 : i32
      %add3A_1961 = arith.constant 320 : i32
      %add3A_1962 = arith.addi %mul3A_1960, %add3A_1961 : i32
      %get3A_1963 = arith.index_cast %add3A_1962 : i32 to index
      %get3A_1964 = tpu.vector_load %arg8[%get3A_1963] {strides = array<i32>} : memref<35328xf32, #tpu.memory_space<vmem>>, vector<16xf32>,
      %mul3A_1965 = vector.broadcast %scan3A_24 : f32 to vector<16xf32>
      %mul3A_1966 = arith.mulf %get3A_1964, %mul3A_1965 : vector<16xf32>
      %swap3A_1967 = arith.index_cast %add3A_1962 : i32 to index
      %swap3A_1968 = tpu.vector_load %arg8[%swap3A_1967] {strides = array<i32>} : memref<35328xf32, #tpu.memory_space<vmem>>, vector<16xf32>,
      tpu.vector_store %arg8[%swap3A_1967], %mul3A_1966 {strides = array<i32>} : memref<35328xf32, #tpu.memory_space<vmem>>, vector<16xf32>,
      %add3A_1969 = arith.constant 72 : i32
      %add3A_1970 = arith.addi %add3A_1969, %scan3A_62 : i32
      %mul3A_1971 = arith.constant 368 : i32
      %mul3A_1972 = arith.muli %add3A_1970, %mul3A_1971 : i32
      %add3A_1973 = arith.constant 336 : i32
      %add3A_1974 = arith.addi %mul3A_1972, %add3A_1973 : i32
      %get3A_1975 = arith.index_cast %add3A_1974 : i32 to index
      %get3A_1976 = tpu.vector_load %arg8[%get3A_1975] {strides = array<i32>} : memref<35328xf32, #tpu.memory_space<vmem>>, vector<16xf32>,
      %mul3A_1977 = vector.broadcast %scan3A_24 : f32 to vector<16xf32>
      %mul3A_1978 = arith.mulf %get3A_1976, %mul3A_1977 : vector<16xf32>
      %swap3A_1979 = arith.index_cast %add3A_1974 : i32 to index
      %swap3A_1980 = tpu.vector_load %arg8[%swap3A_1979] {strides = array<i32>} : memref<35328xf32, #tpu.memory_space<vmem>>, vector<16xf32>,
      tpu.vector_store %arg8[%swap3A_1979], %mul3A_1978 {strides = array<i32>} : memref<35328xf32, #tpu.memory_space<vmem>>, vector<16xf32>,
      %add3A_1981 = arith.constant 72 : i32
      %add3A_1982 = arith.addi %add3A_1981, %scan3A_62 : i32
      %mul3A_1983 = arith.constant 368 : i32
      %mul3A_1984 = arith.muli %add3A_1982, %mul3A_1983 : i32
      %add3A_1985 = arith.constant 352 : i32
      %add3A_1986 = arith.addi %mul3A_1984, %add3A_1985 : i32
      %get3A_1987 = arith.index_cast %add3A_1986 : i32 to index
      %get3A_1988 = tpu.vector_load %arg8[%get3A_1987] {strides = array<i32>} : memref<35328xf32, #tpu.memory_space<vmem>>, vector<16xf32>,
      %mul3A_1989 = vector.broadcast %scan3A_24 : f32 to vector<16xf32>
      %mul3A_1990 = arith.mulf %get3A_1988, %mul3A_1989 : vector<16xf32>
      %swap3A_1991 = arith.index_cast %add3A_1986 : i32 to index
      %swap3A_1992 = tpu.vector_load %arg8[%swap3A_1991] {strides = array<i32>} : memref<35328xf32, #tpu.memory_space<vmem>>, vector<16xf32>,
      tpu.vector_store %arg8[%swap3A_1991], %mul3A_1990 {strides = array<i32>} : memref<35328xf32, #tpu.memory_space<vmem>>, vector<16xf32>,
      %add3A_1993 = arith.constant 84 : i32
      %add3A_1994 = arith.addi %add3A_1993, %scan3A_62 : i32
      %mul3A_1995 = arith.constant 368 : i32
      %mul3A_1996 = arith.muli %add3A_1994, %mul3A_1995 : i32
      %add3A_1997 = arith.constant 0 : i32
      %add3A_1998 = arith.addi %mul3A_1996, %add3A_1997 : i32
      %get3A_1999 = arith.index_cast %add3A_1998 : i32 to index
      %get3A_2000 = tpu.vector_load %arg8[%get3A_1999] {strides = array<i32>} : memref<35328xf32, #tpu.memory_space<vmem>>, vector<16xf32>,
      %mul3A_2001 = vector.broadcast %scan3A_24 : f32 to vector<16xf32>
      %mul3A_2002 = arith.mulf %get3A_2000, %mul3A_2001 : vector<16xf32>
      %swap3A_2003 = arith.index_cast %add3A_1998 : i32 to index
      %swap3A_2004 = tpu.vector_load %arg8[%swap3A_2003] {strides = array<i32>} : memref<35328xf32, #tpu.memory_space<vmem>>, vector<16xf32>,
      tpu.vector_store %arg8[%swap3A_2003], %mul3A_2002 {strides = array<i32>} : memref<35328xf32, #tpu.memory_space<vmem>>, vector<16xf32>,
      %add3A_2005 = arith.constant 84 : i32
      %add3A_2006 = arith.addi %add3A_2005, %scan3A_62 : i32
      %mul3A_2007 = arith.constant 368 : i32
      %mul3A_2008 = arith.muli %add3A_2006, %mul3A_2007 : i32
      %add3A_2009 = arith.constant 16 : i32
      %add3A_2010 = arith.addi %mul3A_2008, %add3A_2009 : i32
      %get3A_2011 = arith.index_cast %add3A_2010 : i32 to index
      %get3A_2012 = tpu.vector_load %arg8[%get3A_2011] {strides = array<i32>} : memref<35328xf32, #tpu.memory_space<vmem>>, vector<16xf32>,
      %mul3A_2013 = vector.broadcast %scan3A_24 : f32 to vector<16xf32>
      %mul3A_2014 = arith.mulf %get3A_2012, %mul3A_2013 : vector<16xf32>
      %swap3A_2015 = arith.index_cast %add3A_2010 : i32 to index
      %swap3A_2016 = tpu.vector_load %arg8[%swap3A_2015] {strides = array<i32>} : memref<35328xf32, #tpu.memory_space<vmem>>, vector<16xf32>,
      tpu.vector_store %arg8[%swap3A_2015], %mul3A_2014 {strides = array<i32>} : memref<35328xf32, #tpu.memory_space<vmem>>, vector<16xf32>,
      %add3A_2017 = arith.constant 84 : i32
      %add3A_2018 = arith.addi %add3A_2017, %scan3A_62 : i32
      %mul3A_2019 = arith.constant 368 : i32
      %mul3A_2020 = arith.muli %add3A_2018, %mul3A_2019 : i32
      %add3A_2021 = arith.constant 32 : i32
      %add3A_2022 = arith.addi %mul3A_2020, %add3A_2021 : i32
      %get3A_2023 = arith.index_cast %add3A_2022 : i32 to index
      %get3A_2024 = tpu.vector_load %arg8[%get3A_2023] {strides = array<i32>} : memref<35328xf32, #tpu.memory_space<vmem>>, vector<16xf32>,
      %mul3A_2025 = vector.broadcast %scan3A_24 : f32 to vector<16xf32>
      %mul3A_2026 = arith.mulf %get3A_2024, %mul3A_2025 : vector<16xf32>
      %swap3A_2027 = arith.index_cast %add3A_2022 : i32 to index
      %swap3A_2028 = tpu.vector_load %arg8[%swap3A_2027] {strides = array<i32>} : memref<35328xf32, #tpu.memory_space<vmem>>, vector<16xf32>,
      tpu.vector_store %arg8[%swap3A_2027], %mul3A_2026 {strides = array<i32>} : memref<35328xf32, #tpu.memory_space<vmem>>, vector<16xf32>,
      %add3A_2029 = arith.constant 84 : i32
      %add3A_2030 = arith.addi %add3A_2029, %scan3A_62 : i32
      %mul3A_2031 = arith.constant 368 : i32
      %mul3A_2032 = arith.muli %add3A_2030, %mul3A_2031 : i32
      %add3A_2033 = arith.constant 48 : i32
      %add3A_2034 = arith.addi %mul3A_2032, %add3A_2033 : i32
      %get3A_2035 = arith.index_cast %add3A_2034 : i32 to index
      %get3A_2036 = tpu.vector_load %arg8[%get3A_2035] {strides = array<i32>} : memref<35328xf32, #tpu.memory_space<vmem>>, vector<16xf32>,
      %mul3A_2037 = vector.broadcast %scan3A_24 : f32 to vector<16xf32>
      %mul3A_2038 = arith.mulf %get3A_2036, %mul3A_2037 : vector<16xf32>
      %swap3A_2039 = arith.index_cast %add3A_2034 : i32 to index
      %swap3A_2040 = tpu.vector_load %arg8[%swap3A_2039] {strides = array<i32>} : memref<35328xf32, #tpu.memory_space<vmem>>, vector<16xf32>,
      tpu.vector_store %arg8[%swap3A_2039], %mul3A_2038 {strides = array<i32>} : memref<35328xf32, #tpu.memory_space<vmem>>, vector<16xf32>,
      %add3A_2041 = arith.constant 84 : i32
      %add3A_2042 = arith.addi %add3A_2041, %scan3A_62 : i32
      %mul3A_2043 = arith.constant 368 : i32
      %mul3A_2044 = arith.muli %add3A_2042, %mul3A_2043 : i32
      %add3A_2045 = arith.constant 64 : i32
      %add3A_2046 = arith.addi %mul3A_2044, %add3A_2045 : i32
      %get3A_2047 = arith.index_cast %add3A_2046 : i32 to index
      %get3A_2048 = tpu.vector_load %arg8[%get3A_2047] {strides = array<i32>} : memref<35328xf32, #tpu.memory_space<vmem>>, vector<16xf32>,
      %mul3A_2049 = vector.broadcast %scan3A_24 : f32 to vector<16xf32>
      %mul3A_2050 = arith.mulf %get3A_2048, %mul3A_2049 : vector<16xf32>
      %swap3A_2051 = arith.index_cast %add3A_2046 : i32 to index
      %swap3A_2052 = tpu.vector_load %arg8[%swap3A_2051] {strides = array<i32>} : memref<35328xf32, #tpu.memory_space<vmem>>, vector<16xf32>,
      tpu.vector_store %arg8[%swap3A_2051], %mul3A_2050 {strides = array<i32>} : memref<35328xf32, #tpu.memory_space<vmem>>, vector<16xf32>,
      %add3A_2053 = arith.constant 84 : i32
      %add3A_2054 = arith.addi %add3A_2053, %scan3A_62 : i32
      %mul3A_2055 = arith.constant 368 : i32
      %mul3A_2056 = arith.muli %add3A_2054, %mul3A_2055 : i32
      %add3A_2057 = arith.constant 80 : i32
      %add3A_2058 = arith.addi %mul3A_2056, %add3A_2057 : i32
      %get3A_2059 = arith.index_cast %add3A_2058 : i32 to index
      %get3A_2060 = tpu.vector_load %arg8[%get3A_2059] {strides = array<i32>} : memref<35328xf32, #tpu.memory_space<vmem>>, vector<16xf32>,
      %mul3A_2061 = vector.broadcast %scan3A_24 : f32 to vector<16xf32>
      %mul3A_2062 = arith.mulf %get3A_2060, %mul3A_2061 : vector<16xf32>
      %swap3A_2063 = arith.index_cast %add3A_2058 : i32 to index
      %swap3A_2064 = tpu.vector_load %arg8[%swap3A_2063] {strides = array<i32>} : memref<35328xf32, #tpu.memory_space<vmem>>, vector<16xf32>,
      tpu.vector_store %arg8[%swap3A_2063], %mul3A_2062 {strides = array<i32>} : memref<35328xf32, #tpu.memory_space<vmem>>, vector<16xf32>,
      %add3A_2065 = arith.constant 84 : i32
      %add3A_2066 = arith.addi %add3A_2065, %scan3A_62 : i32
      %mul3A_2067 = arith.constant 368 : i32
      %mul3A_2068 = arith.muli %add3A_2066, %mul3A_2067 : i32
      %add3A_2069 = arith.constant 96 : i32
      %add3A_2070 = arith.addi %mul3A_2068, %add3A_2069 : i32
      %get3A_2071 = arith.index_cast %add3A_2070 : i32 to index
      %get3A_2072 = tpu.vector_load %arg8[%get3A_2071] {strides = array<i32>} : memref<35328xf32, #tpu.memory_space<vmem>>, vector<16xf32>,
      %mul3A_2073 = vector.broadcast %scan3A_24 : f32 to vector<16xf32>
      %mul3A_2074 = arith.mulf %get3A_2072, %mul3A_2073 : vector<16xf32>
      %swap3A_2075 = arith.index_cast %add3A_2070 : i32 to index
      %swap3A_2076 = tpu.vector_load %arg8[%swap3A_2075] {strides = array<i32>} : memref<35328xf32, #tpu.memory_space<vmem>>, vector<16xf32>,
      tpu.vector_store %arg8[%swap3A_2075], %mul3A_2074 {strides = array<i32>} : memref<35328xf32, #tpu.memory_space<vmem>>, vector<16xf32>,
      %add3A_2077 = arith.constant 84 : i32
      %add3A_2078 = arith.addi %add3A_2077, %scan3A_62 : i32
      %mul3A_2079 = arith.constant 368 : i32
      %mul3A_2080 = arith.muli %add3A_2078, %mul3A_2079 : i32
      %add3A_2081 = arith.constant 112 : i32
      %add3A_2082 = arith.addi %mul3A_2080, %add3A_2081 : i32
      %get3A_2083 = arith.index_cast %add3A_2082 : i32 to index
      %get3A_2084 = tpu.vector_load %arg8[%get3A_2083] {strides = array<i32>} : memref<35328xf32, #tpu.memory_space<vmem>>, vector<16xf32>,
      %mul3A_2085 = vector.broadcast %scan3A_24 : f32 to vector<16xf32>
      %mul3A_2086 = arith.mulf %get3A_2084, %mul3A_2085 : vector<16xf32>
      %swap3A_2087 = arith.index_cast %add3A_2082 : i32 to index
      %swap3A_2088 = tpu.vector_load %arg8[%swap3A_2087] {strides = array<i32>} : memref<35328xf32, #tpu.memory_space<vmem>>, vector<16xf32>,
      tpu.vector_store %arg8[%swap3A_2087], %mul3A_2086 {strides = array<i32>} : memref<35328xf32, #tpu.memory_space<vmem>>, vector<16xf32>,
      %add3A_2089 = arith.constant 84 : i32
      %add3A_2090 = arith.addi %add3A_2089, %scan3A_62 : i32
      %mul3A_2091 = arith.constant 368 : i32
      %mul3A_2092 = arith.muli %add3A_2090, %mul3A_2091 : i32
      %add3A_2093 = arith.constant 128 : i32
      %add3A_2094 = arith.addi %mul3A_2092, %add3A_2093 : i32
      %get3A_2095 = arith.index_cast %add3A_2094 : i32 to index
      %get3A_2096 = tpu.vector_load %arg8[%get3A_2095] {strides = array<i32>} : memref<35328xf32, #tpu.memory_space<vmem>>, vector<16xf32>,
      %mul3A_2097 = vector.broadcast %scan3A_24 : f32 to vector<16xf32>
      %mul3A_2098 = arith.mulf %get3A_2096, %mul3A_2097 : vector<16xf32>
      %swap3A_2099 = arith.index_cast %add3A_2094 : i32 to index
      %swap3A_2100 = tpu.vector_load %arg8[%swap3A_2099] {strides = array<i32>} : memref<35328xf32, #tpu.memory_space<vmem>>, vector<16xf32>,
      tpu.vector_store %arg8[%swap3A_2099], %mul3A_2098 {strides = array<i32>} : memref<35328xf32, #tpu.memory_space<vmem>>, vector<16xf32>,
      %add3A_2101 = arith.constant 84 : i32
      %add3A_2102 = arith.addi %add3A_2101, %scan3A_62 : i32
      %mul3A_2103 = arith.constant 368 : i32
      %mul3A_2104 = arith.muli %add3A_2102, %mul3A_2103 : i32
      %add3A_2105 = arith.constant 144 : i32
      %add3A_2106 = arith.addi %mul3A_2104, %add3A_2105 : i32
      %get3A_2107 = arith.index_cast %add3A_2106 : i32 to index
      %get3A_2108 = tpu.vector_load %arg8[%get3A_2107] {strides = array<i32>} : memref<35328xf32, #tpu.memory_space<vmem>>, vector<16xf32>,
      %mul3A_2109 = vector.broadcast %scan3A_24 : f32 to vector<16xf32>
      %mul3A_2110 = arith.mulf %get3A_2108, %mul3A_2109 : vector<16xf32>
      %swap3A_2111 = arith.index_cast %add3A_2106 : i32 to index
      %swap3A_2112 = tpu.vector_load %arg8[%swap3A_2111] {strides = array<i32>} : memref<35328xf32, #tpu.memory_space<vmem>>, vector<16xf32>,
      tpu.vector_store %arg8[%swap3A_2111], %mul3A_2110 {strides = array<i32>} : memref<35328xf32, #tpu.memory_space<vmem>>, vector<16xf32>,
      %add3A_2113 = arith.constant 84 : i32
      %add3A_2114 = arith.addi %add3A_2113, %scan3A_62 : i32
      %mul3A_2115 = arith.constant 368 : i32
      %mul3A_2116 = arith.muli %add3A_2114, %mul3A_2115 : i32
      %add3A_2117 = arith.constant 160 : i32
      %add3A_2118 = arith.addi %mul3A_2116, %add3A_2117 : i32
      %get3A_2119 = arith.index_cast %add3A_2118 : i32 to index
      %get3A_2120 = tpu.vector_load %arg8[%get3A_2119] {strides = array<i32>} : memref<35328xf32, #tpu.memory_space<vmem>>, vector<16xf32>,
      %mul3A_2121 = vector.broadcast %scan3A_24 : f32 to vector<16xf32>
      %mul3A_2122 = arith.mulf %get3A_2120, %mul3A_2121 : vector<16xf32>
      %swap3A_2123 = arith.index_cast %add3A_2118 : i32 to index
      %swap3A_2124 = tpu.vector_load %arg8[%swap3A_2123] {strides = array<i32>} : memref<35328xf32, #tpu.memory_space<vmem>>, vector<16xf32>,
      tpu.vector_store %arg8[%swap3A_2123], %mul3A_2122 {strides = array<i32>} : memref<35328xf32, #tpu.memory_space<vmem>>, vector<16xf32>,
      %add3A_2125 = arith.constant 84 : i32
      %add3A_2126 = arith.addi %add3A_2125, %scan3A_62 : i32
      %mul3A_2127 = arith.constant 368 : i32
      %mul3A_2128 = arith.muli %add3A_2126, %mul3A_2127 : i32
      %add3A_2129 = arith.constant 176 : i32
      %add3A_2130 = arith.addi %mul3A_2128, %add3A_2129 : i32
      %get3A_2131 = arith.index_cast %add3A_2130 : i32 to index
      %get3A_2132 = tpu.vector_load %arg8[%get3A_2131] {strides = array<i32>} : memref<35328xf32, #tpu.memory_space<vmem>>, vector<16xf32>,
      %mul3A_2133 = vector.broadcast %scan3A_24 : f32 to vector<16xf32>
      %mul3A_2134 = arith.mulf %get3A_2132, %mul3A_2133 : vector<16xf32>
      %swap3A_2135 = arith.index_cast %add3A_2130 : i32 to index
      %swap3A_2136 = tpu.vector_load %arg8[%swap3A_2135] {strides = array<i32>} : memref<35328xf32, #tpu.memory_space<vmem>>, vector<16xf32>,
      tpu.vector_store %arg8[%swap3A_2135], %mul3A_2134 {strides = array<i32>} : memref<35328xf32, #tpu.memory_space<vmem>>, vector<16xf32>,
      %add3A_2137 = arith.constant 84 : i32
      %add3A_2138 = arith.addi %add3A_2137, %scan3A_62 : i32
      %mul3A_2139 = arith.constant 368 : i32
      %mul3A_2140 = arith.muli %add3A_2138, %mul3A_2139 : i32
      %add3A_2141 = arith.constant 192 : i32
      %add3A_2142 = arith.addi %mul3A_2140, %add3A_2141 : i32
      %get3A_2143 = arith.index_cast %add3A_2142 : i32 to index
      %get3A_2144 = tpu.vector_load %arg8[%get3A_2143] {strides = array<i32>} : memref<35328xf32, #tpu.memory_space<vmem>>, vector<16xf32>,
      %mul3A_2145 = vector.broadcast %scan3A_24 : f32 to vector<16xf32>
      %mul3A_2146 = arith.mulf %get3A_2144, %mul3A_2145 : vector<16xf32>
      %swap3A_2147 = arith.index_cast %add3A_2142 : i32 to index
      %swap3A_2148 = tpu.vector_load %arg8[%swap3A_2147] {strides = array<i32>} : memref<35328xf32, #tpu.memory_space<vmem>>, vector<16xf32>,
      tpu.vector_store %arg8[%swap3A_2147], %mul3A_2146 {strides = array<i32>} : memref<35328xf32, #tpu.memory_space<vmem>>, vector<16xf32>,
      %add3A_2149 = arith.constant 84 : i32
      %add3A_2150 = arith.addi %add3A_2149, %scan3A_62 : i32
      %mul3A_2151 = arith.constant 368 : i32
      %mul3A_2152 = arith.muli %add3A_2150, %mul3A_2151 : i32
      %add3A_2153 = arith.constant 208 : i32
      %add3A_2154 = arith.addi %mul3A_2152, %add3A_2153 : i32
      %get3A_2155 = arith.index_cast %add3A_2154 : i32 to index
      %get3A_2156 = tpu.vector_load %arg8[%get3A_2155] {strides = array<i32>} : memref<35328xf32, #tpu.memory_space<vmem>>, vector<16xf32>,
      %mul3A_2157 = vector.broadcast %scan3A_24 : f32 to vector<16xf32>
      %mul3A_2158 = arith.mulf %get3A_2156, %mul3A_2157 : vector<16xf32>
      %swap3A_2159 = arith.index_cast %add3A_2154 : i32 to index
      %swap3A_2160 = tpu.vector_load %arg8[%swap3A_2159] {strides = array<i32>} : memref<35328xf32, #tpu.memory_space<vmem>>, vector<16xf32>,
      tpu.vector_store %arg8[%swap3A_2159], %mul3A_2158 {strides = array<i32>} : memref<35328xf32, #tpu.memory_space<vmem>>, vector<16xf32>,
      %add3A_2161 = arith.constant 84 : i32
      %add3A_2162 = arith.addi %add3A_2161, %scan3A_62 : i32
      %mul3A_2163 = arith.constant 368 : i32
      %mul3A_2164 = arith.muli %add3A_2162, %mul3A_2163 : i32
      %add3A_2165 = arith.constant 224 : i32
      %add3A_2166 = arith.addi %mul3A_2164, %add3A_2165 : i32
      %get3A_2167 = arith.index_cast %add3A_2166 : i32 to index
      %get3A_2168 = tpu.vector_load %arg8[%get3A_2167] {strides = array<i32>} : memref<35328xf32, #tpu.memory_space<vmem>>, vector<16xf32>,
      %mul3A_2169 = vector.broadcast %scan3A_24 : f32 to vector<16xf32>
      %mul3A_2170 = arith.mulf %get3A_2168, %mul3A_2169 : vector<16xf32>
      %swap3A_2171 = arith.index_cast %add3A_2166 : i32 to index
      %swap3A_2172 = tpu.vector_load %arg8[%swap3A_2171] {strides = array<i32>} : memref<35328xf32, #tpu.memory_space<vmem>>, vector<16xf32>,
      tpu.vector_store %arg8[%swap3A_2171], %mul3A_2170 {strides = array<i32>} : memref<35328xf32, #tpu.memory_space<vmem>>, vector<16xf32>,
      %add3A_2173 = arith.constant 84 : i32
      %add3A_2174 = arith.addi %add3A_2173, %scan3A_62 : i32
      %mul3A_2175 = arith.constant 368 : i32
      %mul3A_2176 = arith.muli %add3A_2174, %mul3A_2175 : i32
      %add3A_2177 = arith.constant 240 : i32
      %add3A_2178 = arith.addi %mul3A_2176, %add3A_2177 : i32
      %get3A_2179 = arith.index_cast %add3A_2178 : i32 to index
      %get3A_2180 = tpu.vector_load %arg8[%get3A_2179] {strides = array<i32>} : memref<35328xf32, #tpu.memory_space<vmem>>, vector<16xf32>,
      %mul3A_2181 = vector.broadcast %scan3A_24 : f32 to vector<16xf32>
      %mul3A_2182 = arith.mulf %get3A_2180, %mul3A_2181 : vector<16xf32>
      %swap3A_2183 = arith.index_cast %add3A_2178 : i32 to index
      %swap3A_2184 = tpu.vector_load %arg8[%swap3A_2183] {strides = array<i32>} : memref<35328xf32, #tpu.memory_space<vmem>>, vector<16xf32>,
      tpu.vector_store %arg8[%swap3A_2183], %mul3A_2182 {strides = array<i32>} : memref<35328xf32, #tpu.memory_space<vmem>>, vector<16xf32>,
      %add3A_2185 = arith.constant 84 : i32
      %add3A_2186 = arith.addi %add3A_2185, %scan3A_62 : i32
      %mul3A_2187 = arith.constant 368 : i32
      %mul3A_2188 = arith.muli %add3A_2186, %mul3A_2187 : i32
      %add3A_2189 = arith.constant 256 : i32
      %add3A_2190 = arith.addi %mul3A_2188, %add3A_2189 : i32
      %get3A_2191 = arith.index_cast %add3A_2190 : i32 to index
      %get3A_2192 = tpu.vector_load %arg8[%get3A_2191] {strides = array<i32>} : memref<35328xf32, #tpu.memory_space<vmem>>, vector<16xf32>,
      %mul3A_2193 = vector.broadcast %scan3A_24 : f32 to vector<16xf32>
      %mul3A_2194 = arith.mulf %get3A_2192, %mul3A_2193 : vector<16xf32>
      %swap3A_2195 = arith.index_cast %add3A_2190 : i32 to index
      %swap3A_2196 = tpu.vector_load %arg8[%swap3A_2195] {strides = array<i32>} : memref<35328xf32, #tpu.memory_space<vmem>>, vector<16xf32>,
      tpu.vector_store %arg8[%swap3A_2195], %mul3A_2194 {strides = array<i32>} : memref<35328xf32, #tpu.memory_space<vmem>>, vector<16xf32>,
      %add3A_2197 = arith.constant 84 : i32
      %add3A_2198 = arith.addi %add3A_2197, %scan3A_62 : i32
      %mul3A_2199 = arith.constant 368 : i32
      %mul3A_2200 = arith.muli %add3A_2198, %mul3A_2199 : i32
      %add3A_2201 = arith.constant 272 : i32
      %add3A_2202 = arith.addi %mul3A_2200, %add3A_2201 : i32
      %get3A_2203 = arith.index_cast %add3A_2202 : i32 to index
      %get3A_2204 = tpu.vector_load %arg8[%get3A_2203] {strides = array<i32>} : memref<35328xf32, #tpu.memory_space<vmem>>, vector<16xf32>,
      %mul3A_2205 = vector.broadcast %scan3A_24 : f32 to vector<16xf32>
      %mul3A_2206 = arith.mulf %get3A_2204, %mul3A_2205 : vector<16xf32>
      %swap3A_2207 = arith.index_cast %add3A_2202 : i32 to index
      %swap3A_2208 = tpu.vector_load %arg8[%swap3A_2207] {strides = array<i32>} : memref<35328xf32, #tpu.memory_space<vmem>>, vector<16xf32>,
      tpu.vector_store %arg8[%swap3A_2207], %mul3A_2206 {strides = array<i32>} : memref<35328xf32, #tpu.memory_space<vmem>>, vector<16xf32>,
      %add3A_2209 = arith.constant 84 : i32
      %add3A_2210 = arith.addi %add3A_2209, %scan3A_62 : i32
      %mul3A_2211 = arith.constant 368 : i32
      %mul3A_2212 = arith.muli %add3A_2210, %mul3A_2211 : i32
      %add3A_2213 = arith.constant 288 : i32
      %add3A_2214 = arith.addi %mul3A_2212, %add3A_2213 : i32
      %get3A_2215 = arith.index_cast %add3A_2214 : i32 to index
      %get3A_2216 = tpu.vector_load %arg8[%get3A_2215] {strides = array<i32>} : memref<35328xf32, #tpu.memory_space<vmem>>, vector<16xf32>,
      %mul3A_2217 = vector.broadcast %scan3A_24 : f32 to vector<16xf32>
      %mul3A_2218 = arith.mulf %get3A_2216, %mul3A_2217 : vector<16xf32>
      %swap3A_2219 = arith.index_cast %add3A_2214 : i32 to index
      %swap3A_2220 = tpu.vector_load %arg8[%swap3A_2219] {strides = array<i32>} : memref<35328xf32, #tpu.memory_space<vmem>>, vector<16xf32>,
      tpu.vector_store %arg8[%swap3A_2219], %mul3A_2218 {strides = array<i32>} : memref<35328xf32, #tpu.memory_space<vmem>>, vector<16xf32>,
      %add3A_2221 = arith.constant 84 : i32
      %add3A_2222 = arith.addi %add3A_2221, %scan3A_62 : i32
      %mul3A_2223 = arith.constant 368 : i32
      %mul3A_2224 = arith.muli %add3A_2222, %mul3A_2223 : i32
      %add3A_2225 = arith.constant 304 : i32
      %add3A_2226 = arith.addi %mul3A_2224, %add3A_2225 : i32
      %get3A_2227 = arith.index_cast %add3A_2226 : i32 to index
      %get3A_2228 = tpu.vector_load %arg8[%get3A_2227] {strides = array<i32>} : memref<35328xf32, #tpu.memory_space<vmem>>, vector<16xf32>,
      %mul3A_2229 = vector.broadcast %scan3A_24 : f32 to vector<16xf32>
      %mul3A_2230 = arith.mulf %get3A_2228, %mul3A_2229 : vector<16xf32>
      %swap3A_2231 = arith.index_cast %add3A_2226 : i32 to index
      %swap3A_2232 = tpu.vector_load %arg8[%swap3A_2231] {strides = array<i32>} : memref<35328xf32, #tpu.memory_space<vmem>>, vector<16xf32>,
      tpu.vector_store %arg8[%swap3A_2231], %mul3A_2230 {strides = array<i32>} : memref<35328xf32, #tpu.memory_space<vmem>>, vector<16xf32>,
      %add3A_2233 = arith.constant 84 : i32
      %add3A_2234 = arith.addi %add3A_2233, %scan3A_62 : i32
      %mul3A_2235 = arith.constant 368 : i32
      %mul3A_2236 = arith.muli %add3A_2234, %mul3A_2235 : i32
      %add3A_2237 = arith.constant 320 : i32
      %add3A_2238 = arith.addi %mul3A_2236, %add3A_2237 : i32
      %get3A_2239 = arith.index_cast %add3A_2238 : i32 to index
      %get3A_2240 = tpu.vector_load %arg8[%get3A_2239] {strides = array<i32>} : memref<35328xf32, #tpu.memory_space<vmem>>, vector<16xf32>,
      %mul3A_2241 = vector.broadcast %scan3A_24 : f32 to vector<16xf32>
      %mul3A_2242 = arith.mulf %get3A_2240, %mul3A_2241 : vector<16xf32>
      %swap3A_2243 = arith.index_cast %add3A_2238 : i32 to index
      %swap3A_2244 = tpu.vector_load %arg8[%swap3A_2243] {strides = array<i32>} : memref<35328xf32, #tpu.memory_space<vmem>>, vector<16xf32>,
      tpu.vector_store %arg8[%swap3A_2243], %mul3A_2242 {strides = array<i32>} : memref<35328xf32, #tpu.memory_space<vmem>>, vector<16xf32>,
      %add3A_2245 = arith.constant 84 : i32
      %add3A_2246 = arith.addi %add3A_2245, %scan3A_62 : i32
      %mul3A_2247 = arith.constant 368 : i32
      %mul3A_2248 = arith.muli %add3A_2246, %mul3A_2247 : i32
      %add3A_2249 = arith.constant 336 : i32
      %add3A_2250 = arith.addi %mul3A_2248, %add3A_2249 : i32
      %get3A_2251 = arith.index_cast %add3A_2250 : i32 to index
      %get3A_2252 = tpu.vector_load %arg8[%get3A_2251] {strides = array<i32>} : memref<35328xf32, #tpu.memory_space<vmem>>, vector<16xf32>,
      %mul3A_2253 = vector.broadcast %scan3A_24 : f32 to vector<16xf32>
      %mul3A_2254 = arith.mulf %get3A_2252, %mul3A_2253 : vector<16xf32>
      %swap3A_2255 = arith.index_cast %add3A_2250 : i32 to index
      %swap3A_2256 = tpu.vector_load %arg8[%swap3A_2255] {strides = array<i32>} : memref<35328xf32, #tpu.memory_space<vmem>>, vector<16xf32>,
      tpu.vector_store %arg8[%swap3A_2255], %mul3A_2254 {strides = array<i32>} : memref<35328xf32, #tpu.memory_space<vmem>>, vector<16xf32>,
      %add3A_2257 = arith.constant 84 : i32
      %add3A_2258 = arith.addi %add3A_2257, %scan3A_62 : i32
      %mul3A_2259 = arith.constant 368 : i32
      %mul3A_2260 = arith.muli %add3A_2258, %mul3A_2259 : i32
      %add3A_2261 = arith.constant 352 : i32
      %add3A_2262 = arith.addi %mul3A_2260, %add3A_2261 : i32
      %get3A_2263 = arith.index_cast %add3A_2262 : i32 to index
      %get3A_2264 = tpu.vector_load %arg8[%get3A_2263] {strides = array<i32>} : memref<35328xf32, #tpu.memory_space<vmem>>, vector<16xf32>,
      %mul3A_2265 = vector.broadcast %scan3A_24 : f32 to vector<16xf32>
      %mul3A_2266 = arith.mulf %get3A_2264, %mul3A_2265 : vector<16xf32>
      %swap3A_2267 = arith.index_cast %add3A_2262 : i32 to index
      %swap3A_2268 = tpu.vector_load %arg8[%swap3A_2267] {strides = array<i32>} : memref<35328xf32, #tpu.memory_space<vmem>>, vector<16xf32>,
      tpu.vector_store %arg8[%swap3A_2267], %mul3A_2266 {strides = array<i32>} : memref<35328xf32, #tpu.memory_space<vmem>>, vector<16xf32>,
    }
    %scan3A_29 = arith.constant 12 : i32
    %add3A_30 = arith.constant 0 : i32
    %add3A_31 = arith.addi %add3A_30, %min3A_3 : i32
    %mul3A_32 = arith.constant 368 : i32
    %mul3A_33 = arith.muli %add3A_31, %mul3A_32 : i32
    "tpu.region"() ({
      %run_scoped3A = tpu.sem_alloc : memref<!tpu.dma_semaphore, #tpu.memory_space<semaphore_mem>>
      %dma_start3A_62 = arith.constant 0 : i32
      %dma_start3A_63 = tpu.memref_slice %arg8[%dma_start3A_62] : memref<35328xf32, #tpu.memory_space<vmem>> -> memref<4416xf32, #tpu.memory_space<vmem>>
      %dma_start3A_64 = tpu.memref_slice %arg4[%mul3A_33] : memref<1065728xf32, #tpu.memory_space<hbm>> -> memref<4416xf32, #tpu.memory_space<hbm>>
      %dma_start3A_65 = tpu.memref_slice %arg4[%mul3A_33] : memref<1065728xf32, #tpu.memory_space<hbm>> -> memref<4416xf32, #tpu.memory_space<hbm>>
      %dma_start3A_66 = arith.constant 0 : i32
      %dma_start3A_67 = tpu.memref_slice %arg8[%dma_start3A_66] : memref<35328xf32, #tpu.memory_space<vmem>> -> memref<4416xf32, #tpu.memory_space<vmem>>
      tpu.enqueue_dma source(%dma_start3A_67 : memref<4416xf32, #tpu.memory_space<vmem>>) target(%dma_start3A_65 : memref<4416xf32, #tpu.memory_space<hbm>>) target_semaphore(%run_scoped3A : memref<!tpu.dma_semaphore, #tpu.memory_space<semaphore_mem>>)
      %dma_wait3A_68 = arith.constant 0 : i32
      %dma_wait3A_69 = tpu.memref_slice %arg8[%dma_wait3A_68] : memref<35328xf32, #tpu.memory_space<vmem>> -> memref<4416xf32, #tpu.memory_space<vmem>>
      %dma_wait3A_70 = tpu.memref_slice %arg4[%mul3A_33] : memref<1065728xf32, #tpu.memory_space<hbm>> -> memref<4416xf32, #tpu.memory_space<hbm>>
      %dma_wait3A_71 = tpu.memref_slice %arg4[%mul3A_33] : memref<1065728xf32, #tpu.memory_space<hbm>> -> memref<4416xf32, #tpu.memory_space<hbm>>
      %dma_wait3A_72 = arith.constant 0 : i32
      %dma_wait3A_73 = tpu.memref_slice %arg8[%dma_wait3A_72] : memref<35328xf32, #tpu.memory_space<vmem>> -> memref<4416xf32, #tpu.memory_space<vmem>>
      tpu.wait_dma2 semaphore(%run_scoped3A : memref<!tpu.dma_semaphore, #tpu.memory_space<semaphore_mem>>) src(%dma_wait3A_73 : memref<4416xf32, #tpu.memory_space<vmem>>) dst(%dma_wait3A_71 : memref<4416xf32, #tpu.memory_space<hbm>>)
      tpu.yield
    }) : () -> ()
    %add3A_34 = arith.constant 362 : i32
    %add3A_35 = arith.addi %add3A_34, %min3A_3 : i32
    %mul3A_36 = arith.constant 368 : i32
    %mul3A_37 = arith.muli %add3A_35, %mul3A_36 : i32
    "tpu.region"() ({
      %run_scoped3A = tpu.sem_alloc : memref<!tpu.dma_semaphore, #tpu.memory_space<semaphore_mem>>
      %dma_start3A_62 = arith.constant 4416 : i32
      %dma_start3A_63 = tpu.memref_slice %arg8[%dma_start3A_62] : memref<35328xf32, #tpu.memory_space<vmem>> -> memref<4416xf32, #tpu.memory_space<vmem>>
      %dma_start3A_64 = tpu.memref_slice %arg4[%mul3A_37] : memref<1065728xf32, #tpu.memory_space<hbm>> -> memref<4416xf32, #tpu.memory_space<hbm>>
      %dma_start3A_65 = tpu.memref_slice %arg4[%mul3A_37] : memref<1065728xf32, #tpu.memory_space<hbm>> -> memref<4416xf32, #tpu.memory_space<hbm>>
      %dma_start3A_66 = arith.constant 4416 : i32
      %dma_start3A_67 = tpu.memref_slice %arg8[%dma_start3A_66] : memref<35328xf32, #tpu.memory_space<vmem>> -> memref<4416xf32, #tpu.memory_space<vmem>>
      tpu.enqueue_dma source(%dma_start3A_67 : memref<4416xf32, #tpu.memory_space<vmem>>) target(%dma_start3A_65 : memref<4416xf32, #tpu.memory_space<hbm>>) target_semaphore(%run_scoped3A : memref<!tpu.dma_semaphore, #tpu.memory_space<semaphore_mem>>)
      %dma_wait3A_68 = arith.constant 4416 : i32
      %dma_wait3A_69 = tpu.memref_slice %arg8[%dma_wait3A_68] : memref<35328xf32, #tpu.memory_space<vmem>> -> memref<4416xf32, #tpu.memory_space<vmem>>
      %dma_wait3A_70 = tpu.memref_slice %arg4[%mul3A_37] : memref<1065728xf32, #tpu.memory_space<hbm>> -> memref<4416xf32, #tpu.memory_space<hbm>>
      %dma_wait3A_71 = tpu.memref_slice %arg4[%mul3A_37] : memref<1065728xf32, #tpu.memory_space<hbm>> -> memref<4416xf32, #tpu.memory_space<hbm>>
      %dma_wait3A_72 = arith.constant 4416 : i32
      %dma_wait3A_73 = tpu.memref_slice %arg8[%dma_wait3A_72] : memref<35328xf32, #tpu.memory_space<vmem>> -> memref<4416xf32, #tpu.memory_space<vmem>>
      tpu.wait_dma2 semaphore(%run_scoped3A : memref<!tpu.dma_semaphore, #tpu.memory_space<semaphore_mem>>) src(%dma_wait3A_73 : memref<4416xf32, #tpu.memory_space<vmem>>) dst(%dma_wait3A_71 : memref<4416xf32, #tpu.memory_space<hbm>>)
      tpu.yield
    }) : () -> ()
    %add3A_38 = arith.constant 724 : i32
    %add3A_39 = arith.addi %add3A_38, %min3A_3 : i32
    %mul3A_40 = arith.constant 368 : i32
    %mul3A_41 = arith.muli %add3A_39, %mul3A_40 : i32
    "tpu.region"() ({
      %run_scoped3A = tpu.sem_alloc : memref<!tpu.dma_semaphore, #tpu.memory_space<semaphore_mem>>
      %dma_start3A_62 = arith.constant 8832 : i32
      %dma_start3A_63 = tpu.memref_slice %arg8[%dma_start3A_62] : memref<35328xf32, #tpu.memory_space<vmem>> -> memref<4416xf32, #tpu.memory_space<vmem>>
      %dma_start3A_64 = tpu.memref_slice %arg4[%mul3A_41] : memref<1065728xf32, #tpu.memory_space<hbm>> -> memref<4416xf32, #tpu.memory_space<hbm>>
      %dma_start3A_65 = tpu.memref_slice %arg4[%mul3A_41] : memref<1065728xf32, #tpu.memory_space<hbm>> -> memref<4416xf32, #tpu.memory_space<hbm>>
      %dma_start3A_66 = arith.constant 8832 : i32
      %dma_start3A_67 = tpu.memref_slice %arg8[%dma_start3A_66] : memref<35328xf32, #tpu.memory_space<vmem>> -> memref<4416xf32, #tpu.memory_space<vmem>>
      tpu.enqueue_dma source(%dma_start3A_67 : memref<4416xf32, #tpu.memory_space<vmem>>) target(%dma_start3A_65 : memref<4416xf32, #tpu.memory_space<hbm>>) target_semaphore(%run_scoped3A : memref<!tpu.dma_semaphore, #tpu.memory_space<semaphore_mem>>)
      %dma_wait3A_68 = arith.constant 8832 : i32
      %dma_wait3A_69 = tpu.memref_slice %arg8[%dma_wait3A_68] : memref<35328xf32, #tpu.memory_space<vmem>> -> memref<4416xf32, #tpu.memory_space<vmem>>
      %dma_wait3A_70 = tpu.memref_slice %arg4[%mul3A_41] : memref<1065728xf32, #tpu.memory_space<hbm>> -> memref<4416xf32, #tpu.memory_space<hbm>>
      %dma_wait3A_71 = tpu.memref_slice %arg4[%mul3A_41] : memref<1065728xf32, #tpu.memory_space<hbm>> -> memref<4416xf32, #tpu.memory_space<hbm>>
      %dma_wait3A_72 = arith.constant 8832 : i32
      %dma_wait3A_73 = tpu.memref_slice %arg8[%dma_wait3A_72] : memref<35328xf32, #tpu.memory_space<vmem>> -> memref<4416xf32, #tpu.memory_space<vmem>>
      tpu.wait_dma2 semaphore(%run_scoped3A : memref<!tpu.dma_semaphore, #tpu.memory_space<semaphore_mem>>) src(%dma_wait3A_73 : memref<4416xf32, #tpu.memory_space<vmem>>) dst(%dma_wait3A_71 : memref<4416xf32, #tpu.memory_space<hbm>>)
      tpu.yield
    }) : () -> ()
    %add3A_42 = arith.constant 1086 : i32
    %add3A_43 = arith.addi %add3A_42, %min3A_3 : i32
    %mul3A_44 = arith.constant 368 : i32
    %mul3A_45 = arith.muli %add3A_43, %mul3A_44 : i32
    "tpu.region"() ({
      %run_scoped3A = tpu.sem_alloc : memref<!tpu.dma_semaphore, #tpu.memory_space<semaphore_mem>>
      %dma_start3A_62 = arith.constant 13248 : i32
      %dma_start3A_63 = tpu.memref_slice %arg8[%dma_start3A_62] : memref<35328xf32, #tpu.memory_space<vmem>> -> memref<4416xf32, #tpu.memory_space<vmem>>
      %dma_start3A_64 = tpu.memref_slice %arg4[%mul3A_45] : memref<1065728xf32, #tpu.memory_space<hbm>> -> memref<4416xf32, #tpu.memory_space<hbm>>
      %dma_start3A_65 = tpu.memref_slice %arg4[%mul3A_45] : memref<1065728xf32, #tpu.memory_space<hbm>> -> memref<4416xf32, #tpu.memory_space<hbm>>
      %dma_start3A_66 = arith.constant 13248 : i32
      %dma_start3A_67 = tpu.memref_slice %arg8[%dma_start3A_66] : memref<35328xf32, #tpu.memory_space<vmem>> -> memref<4416xf32, #tpu.memory_space<vmem>>
      tpu.enqueue_dma source(%dma_start3A_67 : memref<4416xf32, #tpu.memory_space<vmem>>) target(%dma_start3A_65 : memref<4416xf32, #tpu.memory_space<hbm>>) target_semaphore(%run_scoped3A : memref<!tpu.dma_semaphore, #tpu.memory_space<semaphore_mem>>)
      %dma_wait3A_68 = arith.constant 13248 : i32
      %dma_wait3A_69 = tpu.memref_slice %arg8[%dma_wait3A_68] : memref<35328xf32, #tpu.memory_space<vmem>> -> memref<4416xf32, #tpu.memory_space<vmem>>
      %dma_wait3A_70 = tpu.memref_slice %arg4[%mul3A_45] : memref<1065728xf32, #tpu.memory_space<hbm>> -> memref<4416xf32, #tpu.memory_space<hbm>>
      %dma_wait3A_71 = tpu.memref_slice %arg4[%mul3A_45] : memref<1065728xf32, #tpu.memory_space<hbm>> -> memref<4416xf32, #tpu.memory_space<hbm>>
      %dma_wait3A_72 = arith.constant 13248 : i32
      %dma_wait3A_73 = tpu.memref_slice %arg8[%dma_wait3A_72] : memref<35328xf32, #tpu.memory_space<vmem>> -> memref<4416xf32, #tpu.memory_space<vmem>>
      tpu.wait_dma2 semaphore(%run_scoped3A : memref<!tpu.dma_semaphore, #tpu.memory_space<semaphore_mem>>) src(%dma_wait3A_73 : memref<4416xf32, #tpu.memory_space<vmem>>) dst(%dma_wait3A_71 : memref<4416xf32, #tpu.memory_space<hbm>>)
      tpu.yield
    }) : () -> ()
    %add3A_46 = arith.constant 1448 : i32
    %add3A_47 = arith.addi %add3A_46, %min3A_3 : i32
    %mul3A_48 = arith.constant 368 : i32
    %mul3A_49 = arith.muli %add3A_47, %mul3A_48 : i32
    "tpu.region"() ({
      %run_scoped3A = tpu.sem_alloc : memref<!tpu.dma_semaphore, #tpu.memory_space<semaphore_mem>>
      %dma_start3A_62 = arith.constant 17664 : i32
      %dma_start3A_63 = tpu.memref_slice %arg8[%dma_start3A_62] : memref<35328xf32, #tpu.memory_space<vmem>> -> memref<4416xf32, #tpu.memory_space<vmem>>
      %dma_start3A_64 = tpu.memref_slice %arg4[%mul3A_49] : memref<1065728xf32, #tpu.memory_space<hbm>> -> memref<4416xf32, #tpu.memory_space<hbm>>
      %dma_start3A_65 = tpu.memref_slice %arg4[%mul3A_49] : memref<1065728xf32, #tpu.memory_space<hbm>> -> memref<4416xf32, #tpu.memory_space<hbm>>
      %dma_start3A_66 = arith.constant 17664 : i32
      %dma_start3A_67 = tpu.memref_slice %arg8[%dma_start3A_66] : memref<35328xf32, #tpu.memory_space<vmem>> -> memref<4416xf32, #tpu.memory_space<vmem>>
      tpu.enqueue_dma source(%dma_start3A_67 : memref<4416xf32, #tpu.memory_space<vmem>>) target(%dma_start3A_65 : memref<4416xf32, #tpu.memory_space<hbm>>) target_semaphore(%run_scoped3A : memref<!tpu.dma_semaphore, #tpu.memory_space<semaphore_mem>>)
      %dma_wait3A_68 = arith.constant 17664 : i32
      %dma_wait3A_69 = tpu.memref_slice %arg8[%dma_wait3A_68] : memref<35328xf32, #tpu.memory_space<vmem>> -> memref<4416xf32, #tpu.memory_space<vmem>>
      %dma_wait3A_70 = tpu.memref_slice %arg4[%mul3A_49] : memref<1065728xf32, #tpu.memory_space<hbm>> -> memref<4416xf32, #tpu.memory_space<hbm>>
      %dma_wait3A_71 = tpu.memref_slice %arg4[%mul3A_49] : memref<1065728xf32, #tpu.memory_space<hbm>> -> memref<4416xf32, #tpu.memory_space<hbm>>
      %dma_wait3A_72 = arith.constant 17664 : i32
      %dma_wait3A_73 = tpu.memref_slice %arg8[%dma_wait3A_72] : memref<35328xf32, #tpu.memory_space<vmem>> -> memref<4416xf32, #tpu.memory_space<vmem>>
      tpu.wait_dma2 semaphore(%run_scoped3A : memref<!tpu.dma_semaphore, #tpu.memory_space<semaphore_mem>>) src(%dma_wait3A_73 : memref<4416xf32, #tpu.memory_space<vmem>>) dst(%dma_wait3A_71 : memref<4416xf32, #tpu.memory_space<hbm>>)
      tpu.yield
    }) : () -> ()
    %add3A_50 = arith.constant 1810 : i32
    %add3A_51 = arith.addi %add3A_50, %min3A_3 : i32
    %mul3A_52 = arith.constant 368 : i32
    %mul3A_53 = arith.muli %add3A_51, %mul3A_52 : i32
    "tpu.region"() ({
      %run_scoped3A = tpu.sem_alloc : memref<!tpu.dma_semaphore, #tpu.memory_space<semaphore_mem>>
      %dma_start3A_62 = arith.constant 22080 : i32
      %dma_start3A_63 = tpu.memref_slice %arg8[%dma_start3A_62] : memref<35328xf32, #tpu.memory_space<vmem>> -> memref<4416xf32, #tpu.memory_space<vmem>>
      %dma_start3A_64 = tpu.memref_slice %arg4[%mul3A_53] : memref<1065728xf32, #tpu.memory_space<hbm>> -> memref<4416xf32, #tpu.memory_space<hbm>>
      %dma_start3A_65 = tpu.memref_slice %arg4[%mul3A_53] : memref<1065728xf32, #tpu.memory_space<hbm>> -> memref<4416xf32, #tpu.memory_space<hbm>>
      %dma_start3A_66 = arith.constant 22080 : i32
      %dma_start3A_67 = tpu.memref_slice %arg8[%dma_start3A_66] : memref<35328xf32, #tpu.memory_space<vmem>> -> memref<4416xf32, #tpu.memory_space<vmem>>
      tpu.enqueue_dma source(%dma_start3A_67 : memref<4416xf32, #tpu.memory_space<vmem>>) target(%dma_start3A_65 : memref<4416xf32, #tpu.memory_space<hbm>>) target_semaphore(%run_scoped3A : memref<!tpu.dma_semaphore, #tpu.memory_space<semaphore_mem>>)
      %dma_wait3A_68 = arith.constant 22080 : i32
      %dma_wait3A_69 = tpu.memref_slice %arg8[%dma_wait3A_68] : memref<35328xf32, #tpu.memory_space<vmem>> -> memref<4416xf32, #tpu.memory_space<vmem>>
      %dma_wait3A_70 = tpu.memref_slice %arg4[%mul3A_53] : memref<1065728xf32, #tpu.memory_space<hbm>> -> memref<4416xf32, #tpu.memory_space<hbm>>
      %dma_wait3A_71 = tpu.memref_slice %arg4[%mul3A_53] : memref<1065728xf32, #tpu.memory_space<hbm>> -> memref<4416xf32, #tpu.memory_space<hbm>>
      %dma_wait3A_72 = arith.constant 22080 : i32
      %dma_wait3A_73 = tpu.memref_slice %arg8[%dma_wait3A_72] : memref<35328xf32, #tpu.memory_space<vmem>> -> memref<4416xf32, #tpu.memory_space<vmem>>
      tpu.wait_dma2 semaphore(%run_scoped3A : memref<!tpu.dma_semaphore, #tpu.memory_space<semaphore_mem>>) src(%dma_wait3A_73 : memref<4416xf32, #tpu.memory_space<vmem>>) dst(%dma_wait3A_71 : memref<4416xf32, #tpu.memory_space<hbm>>)
      tpu.yield
    }) : () -> ()
    %add3A_54 = arith.constant 2172 : i32
    %add3A_55 = arith.addi %add3A_54, %min3A_3 : i32
    %mul3A_56 = arith.constant 368 : i32
    %mul3A_57 = arith.muli %add3A_55, %mul3A_56 : i32
    "tpu.region"() ({
      %run_scoped3A = tpu.sem_alloc : memref<!tpu.dma_semaphore, #tpu.memory_space<semaphore_mem>>
      %dma_start3A_62 = arith.constant 26496 : i32
      %dma_start3A_63 = tpu.memref_slice %arg8[%dma_start3A_62] : memref<35328xf32, #tpu.memory_space<vmem>> -> memref<4416xf32, #tpu.memory_space<vmem>>
      %dma_start3A_64 = tpu.memref_slice %arg4[%mul3A_57] : memref<1065728xf32, #tpu.memory_space<hbm>> -> memref<4416xf32, #tpu.memory_space<hbm>>
      %dma_start3A_65 = tpu.memref_slice %arg4[%mul3A_57] : memref<1065728xf32, #tpu.memory_space<hbm>> -> memref<4416xf32, #tpu.memory_space<hbm>>
      %dma_start3A_66 = arith.constant 26496 : i32
      %dma_start3A_67 = tpu.memref_slice %arg8[%dma_start3A_66] : memref<35328xf32, #tpu.memory_space<vmem>> -> memref<4416xf32, #tpu.memory_space<vmem>>
      tpu.enqueue_dma source(%dma_start3A_67 : memref<4416xf32, #tpu.memory_space<vmem>>) target(%dma_start3A_65 : memref<4416xf32, #tpu.memory_space<hbm>>) target_semaphore(%run_scoped3A : memref<!tpu.dma_semaphore, #tpu.memory_space<semaphore_mem>>)
      %dma_wait3A_68 = arith.constant 26496 : i32
      %dma_wait3A_69 = tpu.memref_slice %arg8[%dma_wait3A_68] : memref<35328xf32, #tpu.memory_space<vmem>> -> memref<4416xf32, #tpu.memory_space<vmem>>
      %dma_wait3A_70 = tpu.memref_slice %arg4[%mul3A_57] : memref<1065728xf32, #tpu.memory_space<hbm>> -> memref<4416xf32, #tpu.memory_space<hbm>>
      %dma_wait3A_71 = tpu.memref_slice %arg4[%mul3A_57] : memref<1065728xf32, #tpu.memory_space<hbm>> -> memref<4416xf32, #tpu.memory_space<hbm>>
      %dma_wait3A_72 = arith.constant 26496 : i32
      %dma_wait3A_73 = tpu.memref_slice %arg8[%dma_wait3A_72] : memref<35328xf32, #tpu.memory_space<vmem>> -> memref<4416xf32, #tpu.memory_space<vmem>>
      tpu.wait_dma2 semaphore(%run_scoped3A : memref<!tpu.dma_semaphore, #tpu.memory_space<semaphore_mem>>) src(%dma_wait3A_73 : memref<4416xf32, #tpu.memory_space<vmem>>) dst(%dma_wait3A_71 : memref<4416xf32, #tpu.memory_space<hbm>>)
      tpu.yield
    }) : () -> ()
    %add3A_58 = arith.constant 2534 : i32
    %add3A_59 = arith.addi %add3A_58, %min3A_3 : i32
    %mul3A_60 = arith.constant 368 : i32
    %mul3A_61 = arith.muli %add3A_59, %mul3A_60 : i32
    "tpu.region"() ({
      %run_scoped3A = tpu.sem_alloc : memref<!tpu.dma_semaphore, #tpu.memory_space<semaphore_mem>>
      %dma_start3A_62 = arith.constant 30912 : i32
      %dma_start3A_63 = tpu.memref_slice %arg8[%dma_start3A_62] : memref<35328xf32, #tpu.memory_space<vmem>> -> memref<4416xf32, #tpu.memory_space<vmem>>
      %dma_start3A_64 = tpu.memref_slice %arg4[%mul3A_61] : memref<1065728xf32, #tpu.memory_space<hbm>> -> memref<4416xf32, #tpu.memory_space<hbm>>
      %dma_start3A_65 = tpu.memref_slice %arg4[%mul3A_61] : memref<1065728xf32, #tpu.memory_space<hbm>> -> memref<4416xf32, #tpu.memory_space<hbm>>
      %dma_start3A_66 = arith.constant 30912 : i32
      %dma_start3A_67 = tpu.memref_slice %arg8[%dma_start3A_66] : memref<35328xf32, #tpu.memory_space<vmem>> -> memref<4416xf32, #tpu.memory_space<vmem>>
      tpu.enqueue_dma source(%dma_start3A_67 : memref<4416xf32, #tpu.memory_space<vmem>>) target(%dma_start3A_65 : memref<4416xf32, #tpu.memory_space<hbm>>) target_semaphore(%run_scoped3A : memref<!tpu.dma_semaphore, #tpu.memory_space<semaphore_mem>>)
      %dma_wait3A_68 = arith.constant 30912 : i32
      %dma_wait3A_69 = tpu.memref_slice %arg8[%dma_wait3A_68] : memref<35328xf32, #tpu.memory_space<vmem>> -> memref<4416xf32, #tpu.memory_space<vmem>>
      %dma_wait3A_70 = tpu.memref_slice %arg4[%mul3A_61] : memref<1065728xf32, #tpu.memory_space<hbm>> -> memref<4416xf32, #tpu.memory_space<hbm>>
      %dma_wait3A_71 = tpu.memref_slice %arg4[%mul3A_61] : memref<1065728xf32, #tpu.memory_space<hbm>> -> memref<4416xf32, #tpu.memory_space<hbm>>
      %dma_wait3A_72 = arith.constant 30912 : i32
      %dma_wait3A_73 = tpu.memref_slice %arg8[%dma_wait3A_72] : memref<35328xf32, #tpu.memory_space<vmem>> -> memref<4416xf32, #tpu.memory_space<vmem>>
      tpu.wait_dma2 semaphore(%run_scoped3A : memref<!tpu.dma_semaphore, #tpu.memory_space<semaphore_mem>>) src(%dma_wait3A_73 : memref<4416xf32, #tpu.memory_space<vmem>>) dst(%dma_wait3A_71 : memref<4416xf32, #tpu.memory_space<hbm>>)
      tpu.yield
    }) : () -> ()
    return
  }
}

</mosaic_0001>

<sc_bundles>
// kernel: kernel.3.cloned.1.call-start
scs
__scs_entry_jumppad:
0x0: {  	(pc) =	sbr.rel $0x88, $3  }
0x1: {  	(tag) =	ssettag $0x0;
	lr =	simm.s32 $0x1  }
0x2: {  	[smem:$0x3FA0] =	sst lr;
	_ =	strace $0xD0000000  }
0x3: {  	_ = 	snop  }
0x4: {  	_ = 	snop  }
0x5: {  	_ = 	snop  }
0x6: {  	_ = 	snop  }
0x7: {  	_ = 	snop  }
__scs_overlays_trampoline_lowered:
0x8: {  	[smem:$0x3FAF] =	sst s0  }
0x9: {  	[smem:$0x3FB0] =	sst s1  }
0xa: {  	[smem:$0x3FB1] =	sst s2  }
0xb: {  	[smem:$0x3FB2] =	sst s3  }
0xc: {  	[smem:$0x3FB3] =	sst s4  }
0xd: {  	[smem:$0x3FB4] =	sst s5  }
0xe: {  	[smem:$0x3FB5] =	sst s6  }
0xf: {  	[smem:$0x3FB6] =	sst s7  }
0x10: {  	[smem:$0x3FB7] =	sst s8  }
0x11: {  	[smem:$0x3FB8] =	sst s9;
	s0 =	simm.s32 @!p0 $0x0  }
0x12: {  	s1 =	sld [smem:$0x3F9E];
	s0 =	simm.s32 @p0 $0x1  }
0x13: {  	[smem:$0x3FB9] =	sst s0;
	s0 =	simm.s32 @!p1 $0x0  }
0x14: {  	s2 =	sld [smem:$0x3F9D];
	s0 =	simm.s32 @p1 $0x1  }
0x15: {  	[smem:$0x3FBA] =	sst s0;
	s0 =	simm.s32 @!p2 $0x0  }
0x16: {  	s3 =	sld [smem:$0x3FDB];
	s0 =	simm.s32 @p2 $0x1  }
0x17: {  	s4 =	simm.s32 $0x1BF5;
	[smem:$0x3FBC] =	sst s0  }
0x18: {  	s0 =	sld [smem:$0x3F9F];
	_ =	swait.ge [sflag:s4], $0x0  }
0x19: {  	s7 =	sld [smem:$0x3FA0]  }
0x1a: {  	s8 =	sadd.s32 $0xFFFFE003, lr  }
0x1b: {  	s9 =	sadd.s32 $0xFFFFFEF7, lr;
	s5 =	simm.s32 $0xFFFFFFFF;
	p2 =	slt.u32 s8, $0xFFFFF086  }
0x1c: {  	p1 =	slt.u32 s9, $0xF7A;
	s5 =	simm.s32 @!p2 $0x0  }
0x1d: {  	s5 =	simm.s32 @p1 $0x1;
	p0 =	seq.s32 s7, s2  }
0x1e: {  	s7 =	smul.u32 @!p0 $0xF7A, s2;
	p2 =	seq.s32 @!p0 s5, $0x0  }
0x1f: {  	s9 =	smul.u32 $0xF7A, s1;
	s8 =	simm.s32 @!p0 $0x1BF5;
	p2 =	por !p2, p0  }
0x20: {  	[sflag:s8] =	ssyncset.s32 @!p0 $0xFFFFF086;
	s6 =	sadd.s32 @!p0 s3, s7;
	s7 =	simm.s32 @!p0 $0x108  }
0x21: {  	s3 =	sadd.s32 s3, s9;
	s6 =	sadd.s32 @!p0 $0x88, s6;
	s7 =	simm.s32 @p2 $0x1082  }
0x22: {  	[simem:s7], [sflag:s8] =	dma.local @!p0 [hbm:s6], $0xF7A  }
0x23: {  	s9 =	sor.u32 $0xD0000000, s2;
	s6 =	simm.s32 $0x108;
	_ =	swait.ge @!p0 [sflag:s8], $0x0  }
0x24: {  	s3 =	sadd.s32 $0x88, s3;
	s6 =	simm.s32 @!p1 $0x1082;
	[sflag:s4] =	ssyncset.s32 $0xFFFFF086  }
0x25: {  	[simem:s6], [sflag:s4] =	dma.local [hbm:s3], $0xF7A  }
0x26: {  	[smem:$0x3FA0] =	sst s1;
	(tag) =	ssettag s2;
	_ =	strace s9  }
0x27: {  	s1 =	sld [smem:$0x3FB0]  }
0x28: {  	s2 =	sld [smem:$0x3FB1]  }
0x29: {  	s4 =	sld [smem:$0x3FB3]  }
0x2a: {  	p0 =	seq.s32 s5, $0x0;
	s5 =	sld [smem:$0x3FB4]  }
0x2b: {  	s6 =	sld [smem:$0x3FB5]  }
0x2c: {  	s7 =	sld [smem:$0x3FB6]  }
0x2d: {  	s3 =	simm.s32 $0x108;
	s8 =	sld [smem:$0x3FB7]  }
0x2e: {  	s3 =	simm.s32 @!p0 $0x1082;
	s9 =	sld [smem:$0x3FB8]  }
0x2f: {  	lr =	sadd.s32 s0, s3;
	s0 =	sld [smem:$0x3FAF]  }
0x30: {  	s3 =	sld [smem:$0x3FB2]  }
0x31: {  	[smem:$0x3FBB] =	sst s10  }
0x32: {  	s10 =	sld [smem:$0x3FB9];
	_ =	sdelay $0x3  }
0x33: {  	p0 =	seq.s32 s10, $0x1;
	s10 =	sld [smem:$0x3FBB];
	_ =	sdelay $0x3  }
0x34: {  	[smem:$0x3FBB] =	sst s10  }
0x35: {  	s10 =	sld [smem:$0x3FBA];
	_ =	sdelay $0x3  }
0x36: {  	p1 =	seq.s32 s10, $0x1;
	s10 =	sld [smem:$0x3FBB];
	_ =	sdelay $0x3  }
0x37: {  	[smem:$0x3FBB] =	sst s10  }
0x38: {  	s10 =	sld [smem:$0x3FBC]  }
0x39: {  	_ = 	snop;
	(pc) =	sbr.ind lr, $3  }
0x3a: {  	_ = 	snop  }
0x3b: {  	_ = 	snop  }
0x3c: {  	p2 =	seq.s32 s10, $0x1;
	s10 =	sld [smem:$0x3FBB]  }
0x3d: {  	_ =	shalt  }
0x3e: {  	_ =	shalt  }
0x3f: {  	_ =	shalt  }
0x40: {  	_ =	shalt  }
0x41: {  	_ =	shalt  }
0x42: {  	_ =	shalt  }
0x43: {  	_ =	shalt  }
0x44: {  	_ =	shalt  }
0x45: {  	_ =	shalt  }
0x46: {  	_ =	shalt  }
0x47: {  	_ =	shalt  }
0x48: {  	_ =	shalt  }
0x49: {  	_ =	shalt  }
0x4a: {  	_ =	shalt  }
0x4b: {  	_ =	shalt  }
0x4c: {  	_ =	shalt  }
0x4d: {  	_ =	shalt  }
0x4e: {  	_ =	shalt  }
0x4f: {  	_ =	shalt  }
0x50: {  	_ =	shalt  }
0x51: {  	_ =	shalt  }
0x52: {  	_ =	shalt  }
0x53: {  	_ =	shalt  }
0x54: {  	_ =	shalt  }
0x55: {  	_ =	shalt  }
0x56: {  	_ =	shalt  }
0x57: {  	_ =	shalt  }
0x58: {  	_ =	shalt  }
0x59: {  	_ =	shalt  }
0x5a: {  	_ =	shalt  }
0x5b: {  	_ =	shalt  }
0x5c: {  	_ =	shalt  }
0x5d: {  	_ =	shalt  }
0x5e: {  	_ =	shalt  }
0x5f: {  	_ =	shalt  }
0x60: {  	_ =	shalt  }
0x61: {  	_ =	shalt  }
0x62: {  	_ =	shalt  }
0x63: {  	_ =	shalt  }
0x64: {  	_ =	shalt  }
0x65: {  	_ =	shalt  }
0x66: {  	_ =	shalt  }
0x67: {  	_ =	shalt  }
0x68: {  	_ =	shalt  }
0x69: {  	_ =	shalt  }
0x6a: {  	_ =	shalt  }
0x6b: {  	_ =	shalt  }
0x6c: {  	_ =	shalt  }
0x6d: {  	_ =	shalt  }
0x6e: {  	_ =	shalt  }
0x6f: {  	_ =	shalt  }
0x70: {  	_ =	shalt  }
0x71: {  	_ =	shalt  }
0x72: {  	_ =	shalt  }
0x73: {  	_ =	shalt  }
0x74: {  	_ =	shalt  }
0x75: {  	_ =	shalt  }
0x76: {  	_ =	shalt  }
0x77: {  	_ =	shalt  }
0x78: {  	_ =	shalt  }
0x79: {  	_ =	shalt  }
0x7a: {  	_ =	shalt  }
0x7b: {  	_ =	shalt  }
0x7c: {  	_ =	shalt  }
0x7d: {  	_ =	shalt  }
0x7e: {  	_ =	shalt  }
0x7f: {  	_ =	shalt  }
0x80: {  	_ =	shalt  }
0x81: {  	_ =	shalt  }
0x82: {  	_ =	shalt  }
0x83: {  	_ =	shalt  }
0x84: {  	_ =	shalt  }
0x85: {  	_ =	shalt  }
0x86: {  	_ =	shalt  }
0x87: {  	_ =	shalt  }
.Lfunc_end0:
.L_simem_size_0:
called_computation_lowered:
.L_overlay_start_0:
0x88: {  	s2 =	sld [smem:$0x3FD9]  }
0x89: {  	s3 =	sld [smem:$0x3FFE];
	_ =	sdelay $0x1  }
0x8a: {  	s1 =	srdreg.scid  }
0x8b: {  	s0 =	sand.u32 $0x1, s1  }
0x8c: {  	s17 =	sshll.u32 s0, $0xA;
	s2 =	sadd.s32 s3, s2  }
0x8d: {  	s2 =	sadd.s32 s2, s17  }
0x8e: {  	[smem:$0x3FC7] =	sst s2  }
0x8f: {  	_ = 	snop  }
0x90: {  	s2 =	sld [smem:$0x3FD0];
	(tm) =	ssettm $0x1  }
0x91: {  	s18 =	sld [smem:$0x3FFB];
	_ =	sdelay $0x3  }
0x92: {  	_ =	strace s18  }
0x93: {  	s3 =	sld [smem:$0x3FFC];
	_ =	sdelay $0x3  }
0x94: {  	_ =	strace s3  }
0x95: {  	s3 =	sld [smem:$0x3FFD];
	_ =	sdelay $0x3  }
0x96: {  	_ =	strace s3  }
0x97: {  	_ =	strace $0x8FFFFFFF  }
0x98: {  	s19 =	sld [smem:$0x3FDB];
	_ =	sdelay $0x1  }
0x99: {  	s4 =	simm.s32 $_scs_section_size  }
0x9a: {  	s5 =	simm.s32 $_size__tile_overlayer_lowered;
	s6 =	simm.s32 $_tile_overlayer_lowered  }
0x9b: {  	s22 =	simm.s32 $0x1BFF;
	s21 =	sshll.u32 s6, $0x1;
	s3 =	sadd.s32 s4, s19  }
0x9c: {  	s7 =	simm.s32 $0x0;
	s20 =	sshll.u32 s5, $0x1;
	s5 =	sadd.s32 s21, s3  }
0x9d: {  	[timem:s7], [sflag:s22] =	dma.local [hbm:s5], s20  }
0x9e: {  	_ =	swait.ge [sflag:s22], s20  }
0x9f: {  	s4 =	ssub.s32 $0x0, s20;
	[sflag:s22] =	ssyncset.done $0x0  }
0xa0: {  	[sflag:s22] =	ssyncadd.s32 s4;
	_ =	sdelay $0x1  }
0xa1: {  	s23 =	simm.s32 $0x1B8B  }
0xa2: {  	_ =	swait.ge [sflag:s23], $0x1  }
0xa3: {  	[sflag:s23] =	ssyncset.done $0x0  }
0xa4: {  	s25 =	simm.s32 $0x1B8E;
	s24 =	sld [smem:$0x3FFE];
	[sflag:s23] =	ssyncadd.s32 $0xFFFFFFFF  }
0xa5: {  	s26 =	simm.s32 $execute0_lowered;
	[smem:$0x3FD2] =	sst s25  }
0xa6: {  	s5 =	sshll.u32 s26, $0x1;
	_ =	strace $0x80000046;
	[dreg:$0x1] =	wrdreg $0xFFFFFFFF  }
0xa7: {  	s28 =	simm.s32 $_size_execute0_lowered;
	s3 =	sadd.s32 s3, s5;
	[dreg:$0x0] =	wrdreg $0x0  }
0xa8: {  	s5 =	sshll.u32 s28, $0x1;
	[dreg:$0x2] =	wrdreg s3  }
0xa9: {  	[dreg:$0x3] =	wrdreg s5  }
0xaa: {  	[dreg:$0x4] =	wrdreg $0xC0  }
0xab: {  	_ =	task [dreg:s7], $0x5FFFF  }
0xac: {  	[dreg:$0x1] =	wrdreg $0xFFFFFFFF  }
0xad: {  	[dreg:$0x0] =	wrdreg $0x60  }
0xae: {  	[dreg:$0x2] =	wrdreg s24  }
0xaf: {  	[dreg:$0x3] =	wrdreg s2  }
0xb0: {  	[dreg:$0x4] =	wrdreg $0x9  }
0xb1: {  	_ =	task.clear_ibuf [dreg:s7], $0x5FFFF;
	_ =	strace $0x90000046  }
0xb2: {  	s29 =	simm.s32 $0x9;
	_ =	strace $0x80000048  }
0xb3: {  	_ =	swait.ge [sflag:s29], $0x1  }
0xb4: {  	[sflag:s29] =	ssyncadd.s32 $0xFFFFFFFF  }
0xb5: {  	_ =	strace $0x90000048  }
0xb6: {  	_ =	sfence  }
0xb7: {  	s30 =	sld [smem:$0x0];
	_ =	sdelay $0x2  }
0xb8: {  	s31 =	sshll.u32 s1, $0xD;
	s1 =	sshrl.u32 s1, $0x2  }
0xb9: {  	s3 =	sand.u32 $0x4000, s31;
	s1 =	sadd.s32 s1, s30  }
0xba: {  	s0 =	sor.u32 s3, s0;
	s1 =	sshll.u32 s1, $0x11  }
0xbb: {  	s0 =	sor.u32 s1, s0  }
0xbc: {  	s0 =	sadd.s32 $0x8F2B, s0  }
0xbd: {  	[sflag:s0] =	ssyncadd.remote.s32 $0x1  }
0xbe: {  	_ =	sfence.sel $0xFFFF  }
0xbf: {  	[dreg:$0x0] =	wrdreg $0xFFFFFFFF;
	(pc) =	sbr.abs _section_cstart, $3  }
0xc0: {  	[dreg:$0x1] =	wrdreg $0xFFFFFFFF  }
0xc1: {  	_ =	task.clear_ibuf [dreg:s7], $0x2FFFF;
	_ =	strace $0x9FFFFFFF  }
0xc2: {  	(tm) =	ssettm $0x7FFFFFFF  }
0xc3: {  	_ =	shalt  }
tec
execute0_lowered:
.L_overlay_start_1:
0x0: {  	(tag) =	ssettag $0x1  }
0x1: {  	v1 =	vimm.f32 $3.670000000e+02  }
0x2: {  	vm0 =	vcmask $0x300;
	v2 =	vimm.f32 $1.500000000e+01;
	vm1 =	vcmask $0x704  }
0x3: {  	s0 =	srdreg.scid;
	s1 =	stileid.u32;
	vm15 =	vcmask $0xB08;
	v1 =	vsel vm0, $0x43B00000, v1;
	v2 =	vsel vm0, $0x0, v2  }
0x4: {  	vm4 =	vcmask $0xF0C;
	s0 =	sand.u32 $0x1, s0;
	s1 =	sshll.u32 s1, $0x1;
	v1 =	vsel vm1, $0x43B08000, v1;
	v2 =	vsel vm1, $0x3F800000, v2  }
0x5: {  	vm5 =	vcmask $0x1310;
	s1 =	sor.u32 s0, s1;
	v1 =	vsel vm15, $0x43B10000, v1;
	v2 =	vsel vm15, $0x40000000, v2  }
0x6: {  	s24 =	rddreg [dreg:$0x0];
	s3 =	simm.s32 $0x0;
	vm6 =	vcmask $0x1714;
	s1 =	smul.u32 $0xC, s1;
	v1 =	vsel vm4, $0x43B18000, v1;
	v2 =	vsel vm4, $0x40400000, v2  }
0x7: {  	vm7 =	vcmask $0x1B18;
	s14 =	simm.s32 $0x3;
	s15 =	simm.s32 $0xC00;
	s16 =	simm.s32 $0x5D00;
	v1 =	vsel vm5, $0x43B20000, v1;
	v2 =	vsel vm5, $0x40800000, v2  }
0x8: {  	vm8 =	vcmask $0x1F1C;
	s17 =	simm.s32 $0x1;
	s18 =	simm.s32 $0x2;
	s1 =	smin.u32 s1, $0x15E;
	v1 =	vsel vm6, $0x43B28000, v1;
	v2 =	vsel vm6, $0x40A00000, v2  }
0x9: {  	vm9 =	vcmask $0x2320;
	s28 =	simm.s32 $0x0;
	[smem:$0x7FF] =	sst s3;
	s4 =	smul.u32 $0x170, s1;
	v1 =	vsel vm7, $0x43B30000, v1;
	v2 =	vsel vm7, $0x40C00000, v2  }
0xa: {  	vm10 =	vcmask $0x2724;
	s5 =	sadd.s32 $0x3F600, s24;
	s2 =	scvt.s32.f32 s1;
	s1 =	smul.u32 $0x2E, s1;
	v1 =	vsel vm8, $0x43B38000, v1;
	v2 =	vsel vm8, $0x40E00000, v2  }
0xb: {  	vm11 =	vcmask $0x2B28;
	_ =	strace $0x80000047;
	s0 =	ssub.s32 $0x2, s0;
	s6 =	sshrl.u32 s4, $0x3;
	v1 =	vsel vm9, $0x43B40000, v1;
	v2 =	vsel vm9, $0x41000000, v2  }
0xc: {  	vm12 =	vcmask $0x2F2C;
	s25 =	sshrl.u32 s0, $0x1;
	s1 =	sadd.s32 s5, s1;
	s6 =	sadd.s32 s5, s6;
	v1 =	vsel vm10, $0x43B48000, v1;
	v2 =	vsel vm10, $0x41100000, v2  }
0xd: {  	vm13 =	vcmask $0x3330;
	s0 =	ssub.s32 s0, s25;
	[dreg:$0x3] =	wrdreg s1;
	s26 =	sadd.s32 $0x410C, s6;
	v1 =	vsel vm11, $0x43B50000, v1;
	v2 =	vsel vm11, $0x41200000, v2  }
0xe: {  	vm14 =	vcmask $0x3734;
	s13 =	smax.u32 s0, $0x1;
	s29 =	sadd.s32 $0x8218, s6;
	[dreg:$0x4] =	wrdreg s26;
	v1 =	vsel vm12, $0x43B58000, v1;
	v2 =	vsel vm12, $0x41300000, v2  }
0xf: {  	vm15 =	vcmask $0x3B38;
	s4 =	sadd.s32 $0x600, s24;
	s30 =	sadd.s32 $0xC324, s6;
	[dreg:$0x5] =	wrdreg s29;
	v1 =	vsel vm13, $0x43B60000, v1;
	v2 =	vsel vm13, $0x41400000, v2  }
0x10: {  	v0 =	vmov s2;
	s31 =	sadd.s32 $0x10430, s6;
	s10 =	sadd.s32 $0x1453C, s6;
	[dreg:$0x6] =	wrdreg s30;
	v3 =	vsel vm14, $0x43B68000, v1;
	v4 =	vsel vm14, $0x41500000, v2  }
0x11: {  	s11 =	sadd.s32 $0x18648, s6;
	s12 =	sadd.s32 $0x1C754, s6;
	[dreg:$0x7] =	wrdreg s31;
	v1 =	vimm.f32 $0.0e+00;
	v2 =	vsel vm15, $0x43B70000, v3;
	v3 =	vsel vm15, $0x41600000, v4  }
.LBB2_1:
0x12: {  	s0 =	rddreg [dreg:$0x1]  }
0x13: {  	[tilespmem:s3], [sflag:$0x3] =	stream.linear.gather [hbm4b:s0+s3], $0xC00, $0x38;
	[tilespmem:$0x13800] =	vst v63  }
0x14: {  	_ =	swait.ge [sflag:s14], $0xC00  }
0x15: {  	[sflag:s14] =	ssyncset.done $0x0  }
0x16: {  	s1 =	simm.s32 $0x0;
	[sflag:s14] =	ssyncadd.s32 $0xFFFFF400  }
0x17: {  	[tilespmem:s1+$0xAE70] =	vst v1  }
0x18: {  	[tilespmem:s1+$0xAE60] =	vst v1  }
0x19: {  	[tilespmem:s1+$0xAE50] =	vst v1  }
0x1a: {  	[tilespmem:s1+$0xAE30] =	vst v1  }
0x1b: {  	[tilespmem:s1+$0xAE20] =	vst v1  }
0x1c: {  	[tilespmem:s1+$0xAE10] =	vst v1  }
0x1d: {  	[tilespmem:s1+$0xAE00] =	vst v1  }
0x1e: {  	s31 =	sand.u32 $0x1FF0, s3;
	[tilespmem:s1+$0xAE40] =	vst v1  }
0x1f: {  	[tilespmem:s31+$0xAE80] =	vst v1  }
0x20: {  	[tilespmem:s1+$0xAEF0] =	vst v1  }
0x21: {  	[tilespmem:s1+$0xAEB0] =	vst v1  }
0x22: {  	[tilespmem:s1+$0xAEA0] =	vst v1  }
0x23: {  	[tilespmem:s1+$0xAED0] =	vst v1  }
0x24: {  	[tilespmem:s1+$0xAEE0] =	vst v1  }
0x25: {  	[tilespmem:s1+$0xAEC0] =	vst v1  }
0x26: {  	[tilespmem:s1+$0xAE90] =	vst v1  }
0x27: {  	[tilespmem:s31+$0xAF00] =	vst v1  }
0x28: {  	[tilespmem:s1+$0xBF70] =	vst v1  }
0x29: {  	[tilespmem:s1+$0xBF60] =	vst v1  }
0x2a: {  	[tilespmem:s1+$0xBF50] =	vst v1  }
0x2b: {  	[tilespmem:s1+$0xBF40] =	vst v1  }
0x2c: {  	[tilespmem:s1+$0xAF30] =	vst v1  }
0x2d: {  	[tilespmem:s1+$0xAF60] =	vst v1  }
0x2e: {  	[tilespmem:s1+$0xAF50] =	vst v1  }
0x2f: {  	[tilespmem:s1+$0xAF20] =	vst v1  }
0x30: {  	[tilespmem:s1+$0xAF40] =	vst v1  }
0x31: {  	[tilespmem:s1+$0xAF10] =	vst v1  }
0x32: {  	[tilespmem:s31+$0xBF80] =	vst v1  }
0x33: {  	[tilespmem:s1+$0xBFF0] =	vst v1  }
0x34: {  	[tilespmem:s1+$0xBFB0] =	vst v1  }
0x35: {  	[tilespmem:s1+$0xBFE0] =	vst v1  }
0x36: {  	[tilespmem:s1+$0xBFA0] =	vst v1  }
0x37: {  	[tilespmem:s1+$0xBFC0] =	vst v1  }
0x38: {  	[tilespmem:s1+$0xBF90] =	vst v1  }
0x39: {  	[tilespmem:s1+$0xBFD0] =	vst v1  }
0x3a: {  	[tilespmem:s31+$0xC000] =	vst v1  }
0x3b: {  	[tilespmem:s1+$0xC070] =	vst v1  }
0x3c: {  	[tilespmem:s1+$0xC030] =	vst v1  }
0x3d: {  	[tilespmem:s1+$0xC060] =	vst v1  }
0x3e: {  	[tilespmem:s1+$0xC020] =	vst v1  }
0x3f: {  	[tilespmem:s1+$0xC040] =	vst v1  }
0x40: {  	[tilespmem:s1+$0xC010] =	vst v1  }
0x41: {  	[tilespmem:s1+$0xC050] =	vst v1  }
0x42: {  	[tilespmem:s31+$0xC080] =	vst v1  }
0x43: {  	[tilespmem:s1+$0xC090] =	vst v1  }
0x44: {  	[tilespmem:s1+$0xC0A0] =	vst v1  }
0x45: {  	[tilespmem:s31+$0xD080] =	vst v1  }
0x46: {  	[tilespmem:s1+$0xD0F0] =	vst v1  }
0x47: {  	[tilespmem:s1+$0xD0E0] =	vst v1  }
0x48: {  	[tilespmem:s1+$0xD0A0] =	vst v1  }
0x49: {  	[tilespmem:s1+$0xD0B0] =	vst v1  }
0x4a: {  	[tilespmem:s1+$0xD0D0] =	vst v1  }
0x4b: {  	[tilespmem:s1+$0xD0C0] =	vst v1  }
0x4c: {  	[tilespmem:s1+$0xD090] =	vst v1  }
0x4d: {  	[tilespmem:s31+$0xD100] =	vst v1  }
0x4e: {  	[tilespmem:s1+$0xD170] =	vst v1  }
0x4f: {  	[tilespmem:s1+$0xD160] =	vst v1  }
0x50: {  	[tilespmem:s1+$0xD120] =	vst v1  }
0x51: {  	[tilespmem:s1+$0xD130] =	vst v1  }
0x52: {  	[tilespmem:s1+$0xD140] =	vst v1  }
0x53: {  	[tilespmem:s1+$0xD150] =	vst v1  }
0x54: {  	[tilespmem:s1+$0xD110] =	vst v1  }
0x55: {  	[tilespmem:s31+$0xD180] =	vst v1  }
0x56: {  	[tilespmem:s1+$0xE1F0] =	vst v1  }
0x57: {  	[tilespmem:s1+$0xE1E0] =	vst v1  }
0x58: {  	[tilespmem:s1+$0xE1D0] =	vst v1  }
0x59: {  	[tilespmem:s1+$0xD1C0] =	vst v1  }
0x5a: {  	[tilespmem:s1+$0xE1C0] =	vst v1  }
0x5b: {  	[tilespmem:s1+$0xD1E0] =	vst v1  }
0x5c: {  	[tilespmem:s1+$0xD1A0] =	vst v1  }
0x5d: {  	[tilespmem:s1+$0xD1D0] =	vst v1  }
0x5e: {  	[tilespmem:s1+$0xD1B0] =	vst v1  }
0x5f: {  	[tilespmem:s1+$0xD190] =	vst v1  }
0x60: {  	[tilespmem:s31+$0xE200] =	vst v1  }
0x61: {  	[tilespmem:s1+$0xE270] =	vst v1  }
0x62: {  	[tilespmem:s1+$0xE240] =	vst v1  }
0x63: {  	[tilespmem:s1+$0xE230] =	vst v1  }
0x64: {  	[tilespmem:s1+$0xE260] =	vst v1  }
0x65: {  	[tilespmem:s1+$0xE220] =	vst v1  }
0x66: {  	[tilespmem:s1+$0xE250] =	vst v1  }
0x67: {  	[tilespmem:s1+$0xE210] =	vst v1  }
0x68: {  	[tilespmem:s31+$0xE280] =	vst v1  }
0x69: {  	[tilespmem:s1+$0xE2F0] =	vst v1  }
0x6a: {  	[tilespmem:s1+$0xE2B0] =	vst v1  }
0x6b: {  	[tilespmem:s1+$0xE2E0] =	vst v1  }
0x6c: {  	[tilespmem:s1+$0xE2A0] =	vst v1  }
0x6d: {  	[tilespmem:s1+$0xE2C0] =	vst v1  }
0x6e: {  	[tilespmem:s1+$0xE290] =	vst v1  }
0x6f: {  	[tilespmem:s1+$0xE2D0] =	vst v1  }
0x70: {  	[tilespmem:s31+$0xE300] =	vst v1  }
0x71: {  	[tilespmem:s1+$0xE310] =	vst v1  }
0x72: {  	[tilespmem:s1+$0xE320] =	vst v1  }
0x73: {  	[tilespmem:s31+$0xF300] =	vst v1  }
0x74: {  	[tilespmem:s1+$0xF370] =	vst v1  }
0x75: {  	[tilespmem:s1+$0xF360] =	vst v1  }
0x76: {  	[tilespmem:s1+$0xF330] =	vst v1  }
0x77: {  	[tilespmem:s1+$0xF340] =	vst v1  }
0x78: {  	[tilespmem:s1+$0xF350] =	vst v1  }
0x79: {  	[tilespmem:s1+$0xF320] =	vst v1  }
0x7a: {  	[tilespmem:s1+$0xF310] =	vst v1  }
0x7b: {  	[tilespmem:s31+$0xF380] =	vst v1  }
0x7c: {  	[tilespmem:s1+$0xF3F0] =	vst v1  }
0x7d: {  	[tilespmem:s1+$0xF3E0] =	vst v1  }
0x7e: {  	[tilespmem:s1+$0xF3A0] =	vst v1  }
0x7f: {  	[tilespmem:s1+$0xF3B0] =	vst v1  }
0x80: {  	[tilespmem:s1+$0xF3C0] =	vst v1  }
0x81: {  	[tilespmem:s1+$0xF3D0] =	vst v1  }
0x82: {  	[tilespmem:s1+$0xF390] =	vst v1  }
0x83: {  	[tilespmem:s31+$0xF400] =	vst v1  }
0x84: {  	[tilespmem:s1+$0x10470] =	vst v1  }
0x85: {  	[tilespmem:s1+$0x10460] =	vst v1  }
0x86: {  	[tilespmem:s1+$0x10450] =	vst v1  }
0x87: {  	[tilespmem:s1+$0xF440] =	vst v1  }
0x88: {  	[tilespmem:s1+$0x10440] =	vst v1  }
0x89: {  	[tilespmem:s1+$0xF460] =	vst v1  }
0x8a: {  	[tilespmem:s1+$0xF420] =	vst v1  }
0x8b: {  	[tilespmem:s1+$0xF450] =	vst v1  }
0x8c: {  	[tilespmem:s1+$0xF430] =	vst v1  }
0x8d: {  	[tilespmem:s1+$0xF410] =	vst v1  }
0x8e: {  	[tilespmem:s31+$0x10480] =	vst v1  }
0x8f: {  	[tilespmem:s1+$0x104F0] =	vst v1  }
0x90: {  	[tilespmem:s1+$0x104C0] =	vst v1  }
0x91: {  	[tilespmem:s1+$0x104B0] =	vst v1  }
0x92: {  	[tilespmem:s1+$0x104E0] =	vst v1  }
0x93: {  	[tilespmem:s1+$0x104A0] =	vst v1  }
0x94: {  	[tilespmem:s1+$0x104D0] =	vst v1  }
0x95: {  	[tilespmem:s1+$0x10490] =	vst v1  }
0x96: {  	[tilespmem:s31+$0x10500] =	vst v1  }
0x97: {  	[tilespmem:s1+$0x10570] =	vst v1  }
0x98: {  	[tilespmem:s1+$0x10530] =	vst v1  }
0x99: {  	[tilespmem:s1+$0x10560] =	vst v1  }
0x9a: {  	[tilespmem:s1+$0x10520] =	vst v1  }
0x9b: {  	[tilespmem:s1+$0x10540] =	vst v1  }
0x9c: {  	[tilespmem:s1+$0x10510] =	vst v1  }
0x9d: {  	[tilespmem:s1+$0x10550] =	vst v1  }
0x9e: {  	[tilespmem:s31+$0x10580] =	vst v1  }
0x9f: {  	[tilespmem:s1+$0x10590] =	vst v1  }
0xa0: {  	[tilespmem:s1+$0x105A0] =	vst v1  }
0xa1: {  	[tilespmem:s31+$0x11580] =	vst v1  }
0xa2: {  	[tilespmem:s1+$0x115F0] =	vst v1  }
0xa3: {  	[tilespmem:s1+$0x115E0] =	vst v1  }
0xa4: {  	[tilespmem:s1+$0x115B0] =	vst v1  }
0xa5: {  	[tilespmem:s1+$0x115C0] =	vst v1  }
0xa6: {  	[tilespmem:s1+$0x115D0] =	vst v1  }
0xa7: {  	[tilespmem:s1+$0x115A0] =	vst v1  }
0xa8: {  	[tilespmem:s1+$0x11590] =	vst v1  }
0xa9: {  	[tilespmem:s31+$0x11600] =	vst v1  }
0xaa: {  	[tilespmem:s1+$0x11660] =	vst v1  }
0xab: {  	[tilespmem:s1+$0x11670] =	vst v1  }
0xac: {  	[tilespmem:s1+$0x11620] =	vst v1  }
0xad: {  	[tilespmem:s1+$0x11630] =	vst v1  }
0xae: {  	[tilespmem:s1+$0x11640] =	vst v1  }
0xaf: {  	[tilespmem:s1+$0x11650] =	vst v1  }
0xb0: {  	[tilespmem:s1+$0x11610] =	vst v1  }
0xb1: {  	[tilespmem:s31+$0x11680] =	vst v1  }
0xb2: {  	[tilespmem:s1+$0x126F0] =	vst v1  }
0xb3: {  	[tilespmem:s1+$0x126E0] =	vst v1  }
0xb4: {  	[tilespmem:s1+$0x126D0] =	vst v1  }
0xb5: {  	[tilespmem:s1+$0x116D0] =	vst v1  }
0xb6: {  	[tilespmem:s1+$0x126C0] =	vst v1  }
0xb7: {  	[tilespmem:s1+$0x116C0] =	vst v1  }
0xb8: {  	[tilespmem:s1+$0x116B0] =	vst v1  }
0xb9: {  	[tilespmem:s1+$0x116A0] =	vst v1  }
0xba: {  	[tilespmem:s1+$0x116E0] =	vst v1  }
0xbb: {  	[tilespmem:s1+$0x11690] =	vst v1  }
0xbc: {  	[tilespmem:s31+$0x12700] =	vst v1  }
0xbd: {  	[tilespmem:s1+$0x12770] =	vst v1  }
0xbe: {  	[tilespmem:s1+$0x12740] =	vst v1  }
0xbf: {  	[tilespmem:s1+$0x12730] =	vst v1  }
0xc0: {  	[tilespmem:s1+$0x12760] =	vst v1  }
0xc1: {  	[tilespmem:s1+$0x12720] =	vst v1  }
0xc2: {  	[tilespmem:s1+$0x12750] =	vst v1  }
0xc3: {  	[tilespmem:s1+$0x12710] =	vst v1  }
0xc4: {  	[tilespmem:s31+$0x12780] =	vst v1  }
0xc5: {  	[tilespmem:s1+$0x127F0] =	vst v1  }
0xc6: {  	[tilespmem:s1+$0x127B0] =	vst v1  }
0xc7: {  	[tilespmem:s1+$0x127E0] =	vst v1  }
0xc8: {  	[tilespmem:s1+$0x127A0] =	vst v1  }
0xc9: {  	[tilespmem:s1+$0x127C0] =	vst v1  }
0xca: {  	[tilespmem:s1+$0x12790] =	vst v1  }
0xcb: {  	[tilespmem:s1+$0x127D0] =	vst v1  }
0xcc: {  	[tilespmem:s31+$0x12800] =	vst v1  }
0xcd: {  	s5 =	simm.s32 $0x5C0;
	s0 =	simm.s32 $0x0;
	[tilespmem:s1+$0x12810] =	vst v1  }
.LBB2_2:
0xce: {  	s2 =	smov.u32 s5  }
0xcf: {  	[tilespmem:s1+$0x12820] =	vst v1;
	s1 =	sshra.s32 s5, $0x2;
	s0 =	sadd.s32 $0x170, s0;
	s2 =	sadd.s32 $0x5C0, s5  }
0xd0: {  	p0 =	sne.s32 s5, $0x3F40;
	[tilespmem:s1+$0xAE70] =	vst v1  }
0xd1: {  	[tilespmem:s1+$0xAE60] =	vst v1  }
0xd2: {  	[tilespmem:s1+$0xAE50] =	vst v1  }
0xd3: {  	[tilespmem:s1+$0xAE30] =	vst v1  }
0xd4: {  	[tilespmem:s1+$0xAE20] =	vst v1  }
0xd5: {  	[tilespmem:s1+$0xAE10] =	vst v1  }
0xd6: {  	[tilespmem:s1+$0xAE00] =	vst v1  }
0xd7: {  	s19 =	sand.u32 $0x1FF0, s0;
	[tilespmem:s1+$0xAE40] =	vst v1  }
0xd8: {  	[tilespmem:s19+$0xAE80] =	vst v1  }
0xd9: {  	[tilespmem:s1+$0xAEF0] =	vst v1  }
0xda: {  	[tilespmem:s1+$0xAEB0] =	vst v1  }
0xdb: {  	[tilespmem:s1+$0xAEA0] =	vst v1  }
0xdc: {  	[tilespmem:s1+$0xAED0] =	vst v1  }
0xdd: {  	[tilespmem:s1+$0xAEE0] =	vst v1  }
0xde: {  	[tilespmem:s1+$0xAEC0] =	vst v1  }
0xdf: {  	[tilespmem:s1+$0xAE90] =	vst v1  }
0xe0: {  	[tilespmem:s19+$0xAF00] =	vst v1  }
0xe1: {  	[tilespmem:s1+$0xBF70] =	vst v1  }
0xe2: {  	[tilespmem:s1+$0xBF60] =	vst v1  }
0xe3: {  	[tilespmem:s1+$0xBF50] =	vst v1  }
0xe4: {  	[tilespmem:s1+$0xBF40] =	vst v1  }
0xe5: {  	[tilespmem:s1+$0xAF30] =	vst v1  }
0xe6: {  	[tilespmem:s1+$0xAF60] =	vst v1  }
0xe7: {  	[tilespmem:s1+$0xAF50] =	vst v1  }
0xe8: {  	[tilespmem:s1+$0xAF20] =	vst v1  }
0xe9: {  	[tilespmem:s1+$0xAF40] =	vst v1  }
0xea: {  	[tilespmem:s1+$0xAF10] =	vst v1  }
0xeb: {  	[tilespmem:s19+$0xBF80] =	vst v1  }
0xec: {  	[tilespmem:s1+$0xBFF0] =	vst v1  }
0xed: {  	[tilespmem:s1+$0xBFB0] =	vst v1  }
0xee: {  	[tilespmem:s1+$0xBFE0] =	vst v1  }
0xef: {  	[tilespmem:s1+$0xBFA0] =	vst v1  }
0xf0: {  	[tilespmem:s1+$0xBFC0] =	vst v1  }
0xf1: {  	[tilespmem:s1+$0xBF90] =	vst v1  }
0xf2: {  	[tilespmem:s1+$0xBFD0] =	vst v1  }
0xf3: {  	[tilespmem:s19+$0xC000] =	vst v1  }
0xf4: {  	[tilespmem:s1+$0xC070] =	vst v1  }
0xf5: {  	[tilespmem:s1+$0xC030] =	vst v1  }
0xf6: {  	[tilespmem:s1+$0xC060] =	vst v1  }
0xf7: {  	[tilespmem:s1+$0xC020] =	vst v1  }
0xf8: {  	[tilespmem:s1+$0xC040] =	vst v1  }
0xf9: {  	[tilespmem:s1+$0xC010] =	vst v1  }
0xfa: {  	[tilespmem:s1+$0xC050] =	vst v1  }
0xfb: {  	[tilespmem:s19+$0xC080] =	vst v1  }
0xfc: {  	[tilespmem:s1+$0xC090] =	vst v1  }
0xfd: {  	[tilespmem:s1+$0xC0A0] =	vst v1  }
0xfe: {  	[tilespmem:s19+$0xD080] =	vst v1  }
0xff: {  	[tilespmem:s1+$0xD0F0] =	vst v1  }
0x100: {  	[tilespmem:s1+$0xD0E0] =	vst v1  }
0x101: {  	[tilespmem:s1+$0xD0A0] =	vst v1  }
0x102: {  	[tilespmem:s1+$0xD0B0] =	vst v1  }
0x103: {  	[tilespmem:s1+$0xD0D0] =	vst v1  }
0x104: {  	[tilespmem:s1+$0xD0C0] =	vst v1  }
0x105: {  	[tilespmem:s1+$0xD090] =	vst v1  }
0x106: {  	[tilespmem:s19+$0xD100] =	vst v1  }
0x107: {  	[tilespmem:s1+$0xD170] =	vst v1  }
0x108: {  	[tilespmem:s1+$0xD160] =	vst v1  }
0x109: {  	[tilespmem:s1+$0xD120] =	vst v1  }
0x10a: {  	[tilespmem:s1+$0xD130] =	vst v1  }
0x10b: {  	[tilespmem:s1+$0xD140] =	vst v1  }
0x10c: {  	[tilespmem:s1+$0xD150] =	vst v1  }
0x10d: {  	[tilespmem:s1+$0xD110] =	vst v1  }
0x10e: {  	[tilespmem:s19+$0xD180] =	vst v1  }
0x10f: {  	[tilespmem:s1+$0xE1F0] =	vst v1  }
0x110: {  	[tilespmem:s1+$0xE1E0] =	vst v1  }
0x111: {  	[tilespmem:s1+$0xE1D0] =	vst v1  }
0x112: {  	[tilespmem:s1+$0xD1C0] =	vst v1  }
0x113: {  	[tilespmem:s1+$0xE1C0] =	vst v1  }
0x114: {  	[tilespmem:s1+$0xD1E0] =	vst v1  }
0x115: {  	[tilespmem:s1+$0xD1A0] =	vst v1  }
0x116: {  	[tilespmem:s1+$0xD1D0] =	vst v1  }
0x117: {  	[tilespmem:s1+$0xD1B0] =	vst v1  }
0x118: {  	[tilespmem:s1+$0xD190] =	vst v1  }
0x119: {  	[tilespmem:s19+$0xE200] =	vst v1  }
0x11a: {  	[tilespmem:s1+$0xE270] =	vst v1  }
0x11b: {  	[tilespmem:s1+$0xE240] =	vst v1  }
0x11c: {  	[tilespmem:s1+$0xE230] =	vst v1  }
0x11d: {  	[tilespmem:s1+$0xE260] =	vst v1  }
0x11e: {  	[tilespmem:s1+$0xE220] =	vst v1  }
0x11f: {  	[tilespmem:s1+$0xE250] =	vst v1  }
0x120: {  	[tilespmem:s1+$0xE210] =	vst v1  }
0x121: {  	[tilespmem:s19+$0xE280] =	vst v1  }
0x122: {  	[tilespmem:s1+$0xE2F0] =	vst v1  }
0x123: {  	[tilespmem:s1+$0xE2B0] =	vst v1  }
0x124: {  	[tilespmem:s1+$0xE2E0] =	vst v1  }
0x125: {  	[tilespmem:s1+$0xE2A0] =	vst v1  }
0x126: {  	[tilespmem:s1+$0xE2C0] =	vst v1  }
0x127: {  	[tilespmem:s1+$0xE290] =	vst v1  }
0x128: {  	[tilespmem:s1+$0xE2D0] =	vst v1  }
0x129: {  	[tilespmem:s19+$0xE300] =	vst v1  }
0x12a: {  	[tilespmem:s1+$0xE310] =	vst v1  }
0x12b: {  	[tilespmem:s1+$0xE320] =	vst v1  }
0x12c: {  	[tilespmem:s19+$0xF300] =	vst v1  }
0x12d: {  	[tilespmem:s1+$0xF370] =	vst v1  }
0x12e: {  	[tilespmem:s1+$0xF360] =	vst v1  }
0x12f: {  	[tilespmem:s1+$0xF330] =	vst v1  }
0x130: {  	[tilespmem:s1+$0xF340] =	vst v1  }
0x131: {  	[tilespmem:s1+$0xF350] =	vst v1  }
0x132: {  	[tilespmem:s1+$0xF320] =	vst v1  }
0x133: {  	[tilespmem:s1+$0xF310] =	vst v1  }
0x134: {  	[tilespmem:s19+$0xF380] =	vst v1  }
0x135: {  	[tilespmem:s1+$0xF3F0] =	vst v1  }
0x136: {  	[tilespmem:s1+$0xF3E0] =	vst v1  }
0x137: {  	[tilespmem:s1+$0xF3A0] =	vst v1  }
0x138: {  	[tilespmem:s1+$0xF3B0] =	vst v1  }
0x139: {  	[tilespmem:s1+$0xF3C0] =	vst v1  }
0x13a: {  	[tilespmem:s1+$0xF3D0] =	vst v1  }
0x13b: {  	[tilespmem:s1+$0xF390] =	vst v1  }
0x13c: {  	[tilespmem:s19+$0xF400] =	vst v1  }
0x13d: {  	[tilespmem:s1+$0x10470] =	vst v1  }
0x13e: {  	[tilespmem:s1+$0x10460] =	vst v1  }
0x13f: {  	[tilespmem:s1+$0x10450] =	vst v1  }
0x140: {  	[tilespmem:s1+$0xF440] =	vst v1  }
0x141: {  	[tilespmem:s1+$0x10440] =	vst v1  }
0x142: {  	[tilespmem:s1+$0xF460] =	vst v1  }
0x143: {  	[tilespmem:s1+$0xF420] =	vst v1  }
0x144: {  	[tilespmem:s1+$0xF450] =	vst v1  }
0x145: {  	[tilespmem:s1+$0xF430] =	vst v1  }
0x146: {  	[tilespmem:s1+$0xF410] =	vst v1  }
0x147: {  	[tilespmem:s19+$0x10480] =	vst v1  }
0x148: {  	[tilespmem:s1+$0x104F0] =	vst v1  }
0x149: {  	[tilespmem:s1+$0x104C0] =	vst v1  }
0x14a: {  	[tilespmem:s1+$0x104B0] =	vst v1  }
0x14b: {  	[tilespmem:s1+$0x104E0] =	vst v1  }
0x14c: {  	[tilespmem:s1+$0x104A0] =	vst v1  }
0x14d: {  	[tilespmem:s1+$0x104D0] =	vst v1  }
0x14e: {  	[tilespmem:s1+$0x10490] =	vst v1  }
0x14f: {  	[tilespmem:s19+$0x10500] =	vst v1  }
0x150: {  	[tilespmem:s1+$0x10570] =	vst v1  }
0x151: {  	[tilespmem:s1+$0x10530] =	vst v1  }
0x152: {  	[tilespmem:s1+$0x10560] =	vst v1  }
0x153: {  	[tilespmem:s1+$0x10520] =	vst v1  }
0x154: {  	[tilespmem:s1+$0x10540] =	vst v1  }
0x155: {  	[tilespmem:s1+$0x10510] =	vst v1  }
0x156: {  	[tilespmem:s1+$0x10550] =	vst v1  }
0x157: {  	[tilespmem:s19+$0x10580] =	vst v1  }
0x158: {  	[tilespmem:s1+$0x10590] =	vst v1  }
0x159: {  	[tilespmem:s1+$0x105A0] =	vst v1  }
0x15a: {  	[tilespmem:s19+$0x11580] =	vst v1  }
0x15b: {  	[tilespmem:s1+$0x115F0] =	vst v1  }
0x15c: {  	[tilespmem:s1+$0x115E0] =	vst v1  }
0x15d: {  	[tilespmem:s1+$0x115B0] =	vst v1  }
0x15e: {  	[tilespmem:s1+$0x115C0] =	vst v1  }
0x15f: {  	[tilespmem:s1+$0x115D0] =	vst v1  }
0x160: {  	[tilespmem:s1+$0x115A0] =	vst v1  }
0x161: {  	[tilespmem:s1+$0x11590] =	vst v1  }
0x162: {  	[tilespmem:s19+$0x11600] =	vst v1  }
0x163: {  	[tilespmem:s1+$0x11660] =	vst v1  }
0x164: {  	[tilespmem:s1+$0x11670] =	vst v1  }
0x165: {  	[tilespmem:s1+$0x11620] =	vst v1  }
0x166: {  	[tilespmem:s1+$0x11630] =	vst v1  }
0x167: {  	[tilespmem:s1+$0x11640] =	vst v1  }
0x168: {  	[tilespmem:s1+$0x11650] =	vst v1  }
0x169: {  	[tilespmem:s1+$0x11610] =	vst v1  }
0x16a: {  	[tilespmem:s19+$0x11680] =	vst v1  }
0x16b: {  	[tilespmem:s1+$0x126F0] =	vst v1  }
0x16c: {  	[tilespmem:s1+$0x126E0] =	vst v1  }
0x16d: {  	[tilespmem:s1+$0x126D0] =	vst v1  }
0x16e: {  	[tilespmem:s1+$0x116D0] =	vst v1  }
0x16f: {  	[tilespmem:s1+$0x126C0] =	vst v1  }
0x170: {  	[tilespmem:s1+$0x116C0] =	vst v1  }
0x171: {  	[tilespmem:s1+$0x116B0] =	vst v1  }
0x172: {  	[tilespmem:s1+$0x116A0] =	vst v1  }
0x173: {  	[tilespmem:s1+$0x116E0] =	vst v1  }
0x174: {  	[tilespmem:s1+$0x11690] =	vst v1  }
0x175: {  	[tilespmem:s19+$0x12700] =	vst v1  }
0x176: {  	[tilespmem:s1+$0x12770] =	vst v1  }
0x177: {  	[tilespmem:s1+$0x12740] =	vst v1  }
0x178: {  	[tilespmem:s1+$0x12730] =	vst v1  }
0x179: {  	[tilespmem:s1+$0x12760] =	vst v1  }
0x17a: {  	[tilespmem:s1+$0x12720] =	vst v1  }
0x17b: {  	[tilespmem:s1+$0x12750] =	vst v1  }
0x17c: {  	[tilespmem:s1+$0x12710] =	vst v1  }
0x17d: {  	[tilespmem:s19+$0x12780] =	vst v1  }
0x17e: {  	[tilespmem:s1+$0x127F0] =	vst v1  }
0x17f: {  	[tilespmem:s1+$0x127B0] =	vst v1  }
0x180: {  	[tilespmem:s1+$0x127E0] =	vst v1  }
0x181: {  	[tilespmem:s1+$0x127A0] =	vst v1  }
.Ltmp0:
0x182: {  	[tilespmem:s1+$0x127C0] =	vst v1;
	(pc) =	sbr.rel @p0 .LBB2_2-.Ltmp0, $4  }
0x183: {  	[tilespmem:s1+$0x12790] =	vst v1  }
0x184: {  	[tilespmem:s1+$0x127D0] =	vst v1  }
0x185: {  	[tilespmem:s19+$0x12800] =	vst v1  }
0x186: {  	s5 =	smov.u32 s2;
	[tilespmem:s1+$0x12810] =	vst v1  }
0x187: {  	[tilespmem:s1+$0x12820] =	vst v1;
	s29 =	simm.s32 $0x0;
	s30 =	simm.s32 $0x0  }
0x188: {  	[tilespmem:s15], [sflag:$0x1] =	stream.linear.gather [hbm4b:s4+s29], $0x50A0, $0x38;
	[tilespmem:$0x13800] =	vst v63  }
.LBB2_4:
0x189: {  	s0 =	sshllo.u32 s30, $0x1  }
0x18a: {  	s1 =	smul.u32 $0xA14, s0;
	_ =	sdelay $0x1  }
0x18b: {  	s2 =	sshll.u32 s30, $0x1;
	p0 =	slt.u32 s30, $0x19;
	s1 =	sadd.s32 s4, s1  }
0x18c: {  	[tilespmem:s16], [sflag:$0x2] =	stream.linear.gather [hbm4b:s1+s29], $0x50A0, $0x38;
	[tilespmem:$0x13800] =	vst v63  }
0x18d: {  	s19 =	smul.u32 $0x14, s30;
	s1 =	simm.s32 $0x0;
	_ =	swait.ge [sflag:s17], $0x50A0  }
0x18e: {  	s20 =	simm.s32 $0x0;
	s1 =	simm.s32 @!p0 $0x4500;
	[sflag:s17] =	ssyncset.done $0x0  }
0x18f: {  	s31 =	sadd.s32 $0xAE00, s1;
	s26 =	sadd.s32 $0xE1D0, s1;
	[sflag:s17] =	ssyncadd.s32 $0xFFFFAF60  }
.LBB2_5:
0x190: {  	s1 =	sadd.s32 s19, s20  }
0x191: {  	v5 =	vmov s1  }
0x192: {  	v4 =	vand.u32 $0xFFF, v5  }
0x193: {  	v6 =	vadd.s32 $0x400, v4;
	_ =	sdelay $0x1  }
0x194: {  	v7 =	vadd.s32 $0x800, v4;
	_ =	sdelay $0x1  }
0x195: {  	s21 =	simm.s32 $0x0  }
0x196: {  	v4 =	vld.idx.msk [tilespmem:v6+s21+$0x0], $0xffff  }
0x197: {  	v6 =	vld.idx.msk [tilespmem:v5+s21+$0x0], $0xffff  }
0x198: {  	v5 =	vld.idx.msk [tilespmem:v7+s21+$0x0], $0xffff;
	_ =	sdelay $0x2  }
0x199: {  	s25 =	smul.u32 $0x810, s20;
	v7 =	vmul.f32 v4, v0;
	_ =	sdelay $0x1  }
0x19a: {  	s22 =	smov.u32 s26;
	s23 =	simm.s32 $0x0;
	v8 =	vmul.f32 v2, v5;
	v6 =	vadd.f32 v7, v6;
	v7 =	vmov s25  }
.LBB2_6:
0x19b: {  	s1 =	scvt.s32.f32 s21  }
0x19c: {  	s5 =	scvt.s32.f32 s23;
	s6 =	simm.s32 $0x1  }
0x19d: {  	s6 =	scvt.s32.f32 s6;
	s1 =	smul.f32 $1.600000000e+01, s1  }
0x19e: {  	_ = 	snop  }
0x19f: {  	v9 =	vmul.f32 s5, v4;
	s25 =	smul.f32 $1.600000000e+01, s6;
	v10 =	vadd.f32 s1, v3;
	_ =	sdelay $0x1  }
0x1a0: {  	v9 =	vadd.f32 v9, v6;
	v11 =	vadd.f32 s25, v3;
	v10 =	vmul.f32 v10, v5;
	_ =	sdelay $0x1  }
0x1a1: {  	v11 =	vmul.f32 v11, v5;
	v10 =	vadd.f32 v10, v9;
	_ =	sdelay $0x1  }
0x1a2: {  	v13 =	vadd.f32 v11, v9;
	v12 =	vtrunc.f32 v10  }
0x1a3: {  	v11 =	vcvt.f32.s32 v12  }
0x1a4: {  	v12 =	vtrunc.f32 v13  }
0x1a5: {  	v12 =	vcvt.f32.s32 v12;
	vm0 =	vgt.s32 v11, $0x0  }
0x1a6: {  	s5 =	simm.s32 $0x2;
	v14 =	vnsel vm0, $0x0, v11  }
0x1a7: {  	s6 =	simm.s32 $0x3;
	s1 =	scvt.s32.f32 s5;
	vm11 =	vgt.s32 v12, $0x0;
	v14 =	vmin.u32 v14, $0x202  }
0x1a8: {  	s5 =	scvt.s32.f32 s6;
	v16 =	vadd.s32 v7, v14;
	v14 =	vnsel vm11, $0x0, v12  }
0x1a9: {  	s1 =	smul.f32 $1.600000000e+01, s1;
	v15 =	vadd.s32 $0x1, v16;
	v14 =	vmin.u32 v14, $0x202  }
0x1aa: {  	s7 =	smul.f32 $1.600000000e+01, s5;
	v27 =	vadd.s32 v7, v14  }
0x1ab: {  	v18 =	vadd.f32 s1, v3;
	v14 =	vadd.s32 $0x1, v27  }
0x1ac: {  	v20 =	vadd.f32 s7, v3  }
0x1ad: {  	v18 =	vmul.f32 v18, v5;
	v17 =	vld.idx.msk [tilespmem:v16+s15+$0x0], $0xffff  }
0x1ae: {  	v20 =	vmul.f32 v20, v5;
	v11 =	vcvt.s32.f32 v11;
	v15 =	vld.idx.msk [tilespmem:v15+s15+$0x0], $0xffff  }
0x1af: {  	v18 =	vadd.f32 v18, v9;
	v12 =	vcvt.s32.f32 v12;
	v19 =	vld.idx.msk [tilespmem:v27+s15+$0x0], $0xffff  }
0x1b0: {  	v20 =	vadd.f32 v20, v9;
	v10 =	vsub.f32 v10, v11;
	v14 =	vld.idx.msk [tilespmem:v14+s15+$0x0], $0xffff  }
0x1b1: {  	v12 =	vsub.f32 v13, v12  }
0x1b2: {  	v21 =	vtrunc.f32 v18;
	v25 =	vtrunc.f32 v20;
	v11 =	vsub.f32 $1.000000000e+00, v10  }
0x1b3: {  	v21 =	vcvt.f32.s32 v21;
	v25 =	vcvt.f32.s32 v25;
	v13 =	vsub.f32 $1.000000000e+00, v12  }
0x1b4: {  	v17 =	vmul.f32 v17, v11;
	v15 =	vmul.f32 v15, v10  }
0x1b5: {  	v23 =	vadd.s32 $0x205, v27;
	v19 =	vmul.f32 v19, v13;
	v14 =	vmul.f32 v14, v12  }
0x1b6: {  	vm12 =	vgt.s32 v21, $0x0;
	v24 =	vadd.s32 $0x204, v27;
	v15 =	vadd.f32 v15, v17  }
0x1b7: {  	s8 =	simm.s32 $0x4;
	v17 =	vnsel vm12, $0x0, v21;
	v14 =	vadd.f32 v14, v19  }
0x1b8: {  	s1 =	scvt.s32.f32 s8;
	v22 =	vadd.s32 $0x204, v16;
	vm13 =	vgt.s32 v25, $0x0;
	[tilespmem:s22+$0xFFFFCC30] =	vst.add.f32.msk $0xffff, v15;
	v15 =	vmin.u32 v17, $0x202  }
0x1b9: {  	v19 =	vnsel vm13, $0x0, v25;
	v17 =	vadd.s32 v7, v15;
	[tilespmem:s22+$0xFFFFCC40] =	vst.add.f32.msk $0xffff, v14  }
0x1ba: {  	s1 =	smul.f32 $1.600000000e+01, s1;
	v19 =	vmin.u32 v19, $0x202;
	v15 =	vadd.s32 $0x1, v17;
	v23 =	vld.idx.msk [tilespmem:v23+s15+$0x0], $0xffff  }
0x1bb: {  	s9 =	simm.s32 $0x5;
	v14 =	vcvt.s32.f32 v21;
	v19 =	vadd.s32 v7, v19;
	v21 =	vld.idx.msk [tilespmem:v24+s15+$0x0], $0xffff  }
0x1bc: {  	s5 =	scvt.s32.f32 s9;
	v29 =	vadd.f32 s1, v3;
	v24 =	vadd.s32 $0x205, v16  }
0x1bd: {  	v22 =	vld.idx.msk [tilespmem:v22+s15+$0x0], $0xffff;
	v14 =	vsub.f32 v18, v14;
	v18 =	vcvt.s32.f32 v25;
	v25 =	vadd.s32 $0x1, v19  }
0x1be: {  	s5 =	smul.f32 $1.600000000e+01, s5;
	v26 =	vld.idx.msk [tilespmem:v17+s15+$0x0], $0xffff  }
0x1bf: {  	v18 =	vsub.f32 v20, v18;
	v20 =	vmul.f32 v29, v5;
	v28 =	vld.idx.msk [tilespmem:v15+s15+$0x0], $0xffff  }
0x1c0: {  	v30 =	vadd.f32 s5, v3;
	v29 =	vld.idx.msk [tilespmem:v19+s15+$0x0], $0xffff;
	v21 =	vmul.f32 v21, v13;
	v23 =	vmul.f32 v23, v12  }
0x1c1: {  	v31 =	vadd.s32 $0x408, v27;
	v35 =	vadd.s32 $0x409, v27;
	v15 =	vsub.f32 $1.000000000e+00, v14;
	v32 =	vld.idx.msk [tilespmem:v24+s15+$0x0], $0xffff  }
0x1c2: {  	v22 =	vmul.f32 v22, v11;
	v33 =	vadd.f32 v20, v9;
	v25 =	vld.idx.msk [tilespmem:v25+s15+$0x0], $0xffff;
	v21 =	vadd.f32 v23, v21  }
0x1c3: {  	v20 =	vsub.f32 $1.000000000e+00, v18;
	v23 =	vmul.f32 v30, v5;
	v26 =	vmul.f32 v26, v15  }
0x1c4: {  	v30 =	vadd.s32 $0x204, v17;
	v28 =	vmul.f32 v28, v14;
	[tilespmem:s22+$0xFFFFDD80] =	vst.add.f32.msk $0xffff, v21;
	v21 =	vtrunc.f32 v33  }
0x1c5: {  	v24 =	vadd.f32 v23, v9;
	v29 =	vmul.f32 v29, v20;
	v21 =	vcvt.f32.s32 v21  }
0x1c6: {  	v31 =	vld.idx.msk [tilespmem:v31+s15+$0x0], $0xffff;
	v23 =	vadd.f32 v28, v26;
	v26 =	vadd.s32 $0x409, v16;
	v28 =	vmul.f32 v32, v10  }
0x1c7: {  	s25 =	sadd.s32 $0x20, s22;
	v34 =	vadd.s32 $0x408, v16;
	v35 =	vld.idx.msk [tilespmem:v35+s15+$0x0], $0xffff;
	v63 =	vtrunc.f32 v24;
	v25 =	vmul.f32 v25, v18  }
0x1c8: {  	v32 =	vcvt.f32.s32 v63;
	vm14 =	vgt.s32 v21, $0x0;
	[tilespmem:s25+$0xFFFFCC30] =	vst.add.f32.msk $0xffff, v23;
	v22 =	vadd.f32 v28, v22  }
0x1c9: {  	v36 =	vadd.s32 $0x204, v19;
	v28 =	vadd.s32 $0x205, v19;
	v23 =	vnsel vm14, $0x0, v21;
	v37 =	vld.idx.msk [tilespmem:v30+s15+$0x0], $0xffff  }
0x1ca: {  	v25 =	vadd.f32 v25, v29;
	vm15 =	vgt.s32 v32, $0x0;
	v23 =	vmin.u32 v23, $0x202;
	[tilespmem:s22+$0xFFFFDD70] =	vst.add.f32.msk $0xffff, v22  }
0x1cb: {  	v21 =	vcvt.s32.f32 v21;
	v30 =	vnsel vm15, $0x0, v32;
	v23 =	vadd.s32 v7, v23;
	v38 =	vld.idx.msk [tilespmem:v26+s15+$0x0], $0xffff  }
0x1cc: {  	[tilespmem:s25+$0xFFFFCC40] =	vst.add.f32.msk $0xffff, v25;
	v39 =	vmul.f32 v31, v13;
	v40 =	vmul.f32 v35, v12;
	v26 =	vmin.u32 v30, $0x202  }
0x1cd: {  	s24 =	smul.u32 $0x5C0, s23;
	v22 =	vadd.s32 $0x205, v17;
	v21 =	vsub.f32 v33, v21;
	v30 =	vld.idx.msk [tilespmem:v34+s15+$0x0], $0xffff;
	v26 =	vadd.s32 v7, v26  }
0x1ce: {  	v32 =	vcvt.s32.f32 v32;
	v33 =	vadd.s32 $0x1, v23;
	v36 =	vld.idx.msk [tilespmem:v36+s15+$0x0], $0xffff;
	v39 =	vadd.f32 v40, v39  }
0x1cf: {  	s6 =	simm.s32 $0x6;
	s1 =	sshra.s32 s24, $0x2;
	v29 =	vadd.s32 $0x1, v26;
	v34 =	vld.idx.msk [tilespmem:v28+s15+$0x0], $0xffff;
	v28 =	vadd.s32 $0x205, v23;
	v25 =	vmul.f32 v37, v15  }
0x1d0: {  	s5 =	smov.u32 s25;
	s24 =	sadd.s32 s1, s31;
	s1 =	smov.u32 s22;
	v37 =	vadd.s32 $0x60C, v27;
	v31 =	vld.idx.msk [tilespmem:v23+s15+$0x0], $0xffff;
	v35 =	vmul.f32 v38, v10;
	v38 =	vadd.s32 $0x60D, v27  }
.LBB2_7:
0x1d1: {  	s7 =	smov.u32 s6  }
0x1d2: {  	s8 =	scvt.s32.f32 s6;
	s9 =	sadd.s32 $0x1, s6;
	v40 =	vld.idx.msk [tilespmem:v26+s15+$0x0], $0xffff;
	v27 =	vmov v26;
	s7 =	sadd.s32 $0x2, s6  }
0x1d3: {  	p0 =	slt.u32 s6, $0x14;
	v26 =	vadd.s32 $0x60D, v16;
	s9 =	scvt.s32.f32 s9;
	[tilespmem:s1+$0xFFFFEEC0] =	vst.add.f32.msk $0xffff, v39  }
0x1d4: {  	v41 =	vadd.s32 $0x408, v19;
	v42 =	vadd.s32 $0x60C, v16;
	v16 =	vmovc v17;
	s6 =	smul.f32 $1.600000000e+01, s8;
	v39 =	vadd.s32 $0x408, v17;
	v17 =	vmovc v23;
	v33 =	vld.idx.msk [tilespmem:v33+s15+$0x0], $0xffff  }
0x1d5: {  	v32 =	vsub.f32 v24, v32;
	v24 =	vmul.f32 v30, v11;
	v23 =	vsub.f32 $1.000000000e+00, v21;
	s8 =	smul.f32 $1.600000000e+01, s9;
	v30 =	vld.idx.msk [tilespmem:v37+s15+$0x0], $0xffff  }
0x1d6: {  	v34 =	vmul.f32 v34, v18;
	v36 =	vmul.f32 v36, v20;
	v37 =	vadd.f32 s6, v3;
	v38 =	vld.idx.msk [tilespmem:v38+s15+$0x0], $0xffff  }
0x1d7: {  	v24 =	vadd.f32 v35, v24;
	v31 =	vmul.f32 v31, v23;
	v43 =	vadd.f32 s8, v3;
	v44 =	vld.idx.msk [tilespmem:v22+s15+$0x0], $0xffff;
	v22 =	vmovc v28  }
0x1d8: {  	v35 =	vsub.f32 $1.000000000e+00, v32;
	v34 =	vadd.f32 v34, v36;
	v28 =	vmul.f32 v37, v5;
	v29 =	vld.idx.msk [tilespmem:v29+s15+$0x0], $0xffff  }
0x1d9: {  	s25 =	sadd.s32 $0x20, s25;
	v37 =	vadd.s32 $0x204, v17;
	v36 =	vmul.f32 v43, v5;
	v43 =	vadd.s32 $0x409, v16;
	[tilespmem:s1+$0xFFFFEEB0] =	vst.add.f32.msk $0xffff, v24  }
0x1da: {  	v40 =	vmul.f32 v40, v35;
	v28 =	vadd.f32 v28, v9;
	v33 =	vmul.f32 v33, v21;
	[tilespmem:s5+$0xFFFFDD80] =	vst.add.f32.msk $0xffff, v34  }
0x1db: {  	v24 =	vadd.f32 v36, v9;
	v34 =	vadd.s32 $0x409, v19;
	v30 =	vmul.f32 v30, v13;
	v13 =	vmovc v20;
	v36 =	vld.idx.msk [tilespmem:v42+s15+$0x0], $0xffff  }
0x1dc: {  	v42 =	vtrunc.f32 v28;
	v31 =	vadd.f32 v33, v31;
	v33 =	vmul.f32 v38, v12;
	v12 =	vmovc v18;
	v26 =	vld.idx.msk [tilespmem:v26+s15+$0x0], $0xffff  }
0x1dd: {  	v45 =	vadd.s32 $0x204, v27;
	v20 =	vmovc v35;
	v18 =	vmovc v32;
	v38 =	vtrunc.f32 v24;
	v44 =	vmul.f32 v44, v14;
	v41 =	vld.idx.msk [tilespmem:v41+s15+$0x0], $0xffff  }
0x1de: {  	v32 =	vcvt.f32.s32 v42;
	v35 =	vcvt.f32.s32 v38;
	v30 =	vadd.f32 v33, v30;
	[tilespmem:s25+$0xFFFFCC30] =	vst.add.f32.msk $0xffff, v31  }
0x1df: {  	v29 =	vmul.f32 v29, v18;
	v25 =	vadd.f32 v44, v25;
	v31 =	vld.idx.msk [tilespmem:v37+s15+$0x0], $0xffff;
	v37 =	vadd.s32 $0x205, v27  }
0x1e0: {  	v33 =	vcvt.s32.f32 v32;
	vm0 =	vgt.s32 v32, $0x0;
	vm1 =	vgt.s32 v35, $0x0;
	[tilespmem:s1+$0x0] =	vst.add.f32.msk $0xffff, v30  }
0x1e1: {  	v30 =	vnsel vm0, $0x0, v32;
	v32 =	vnsel vm1, $0x0, v35;
	v38 =	vld.idx.msk [tilespmem:v34+s15+$0x0], $0xffff;
	v34 =	vmul.f32 v36, v11;
	v11 =	vmovc v15;
	v15 =	vmovc v23  }
0x1e2: {  	v23 =	vmin.u32 v30, $0x202;
	v30 =	vmin.u32 v32, $0x202;
	[tilespmem:s5+$0xFFFFDD70] =	vst.add.f32.msk $0xffff, v25;
	v25 =	vmul.f32 v26, v10;
	v10 =	vmovc v14;
	v14 =	vmovc v21  }
0x1e3: {  	v21 =	vsub.f32 v28, v33;
	v23 =	vadd.s32 v7, v23;
	v28 =	vadd.f32 v29, v40;
	v40 =	vld.idx.msk [tilespmem:v43+s15+$0x0], $0xffff  }
0x1e4: {  	v26 =	vadd.s32 v7, v30;
	v33 =	vadd.s32 $0x1, v23;
	v30 =	vld.idx.msk [tilespmem:v39+s15+$0x0], $0xffff;
	v34 =	vadd.f32 v25, v34  }
.Ltmp1:
0x1e5: {  	v32 =	vcvt.s32.f32 v35;
	v29 =	vadd.s32 $0x1, v26;
	v39 =	vmul.f32 v41, v13;
	[tilespmem:s25+$0xFFFFCC40] =	vst.add.f32.msk $0xffff, v28;
	(pc) =	sbr.rel @p0 .LBB2_7-.Ltmp1, $4  }
0x1e6: {  	v25 =	vmul.f32 v31, v15;
	v28 =	vadd.s32 $0x205, v23;
	[tilespmem:s1+$0xFFFFFFF0] =	vst.add.f32.msk $0xffff, v34;
	s1 =	smov.u32 s5;
	s5 =	smov.u32 s25  }
0x1e7: {  	v38 =	vmul.f32 v38, v12;
	v34 =	vld.idx.msk [tilespmem:v37+s15+$0x0], $0xffff  }
0x1e8: {  	v37 =	vadd.s32 $0x60C, v19;
	v36 =	vld.idx.msk [tilespmem:v45+s15+$0x0], $0xffff  }
0x1e9: {  	s6 =	smov.u32 s7;
	v35 =	vmul.f32 v40, v10;
	v39 =	vadd.f32 v38, v39;
	v38 =	vadd.s32 $0x60D, v19;
	v19 =	vmovc v27;
	v31 =	vld.idx.msk [tilespmem:v23+s15+$0x0], $0xffff  }
0x1ea: {  	_ =	sdelay $0x3  }
0x1eb: {  	v27 =	vld.idx.msk [tilespmem:v26+s15+$0x0], $0xffff  }
0x1ec: {  	v33 =	vld.idx.msk [tilespmem:v33+s15+$0x0], $0xffff  }
0x1ed: {  	v29 =	vld.idx.msk [tilespmem:v29+s15+$0x0], $0xffff  }
0x1ee: {  	v59 =	vadd.s32 $0x60C, v16;
	v30 =	vmul.f32 v30, v11;
	v22 =	vld.idx.msk [tilespmem:v22+s15+$0x0], $0xffff  }
0x1ef: {  	v24 =	vsub.f32 v24, v32;
	v60 =	vadd.s32 $0x408, v19;
	[tilespmem:s1+$0xFFFFEEC0] =	vst.add.f32.msk $0xffff, v39  }
0x1f0: {  	v32 =	vld.idx.msk [tilespmem:v37+s15+$0x0], $0xffff;
	v34 =	vmul.f32 v34, v18;
	v30 =	vadd.f32 v35, v30;
	v36 =	vmul.f32 v36, v20  }
0x1f1: {  	v61 =	vadd.s32 $0x409, v19;
	v38 =	vld.idx.msk [tilespmem:v38+s15+$0x0], $0xffff;
	v35 =	vsub.f32 $1.000000000e+00, v24  }
0x1f2: {  	[tilespmem:s1+$0xFFFFEEB0] =	vst.add.f32.msk $0xffff, v30;
	v34 =	vadd.f32 v34, v36  }
0x1f3: {  	v62 =	vadd.s32 $0x205, v26;
	v27 =	vmul.f32 v27, v35;
	v29 =	vmul.f32 v29, v24;
	v39 =	vld.idx.msk [tilespmem:v59+s15+$0x0], $0xffff  }
0x1f4: {  	v40 =	vadd.s32 $0x204, v26;
	[tilespmem:s5+$0xFFFFDD80] =	vst.add.f32.msk $0xffff, v34;
	v34 =	vsub.f32 $1.000000000e+00, v21  }
0x1f5: {  	v27 =	vadd.f32 v29, v27;
	v37 =	vld.idx.msk [tilespmem:v60+s15+$0x0], $0xffff  }
0x1f6: {  	v41 =	vadd.s32 $0x204, v23;
	s6 =	sadd.s32 $0x20, s25;
	v33 =	vmul.f32 v33, v21;
	v36 =	vld.idx.msk [tilespmem:v61+s15+$0x0], $0xffff;
	v63 =	vmul.f32 v31, v34  }
0x1f7: {  	[tilespmem:s6+$0xFFFFCC40] =	vst.add.f32.msk $0xffff, v27  }
0x1f8: {  	v42 =	vadd.s32 $0x60D, v16;
	v44 =	vld.idx.msk [tilespmem:v62+s15+$0x0], $0xffff;
	v43 =	vadd.f32 v33, v63  }
0x1f9: {  	v45 =	vld.idx.msk [tilespmem:v40+s15+$0x0], $0xffff  }
0x1fa: {  	v47 =	vadd.s32 $0x408, v17;
	v22 =	vmul.f32 v22, v14;
	[tilespmem:s6+$0xFFFFCC30] =	vst.add.f32.msk $0xffff, v43  }
0x1fb: {  	v46 =	vadd.s32 $0x409, v17;
	v31 =	vld.idx.msk [tilespmem:v41+s15+$0x0], $0xffff  }
0x1fc: {  	v22 =	vadd.f32 v22, v25;
	v48 =	vld.idx.msk [tilespmem:v28+s15+$0x0], $0xffff  }
0x1fd: {  	v16 =	vld.idx.msk [tilespmem:v42+s15+$0x0], $0xffff;
	v49 =	vmul.f32 v37, v20;
	v36 =	vmul.f32 v36, v18  }
0x1fe: {  	v50 =	vadd.s32 $0x408, v26;
	[tilespmem:s5+$0xFFFFDD70] =	vst.add.f32.msk $0xffff, v22;
	v30 =	vmul.f32 v45, v35;
	v29 =	vmul.f32 v44, v24  }
0x1ff: {  	v51 =	vadd.s32 $0x409, v26;
	v27 =	vld.idx.msk [tilespmem:v47+s15+$0x0], $0xffff;
	v28 =	vadd.f32 v36, v49  }
0x200: {  	v33 =	vld.idx.msk [tilespmem:v46+s15+$0x0], $0xffff;
	v29 =	vadd.f32 v29, v30  }
0x201: {  	v53 =	vadd.s32 $0x409, v23;
	[tilespmem:s5+$0xFFFFEEC0] =	vst.add.f32.msk $0xffff, v28;
	v52 =	vmul.f32 v31, v34;
	v25 =	vmul.f32 v48, v21  }
0x202: {  	v54 =	vadd.s32 $0x408, v23;
	[tilespmem:s6+$0xFFFFDD80] =	vst.add.f32.msk $0xffff, v29  }
0x203: {  	v56 =	vadd.s32 $0x60D, v19;
	v22 =	vld.idx.msk [tilespmem:v50+s15+$0x0], $0xffff;
	v25 =	vadd.f32 v25, v52  }
0x204: {  	v55 =	vadd.s32 $0x60C, v19;
	v57 =	vld.idx.msk [tilespmem:v51+s15+$0x0], $0xffff  }
0x205: {  	[tilespmem:s6+$0xFFFFDD70] =	vst.add.f32.msk $0xffff, v25  }
0x206: {  	v59 =	vadd.s32 $0x60C, v17;
	v27 =	vmul.f32 v27, v15;
	v58 =	vmul.f32 v33, v14;
	v28 =	vld.idx.msk [tilespmem:v53+s15+$0x0], $0xffff  }
0x207: {  	v60 =	vadd.s32 $0x60D, v17;
	v31 =	vld.idx.msk [tilespmem:v54+s15+$0x0], $0xffff  }
0x208: {  	v19 =	vld.idx.msk [tilespmem:v56+s15+$0x0], $0xffff;
	v25 =	vadd.f32 v58, v27  }
0x209: {  	v62 =	vadd.s32 $0x60C, v26;
	v29 =	vld.idx.msk [tilespmem:v55+s15+$0x0], $0xffff;
	v22 =	vmul.f32 v22, v35;
	v61 =	vmul.f32 v57, v24  }
0x20a: {  	v63 =	vadd.s32 $0x60D, v26;
	[tilespmem:s5+$0xFFFFEEB0] =	vst.add.f32.msk $0xffff, v25  }
0x20b: {  	v36 =	vld.idx.msk [tilespmem:v59+s15+$0x0], $0xffff;
	v22 =	vadd.f32 v61, v22  }
0x20c: {  	v40 =	vadd.s32 $0x60C, v23;
	v17 =	vld.idx.msk [tilespmem:v60+s15+$0x0], $0xffff;
	v37 =	vmul.f32 v28, v21;
	v31 =	vmul.f32 v31, v34  }
0x20d: {  	v41 =	vadd.s32 $0x60D, v23;
	[tilespmem:s6+$0xFFFFEEC0] =	vst.add.f32.msk $0xffff, v22  }
0x20e: {  	v9 =	vadd.f32 v9, v8;
	v22 =	vld.idx.msk [tilespmem:v62+s15+$0x0], $0xffff;
	v27 =	vadd.f32 v37, v31  }
0x20f: {  	v13 =	vmul.f32 v32, v13;
	v12 =	vmul.f32 v38, v12;
	v25 =	vld.idx.msk [tilespmem:v63+s15+$0x0], $0xffff  }
0x210: {  	v11 =	vmul.f32 v39, v11;
	v44 =	vtrunc.f32 v9;
	[tilespmem:s6+$0xFFFFEEB0] =	vst.add.f32.msk $0xffff, v27  }
0x211: {  	v10 =	vmul.f32 v16, v10;
	v47 =	vcvt.f32.s32 v44;
	v43 =	vld.idx.msk [tilespmem:v40+s15+$0x0], $0xffff  }
0x212: {  	v45 =	vmul.f32 v19, v18;
	v42 =	vmul.f32 v29, v20;
	v46 =	vld.idx.msk [tilespmem:v41+s15+$0x0], $0xffff  }
0x213: {  	v12 =	vadd.f32 v12, v13;
	vm0 =	vgt.s32 v47, $0x0  }
0x214: {  	v10 =	vadd.f32 v10, v11;
	v51 =	vnsel vm0, $0x0, v47;
	v11 =	vadd.f32 v45, v42  }
0x215: {  	v48 =	vmul.f32 v36, v15;
	v49 =	vmul.f32 v17, v14;
	v14 =	vmin.u32 v51, $0x202  }
0x216: {  	[tilespmem:s1+$0x0] =	vst.add.f32.msk $0xffff, v12;
	v14 =	vadd.s32 v7, v14;
	v52 =	vmul.f32 v22, v35;
	v53 =	vmul.f32 v25, v24  }
0x217: {  	[tilespmem:s1+$0xFFFFFFF0] =	vst.add.f32.msk $0xffff, v10;
	v50 =	vadd.f32 v49, v48;
	v10 =	vmul.f32 v43, v34;
	v54 =	vmul.f32 v46, v21  }
0x218: {  	[tilespmem:s5+$0x0] =	vst.add.f32.msk $0xffff, v11;
	v55 =	vadd.s32 $0x1, v14;
	v11 =	vadd.f32 v53, v52  }
0x219: {  	[tilespmem:s5+$0xFFFFFFF0] =	vst.add.f32.msk $0xffff, v50;
	v10 =	vadd.f32 v54, v10  }
0x21a: {  	[tilespmem:s6+$0x0] =	vst.add.f32.msk $0xffff, v11  }
0x21b: {  	[tilespmem:s6+$0xFFFFFFF0] =	vst.add.f32.msk $0xffff, v10  }
0x21c: {  	v10 =	vcvt.s32.f32 v47;
	v11 =	vld.idx.msk [tilespmem:v14+s15+$0x0], $0xffff  }
0x21d: {  	v12 =	vld.idx.msk [tilespmem:v55+s15+$0x0], $0xffff  }
0x21e: {  	v9 =	vsub.f32 v9, v10;
	_ =	sdelay $0x1  }
0x21f: {  	v10 =	vsub.f32 $1.000000000e+00, v9;
	_ =	sdelay $0x1  }
0x220: {  	v56 =	vadd.s32 $0x204, v14;
	v11 =	vmul.f32 v11, v10;
	v12 =	vmul.f32 v12, v9  }
0x221: {  	v57 =	vadd.s32 $0x205, v14  }
0x222: {  	v11 =	vadd.f32 v12, v11;
	_ =	sdelay $0x1  }
0x223: {  	[tilespmem:s24+$0x160] =	vst.add.f32.msk $0xffff, v11  }
0x224: {  	v11 =	vld.idx.msk [tilespmem:v56+s15+$0x0], $0xffff  }
0x225: {  	v58 =	vld.idx.msk [tilespmem:v57+s15+$0x0], $0xffff;
	_ =	sdelay $0x4  }
0x226: {  	v59 =	vadd.s32 $0x408, v14;
	v11 =	vmul.f32 v11, v10;
	v12 =	vmul.f32 v58, v9  }
0x227: {  	v60 =	vadd.s32 $0x409, v14  }
0x228: {  	v11 =	vadd.f32 v12, v11;
	_ =	sdelay $0x1  }
0x229: {  	[tilespmem:s24+$0x12A0] =	vst.add.f32.msk $0xffff, v11  }
0x22a: {  	v11 =	vld.idx.msk [tilespmem:v59+s15+$0x0], $0xffff  }
0x22b: {  	v61 =	vld.idx.msk [tilespmem:v60+s15+$0x0], $0xffff;
	_ =	sdelay $0x4  }
0x22c: {  	v62 =	vadd.s32 $0x60C, v14;
	v11 =	vmul.f32 v11, v10;
	v12 =	vmul.f32 v61, v9  }
0x22d: {  	v14 =	vadd.s32 $0x60D, v14  }
0x22e: {  	v11 =	vadd.f32 v12, v11;
	_ =	sdelay $0x1  }
0x22f: {  	[tilespmem:s24+$0x23E0] =	vst.add.f32.msk $0xffff, v11  }
0x230: {  	v11 =	vld.idx.msk [tilespmem:v62+s15+$0x0], $0xffff  }
0x231: {  	v63 =	vld.idx.msk [tilespmem:v14+s15+$0x0], $0xffff;
	_ =	sdelay $0x2  }
0x232: {  	s23 =	sadd.s32 $0x1, s23  }
0x233: {  	p0 =	sne.s32 s23, $0xC  }
.Ltmp2:
0x234: {  	v10 =	vmul.f32 v11, v10;
	v9 =	vmul.f32 v63, v9;
	(pc) =	sbr.rel @p0 .LBB2_6-.Ltmp2, $3  }
0x235: {  	_ = 	snop  }
0x236: {  	v9 =	vadd.f32 v9, v10;
	_ =	sdelay $0x1  }
0x237: {  	s22 =	sadd.s32 $0x170, s22;
	[tilespmem:s24+$0x3520] =	vst.add.f32.msk $0xffff, v9  }
0x238: {  	s20 =	sadd.s32 $0x1, s20  }
0x239: {  	p0 =	sne.s32 s20, $0xA  }
.Ltmp3:
0x23a: {  	_ = 	snop;
	(pc) =	sbr.rel @p0 .LBB2_5-.Ltmp3, $1  }
0x23b: {  	_ =	sdelay $0x3  }
0x23c: {  	s1 =	sadd.s32 $0x2, s2  }
0x23d: {  	s2 =	smul.u32 $0xA14, s1  }
0x23e: {  	p0 =	seq.s32 s1, $0x64  }
0x23f: {  	s2 =	simm.s32 @p0 $0x0  }
0x240: {  	s25 =	sadd.s32 s4, s2;
	s2 =	simm.s32 $0x0  }
0x241: {  	[tilespmem:s15], [sflag:$0x1] =	stream.linear.gather [hbm4b:s25+s2], $0x50A0, $0x38;
	[tilespmem:$0x13800] =	vst v63  }
0x242: {  	_ =	swait.ge [sflag:s18], $0x50A0  }
0x243: {  	[sflag:s18] =	ssyncset.done $0x0  }
0x244: {  	s0 =	smul.u32 $0xA, s0;
	s19 =	simm.s32 $0x0;
	[sflag:s18] =	ssyncadd.s32 $0xFFFFAF60  }
.LBB2_11:
0x245: {  	_ = 	snop  }
0x246: {  	s1 =	sadd.s32 s0, s19  }
0x247: {  	v5 =	vmov s1  }
0x248: {  	v4 =	vand.u32 $0x7FFFFFFF, v5  }
0x249: {  	v6 =	vadd.s32 $0x400, v4;
	_ =	sdelay $0x1  }
0x24a: {  	v7 =	vadd.s32 $0x800, v4;
	_ =	sdelay $0x2  }
0x24b: {  	v4 =	vld.idx.msk [tilespmem:v6+s2+$0x0], $0xffff  }
0x24c: {  	v6 =	vld.idx.msk [tilespmem:v5+s2+$0x0], $0xffff  }
0x24d: {  	v5 =	vld.idx.msk [tilespmem:v7+s2+$0x0], $0xffff;
	_ =	sdelay $0x2  }
0x24e: {  	s25 =	smul.u32 $0x810, s19;
	v7 =	vmul.f32 v4, v0;
	_ =	sdelay $0x1  }
0x24f: {  	s20 =	smov.u32 s26;
	s1 =	simm.s32 $0x0;
	v8 =	vmul.f32 v2, v5;
	v6 =	vadd.f32 v7, v6;
	v7 =	vmov s25  }
.LBB2_12:
0x250: {  	s5 =	simm.s32 $0x0  }
0x251: {  	s5 =	scvt.s32.f32 s5  }
0x252: {  	s6 =	scvt.s32.f32 s1;
	s7 =	simm.s32 $0x1  }
0x253: {  	s7 =	scvt.s32.f32 s7;
	s5 =	smul.f32 $1.600000000e+01, s5  }
0x254: {  	_ = 	snop  }
0x255: {  	v9 =	vmul.f32 s6, v4;
	s8 =	smul.f32 $1.600000000e+01, s7;
	v10 =	vadd.f32 s5, v3;
	_ =	sdelay $0x1  }
0x256: {  	v9 =	vadd.f32 v9, v6;
	v11 =	vadd.f32 s8, v3;
	v10 =	vmul.f32 v10, v5;
	_ =	sdelay $0x1  }
0x257: {  	v11 =	vmul.f32 v11, v5;
	v10 =	vadd.f32 v10, v9;
	_ =	sdelay $0x1  }
0x258: {  	v13 =	vadd.f32 v11, v9;
	v12 =	vtrunc.f32 v10  }
0x259: {  	v11 =	vcvt.f32.s32 v12  }
0x25a: {  	v12 =	vtrunc.f32 v13  }
0x25b: {  	v12 =	vcvt.f32.s32 v12;
	vm0 =	vgt.s32 v11, $0x0  }
0x25c: {  	s21 =	simm.s32 $0x3;
	v14 =	vnsel vm0, $0x0, v11  }
0x25d: {  	s9 =	simm.s32 $0x2;
	s6 =	scvt.s32.f32 s21;
	vm11 =	vgt.s32 v12, $0x0;
	v14 =	vmin.u32 v14, $0x202  }
0x25e: {  	s5 =	scvt.s32.f32 s9;
	v16 =	vadd.s32 v7, v14;
	v14 =	vnsel vm11, $0x0, v12  }
0x25f: {  	s22 =	smul.f32 $1.600000000e+01, s6;
	v15 =	vadd.s32 $0x1, v16;
	v14 =	vmin.u32 v14, $0x202  }
0x260: {  	s5 =	smul.f32 $1.600000000e+01, s5;
	v27 =	vadd.s32 v7, v14  }
0x261: {  	v20 =	vadd.f32 s22, v3;
	v14 =	vadd.s32 $0x1, v27  }
0x262: {  	v18 =	vadd.f32 s5, v3  }
0x263: {  	v20 =	vmul.f32 v20, v5;
	v17 =	vld.idx.msk [tilespmem:v16+s16+$0x0], $0xffff  }
0x264: {  	v18 =	vmul.f32 v18, v5;
	v11 =	vcvt.s32.f32 v11;
	v15 =	vld.idx.msk [tilespmem:v15+s16+$0x0], $0xffff  }
0x265: {  	v20 =	vadd.f32 v20, v9;
	v12 =	vcvt.s32.f32 v12;
	v19 =	vld.idx.msk [tilespmem:v27+s16+$0x0], $0xffff  }
0x266: {  	v18 =	vadd.f32 v18, v9;
	v10 =	vsub.f32 v10, v11;
	v14 =	vld.idx.msk [tilespmem:v14+s16+$0x0], $0xffff  }
0x267: {  	v12 =	vsub.f32 v13, v12  }
0x268: {  	v25 =	vtrunc.f32 v20;
	v21 =	vtrunc.f32 v18;
	v11 =	vsub.f32 $1.000000000e+00, v10  }
0x269: {  	v25 =	vcvt.f32.s32 v25;
	v21 =	vcvt.f32.s32 v21;
	v13 =	vsub.f32 $1.000000000e+00, v12  }
0x26a: {  	v17 =	vmul.f32 v17, v11;
	v15 =	vmul.f32 v15, v10  }
0x26b: {  	v23 =	vadd.s32 $0x205, v27;
	v19 =	vmul.f32 v19, v13;
	v14 =	vmul.f32 v14, v12  }
0x26c: {  	vm12 =	vgt.s32 v21, $0x0;
	v24 =	vadd.s32 $0x204, v27;
	v15 =	vadd.f32 v15, v17  }
0x26d: {  	s23 =	simm.s32 $0x4;
	v17 =	vnsel vm12, $0x0, v21;
	v14 =	vadd.f32 v14, v19  }
0x26e: {  	s5 =	scvt.s32.f32 s23;
	vm13 =	vgt.s32 v25, $0x0;
	v22 =	vadd.s32 $0x204, v16;
	[tilespmem:s20+$0xFFFFCC30] =	vst.add.f32.msk $0xffff, v15;
	v15 =	vmin.u32 v17, $0x202  }
0x26f: {  	v19 =	vnsel vm13, $0x0, v25;
	v17 =	vadd.s32 v7, v15;
	[tilespmem:s20+$0xFFFFCC40] =	vst.add.f32.msk $0xffff, v14  }
0x270: {  	s5 =	smul.f32 $1.600000000e+01, s5;
	v19 =	vmin.u32 v19, $0x202;
	v15 =	vadd.s32 $0x1, v17;
	v23 =	vld.idx.msk [tilespmem:v23+s16+$0x0], $0xffff  }
0x271: {  	s24 =	simm.s32 $0x5;
	v14 =	vcvt.s32.f32 v21;
	v19 =	vadd.s32 v7, v19;
	v21 =	vld.idx.msk [tilespmem:v24+s16+$0x0], $0xffff  }
0x272: {  	s6 =	scvt.s32.f32 s24;
	v29 =	vadd.f32 s5, v3;
	v24 =	vadd.s32 $0x205, v16  }
0x273: {  	v22 =	vld.idx.msk [tilespmem:v22+s16+$0x0], $0xffff;
	v14 =	vsub.f32 v18, v14;
	v18 =	vcvt.s32.f32 v25;
	v25 =	vadd.s32 $0x1, v19  }
0x274: {  	s6 =	smul.f32 $1.600000000e+01, s6;
	v26 =	vld.idx.msk [tilespmem:v17+s16+$0x0], $0xffff  }
0x275: {  	v18 =	vsub.f32 v20, v18;
	v20 =	vmul.f32 v29, v5;
	v28 =	vld.idx.msk [tilespmem:v15+s16+$0x0], $0xffff  }
0x276: {  	v30 =	vadd.f32 s6, v3;
	v29 =	vld.idx.msk [tilespmem:v19+s16+$0x0], $0xffff;
	v21 =	vmul.f32 v21, v13;
	v23 =	vmul.f32 v23, v12  }
0x277: {  	v31 =	vadd.s32 $0x408, v27;
	v35 =	vadd.s32 $0x409, v27;
	v15 =	vsub.f32 $1.000000000e+00, v14;
	v32 =	vld.idx.msk [tilespmem:v24+s16+$0x0], $0xffff  }
0x278: {  	v22 =	vmul.f32 v22, v11;
	v33 =	vadd.f32 v20, v9;
	v25 =	vld.idx.msk [tilespmem:v25+s16+$0x0], $0xffff;
	v21 =	vadd.f32 v23, v21  }
0x279: {  	v20 =	vsub.f32 $1.000000000e+00, v18;
	v23 =	vmul.f32 v30, v5;
	v26 =	vmul.f32 v26, v15  }
0x27a: {  	v30 =	vadd.s32 $0x204, v17;
	v28 =	vmul.f32 v28, v14;
	[tilespmem:s20+$0xFFFFDD80] =	vst.add.f32.msk $0xffff, v21;
	v21 =	vtrunc.f32 v33  }
0x27b: {  	v24 =	vadd.f32 v23, v9;
	v29 =	vmul.f32 v29, v20;
	v21 =	vcvt.f32.s32 v21  }
0x27c: {  	v31 =	vld.idx.msk [tilespmem:v31+s16+$0x0], $0xffff;
	v23 =	vadd.f32 v28, v26;
	v26 =	vadd.s32 $0x409, v16;
	v28 =	vmul.f32 v32, v10  }
0x27d: {  	s5 =	sadd.s32 $0x20, s20;
	v34 =	vadd.s32 $0x408, v16;
	v35 =	vld.idx.msk [tilespmem:v35+s16+$0x0], $0xffff;
	v63 =	vtrunc.f32 v24;
	v25 =	vmul.f32 v25, v18  }
0x27e: {  	v32 =	vcvt.f32.s32 v63;
	vm14 =	vgt.s32 v21, $0x0;
	[tilespmem:s5+$0xFFFFCC30] =	vst.add.f32.msk $0xffff, v23;
	v22 =	vadd.f32 v28, v22  }
0x27f: {  	v36 =	vadd.s32 $0x204, v19;
	v28 =	vadd.s32 $0x205, v19;
	v23 =	vnsel vm14, $0x0, v21;
	v37 =	vld.idx.msk [tilespmem:v30+s16+$0x0], $0xffff  }
0x280: {  	v25 =	vadd.f32 v25, v29;
	vm15 =	vgt.s32 v32, $0x0;
	v23 =	vmin.u32 v23, $0x202;
	[tilespmem:s20+$0xFFFFDD70] =	vst.add.f32.msk $0xffff, v22  }
0x281: {  	v21 =	vcvt.s32.f32 v21;
	v30 =	vnsel vm15, $0x0, v32;
	v23 =	vadd.s32 v7, v23;
	v38 =	vld.idx.msk [tilespmem:v26+s16+$0x0], $0xffff  }
0x282: {  	[tilespmem:s5+$0xFFFFCC40] =	vst.add.f32.msk $0xffff, v25;
	v39 =	vmul.f32 v31, v13;
	v40 =	vmul.f32 v35, v12;
	v26 =	vmin.u32 v30, $0x202  }
0x283: {  	s25 =	smul.u32 $0x5C0, s1;
	v22 =	vadd.s32 $0x205, v17;
	v21 =	vsub.f32 v33, v21;
	v30 =	vld.idx.msk [tilespmem:v34+s16+$0x0], $0xffff;
	v26 =	vadd.s32 v7, v26  }
0x284: {  	v32 =	vcvt.s32.f32 v32;
	v33 =	vadd.s32 $0x1, v23;
	v36 =	vld.idx.msk [tilespmem:v36+s16+$0x0], $0xffff;
	v39 =	vadd.f32 v40, v39  }
0x285: {  	s7 =	simm.s32 $0x6;
	s6 =	sshra.s32 s25, $0x2;
	v29 =	vadd.s32 $0x1, v26;
	v34 =	vld.idx.msk [tilespmem:v28+s16+$0x0], $0xffff;
	v28 =	vadd.s32 $0x205, v23;
	v25 =	vmul.f32 v37, v15  }
0x286: {  	s22 =	smov.u32 s20;
	s21 =	sadd.s32 s6, s31;
	s23 =	smov.u32 s5;
	v37 =	vadd.s32 $0x60C, v27;
	v31 =	vld.idx.msk [tilespmem:v23+s16+$0x0], $0xffff;
	v35 =	vmul.f32 v38, v10;
	v38 =	vadd.s32 $0x60D, v27  }
.LBB2_13:
0x287: {  	s6 =	smov.u32 s7  }
0x288: {  	s8 =	scvt.s32.f32 s7;
	s9 =	sadd.s32 $0x1, s7;
	v40 =	vld.idx.msk [tilespmem:v26+s16+$0x0], $0xffff;
	v27 =	vmov v26;
	s6 =	sadd.s32 $0x2, s7  }
0x289: {  	p0 =	slt.u32 s7, $0x14;
	v26 =	vadd.s32 $0x60D, v16;
	s9 =	scvt.s32.f32 s9;
	[tilespmem:s22+$0xFFFFEEC0] =	vst.add.f32.msk $0xffff, v39  }
0x28a: {  	v41 =	vadd.s32 $0x408, v19;
	v42 =	vadd.s32 $0x60C, v16;
	v16 =	vmovc v17;
	s7 =	smul.f32 $1.600000000e+01, s8;
	v39 =	vadd.s32 $0x408, v17;
	v17 =	vmovc v23;
	v33 =	vld.idx.msk [tilespmem:v33+s16+$0x0], $0xffff  }
0x28b: {  	v32 =	vsub.f32 v24, v32;
	v24 =	vmul.f32 v30, v11;
	v23 =	vsub.f32 $1.000000000e+00, v21;
	s8 =	smul.f32 $1.600000000e+01, s9;
	v30 =	vld.idx.msk [tilespmem:v37+s16+$0x0], $0xffff  }
0x28c: {  	v34 =	vmul.f32 v34, v18;
	v36 =	vmul.f32 v36, v20;
	v37 =	vadd.f32 s7, v3;
	v38 =	vld.idx.msk [tilespmem:v38+s16+$0x0], $0xffff  }
0x28d: {  	v24 =	vadd.f32 v35, v24;
	v31 =	vmul.f32 v31, v23;
	v43 =	vadd.f32 s8, v3;
	v44 =	vld.idx.msk [tilespmem:v22+s16+$0x0], $0xffff;
	v22 =	vmovc v28  }
0x28e: {  	v35 =	vsub.f32 $1.000000000e+00, v32;
	v34 =	vadd.f32 v34, v36;
	v28 =	vmul.f32 v37, v5;
	v29 =	vld.idx.msk [tilespmem:v29+s16+$0x0], $0xffff  }
0x28f: {  	s5 =	sadd.s32 $0x20, s5;
	v37 =	vadd.s32 $0x204, v17;
	v36 =	vmul.f32 v43, v5;
	v43 =	vadd.s32 $0x409, v16;
	[tilespmem:s22+$0xFFFFEEB0] =	vst.add.f32.msk $0xffff, v24  }
0x290: {  	v40 =	vmul.f32 v40, v35;
	v28 =	vadd.f32 v28, v9;
	v33 =	vmul.f32 v33, v21;
	[tilespmem:s23+$0xFFFFDD80] =	vst.add.f32.msk $0xffff, v34  }
0x291: {  	v24 =	vadd.f32 v36, v9;
	v34 =	vadd.s32 $0x409, v19;
	v30 =	vmul.f32 v30, v13;
	v13 =	vmovc v20;
	v36 =	vld.idx.msk [tilespmem:v42+s16+$0x0], $0xffff  }
0x292: {  	v42 =	vtrunc.f32 v28;
	v31 =	vadd.f32 v33, v31;
	v33 =	vmul.f32 v38, v12;
	v12 =	vmovc v18;
	v26 =	vld.idx.msk [tilespmem:v26+s16+$0x0], $0xffff  }
0x293: {  	v45 =	vadd.s32 $0x204, v27;
	v20 =	vmovc v35;
	v18 =	vmovc v32;
	v38 =	vtrunc.f32 v24;
	v44 =	vmul.f32 v44, v14;
	v41 =	vld.idx.msk [tilespmem:v41+s16+$0x0], $0xffff  }
0x294: {  	v32 =	vcvt.f32.s32 v42;
	v35 =	vcvt.f32.s32 v38;
	v30 =	vadd.f32 v33, v30;
	[tilespmem:s5+$0xFFFFCC30] =	vst.add.f32.msk $0xffff, v31  }
0x295: {  	v29 =	vmul.f32 v29, v18;
	v25 =	vadd.f32 v44, v25;
	v31 =	vld.idx.msk [tilespmem:v37+s16+$0x0], $0xffff;
	v37 =	vadd.s32 $0x205, v27  }
0x296: {  	v33 =	vcvt.s32.f32 v32;
	vm0 =	vgt.s32 v32, $0x0;
	vm1 =	vgt.s32 v35, $0x0;
	[tilespmem:s22+$0x0] =	vst.add.f32.msk $0xffff, v30  }
0x297: {  	v30 =	vnsel vm0, $0x0, v32;
	v32 =	vnsel vm1, $0x0, v35;
	v38 =	vld.idx.msk [tilespmem:v34+s16+$0x0], $0xffff;
	v34 =	vmul.f32 v36, v11;
	v11 =	vmovc v15;
	v15 =	vmovc v23  }
0x298: {  	v23 =	vmin.u32 v30, $0x202;
	v30 =	vmin.u32 v32, $0x202;
	[tilespmem:s23+$0xFFFFDD70] =	vst.add.f32.msk $0xffff, v25;
	v25 =	vmul.f32 v26, v10;
	v10 =	vmovc v14;
	v14 =	vmovc v21  }
0x299: {  	v21 =	vsub.f32 v28, v33;
	v23 =	vadd.s32 v7, v23;
	v28 =	vadd.f32 v29, v40;
	v40 =	vld.idx.msk [tilespmem:v43+s16+$0x0], $0xffff  }
0x29a: {  	v26 =	vadd.s32 v7, v30;
	v33 =	vadd.s32 $0x1, v23;
	v30 =	vld.idx.msk [tilespmem:v39+s16+$0x0], $0xffff;
	v34 =	vadd.f32 v25, v34  }
.Ltmp4:
0x29b: {  	v32 =	vcvt.s32.f32 v35;
	v29 =	vadd.s32 $0x1, v26;
	v39 =	vmul.f32 v41, v13;
	[tilespmem:s5+$0xFFFFCC40] =	vst.add.f32.msk $0xffff, v28;
	(pc) =	sbr.rel @p0 .LBB2_13-.Ltmp4, $4  }
0x29c: {  	v25 =	vmul.f32 v31, v15;
	v28 =	vadd.s32 $0x205, v23;
	[tilespmem:s22+$0xFFFFFFF0] =	vst.add.f32.msk $0xffff, v34;
	s22 =	smov.u32 s23;
	s23 =	smov.u32 s5  }
0x29d: {  	v38 =	vmul.f32 v38, v12;
	v34 =	vld.idx.msk [tilespmem:v37+s16+$0x0], $0xffff  }
0x29e: {  	v37 =	vadd.s32 $0x60C, v19;
	v36 =	vld.idx.msk [tilespmem:v45+s16+$0x0], $0xffff  }
0x29f: {  	s7 =	smov.u32 s6;
	v35 =	vmul.f32 v40, v10;
	v39 =	vadd.f32 v38, v39;
	v38 =	vadd.s32 $0x60D, v19;
	v19 =	vmovc v27;
	v31 =	vld.idx.msk [tilespmem:v23+s16+$0x0], $0xffff  }
0x2a0: {  	_ =	sdelay $0x3  }
0x2a1: {  	v27 =	vld.idx.msk [tilespmem:v26+s16+$0x0], $0xffff  }
0x2a2: {  	v33 =	vld.idx.msk [tilespmem:v33+s16+$0x0], $0xffff  }
0x2a3: {  	v29 =	vld.idx.msk [tilespmem:v29+s16+$0x0], $0xffff  }
0x2a4: {  	v59 =	vadd.s32 $0x60C, v16;
	v30 =	vmul.f32 v30, v11;
	v22 =	vld.idx.msk [tilespmem:v22+s16+$0x0], $0xffff  }
0x2a5: {  	v24 =	vsub.f32 v24, v32;
	v60 =	vadd.s32 $0x408, v19;
	[tilespmem:s22+$0xFFFFEEC0] =	vst.add.f32.msk $0xffff, v39  }
0x2a6: {  	v32 =	vld.idx.msk [tilespmem:v37+s16+$0x0], $0xffff;
	v34 =	vmul.f32 v34, v18;
	v30 =	vadd.f32 v35, v30;
	v36 =	vmul.f32 v36, v20  }
0x2a7: {  	v61 =	vadd.s32 $0x409, v19;
	v38 =	vld.idx.msk [tilespmem:v38+s16+$0x0], $0xffff;
	v35 =	vsub.f32 $1.000000000e+00, v24  }
0x2a8: {  	[tilespmem:s22+$0xFFFFEEB0] =	vst.add.f32.msk $0xffff, v30;
	v34 =	vadd.f32 v34, v36  }
0x2a9: {  	v62 =	vadd.s32 $0x205, v26;
	v27 =	vmul.f32 v27, v35;
	v29 =	vmul.f32 v29, v24;
	v39 =	vld.idx.msk [tilespmem:v59+s16+$0x0], $0xffff  }
0x2aa: {  	v40 =	vadd.s32 $0x204, v26;
	[tilespmem:s23+$0xFFFFDD80] =	vst.add.f32.msk $0xffff, v34;
	v34 =	vsub.f32 $1.000000000e+00, v21  }
0x2ab: {  	v27 =	vadd.f32 v29, v27;
	v37 =	vld.idx.msk [tilespmem:v60+s16+$0x0], $0xffff  }
0x2ac: {  	v41 =	vadd.s32 $0x204, v23;
	s5 =	sadd.s32 $0x20, s5;
	v33 =	vmul.f32 v33, v21;
	v36 =	vld.idx.msk [tilespmem:v61+s16+$0x0], $0xffff;
	v63 =	vmul.f32 v31, v34  }
0x2ad: {  	[tilespmem:s5+$0xFFFFCC40] =	vst.add.f32.msk $0xffff, v27  }
0x2ae: {  	v42 =	vadd.s32 $0x60D, v16;
	v44 =	vld.idx.msk [tilespmem:v62+s16+$0x0], $0xffff;
	v43 =	vadd.f32 v33, v63  }
0x2af: {  	v45 =	vld.idx.msk [tilespmem:v40+s16+$0x0], $0xffff  }
0x2b0: {  	v47 =	vadd.s32 $0x408, v17;
	v22 =	vmul.f32 v22, v14;
	[tilespmem:s5+$0xFFFFCC30] =	vst.add.f32.msk $0xffff, v43  }
0x2b1: {  	v46 =	vadd.s32 $0x409, v17;
	v31 =	vld.idx.msk [tilespmem:v41+s16+$0x0], $0xffff  }
0x2b2: {  	v22 =	vadd.f32 v22, v25;
	v48 =	vld.idx.msk [tilespmem:v28+s16+$0x0], $0xffff  }
0x2b3: {  	v16 =	vld.idx.msk [tilespmem:v42+s16+$0x0], $0xffff;
	v49 =	vmul.f32 v37, v20;
	v36 =	vmul.f32 v36, v18  }
0x2b4: {  	v50 =	vadd.s32 $0x408, v26;
	[tilespmem:s23+$0xFFFFDD70] =	vst.add.f32.msk $0xffff, v22;
	v30 =	vmul.f32 v45, v35;
	v29 =	vmul.f32 v44, v24  }
0x2b5: {  	v51 =	vadd.s32 $0x409, v26;
	v27 =	vld.idx.msk [tilespmem:v47+s16+$0x0], $0xffff;
	v28 =	vadd.f32 v36, v49  }
0x2b6: {  	v33 =	vld.idx.msk [tilespmem:v46+s16+$0x0], $0xffff;
	v29 =	vadd.f32 v29, v30  }
0x2b7: {  	v53 =	vadd.s32 $0x409, v23;
	[tilespmem:s23+$0xFFFFEEC0] =	vst.add.f32.msk $0xffff, v28;
	v52 =	vmul.f32 v31, v34;
	v25 =	vmul.f32 v48, v21  }
0x2b8: {  	v54 =	vadd.s32 $0x408, v23;
	[tilespmem:s5+$0xFFFFDD80] =	vst.add.f32.msk $0xffff, v29  }
0x2b9: {  	v56 =	vadd.s32 $0x60D, v19;
	v22 =	vld.idx.msk [tilespmem:v50+s16+$0x0], $0xffff;
	v25 =	vadd.f32 v25, v52  }
0x2ba: {  	v55 =	vadd.s32 $0x60C, v19;
	v57 =	vld.idx.msk [tilespmem:v51+s16+$0x0], $0xffff  }
0x2bb: {  	[tilespmem:s5+$0xFFFFDD70] =	vst.add.f32.msk $0xffff, v25  }
0x2bc: {  	v59 =	vadd.s32 $0x60C, v17;
	v27 =	vmul.f32 v27, v15;
	v58 =	vmul.f32 v33, v14;
	v28 =	vld.idx.msk [tilespmem:v53+s16+$0x0], $0xffff  }
0x2bd: {  	v60 =	vadd.s32 $0x60D, v17;
	v31 =	vld.idx.msk [tilespmem:v54+s16+$0x0], $0xffff  }
0x2be: {  	v19 =	vld.idx.msk [tilespmem:v56+s16+$0x0], $0xffff;
	v25 =	vadd.f32 v58, v27  }
0x2bf: {  	v62 =	vadd.s32 $0x60C, v26;
	v29 =	vld.idx.msk [tilespmem:v55+s16+$0x0], $0xffff;
	v22 =	vmul.f32 v22, v35;
	v61 =	vmul.f32 v57, v24  }
0x2c0: {  	v63 =	vadd.s32 $0x60D, v26;
	[tilespmem:s23+$0xFFFFEEB0] =	vst.add.f32.msk $0xffff, v25  }
0x2c1: {  	v36 =	vld.idx.msk [tilespmem:v59+s16+$0x0], $0xffff;
	v22 =	vadd.f32 v61, v22  }
0x2c2: {  	v40 =	vadd.s32 $0x60C, v23;
	v17 =	vld.idx.msk [tilespmem:v60+s16+$0x0], $0xffff;
	v37 =	vmul.f32 v28, v21;
	v31 =	vmul.f32 v31, v34  }
0x2c3: {  	v41 =	vadd.s32 $0x60D, v23;
	[tilespmem:s5+$0xFFFFEEC0] =	vst.add.f32.msk $0xffff, v22  }
0x2c4: {  	v9 =	vadd.f32 v9, v8;
	v22 =	vld.idx.msk [tilespmem:v62+s16+$0x0], $0xffff;
	v27 =	vadd.f32 v37, v31  }
0x2c5: {  	v13 =	vmul.f32 v32, v13;
	v12 =	vmul.f32 v38, v12;
	v25 =	vld.idx.msk [tilespmem:v63+s16+$0x0], $0xffff  }
0x2c6: {  	v11 =	vmul.f32 v39, v11;
	v44 =	vtrunc.f32 v9;
	[tilespmem:s5+$0xFFFFEEB0] =	vst.add.f32.msk $0xffff, v27  }
0x2c7: {  	v10 =	vmul.f32 v16, v10;
	v47 =	vcvt.f32.s32 v44;
	v43 =	vld.idx.msk [tilespmem:v40+s16+$0x0], $0xffff  }
0x2c8: {  	v45 =	vmul.f32 v19, v18;
	v42 =	vmul.f32 v29, v20;
	v46 =	vld.idx.msk [tilespmem:v41+s16+$0x0], $0xffff  }
0x2c9: {  	v12 =	vadd.f32 v12, v13;
	vm0 =	vgt.s32 v47, $0x0  }
0x2ca: {  	v10 =	vadd.f32 v10, v11;
	v51 =	vnsel vm0, $0x0, v47;
	v11 =	vadd.f32 v45, v42  }
0x2cb: {  	v48 =	vmul.f32 v36, v15;
	v49 =	vmul.f32 v17, v14;
	v14 =	vmin.u32 v51, $0x202  }
0x2cc: {  	[tilespmem:s22+$0x0] =	vst.add.f32.msk $0xffff, v12;
	v14 =	vadd.s32 v7, v14;
	v52 =	vmul.f32 v22, v35;
	v53 =	vmul.f32 v25, v24  }
0x2cd: {  	[tilespmem:s22+$0xFFFFFFF0] =	vst.add.f32.msk $0xffff, v10;
	v50 =	vadd.f32 v49, v48;
	v10 =	vmul.f32 v43, v34;
	v54 =	vmul.f32 v46, v21  }
0x2ce: {  	[tilespmem:s23+$0x0] =	vst.add.f32.msk $0xffff, v11;
	v55 =	vadd.s32 $0x1, v14;
	v11 =	vadd.f32 v53, v52  }
0x2cf: {  	[tilespmem:s23+$0xFFFFFFF0] =	vst.add.f32.msk $0xffff, v50;
	v10 =	vadd.f32 v54, v10  }
0x2d0: {  	[tilespmem:s5+$0x0] =	vst.add.f32.msk $0xffff, v11  }
0x2d1: {  	[tilespmem:s5+$0xFFFFFFF0] =	vst.add.f32.msk $0xffff, v10  }
0x2d2: {  	v10 =	vcvt.s32.f32 v47;
	v11 =	vld.idx.msk [tilespmem:v14+s16+$0x0], $0xffff  }
0x2d3: {  	v12 =	vld.idx.msk [tilespmem:v55+s16+$0x0], $0xffff  }
0x2d4: {  	v9 =	vsub.f32 v9, v10;
	_ =	sdelay $0x1  }
0x2d5: {  	v10 =	vsub.f32 $1.000000000e+00, v9;
	_ =	sdelay $0x1  }
0x2d6: {  	v56 =	vadd.s32 $0x204, v14;
	v11 =	vmul.f32 v11, v10;
	v12 =	vmul.f32 v12, v9  }
0x2d7: {  	v57 =	vadd.s32 $0x205, v14  }
0x2d8: {  	v11 =	vadd.f32 v12, v11;
	_ =	sdelay $0x1  }
0x2d9: {  	[tilespmem:s21+$0x160] =	vst.add.f32.msk $0xffff, v11  }
0x2da: {  	v11 =	vld.idx.msk [tilespmem:v56+s16+$0x0], $0xffff  }
0x2db: {  	v58 =	vld.idx.msk [tilespmem:v57+s16+$0x0], $0xffff;
	_ =	sdelay $0x4  }
0x2dc: {  	v59 =	vadd.s32 $0x408, v14;
	v11 =	vmul.f32 v11, v10;
	v12 =	vmul.f32 v58, v9  }
0x2dd: {  	v60 =	vadd.s32 $0x409, v14  }
0x2de: {  	v11 =	vadd.f32 v12, v11;
	_ =	sdelay $0x1  }
0x2df: {  	[tilespmem:s21+$0x12A0] =	vst.add.f32.msk $0xffff, v11  }
0x2e0: {  	v11 =	vld.idx.msk [tilespmem:v59+s16+$0x0], $0xffff  }
0x2e1: {  	v61 =	vld.idx.msk [tilespmem:v60+s16+$0x0], $0xffff;
	_ =	sdelay $0x4  }
0x2e2: {  	v62 =	vadd.s32 $0x60C, v14;
	v11 =	vmul.f32 v11, v10;
	v12 =	vmul.f32 v61, v9  }
0x2e3: {  	v14 =	vadd.s32 $0x60D, v14  }
0x2e4: {  	v11 =	vadd.f32 v12, v11;
	_ =	sdelay $0x1  }
0x2e5: {  	[tilespmem:s21+$0x23E0] =	vst.add.f32.msk $0xffff, v11  }
0x2e6: {  	v11 =	vld.idx.msk [tilespmem:v62+s16+$0x0], $0xffff  }
0x2e7: {  	v63 =	vld.idx.msk [tilespmem:v14+s16+$0x0], $0xffff;
	_ =	sdelay $0x2  }
0x2e8: {  	s1 =	sadd.s32 $0x1, s1  }
0x2e9: {  	p0 =	sne.s32 s1, $0xC  }
.Ltmp5:
0x2ea: {  	v10 =	vmul.f32 v11, v10;
	v9 =	vmul.f32 v63, v9;
	(pc) =	sbr.rel @p0 .LBB2_12-.Ltmp5, $3  }
0x2eb: {  	_ = 	snop  }
0x2ec: {  	v9 =	vadd.f32 v9, v10;
	_ =	sdelay $0x1  }
0x2ed: {  	s20 =	sadd.s32 $0x170, s20;
	[tilespmem:s21+$0x3520] =	vst.add.f32.msk $0xffff, v9  }
0x2ee: {  	s19 =	sadd.s32 $0x1, s19  }
0x2ef: {  	p0 =	sne.s32 s19, $0xA  }
.Ltmp6:
0x2f0: {  	_ = 	snop;
	(pc) =	sbr.rel @p0 .LBB2_11-.Ltmp6, $1  }
0x2f1: {  	_ =	sdelay $0x3  }
0x2f2: {  	s30 =	sadd.s32 $0x1, s30  }
0x2f3: {  	p0 =	sne.s32 s30, $0x32  }
.Ltmp7:
0x2f4: {  	_ = 	snop;
	(pc) =	sbr.rel @p0 .LBB2_4-.Ltmp7, $1  }
0x2f5: {  	_ =	sdelay $0x3  }
0x2f6: {  	_ =	swait.ge [sflag:s17], $0x50A0  }
0x2f7: {  	[sflag:s17] =	ssyncset.done $0x0  }
0x2f8: {  	s1 =	simm.s32 $0x0;
	[sflag:s17] =	ssyncadd.s32 $0xFFFFAF60  }
.LBB2_18:
0x2f9: {  	s29 =	smul.u32 $0x170, s1;
	_ =	sdelay $0x1  }
0x2fa: {  	v4 =	vld [tilespmem:s29+$0xAE00]  }
0x2fb: {  	v5 =	vld [tilespmem:s29+$0xAE10]  }
0x2fc: {  	v6 =	vld [tilespmem:s29+$0xAE20]  }
0x2fd: {  	v7 =	vld [tilespmem:s29+$0xAE30]  }
0x2fe: {  	v8 =	vld [tilespmem:s29+$0xAE40]  }
0x2ff: {  	v9 =	vld [tilespmem:s29+$0xAE50];
	v4 =	vmul.f32 $3.141592720e-03, v4  }
0x300: {  	v10 =	vld [tilespmem:s29+$0xAE60];
	v5 =	vmul.f32 $3.141592720e-03, v5  }
0x301: {  	v60 =	vld [tilespmem:s29+$0xAE70];
	[tilespmem:s29+$0xAE00] =	vst v4;
	v4 =	vmul.f32 $3.141592720e-03, v6  }
0x302: {  	[tilespmem:s29+$0xAE10] =	vst v5;
	v5 =	vmul.f32 $3.141592720e-03, v7  }
0x303: {  	[tilespmem:s29+$0xAE20] =	vst v4;
	v4 =	vmul.f32 $3.141592720e-03, v8  }
0x304: {  	[tilespmem:s29+$0xAE30] =	vst v5;
	v5 =	vmul.f32 $3.141592720e-03, v9  }
0x305: {  	[tilespmem:s29+$0xAE40] =	vst v4;
	v4 =	vmul.f32 $3.141592720e-03, v10  }
0x306: {  	[tilespmem:s29+$0xAE50] =	vst v5;
	v5 =	vmul.f32 $3.141592720e-03, v60  }
0x307: {  	[tilespmem:s29+$0xAE60] =	vst v4  }
0x308: {  	s30 =	sand.u32 $0x1FF0, s29;
	[tilespmem:s29+$0xAE70] =	vst v5  }
0x309: {  	v4 =	vld [tilespmem:s30+$0xAE80];
	_ =	sdelay $0x4  }
0x30a: {  	v4 =	vmul.f32 $3.141592720e-03, v4;
	_ =	sdelay $0x1  }
0x30b: {  	[tilespmem:s30+$0xAE80] =	vst v4  }
0x30c: {  	v4 =	vld [tilespmem:s29+$0xAE90]  }
0x30d: {  	v5 =	vld [tilespmem:s29+$0xAEA0]  }
0x30e: {  	v61 =	vld [tilespmem:s29+$0xAEB0]  }
0x30f: {  	v62 =	vld [tilespmem:s29+$0xAEC0]  }
0x310: {  	v63 =	vld [tilespmem:s29+$0xAED0]  }
0x311: {  	v12 =	vld [tilespmem:s29+$0xAEE0];
	v4 =	vmul.f32 $3.141592720e-03, v4  }
0x312: {  	v13 =	vld [tilespmem:s29+$0xAEF0];
	v5 =	vmul.f32 $3.141592720e-03, v5  }
0x313: {  	[tilespmem:s29+$0xAE90] =	vst v4;
	v4 =	vmul.f32 $3.141592720e-03, v61  }
0x314: {  	[tilespmem:s29+$0xAEA0] =	vst v5;
	v5 =	vmul.f32 $3.141592720e-03, v62  }
0x315: {  	[tilespmem:s29+$0xAEB0] =	vst v4;
	v4 =	vmul.f32 $3.141592720e-03, v63  }
0x316: {  	[tilespmem:s29+$0xAEC0] =	vst v5;
	v5 =	vmul.f32 $3.141592720e-03, v12  }
0x317: {  	[tilespmem:s29+$0xAED0] =	vst v4;
	v4 =	vmul.f32 $3.141592720e-03, v13  }
0x318: {  	[tilespmem:s29+$0xAEE0] =	vst v5  }
0x319: {  	[tilespmem:s29+$0xAEF0] =	vst v4  }
0x31a: {  	v4 =	vld [tilespmem:s30+$0xAF00];
	_ =	sdelay $0x4  }
0x31b: {  	v4 =	vmul.f32 $3.141592720e-03, v4;
	_ =	sdelay $0x1  }
0x31c: {  	[tilespmem:s30+$0xAF00] =	vst v4  }
0x31d: {  	v4 =	vld [tilespmem:s29+$0xAF10]  }
0x31e: {  	v5 =	vld [tilespmem:s29+$0xAF20]  }
0x31f: {  	v14 =	vld [tilespmem:s29+$0xAF30]  }
0x320: {  	v15 =	vld [tilespmem:s29+$0xAF40]  }
0x321: {  	v16 =	vld [tilespmem:s29+$0xAF50]  }
0x322: {  	v17 =	vld [tilespmem:s29+$0xAF60];
	v4 =	vmul.f32 $3.141592720e-03, v4  }
0x323: {  	v18 =	vld [tilespmem:s29+$0xBF40];
	v5 =	vmul.f32 $3.141592720e-03, v5  }
0x324: {  	v19 =	vld [tilespmem:s29+$0xBF50];
	[tilespmem:s29+$0xAF10] =	vst v4;
	v4 =	vmul.f32 $3.141592720e-03, v14  }
0x325: {  	v20 =	vld [tilespmem:s29+$0xBF60];
	[tilespmem:s29+$0xAF20] =	vst v5;
	v5 =	vmul.f32 $3.141592720e-03, v15  }
0x326: {  	v21 =	vld [tilespmem:s29+$0xBF70];
	[tilespmem:s29+$0xAF30] =	vst v4;
	v4 =	vmul.f32 $3.141592720e-03, v16  }
0x327: {  	[tilespmem:s29+$0xAF40] =	vst v5;
	v5 =	vmul.f32 $3.141592720e-03, v17  }
0x328: {  	[tilespmem:s29+$0xAF50] =	vst v4;
	v4 =	vmul.f32 $3.141592720e-03, v18  }
0x329: {  	[tilespmem:s29+$0xAF60] =	vst v5;
	v5 =	vmul.f32 $3.141592720e-03, v19  }
0x32a: {  	[tilespmem:s29+$0xBF40] =	vst v4;
	v4 =	vmul.f32 $3.141592720e-03, v20  }
0x32b: {  	[tilespmem:s29+$0xBF50] =	vst v5;
	v5 =	vmul.f32 $3.141592720e-03, v21  }
0x32c: {  	[tilespmem:s29+$0xBF60] =	vst v4  }
0x32d: {  	[tilespmem:s29+$0xBF70] =	vst v5  }
0x32e: {  	v4 =	vld [tilespmem:s30+$0xBF80];
	_ =	sdelay $0x4  }
0x32f: {  	v4 =	vmul.f32 $3.141592720e-03, v4;
	_ =	sdelay $0x1  }
0x330: {  	[tilespmem:s30+$0xBF80] =	vst v4  }
0x331: {  	v4 =	vld [tilespmem:s29+$0xBF90]  }
0x332: {  	v5 =	vld [tilespmem:s29+$0xBFA0]  }
0x333: {  	v22 =	vld [tilespmem:s29+$0xBFB0]  }
0x334: {  	v23 =	vld [tilespmem:s29+$0xBFC0]  }
0x335: {  	v24 =	vld [tilespmem:s29+$0xBFD0]  }
0x336: {  	v25 =	vld [tilespmem:s29+$0xBFE0];
	v4 =	vmul.f32 $3.141592720e-03, v4  }
0x337: {  	v26 =	vld [tilespmem:s29+$0xBFF0];
	v5 =	vmul.f32 $3.141592720e-03, v5  }
0x338: {  	[tilespmem:s29+$0xBF90] =	vst v4;
	v4 =	vmul.f32 $3.141592720e-03, v22  }
0x339: {  	[tilespmem:s29+$0xBFA0] =	vst v5;
	v5 =	vmul.f32 $3.141592720e-03, v23  }
0x33a: {  	[tilespmem:s29+$0xBFB0] =	vst v4;
	v4 =	vmul.f32 $3.141592720e-03, v24  }
0x33b: {  	[tilespmem:s29+$0xBFC0] =	vst v5;
	v5 =	vmul.f32 $3.141592720e-03, v25  }
0x33c: {  	[tilespmem:s29+$0xBFD0] =	vst v4;
	v4 =	vmul.f32 $3.141592720e-03, v26  }
0x33d: {  	[tilespmem:s29+$0xBFE0] =	vst v5  }
0x33e: {  	[tilespmem:s29+$0xBFF0] =	vst v4  }
0x33f: {  	v4 =	vld [tilespmem:s30+$0xC000];
	_ =	sdelay $0x4  }
0x340: {  	v4 =	vmul.f32 $3.141592720e-03, v4;
	_ =	sdelay $0x1  }
0x341: {  	[tilespmem:s30+$0xC000] =	vst v4  }
0x342: {  	v4 =	vld [tilespmem:s29+$0xC010]  }
0x343: {  	v5 =	vld [tilespmem:s29+$0xC020]  }
0x344: {  	v27 =	vld [tilespmem:s29+$0xC030]  }
0x345: {  	v28 =	vld [tilespmem:s29+$0xC040]  }
0x346: {  	v29 =	vld [tilespmem:s29+$0xC050]  }
0x347: {  	v30 =	vld [tilespmem:s29+$0xC060];
	v4 =	vmul.f32 $3.141592720e-03, v4  }
0x348: {  	v31 =	vld [tilespmem:s29+$0xC070];
	v5 =	vmul.f32 $3.141592720e-03, v5  }
0x349: {  	[tilespmem:s29+$0xC010] =	vst v4;
	v4 =	vmul.f32 $3.141592720e-03, v27  }
0x34a: {  	[tilespmem:s29+$0xC020] =	vst v5;
	v5 =	vmul.f32 $3.141592720e-03, v28  }
0x34b: {  	[tilespmem:s29+$0xC030] =	vst v4;
	v4 =	vmul.f32 $3.141592720e-03, v29  }
0x34c: {  	[tilespmem:s29+$0xC040] =	vst v5;
	v5 =	vmul.f32 $3.141592720e-03, v30  }
0x34d: {  	[tilespmem:s29+$0xC050] =	vst v4;
	v4 =	vmul.f32 $3.141592720e-03, v31  }
0x34e: {  	[tilespmem:s29+$0xC060] =	vst v5  }
0x34f: {  	[tilespmem:s29+$0xC070] =	vst v4  }
0x350: {  	v4 =	vld [tilespmem:s30+$0xC080];
	_ =	sdelay $0x4  }
0x351: {  	v4 =	vmul.f32 $3.141592720e-03, v4;
	_ =	sdelay $0x1  }
0x352: {  	[tilespmem:s30+$0xC080] =	vst v4  }
0x353: {  	v4 =	vld [tilespmem:s29+$0xC090]  }
0x354: {  	v5 =	vld [tilespmem:s29+$0xC0A0];
	_ =	sdelay $0x3  }
0x355: {  	v4 =	vmul.f32 $3.141592720e-03, v4  }
0x356: {  	v5 =	vmul.f32 $3.141592720e-03, v5  }
0x357: {  	[tilespmem:s29+$0xC090] =	vst v4  }
0x358: {  	[tilespmem:s29+$0xC0A0] =	vst v5  }
0x359: {  	v4 =	vld [tilespmem:s30+$0xD080];
	_ =	sdelay $0x4  }
0x35a: {  	v4 =	vmul.f32 $3.141592720e-03, v4;
	_ =	sdelay $0x1  }
0x35b: {  	[tilespmem:s30+$0xD080] =	vst v4  }
0x35c: {  	v4 =	vld [tilespmem:s29+$0xD090]  }
0x35d: {  	v5 =	vld [tilespmem:s29+$0xD0A0]  }
0x35e: {  	v32 =	vld [tilespmem:s29+$0xD0B0]  }
0x35f: {  	v33 =	vld [tilespmem:s29+$0xD0C0]  }
0x360: {  	v34 =	vld [tilespmem:s29+$0xD0D0]  }
0x361: {  	v35 =	vld [tilespmem:s29+$0xD0E0];
	v4 =	vmul.f32 $3.141592720e-03, v4  }
0x362: {  	v36 =	vld [tilespmem:s29+$0xD0F0];
	v5 =	vmul.f32 $3.141592720e-03, v5  }
0x363: {  	[tilespmem:s29+$0xD090] =	vst v4;
	v4 =	vmul.f32 $3.141592720e-03, v32  }
0x364: {  	[tilespmem:s29+$0xD0A0] =	vst v5;
	v5 =	vmul.f32 $3.141592720e-03, v33  }
0x365: {  	[tilespmem:s29+$0xD0B0] =	vst v4;
	v4 =	vmul.f32 $3.141592720e-03, v34  }
0x366: {  	[tilespmem:s29+$0xD0C0] =	vst v5;
	v5 =	vmul.f32 $3.141592720e-03, v35  }
0x367: {  	[tilespmem:s29+$0xD0D0] =	vst v4;
	v4 =	vmul.f32 $3.141592720e-03, v36  }
0x368: {  	[tilespmem:s29+$0xD0E0] =	vst v5  }
0x369: {  	[tilespmem:s29+$0xD0F0] =	vst v4  }
0x36a: {  	v4 =	vld [tilespmem:s30+$0xD100];
	_ =	sdelay $0x4  }
0x36b: {  	v4 =	vmul.f32 $3.141592720e-03, v4;
	_ =	sdelay $0x1  }
0x36c: {  	[tilespmem:s30+$0xD100] =	vst v4  }
0x36d: {  	v4 =	vld [tilespmem:s29+$0xD110]  }
0x36e: {  	v5 =	vld [tilespmem:s29+$0xD120]  }
0x36f: {  	v37 =	vld [tilespmem:s29+$0xD130]  }
0x370: {  	v38 =	vld [tilespmem:s29+$0xD140]  }
0x371: {  	v39 =	vld [tilespmem:s29+$0xD150]  }
0x372: {  	v40 =	vld [tilespmem:s29+$0xD160];
	v4 =	vmul.f32 $3.141592720e-03, v4  }
0x373: {  	v41 =	vld [tilespmem:s29+$0xD170];
	v5 =	vmul.f32 $3.141592720e-03, v5  }
0x374: {  	[tilespmem:s29+$0xD110] =	vst v4;
	v4 =	vmul.f32 $3.141592720e-03, v37  }
0x375: {  	[tilespmem:s29+$0xD120] =	vst v5;
	v5 =	vmul.f32 $3.141592720e-03, v38  }
0x376: {  	[tilespmem:s29+$0xD130] =	vst v4;
	v4 =	vmul.f32 $3.141592720e-03, v39  }
0x377: {  	[tilespmem:s29+$0xD140] =	vst v5;
	v5 =	vmul.f32 $3.141592720e-03, v40  }
0x378: {  	[tilespmem:s29+$0xD150] =	vst v4;
	v4 =	vmul.f32 $3.141592720e-03, v41  }
0x379: {  	[tilespmem:s29+$0xD160] =	vst v5  }
0x37a: {  	[tilespmem:s29+$0xD170] =	vst v4  }
0x37b: {  	v4 =	vld [tilespmem:s30+$0xD180];
	_ =	sdelay $0x4  }
0x37c: {  	v4 =	vmul.f32 $3.141592720e-03, v4;
	_ =	sdelay $0x1  }
0x37d: {  	[tilespmem:s30+$0xD180] =	vst v4  }
0x37e: {  	v4 =	vld [tilespmem:s29+$0xD190]  }
0x37f: {  	v5 =	vld [tilespmem:s29+$0xD1A0]  }
0x380: {  	v42 =	vld [tilespmem:s29+$0xD1B0]  }
0x381: {  	v43 =	vld [tilespmem:s29+$0xD1C0]  }
0x382: {  	v44 =	vld [tilespmem:s29+$0xD1D0]  }
0x383: {  	v45 =	vld [tilespmem:s29+$0xD1E0];
	v4 =	vmul.f32 $3.141592720e-03, v4  }
0x384: {  	v46 =	vld [tilespmem:s29+$0xE1C0];
	v5 =	vmul.f32 $3.141592720e-03, v5  }
0x385: {  	v47 =	vld [tilespmem:s29+$0xE1D0];
	[tilespmem:s29+$0xD190] =	vst v4;
	v4 =	vmul.f32 $3.141592720e-03, v42  }
0x386: {  	v48 =	vld [tilespmem:s29+$0xE1E0];
	[tilespmem:s29+$0xD1A0] =	vst v5;
	v5 =	vmul.f32 $3.141592720e-03, v43  }
0x387: {  	v49 =	vld [tilespmem:s29+$0xE1F0];
	[tilespmem:s29+$0xD1B0] =	vst v4;
	v4 =	vmul.f32 $3.141592720e-03, v44  }
0x388: {  	[tilespmem:s29+$0xD1C0] =	vst v5;
	v5 =	vmul.f32 $3.141592720e-03, v45  }
0x389: {  	[tilespmem:s29+$0xD1D0] =	vst v4;
	v4 =	vmul.f32 $3.141592720e-03, v46  }
0x38a: {  	[tilespmem:s29+$0xD1E0] =	vst v5;
	v5 =	vmul.f32 $3.141592720e-03, v47  }
0x38b: {  	[tilespmem:s29+$0xE1C0] =	vst v4;
	v4 =	vmul.f32 $3.141592720e-03, v48  }
0x38c: {  	[tilespmem:s29+$0xE1D0] =	vst v5;
	v5 =	vmul.f32 $3.141592720e-03, v49  }
0x38d: {  	[tilespmem:s29+$0xE1E0] =	vst v4  }
0x38e: {  	[tilespmem:s29+$0xE1F0] =	vst v5  }
0x38f: {  	v4 =	vld [tilespmem:s30+$0xE200];
	_ =	sdelay $0x4  }
0x390: {  	v4 =	vmul.f32 $3.141592720e-03, v4;
	_ =	sdelay $0x1  }
0x391: {  	[tilespmem:s30+$0xE200] =	vst v4  }
0x392: {  	v4 =	vld [tilespmem:s29+$0xE210]  }
0x393: {  	v5 =	vld [tilespmem:s29+$0xE220]  }
0x394: {  	v50 =	vld [tilespmem:s29+$0xE230]  }
0x395: {  	v51 =	vld [tilespmem:s29+$0xE240]  }
0x396: {  	v52 =	vld [tilespmem:s29+$0xE250]  }
0x397: {  	v53 =	vld [tilespmem:s29+$0xE260];
	v4 =	vmul.f32 $3.141592720e-03, v4  }
0x398: {  	v54 =	vld [tilespmem:s29+$0xE270];
	v5 =	vmul.f32 $3.141592720e-03, v5  }
0x399: {  	[tilespmem:s29+$0xE210] =	vst v4;
	v4 =	vmul.f32 $3.141592720e-03, v50  }
0x39a: {  	[tilespmem:s29+$0xE220] =	vst v5;
	v5 =	vmul.f32 $3.141592720e-03, v51  }
0x39b: {  	[tilespmem:s29+$0xE230] =	vst v4;
	v4 =	vmul.f32 $3.141592720e-03, v52  }
0x39c: {  	[tilespmem:s29+$0xE240] =	vst v5;
	v5 =	vmul.f32 $3.141592720e-03, v53  }
0x39d: {  	[tilespmem:s29+$0xE250] =	vst v4;
	v4 =	vmul.f32 $3.141592720e-03, v54  }
0x39e: {  	[tilespmem:s29+$0xE260] =	vst v5  }
0x39f: {  	[tilespmem:s29+$0xE270] =	vst v4  }
0x3a0: {  	v4 =	vld [tilespmem:s30+$0xE280];
	_ =	sdelay $0x4  }
0x3a1: {  	v4 =	vmul.f32 $3.141592720e-03, v4;
	_ =	sdelay $0x1  }
0x3a2: {  	[tilespmem:s30+$0xE280] =	vst v4  }
0x3a3: {  	v4 =	vld [tilespmem:s29+$0xE290]  }
0x3a4: {  	v5 =	vld [tilespmem:s29+$0xE2A0]  }
0x3a5: {  	v55 =	vld [tilespmem:s29+$0xE2B0]  }
0x3a6: {  	v56 =	vld [tilespmem:s29+$0xE2C0]  }
0x3a7: {  	v57 =	vld [tilespmem:s29+$0xE2D0]  }
0x3a8: {  	v58 =	vld [tilespmem:s29+$0xE2E0];
	v4 =	vmul.f32 $3.141592720e-03, v4  }
0x3a9: {  	v59 =	vld [tilespmem:s29+$0xE2F0];
	v5 =	vmul.f32 $3.141592720e-03, v5  }
0x3aa: {  	[tilespmem:s29+$0xE290] =	vst v4;
	v4 =	vmul.f32 $3.141592720e-03, v55  }
0x3ab: {  	[tilespmem:s29+$0xE2A0] =	vst v5;
	v5 =	vmul.f32 $3.141592720e-03, v56  }
0x3ac: {  	[tilespmem:s29+$0xE2B0] =	vst v4;
	v4 =	vmul.f32 $3.141592720e-03, v57  }
0x3ad: {  	[tilespmem:s29+$0xE2C0] =	vst v5;
	v5 =	vmul.f32 $3.141592720e-03, v58  }
0x3ae: {  	[tilespmem:s29+$0xE2D0] =	vst v4;
	v4 =	vmul.f32 $3.141592720e-03, v59  }
0x3af: {  	[tilespmem:s29+$0xE2E0] =	vst v5  }
0x3b0: {  	[tilespmem:s29+$0xE2F0] =	vst v4  }
0x3b1: {  	v4 =	vld [tilespmem:s30+$0xE300];
	_ =	sdelay $0x4  }
0x3b2: {  	v4 =	vmul.f32 $3.141592720e-03, v4;
	_ =	sdelay $0x1  }
0x3b3: {  	[tilespmem:s30+$0xE300] =	vst v4  }
0x3b4: {  	v4 =	vld [tilespmem:s29+$0xE310]  }
0x3b5: {  	v5 =	vld [tilespmem:s29+$0xE320];
	_ =	sdelay $0x3  }
0x3b6: {  	v4 =	vmul.f32 $3.141592720e-03, v4  }
0x3b7: {  	v5 =	vmul.f32 $3.141592720e-03, v5  }
0x3b8: {  	[tilespmem:s29+$0xE310] =	vst v4  }
0x3b9: {  	[tilespmem:s29+$0xE320] =	vst v5  }
0x3ba: {  	v4 =	vld [tilespmem:s30+$0xF300];
	_ =	sdelay $0x4  }
0x3bb: {  	v4 =	vmul.f32 $3.141592720e-03, v4;
	_ =	sdelay $0x1  }
0x3bc: {  	[tilespmem:s30+$0xF300] =	vst v4  }
0x3bd: {  	v4 =	vld [tilespmem:s29+$0xF310]  }
0x3be: {  	v5 =	vld [tilespmem:s29+$0xF320]  }
0x3bf: {  	v60 =	vld [tilespmem:s29+$0xF330]  }
0x3c0: {  	v61 =	vld [tilespmem:s29+$0xF340]  }
0x3c1: {  	v62 =	vld [tilespmem:s29+$0xF350]  }
0x3c2: {  	v63 =	vld [tilespmem:s29+$0xF360];
	v4 =	vmul.f32 $3.141592720e-03, v4  }
0x3c3: {  	v12 =	vld [tilespmem:s29+$0xF370];
	v5 =	vmul.f32 $3.141592720e-03, v5  }
0x3c4: {  	[tilespmem:s29+$0xF310] =	vst v4;
	v4 =	vmul.f32 $3.141592720e-03, v60  }
0x3c5: {  	[tilespmem:s29+$0xF320] =	vst v5;
	v5 =	vmul.f32 $3.141592720e-03, v61  }
0x3c6: {  	[tilespmem:s29+$0xF330] =	vst v4;
	v4 =	vmul.f32 $3.141592720e-03, v62  }
0x3c7: {  	[tilespmem:s29+$0xF340] =	vst v5;
	v5 =	vmul.f32 $3.141592720e-03, v63  }
0x3c8: {  	[tilespmem:s29+$0xF350] =	vst v4;
	v4 =	vmul.f32 $3.141592720e-03, v12  }
0x3c9: {  	[tilespmem:s29+$0xF360] =	vst v5  }
0x3ca: {  	[tilespmem:s29+$0xF370] =	vst v4  }
0x3cb: {  	v4 =	vld [tilespmem:s30+$0xF380];
	_ =	sdelay $0x4  }
0x3cc: {  	v4 =	vmul.f32 $3.141592720e-03, v4;
	_ =	sdelay $0x1  }
0x3cd: {  	[tilespmem:s30+$0xF380] =	vst v4  }
0x3ce: {  	v4 =	vld [tilespmem:s29+$0xF390]  }
0x3cf: {  	v5 =	vld [tilespmem:s29+$0xF3A0]  }
0x3d0: {  	v13 =	vld [tilespmem:s29+$0xF3B0]  }
0x3d1: {  	v14 =	vld [tilespmem:s29+$0xF3C0]  }
0x3d2: {  	v15 =	vld [tilespmem:s29+$0xF3D0]  }
0x3d3: {  	v16 =	vld [tilespmem:s29+$0xF3E0];
	v4 =	vmul.f32 $3.141592720e-03, v4  }
0x3d4: {  	v17 =	vld [tilespmem:s29+$0xF3F0];
	v5 =	vmul.f32 $3.141592720e-03, v5  }
0x3d5: {  	[tilespmem:s29+$0xF390] =	vst v4;
	v4 =	vmul.f32 $3.141592720e-03, v13  }
0x3d6: {  	[tilespmem:s29+$0xF3A0] =	vst v5;
	v5 =	vmul.f32 $3.141592720e-03, v14  }
0x3d7: {  	[tilespmem:s29+$0xF3B0] =	vst v4;
	v4 =	vmul.f32 $3.141592720e-03, v15  }
0x3d8: {  	[tilespmem:s29+$0xF3C0] =	vst v5;
	v5 =	vmul.f32 $3.141592720e-03, v16  }
0x3d9: {  	[tilespmem:s29+$0xF3D0] =	vst v4;
	v4 =	vmul.f32 $3.141592720e-03, v17  }
0x3da: {  	[tilespmem:s29+$0xF3E0] =	vst v5  }
0x3db: {  	[tilespmem:s29+$0xF3F0] =	vst v4  }
0x3dc: {  	v4 =	vld [tilespmem:s30+$0xF400];
	_ =	sdelay $0x4  }
0x3dd: {  	v4 =	vmul.f32 $3.141592720e-03, v4;
	_ =	sdelay $0x1  }
0x3de: {  	[tilespmem:s30+$0xF400] =	vst v4  }
0x3df: {  	v4 =	vld [tilespmem:s29+$0xF410]  }
0x3e0: {  	v5 =	vld [tilespmem:s29+$0xF420]  }
0x3e1: {  	v18 =	vld [tilespmem:s29+$0xF430]  }
0x3e2: {  	v19 =	vld [tilespmem:s29+$0xF440]  }
0x3e3: {  	v20 =	vld [tilespmem:s29+$0xF450]  }
0x3e4: {  	v21 =	vld [tilespmem:s29+$0xF460];
	v4 =	vmul.f32 $3.141592720e-03, v4  }
0x3e5: {  	v22 =	vld [tilespmem:s29+$0x10440];
	v5 =	vmul.f32 $3.141592720e-03, v5  }
0x3e6: {  	v23 =	vld [tilespmem:s29+$0x10450];
	[tilespmem:s29+$0xF410] =	vst v4;
	v4 =	vmul.f32 $3.141592720e-03, v18  }
0x3e7: {  	v24 =	vld [tilespmem:s29+$0x10460];
	[tilespmem:s29+$0xF420] =	vst v5;
	v5 =	vmul.f32 $3.141592720e-03, v19  }
0x3e8: {  	v25 =	vld [tilespmem:s29+$0x10470];
	[tilespmem:s29+$0xF430] =	vst v4;
	v4 =	vmul.f32 $3.141592720e-03, v20  }
0x3e9: {  	[tilespmem:s29+$0xF440] =	vst v5;
	v5 =	vmul.f32 $3.141592720e-03, v21  }
0x3ea: {  	[tilespmem:s29+$0xF450] =	vst v4;
	v4 =	vmul.f32 $3.141592720e-03, v22  }
0x3eb: {  	[tilespmem:s29+$0xF460] =	vst v5;
	v5 =	vmul.f32 $3.141592720e-03, v23  }
0x3ec: {  	[tilespmem:s29+$0x10440] =	vst v4;
	v4 =	vmul.f32 $3.141592720e-03, v24  }
0x3ed: {  	[tilespmem:s29+$0x10450] =	vst v5;
	v5 =	vmul.f32 $3.141592720e-03, v25  }
0x3ee: {  	[tilespmem:s29+$0x10460] =	vst v4  }
0x3ef: {  	[tilespmem:s29+$0x10470] =	vst v5  }
0x3f0: {  	v4 =	vld [tilespmem:s30+$0x10480];
	_ =	sdelay $0x4  }
0x3f1: {  	v4 =	vmul.f32 $3.141592720e-03, v4;
	_ =	sdelay $0x1  }
0x3f2: {  	[tilespmem:s30+$0x10480] =	vst v4  }
0x3f3: {  	v4 =	vld [tilespmem:s29+$0x10490]  }
0x3f4: {  	v5 =	vld [tilespmem:s29+$0x104A0]  }
0x3f5: {  	v26 =	vld [tilespmem:s29+$0x104B0]  }
0x3f6: {  	v27 =	vld [tilespmem:s29+$0x104C0]  }
0x3f7: {  	v28 =	vld [tilespmem:s29+$0x104D0]  }
0x3f8: {  	v29 =	vld [tilespmem:s29+$0x104E0];
	v4 =	vmul.f32 $3.141592720e-03, v4  }
0x3f9: {  	v30 =	vld [tilespmem:s29+$0x104F0];
	v5 =	vmul.f32 $3.141592720e-03, v5  }
0x3fa: {  	[tilespmem:s29+$0x10490] =	vst v4;
	v4 =	vmul.f32 $3.141592720e-03, v26  }
0x3fb: {  	[tilespmem:s29+$0x104A0] =	vst v5;
	v5 =	vmul.f32 $3.141592720e-03, v27  }
0x3fc: {  	[tilespmem:s29+$0x104B0] =	vst v4;
	v4 =	vmul.f32 $3.141592720e-03, v28  }
0x3fd: {  	[tilespmem:s29+$0x104C0] =	vst v5;
	v5 =	vmul.f32 $3.141592720e-03, v29  }
0x3fe: {  	[tilespmem:s29+$0x104D0] =	vst v4;
	v4 =	vmul.f32 $3.141592720e-03, v30  }
0x3ff: {  	[tilespmem:s29+$0x104E0] =	vst v5  }
0x400: {  	[tilespmem:s29+$0x104F0] =	vst v4  }
0x401: {  	v4 =	vld [tilespmem:s30+$0x10500];
	_ =	sdelay $0x4  }
0x402: {  	v4 =	vmul.f32 $3.141592720e-03, v4;
	_ =	sdelay $0x1  }
0x403: {  	[tilespmem:s30+$0x10500] =	vst v4  }
0x404: {  	v4 =	vld [tilespmem:s29+$0x10510]  }
0x405: {  	v5 =	vld [tilespmem:s29+$0x10520]  }
0x406: {  	v31 =	vld [tilespmem:s29+$0x10530]  }
0x407: {  	v32 =	vld [tilespmem:s29+$0x10540]  }
0x408: {  	v33 =	vld [tilespmem:s29+$0x10550]  }
0x409: {  	v34 =	vld [tilespmem:s29+$0x10560];
	v4 =	vmul.f32 $3.141592720e-03, v4  }
0x40a: {  	v35 =	vld [tilespmem:s29+$0x10570];
	v5 =	vmul.f32 $3.141592720e-03, v5  }
0x40b: {  	[tilespmem:s29+$0x10510] =	vst v4;
	v4 =	vmul.f32 $3.141592720e-03, v31  }
0x40c: {  	[tilespmem:s29+$0x10520] =	vst v5;
	v5 =	vmul.f32 $3.141592720e-03, v32  }
0x40d: {  	[tilespmem:s29+$0x10530] =	vst v4;
	v4 =	vmul.f32 $3.141592720e-03, v33  }
0x40e: {  	[tilespmem:s29+$0x10540] =	vst v5;
	v5 =	vmul.f32 $3.141592720e-03, v34  }
0x40f: {  	[tilespmem:s29+$0x10550] =	vst v4;
	v4 =	vmul.f32 $3.141592720e-03, v35  }
0x410: {  	[tilespmem:s29+$0x10560] =	vst v5  }
0x411: {  	[tilespmem:s29+$0x10570] =	vst v4  }
0x412: {  	v4 =	vld [tilespmem:s30+$0x10580];
	_ =	sdelay $0x4  }
0x413: {  	v4 =	vmul.f32 $3.141592720e-03, v4;
	_ =	sdelay $0x1  }
0x414: {  	[tilespmem:s30+$0x10580] =	vst v4  }
0x415: {  	v4 =	vld [tilespmem:s29+$0x10590]  }
0x416: {  	v5 =	vld [tilespmem:s29+$0x105A0];
	_ =	sdelay $0x3  }
0x417: {  	v4 =	vmul.f32 $3.141592720e-03, v4  }
0x418: {  	v5 =	vmul.f32 $3.141592720e-03, v5  }
0x419: {  	[tilespmem:s29+$0x10590] =	vst v4  }
0x41a: {  	[tilespmem:s29+$0x105A0] =	vst v5  }
0x41b: {  	v4 =	vld [tilespmem:s30+$0x11580];
	_ =	sdelay $0x4  }
0x41c: {  	v4 =	vmul.f32 $3.141592720e-03, v4;
	_ =	sdelay $0x1  }
0x41d: {  	[tilespmem:s30+$0x11580] =	vst v4  }
0x41e: {  	v4 =	vld [tilespmem:s29+$0x11590]  }
0x41f: {  	v5 =	vld [tilespmem:s29+$0x115A0]  }
0x420: {  	v36 =	vld [tilespmem:s29+$0x115B0]  }
0x421: {  	v37 =	vld [tilespmem:s29+$0x115C0]  }
0x422: {  	v38 =	vld [tilespmem:s29+$0x115D0]  }
0x423: {  	v39 =	vld [tilespmem:s29+$0x115E0];
	v4 =	vmul.f32 $3.141592720e-03, v4  }
0x424: {  	v40 =	vld [tilespmem:s29+$0x115F0];
	v5 =	vmul.f32 $3.141592720e-03, v5  }
0x425: {  	[tilespmem:s29+$0x11590] =	vst v4;
	v4 =	vmul.f32 $3.141592720e-03, v36  }
0x426: {  	[tilespmem:s29+$0x115A0] =	vst v5;
	v5 =	vmul.f32 $3.141592720e-03, v37  }
0x427: {  	[tilespmem:s29+$0x115B0] =	vst v4;
	v4 =	vmul.f32 $3.141592720e-03, v38  }
0x428: {  	[tilespmem:s29+$0x115C0] =	vst v5;
	v5 =	vmul.f32 $3.141592720e-03, v39  }
0x429: {  	[tilespmem:s29+$0x115D0] =	vst v4;
	v4 =	vmul.f32 $3.141592720e-03, v40  }
0x42a: {  	[tilespmem:s29+$0x115E0] =	vst v5  }
0x42b: {  	[tilespmem:s29+$0x115F0] =	vst v4  }
0x42c: {  	v4 =	vld [tilespmem:s30+$0x11600];
	_ =	sdelay $0x4  }
0x42d: {  	v4 =	vmul.f32 $3.141592720e-03, v4;
	_ =	sdelay $0x1  }
0x42e: {  	[tilespmem:s30+$0x11600] =	vst v4  }
0x42f: {  	v4 =	vld [tilespmem:s29+$0x11610]  }
0x430: {  	v5 =	vld [tilespmem:s29+$0x11620]  }
0x431: {  	v41 =	vld [tilespmem:s29+$0x11630]  }
0x432: {  	v42 =	vld [tilespmem:s29+$0x11640]  }
0x433: {  	v43 =	vld [tilespmem:s29+$0x11650]  }
0x434: {  	v44 =	vld [tilespmem:s29+$0x11660];
	v4 =	vmul.f32 $3.141592720e-03, v4  }
0x435: {  	v45 =	vld [tilespmem:s29+$0x11670];
	v5 =	vmul.f32 $3.141592720e-03, v5  }
0x436: {  	[tilespmem:s29+$0x11610] =	vst v4;
	v4 =	vmul.f32 $3.141592720e-03, v41  }
0x437: {  	[tilespmem:s29+$0x11620] =	vst v5;
	v5 =	vmul.f32 $3.141592720e-03, v42  }
0x438: {  	[tilespmem:s29+$0x11630] =	vst v4;
	v4 =	vmul.f32 $3.141592720e-03, v43  }
0x439: {  	[tilespmem:s29+$0x11640] =	vst v5;
	v5 =	vmul.f32 $3.141592720e-03, v44  }
0x43a: {  	[tilespmem:s29+$0x11650] =	vst v4;
	v4 =	vmul.f32 $3.141592720e-03, v45  }
0x43b: {  	[tilespmem:s29+$0x11660] =	vst v5  }
0x43c: {  	[tilespmem:s29+$0x11670] =	vst v4  }
0x43d: {  	v4 =	vld [tilespmem:s30+$0x11680];
	_ =	sdelay $0x4  }
0x43e: {  	v4 =	vmul.f32 $3.141592720e-03, v4;
	_ =	sdelay $0x1  }
0x43f: {  	[tilespmem:s30+$0x11680] =	vst v4  }
0x440: {  	v4 =	vld [tilespmem:s29+$0x11690]  }
0x441: {  	v5 =	vld [tilespmem:s29+$0x116A0]  }
0x442: {  	v46 =	vld [tilespmem:s29+$0x116B0]  }
0x443: {  	v47 =	vld [tilespmem:s29+$0x116C0]  }
0x444: {  	v48 =	vld [tilespmem:s29+$0x116D0]  }
0x445: {  	v49 =	vld [tilespmem:s29+$0x116E0];
	v4 =	vmul.f32 $3.141592720e-03, v4  }
0x446: {  	v50 =	vld [tilespmem:s29+$0x126C0];
	v5 =	vmul.f32 $3.141592720e-03, v5  }
0x447: {  	v51 =	vld [tilespmem:s29+$0x126D0];
	[tilespmem:s29+$0x11690] =	vst v4;
	v4 =	vmul.f32 $3.141592720e-03, v46  }
0x448: {  	v52 =	vld [tilespmem:s29+$0x126E0];
	[tilespmem:s29+$0x116A0] =	vst v5;
	v5 =	vmul.f32 $3.141592720e-03, v47  }
0x449: {  	v53 =	vld [tilespmem:s29+$0x126F0];
	[tilespmem:s29+$0x116B0] =	vst v4;
	v4 =	vmul.f32 $3.141592720e-03, v48  }
0x44a: {  	[tilespmem:s29+$0x116C0] =	vst v5;
	v5 =	vmul.f32 $3.141592720e-03, v49  }
0x44b: {  	[tilespmem:s29+$0x116D0] =	vst v4;
	v4 =	vmul.f32 $3.141592720e-03, v50  }
0x44c: {  	[tilespmem:s29+$0x116E0] =	vst v5;
	v5 =	vmul.f32 $3.141592720e-03, v51  }
0x44d: {  	[tilespmem:s29+$0x126C0] =	vst v4;
	v4 =	vmul.f32 $3.141592720e-03, v52  }
0x44e: {  	[tilespmem:s29+$0x126D0] =	vst v5;
	v5 =	vmul.f32 $3.141592720e-03, v53  }
0x44f: {  	[tilespmem:s29+$0x126E0] =	vst v4  }
0x450: {  	[tilespmem:s29+$0x126F0] =	vst v5  }
0x451: {  	v4 =	vld [tilespmem:s30+$0x12700];
	_ =	sdelay $0x4  }
0x452: {  	v4 =	vmul.f32 $3.141592720e-03, v4;
	_ =	sdelay $0x1  }
0x453: {  	[tilespmem:s30+$0x12700] =	vst v4  }
0x454: {  	v4 =	vld [tilespmem:s29+$0x12710]  }
0x455: {  	v5 =	vld [tilespmem:s29+$0x12720]  }
0x456: {  	v54 =	vld [tilespmem:s29+$0x12730]  }
0x457: {  	v55 =	vld [tilespmem:s29+$0x12740]  }
0x458: {  	v56 =	vld [tilespmem:s29+$0x12750]  }
0x459: {  	v57 =	vld [tilespmem:s29+$0x12760];
	v4 =	vmul.f32 $3.141592720e-03, v4  }
0x45a: {  	v58 =	vld [tilespmem:s29+$0x12770];
	v5 =	vmul.f32 $3.141592720e-03, v5  }
0x45b: {  	[tilespmem:s29+$0x12710] =	vst v4;
	v4 =	vmul.f32 $3.141592720e-03, v54  }
0x45c: {  	[tilespmem:s29+$0x12720] =	vst v5;
	v5 =	vmul.f32 $3.141592720e-03, v55  }
0x45d: {  	[tilespmem:s29+$0x12730] =	vst v4;
	v4 =	vmul.f32 $3.141592720e-03, v56  }
0x45e: {  	[tilespmem:s29+$0x12740] =	vst v5;
	v5 =	vmul.f32 $3.141592720e-03, v57  }
0x45f: {  	[tilespmem:s29+$0x12750] =	vst v4;
	v4 =	vmul.f32 $3.141592720e-03, v58  }
0x460: {  	[tilespmem:s29+$0x12760] =	vst v5  }
0x461: {  	[tilespmem:s29+$0x12770] =	vst v4  }
0x462: {  	v4 =	vld [tilespmem:s30+$0x12780];
	_ =	sdelay $0x4  }
0x463: {  	v4 =	vmul.f32 $3.141592720e-03, v4;
	_ =	sdelay $0x1  }
0x464: {  	[tilespmem:s30+$0x12780] =	vst v4  }
0x465: {  	v4 =	vld [tilespmem:s29+$0x12790]  }
0x466: {  	v5 =	vld [tilespmem:s29+$0x127A0]  }
0x467: {  	v59 =	vld [tilespmem:s29+$0x127B0]  }
0x468: {  	v60 =	vld [tilespmem:s29+$0x127C0]  }
0x469: {  	v61 =	vld [tilespmem:s29+$0x127D0]  }
0x46a: {  	v62 =	vld [tilespmem:s29+$0x127E0];
	v4 =	vmul.f32 $3.141592720e-03, v4  }
0x46b: {  	v63 =	vld [tilespmem:s29+$0x127F0];
	v5 =	vmul.f32 $3.141592720e-03, v5  }
0x46c: {  	[tilespmem:s29+$0x12790] =	vst v4;
	v4 =	vmul.f32 $3.141592720e-03, v59  }
0x46d: {  	[tilespmem:s29+$0x127A0] =	vst v5;
	v5 =	vmul.f32 $3.141592720e-03, v60  }
0x46e: {  	[tilespmem:s29+$0x127B0] =	vst v4;
	v4 =	vmul.f32 $3.141592720e-03, v61  }
0x46f: {  	[tilespmem:s29+$0x127C0] =	vst v5;
	v5 =	vmul.f32 $3.141592720e-03, v62  }
0x470: {  	[tilespmem:s29+$0x127D0] =	vst v4;
	v4 =	vmul.f32 $3.141592720e-03, v63  }
0x471: {  	[tilespmem:s29+$0x127E0] =	vst v5  }
0x472: {  	[tilespmem:s29+$0x127F0] =	vst v4  }
0x473: {  	v4 =	vld [tilespmem:s30+$0x12800];
	_ =	sdelay $0x4  }
0x474: {  	v4 =	vmul.f32 $3.141592720e-03, v4;
	_ =	sdelay $0x1  }
0x475: {  	[tilespmem:s30+$0x12800] =	vst v4  }
0x476: {  	v4 =	vld [tilespmem:s29+$0x12810]  }
0x477: {  	v5 =	vld [tilespmem:s29+$0x12820];
	_ =	sdelay $0x1  }
0x478: {  	p0 =	sne.s32 s1, $0xB  }
.Ltmp8:
0x479: {  	_ = 	snop;
	(pc) =	sbr.rel @p0 .LBB2_18-.Ltmp8, $4  }
0x47a: {  	v4 =	vmul.f32 $3.141592720e-03, v4  }
0x47b: {  	v5 =	vmul.f32 $3.141592720e-03, v5  }
0x47c: {  	[tilespmem:s29+$0x12810] =	vst v4  }
0x47d: {  	s1 =	sadd.s32 $0x1, s1;
	[tilespmem:s29+$0x12820] =	vst v5  }
0x47e: {  	s0 =	rddreg [dreg:$0x3];
	s1 =	simm.s32 $0xAE00  }
0x47f: {  	[hbm4b:s0+s3] =	stream.linear.scatter [tilespmem:s1], [sflag:$0x3], $0x1140, $0x38;
	[tilespmem:$0x13800] =	vst v63  }
0x480: {  	_ =	swait.ge [sflag:s14], $0x1140  }
0x481: {  	[sflag:s14] =	ssyncset.done $0x0  }
0x482: {  	s20 =	simm.s32 $0xBF40;
	s19 =	rddreg [dreg:$0x4];
	[sflag:s14] =	ssyncadd.s32 $0xFFFFEEC0  }
0x483: {  	[hbm4b:s19+s3] =	stream.linear.scatter [tilespmem:s20], [sflag:$0x3], $0x1140, $0x38;
	[tilespmem:$0x13800] =	vst v63  }
0x484: {  	_ =	swait.ge [sflag:s14], $0x1140  }
0x485: {  	[sflag:s14] =	ssyncset.done $0x0  }
0x486: {  	s22 =	simm.s32 $0xD080;
	s21 =	rddreg [dreg:$0x5];
	[sflag:s14] =	ssyncadd.s32 $0xFFFFEEC0  }
0x487: {  	[hbm4b:s21+s3] =	stream.linear.scatter [tilespmem:s22], [sflag:$0x3], $0x1140, $0x38;
	[tilespmem:$0x13800] =	vst v63  }
0x488: {  	_ =	swait.ge [sflag:s14], $0x1140  }
0x489: {  	[sflag:s14] =	ssyncset.done $0x0  }
0x48a: {  	s24 =	simm.s32 $0xE1C0;
	s23 =	rddreg [dreg:$0x6];
	[sflag:s14] =	ssyncadd.s32 $0xFFFFEEC0  }
0x48b: {  	[hbm4b:s23+s3] =	stream.linear.scatter [tilespmem:s24], [sflag:$0x3], $0x1140, $0x38;
	[tilespmem:$0x13800] =	vst v63  }
0x48c: {  	_ =	swait.ge [sflag:s14], $0x1140  }
0x48d: {  	[sflag:s14] =	ssyncset.done $0x0  }
0x48e: {  	s26 =	simm.s32 $0xF300;
	s25 =	rddreg [dreg:$0x7];
	[sflag:s14] =	ssyncadd.s32 $0xFFFFEEC0  }
0x48f: {  	[hbm4b:s25+s3] =	stream.linear.scatter [tilespmem:s26], [sflag:$0x3], $0x1140, $0x38;
	[tilespmem:$0x13800] =	vst v63  }
0x490: {  	_ =	swait.ge [sflag:s14], $0x1140  }
0x491: {  	[sflag:s14] =	ssyncset.done $0x0  }
0x492: {  	s29 =	simm.s32 $0x10440;
	[sflag:s14] =	ssyncadd.s32 $0xFFFFEEC0  }
0x493: {  	[hbm4b:s10+s3] =	stream.linear.scatter [tilespmem:s29], [sflag:$0x3], $0x1140, $0x38;
	[tilespmem:$0x13800] =	vst v63  }
0x494: {  	_ =	swait.ge [sflag:s14], $0x1140  }
0x495: {  	[sflag:s14] =	ssyncset.done $0x0  }
0x496: {  	s30 =	simm.s32 $0x11580;
	[sflag:s14] =	ssyncadd.s32 $0xFFFFEEC0  }
0x497: {  	[hbm4b:s11+s3] =	stream.linear.scatter [tilespmem:s30], [sflag:$0x3], $0x1140, $0x38;
	[tilespmem:$0x13800] =	vst v63  }
0x498: {  	s28 =	sadd.s32 $0x1, s28;
	_ =	swait.ge [sflag:s14], $0x1140  }
0x499: {  	p0 =	sne.s32 s28, s13;
	[sflag:s14] =	ssyncset.done $0x0  }
.Ltmp9:
0x49a: {  	s31 =	simm.s32 $0x126C0;
	[sflag:s14] =	ssyncadd.s32 $0xFFFFEEC0;
	(pc) =	sbr.rel @p0 .LBB2_1-.Ltmp9, $4  }
0x49b: {  	[hbm4b:s12+s3] =	stream.linear.scatter [tilespmem:s31], [sflag:$0x3], $0x1140, $0x38;
	[tilespmem:$0x13800] =	vst v63  }
0x49c: {  	_ =	swait.ge [sflag:s14], $0x1140  }
0x49d: {  	[sflag:s14] =	ssyncset.done $0x0  }
0x49e: {  	[sflag:s14] =	ssyncadd.s32 $0xFFFFEEC0  }
0x49f: {  	_ =	sfence.sel $0x180000  }
0x4a0: {  	[bflag:$0x0] =	sbarrier.arrive $0xFFFF  }
0x4a1: {  	_ =	strace $0x90000047  }
0x4a2: {  	s0 =	stileid.u32;
	[bflag:$0x2] =	sbarrier.arrive $0xFFFF  }
0x4a3: {  	p0 =	sne.s32 s0, $0x0;
	s0 =	rddreg [dreg:$0x2]  }
0x4a4: {  	s0 =	sadd.s32 @!p0 $0x100000, s0  }
0x4a5: {  	[sflag:s0] =	ssyncadd.tile.s32 @!p0 $0x1;
	_ =	shalt  }
.Lfunc_end2:
_tile_overlayer_lowered:
.L_overlay_start_2:
0x4a6: {  	(tag) =	ssettag $0x2  }
0x4a7: {  	s0 =	rddreg [dreg:$0x0];
	s2 =	stileid.u32  }
0x4a8: {  	s1 =	rddreg [dreg:$0x1];
	p0 =	sne.s32 s2, $0x0  }
0x4a9: {  	s3 =	rddreg [dreg:$0x2];
	[bflag:$0x3] =	sbarrier.arrive $0xFFFF;
	s2 =	simm.s32 @!p0 $0x1C03  }
0x4aa: {  	[timem:s3], [sflag:s2] =	dma.local @!p0 [hbm:s0], s1  }
0x4ab: {  	s0 =	simm.s32 @!p0 $0x3  }
0x4ac: {  	_ =	swait.ge @!p0 [sflag:s0], s1  }
0x4ad: {  	s1 =	ssub.s32 @!p0 $0x0, s1;
	[sflag:s0] =	ssyncset.done @!p0 $0x0  }
0x4ae: {  	[sflag:s0] =	ssyncadd.s32 @!p0 s1  }
0x4af: {  	[bflag:$0x3] =	sbarrier.arrive $0xFFFF  }
0x4b0: {  	_ =	shalt  }

</sc_bundles>
